<compile_context>
chip_gen: v7x
topology: tpu7x:2x2x1
jax: 0.10.2.dev20260603
libtpu: 0.0.44.dev20260713+nightly
codegen_flags: <defaults>
</compile_context>

<pallas_src>
import functools

import jax
import jax.numpy as jnp
from jax import lax
from jax.experimental import pallas as pl
from jax.experimental.pallas import tpu as pltpu
from jax.experimental.pallas import tpu_sc as plsc

H = 1024
EPS = 1e-12
L = 16
NC = 2
NS = 16
NW = NC * NS
HV = H // L
CH = 16
NB = 3


def _rsqrt_vec(x):
    i = plsc.bitcast(x, jnp.int32)
    i = jnp.full((L,), 0x5F3759DF, jnp.int32) - lax.shift_right_arithmetic(i, 1)
    y = plsc.bitcast(i, jnp.float32)
    for _ in range(3):
        y = y * (1.5 - 0.5 * x * y * y)
    return y


def _sc_embed_ln(ids_flat, token_table, pos_table, gamma, beta, *, nt, s_len):
    rpw = nt // NW
    nch = rpw // CH

    mesh = plsc.VectorSubcoreMesh(
        core_axis_name="c", subcore_axis_name="s",
        num_cores=NC, num_subcores=NS)

    @functools.partial(
        pl.kernel,
        out_type=jax.ShapeDtypeStruct((nt, H), jnp.float32),
        mesh=mesh,
        scratch_types=[
            pltpu.VMEM((rpw,), jnp.int32),
            pltpu.VMEM((H,), jnp.float32),
            pltpu.VMEM((H,), jnp.float32),
            pltpu.VMEM((NB, CH, H), jnp.float32),
            pltpu.VMEM((NB, CH, H), jnp.float32),
            pltpu.VMEM((L, 33), jnp.float32),
            pltpu.SemaphoreType.DMA((NB,)),
            pltpu.SemaphoreType.DMA((NB,)),
        ],
        compiler_params=pltpu.CompilerParams(needs_layout_passes=False),
    )
    def k(ids_hbm, tok_hbm, pos_hbm, gamma_hbm, beta_hbm, out_hbm,
          idx_v, gamma_v, beta_v, tok_b, pos_b, red_v, gsem, wsem):
        wid = lax.axis_index("s") * NC + lax.axis_index("c")
        base = wid * rpw
        pos0 = lax.rem(base, s_len)

        pltpu.sync_copy(ids_hbm.at[pl.ds(base, rpw)], idx_v)
        pltpu.sync_copy(gamma_hbm, gamma_v)
        pltpu.sync_copy(beta_hbm, beta_v)

        def start_chunk(c, b):
            pltpu.async_copy(
                tok_hbm.at[idx_v.at[pl.ds(c * CH, CH)]], tok_b.at[b],
                gsem.at[b])
            pltpu.async_copy(
                pos_hbm.at[pl.ds(pos0 + c * CH, CH)], pos_b.at[b],
                gsem.at[b])

        def wait_chunk(b):
            pltpu.make_async_copy(
                tok_hbm.at[pl.ds(0, CH)], tok_b.at[b], gsem.at[b]).wait()
            pltpu.make_async_copy(
                pos_hbm.at[pl.ds(0, CH)], pos_b.at[b], gsem.at[b]).wait()

        def wait_writeout(b):
            pltpu.make_async_copy(
                tok_b.at[b], out_hbm.at[pl.ds(0, CH)], wsem.at[b]).wait()

        start_chunk(0, 0)

        @pl.loop(0, nch)
        def chunk_loop(c):
            b = lax.rem(c, NB)

            @pl.when(c + 1 < nch)
            def _prefetch():
                bp = lax.rem(c + 1, NB)

                @pl.when(c >= NB - 1)
                def _reuse_guard():
                    wait_writeout(bp)
                start_chunk(c + 1, bp)

            wait_chunk(b)

            rows = lax.iota(jnp.int32, L)
            zero = jnp.zeros((L,), jnp.float32)
            for r in range(CH):
                def acc_body(j, carry, r=r):
                    s1, s2 = carry
                    v = (tok_b[b, r, pl.ds(j * L, L)]
                         + pos_b[b, r, pl.ds(j * L, L)])
                    tok_b[b, r, pl.ds(j * L, L)] = v
                    return s1 + v, s2 + v * v

                s1, s2 = lax.fori_loop(0, HV, acc_body, (zero, zero),
                                       unroll=4)
                rv = jnp.full((L,), r, jnp.int32)
                plsc.store_scatter(red_v, [rows, rv], s1)
                plsc.store_scatter(red_v, [rows, rv + L], s2)

            m1 = red_v[0, pl.ds(0, L)]
            m2 = red_v[0, pl.ds(L, L)]
            for i in range(1, L):
                m1 = m1 + red_v[i, pl.ds(0, L)]
                m2 = m2 + red_v[i, pl.ds(L, L)]

            mean_v = m1 * (1.0 / H)
            var_v = m2 * (1.0 / H) - mean_v * mean_v
            rstd_v = _rsqrt_vec(var_v + EPS)
            d_v = -mean_v * rstd_v

            a_sp = [jnp.full((L,), rstd_v[r]) for r in range(CH)]
            d_sp = [jnp.full((L,), d_v[r]) for r in range(CH)]

            def grp_body(j, _):
                g = gamma_v[pl.ds(j * L, L)]
                bb = beta_v[pl.ds(j * L, L)]
                for r in range(CH):
                    v = tok_b[b, r, pl.ds(j * L, L)]
                    t = v * a_sp[r] + d_sp[r]
                    tok_b[b, r, pl.ds(j * L, L)] = t * g + bb
                return 0

            lax.fori_loop(0, HV, grp_body, 0)

            pltpu.async_copy(
                tok_b.at[b], out_hbm.at[pl.ds(base + c * CH, CH)], wsem.at[b])

        for i in range(min(NB, nch)):
            wait_writeout((nch - 1 - i) % NB)

    return k(ids_flat, token_table, pos_table, gamma, beta)


def kernel(input_ids, token_table, pos_table, gamma, beta):
    b, s = input_ids.shape
    nt = b * s
    ids_flat = input_ids.reshape(nt).astype(jnp.int32)
    out = _sc_embed_ln(ids_flat, token_table, pos_table, gamma, beta,
                       nt=nt, s_len=s)
    return out.reshape(b, s, H)

# --- scband reference (transcript-rebuilt; emitter-appended) ---
"""Pipeline reference for scband-embeddings-38938173505649 (READ-ONLY COPY).

The authoritative reference and input builder live on the scoring server;
editing this copy changes nothing except your own understanding.
"""

import jax, jax.numpy as jnp
import numpy as np

VOCAB = 100000
HID = 1024
MAXPOS = 8192
EPS = 1e-12
B = 4
S = 4096


def setup_inputs(seed: int = 0) -> dict:
    key = jax.random.key(seed)
    k1, k2, k3 = jax.random.split(key, 3)
    input_ids = jax.random.randint(k1, (B, S), 0, VOCAB)
    token_table = jax.random.normal(k2, (VOCAB, HID), dtype=jnp.float32) * 0.02
    pos_table = jax.random.normal(k3, (MAXPOS, HID), dtype=jnp.float32) * 0.02
    gamma = jnp.ones((HID,), dtype=jnp.float32)
    beta = jnp.zeros((HID,), dtype=jnp.float32)
    return {"input_ids": input_ids, "token_table": token_table, "pos_table": pos_table, "gamma": gamma, "beta": beta}


def reference(input_ids, token_table, pos_table, gamma, beta):
    # token embedding gather
    tok_emb = jnp.take(token_table, input_ids, axis=0)            # [B, S, H]
    # position embedding: arange over seq dim, broadcast over batch
    pos_ids = jnp.arange(input_ids.shape[1])
    pos_emb = jnp.take(pos_table, pos_ids, axis=0)[None, :, :]    # [1, S, H]
    emb = tok_emb + pos_emb
    # LayerNorm over last dim (eps from config)
    mean = jnp.mean(emb, axis=-1, keepdims=True)
    var = jnp.var(emb, axis=-1, keepdims=True)
    out = (emb - mean) / jnp.sqrt(var + EPS) * gamma + beta
    # dropout treated as identity (eval mode / deterministic reference)
    return out

if __name__ == "__main__":
    import jax
    _d = setup_inputs()
    print(jax.jit(kernel)(*tuple(_d.values())))

</pallas_src>

<mosaic_0001>
#map = affine_map<(d0, d1) -> (0)>
#map1 = affine_map<(d0, d1) -> (0, 0)>
module attributes {stable_mosaic.version = 14 : i64} {
  func.func @k(%arg0: i32, %arg1: i32, %arg2: memref<16384xi32, #tpu.memory_space<hbm>>, %arg3: memref<100000x1024xf32, #tpu.memory_space<hbm>>, %arg4: memref<8192x1024xf32, #tpu.memory_space<hbm>>, %arg5: memref<1024xf32, #tpu.memory_space<hbm>>, %arg6: memref<1024xf32, #tpu.memory_space<hbm>>, %arg7: memref<16384x1024xf32, #tpu.memory_space<hbm>>, %arg8: memref<512xi32, #tpu.memory_space<vmem>>, %arg9: memref<1024xf32, #tpu.memory_space<vmem>>, %arg10: memref<1024xf32, #tpu.memory_space<vmem>>, %arg11: memref<3x16x1024xf32, #tpu.memory_space<vmem>>, %arg12: memref<3x16x1024xf32, #tpu.memory_space<vmem>>, %arg13: memref<16x33xf32, #tpu.memory_space<vmem>>, %arg14: memref<3x!tpu.dma_semaphore, #tpu.memory_space<semaphore_mem>>, %arg15: memref<3x!tpu.dma_semaphore, #tpu.memory_space<semaphore_mem>>) attributes {dimension_semantics = [#tpu.dimension_semantics<core_parallel>, #tpu.dimension_semantics<subcore_parallel>], iteration_bounds = array<i64: 2, 16>, scalar_prefetch = 0 : i64, scratch_operands = 8 : i64, tpu.core_type = #tpu.core_type<sc_vector_subcore>, window_params = [{transform_indices = #map}, {transform_indices = #map1}, {transform_indices = #map1}, {transform_indices = #map}, {transform_indices = #map}, {transform_indices = #map1}]} {
    %mul3A = arith.constant 2 : i32
    %mul3A_0 = arith.muli %arg1, %mul3A : i32
    %add3A = arith.addi %mul3A_0, %arg0 : i32
    %mul3A_1 = arith.constant 512 : i32
    %mul3A_2 = arith.muli %add3A, %mul3A_1 : i32
    %rem3A = arith.constant 4096 : i32
    %rem3A_3 = arith.remsi %mul3A_2, %rem3A : i32
    "tpu.region"() ({
      %run_scoped3A = tpu.sem_alloc : memref<!tpu.dma_semaphore, #tpu.memory_space<semaphore_mem>>
      %dma_start3A_91 = tpu.memref_slice %arg2[%mul3A_2] : memref<16384xi32, #tpu.memory_space<hbm>> -> memref<512xi32, #tpu.memory_space<hbm>>
      %dma_start3A_92 = tpu.memref_slice %arg2[%mul3A_2] : memref<16384xi32, #tpu.memory_space<hbm>> -> memref<512xi32, #tpu.memory_space<hbm>>
      tpu.enqueue_dma source(%dma_start3A_92 : memref<512xi32, #tpu.memory_space<hbm>>) target(%arg8 : memref<512xi32, #tpu.memory_space<vmem>>) target_semaphore(%run_scoped3A : memref<!tpu.dma_semaphore, #tpu.memory_space<semaphore_mem>>)
      %dma_wait3A_93 = tpu.memref_slice %arg2[%mul3A_2] : memref<16384xi32, #tpu.memory_space<hbm>> -> memref<512xi32, #tpu.memory_space<hbm>>
      %dma_wait3A_94 = tpu.memref_slice %arg2[%mul3A_2] : memref<16384xi32, #tpu.memory_space<hbm>> -> memref<512xi32, #tpu.memory_space<hbm>>
      tpu.wait_dma2 semaphore(%run_scoped3A : memref<!tpu.dma_semaphore, #tpu.memory_space<semaphore_mem>>) src(%dma_wait3A_94 : memref<512xi32, #tpu.memory_space<hbm>>) dst(%arg8 : memref<512xi32, #tpu.memory_space<vmem>>)
      tpu.yield
    }) : () -> ()
    "tpu.region"() ({
      %run_scoped3A = tpu.sem_alloc : memref<!tpu.dma_semaphore, #tpu.memory_space<semaphore_mem>>
      tpu.enqueue_dma source(%arg5 : memref<1024xf32, #tpu.memory_space<hbm>>) target(%arg9 : memref<1024xf32, #tpu.memory_space<vmem>>) target_semaphore(%run_scoped3A : memref<!tpu.dma_semaphore, #tpu.memory_space<semaphore_mem>>)
      tpu.wait_dma2 semaphore(%run_scoped3A : memref<!tpu.dma_semaphore, #tpu.memory_space<semaphore_mem>>) src(%arg5 : memref<1024xf32, #tpu.memory_space<hbm>>) dst(%arg9 : memref<1024xf32, #tpu.memory_space<vmem>>)
      tpu.yield
    }) : () -> ()
    "tpu.region"() ({
      %run_scoped3A = tpu.sem_alloc : memref<!tpu.dma_semaphore, #tpu.memory_space<semaphore_mem>>
      tpu.enqueue_dma source(%arg6 : memref<1024xf32, #tpu.memory_space<hbm>>) target(%arg10 : memref<1024xf32, #tpu.memory_space<vmem>>) target_semaphore(%run_scoped3A : memref<!tpu.dma_semaphore, #tpu.memory_space<semaphore_mem>>)
      tpu.wait_dma2 semaphore(%run_scoped3A : memref<!tpu.dma_semaphore, #tpu.memory_space<semaphore_mem>>) src(%arg6 : memref<1024xf32, #tpu.memory_space<hbm>>) dst(%arg10 : memref<1024xf32, #tpu.memory_space<vmem>>)
      tpu.yield
    }) : () -> ()
    %dma_start3A = arith.constant 0 : i32
    %dma_start3A_4 = arith.constant 0 : i32
    %dma_start3A_5 = arith.constant 0 : i32
    %dma_start3A_6 = arith.constant 0 : i32
    %dma_start3A_7 = tpu.memref_slice %arg11[%dma_start3A, %dma_start3A_5, %dma_start3A_6] : memref<3x16x1024xf32, #tpu.memory_space<vmem>> -> memref<1x16x1024xf32, #tpu.memory_space<vmem>>
    %dma_start3A_8 = tpu.memref_squeeze %dma_start3A_7 : memref<1x16x1024xf32, #tpu.memory_space<vmem>> -> memref<16x1024xf32, #tpu.memory_space<vmem>>
    %dma_start3A_9 = arith.constant 0 : i32
    %dma_start3A_10 = tpu.memref_slice %arg8[%dma_start3A_9] : memref<512xi32, #tpu.memory_space<vmem>> -> memref<16xi32, #tpu.memory_space<vmem>>
    %dma_start3A_11 = arith.constant 0 : i32
    %dma_start3A_12 = arith.constant 0 : i32
    %dma_start3A_13 = tpu.memref_slice %arg3[%dma_start3A_11, %dma_start3A_12] : memref<100000x1024xf32, #tpu.memory_space<hbm>> -> memref<100000x1024xf32, #tpu.memory_space<hbm>>
    %dma_start3A_14 = tpu.memref_slice %arg14[%dma_start3A_4] : memref<3x!tpu.dma_semaphore, #tpu.memory_space<semaphore_mem>> -> memref<1x!tpu.dma_semaphore, #tpu.memory_space<semaphore_mem>>
    %dma_start3A_15 = tpu.memref_squeeze %dma_start3A_14 : memref<1x!tpu.dma_semaphore, #tpu.memory_space<semaphore_mem>> -> memref<!tpu.dma_semaphore, #tpu.memory_space<semaphore_mem>>
    tpu.enqueue_indirect_dma source(%dma_start3A_13 : memref<100000x1024xf32, #tpu.memory_space<hbm>>) target(%dma_start3A_8 : memref<16x1024xf32, #tpu.memory_space<vmem>>) offsets(%dma_start3A_10 : memref<16xi32, #tpu.memory_space<vmem>>) semaphore(%dma_start3A_15 : memref<!tpu.dma_semaphore, #tpu.memory_space<semaphore_mem>>)
    %add3A_16 = arith.constant 0 : i32
    %add3A_17 = arith.addi %rem3A_3, %add3A_16 : i32
    %dma_start3A_18 = arith.constant 0 : i32
    %dma_start3A_19 = arith.constant 0 : i32
    %dma_start3A_20 = arith.constant 0 : i32
    %dma_start3A_21 = arith.constant 0 : i32
    %dma_start3A_22 = tpu.memref_slice %arg12[%dma_start3A_18, %dma_start3A_20, %dma_start3A_21] : memref<3x16x1024xf32, #tpu.memory_space<vmem>> -> memref<1x16x1024xf32, #tpu.memory_space<vmem>>
    %dma_start3A_23 = tpu.memref_squeeze %dma_start3A_22 : memref<1x16x1024xf32, #tpu.memory_space<vmem>> -> memref<16x1024xf32, #tpu.memory_space<vmem>>
    %dma_start3A_24 = arith.constant 0 : i32
    %dma_start3A_25 = tpu.memref_slice %arg4[%add3A_17, %dma_start3A_24] : memref<8192x1024xf32, #tpu.memory_space<hbm>> -> memref<16x1024xf32, #tpu.memory_space<hbm>>
    %dma_start3A_26 = tpu.memref_slice %arg14[%dma_start3A_19] : memref<3x!tpu.dma_semaphore, #tpu.memory_space<semaphore_mem>> -> memref<1x!tpu.dma_semaphore, #tpu.memory_space<semaphore_mem>>
    %dma_start3A_27 = tpu.memref_squeeze %dma_start3A_26 : memref<1x!tpu.dma_semaphore, #tpu.memory_space<semaphore_mem>> -> memref<!tpu.dma_semaphore, #tpu.memory_space<semaphore_mem>>
    %dma_start3A_28 = arith.constant 0 : i32
    %dma_start3A_29 = arith.constant 0 : i32
    %dma_start3A_30 = tpu.memref_slice %arg12[%dma_start3A_18, %dma_start3A_28, %dma_start3A_29] : memref<3x16x1024xf32, #tpu.memory_space<vmem>> -> memref<1x16x1024xf32, #tpu.memory_space<vmem>>
    %dma_start3A_31 = tpu.memref_squeeze %dma_start3A_30 : memref<1x16x1024xf32, #tpu.memory_space<vmem>> -> memref<16x1024xf32, #tpu.memory_space<vmem>>
    %dma_start3A_32 = arith.constant 0 : i32
    %dma_start3A_33 = tpu.memref_slice %arg4[%add3A_17, %dma_start3A_32] : memref<8192x1024xf32, #tpu.memory_space<hbm>> -> memref<16x1024xf32, #tpu.memory_space<hbm>>
    tpu.enqueue_dma source(%dma_start3A_33 : memref<16x1024xf32, #tpu.memory_space<hbm>>) target(%dma_start3A_31 : memref<16x1024xf32, #tpu.memory_space<vmem>>) target_semaphore(%dma_start3A_27 : memref<!tpu.dma_semaphore, #tpu.memory_space<semaphore_mem>>)
    %scan3A = arith.constant 0 : i32
    %scan3A_34 = arith.constant 32 : i32
    %scan3A_35 = arith.addi %scan3A, %scan3A_34 : i32
    %scan3A_36 = arith.constant 1 : i32
    scf.for %scan3A_91 = %scan3A to %scan3A_35 step %scan3A_36  : i32 {
      %mul3A_92 = arith.constant 1 : i32
      %mul3A_93 = arith.muli %scan3A_91, %mul3A_92 : i32
      %add3A_94 = arith.constant 0 : i32
      %add3A_95 = arith.addi %add3A_94, %mul3A_93 : i32
      %rem3A_96 = arith.constant 3 : i32
      %rem3A_97 = arith.remsi %add3A_95, %rem3A_96 : i32
      %add3A_98 = arith.constant 1 : i32
      %add3A_99 = arith.addi %add3A_95, %add3A_98 : i32
      %lt3A = arith.constant 32 : i32
      %lt3A_100 = arith.cmpi slt, %add3A_99, %lt3A : i32
      %convert_element_type3A = arith.extui %lt3A_100 : i1 to i32
      %cond3A = arith.constant 0 : i32
      %cond3A_101 = arith.cmpi ne, %convert_element_type3A, %cond3A : i32
      scf.if %cond3A_101 {
        %add3A_632 = arith.constant 1 : i32
        %add3A_633 = arith.addi %add3A_95, %add3A_632 : i32
        %rem3A_634 = arith.constant 3 : i32
        %rem3A_635 = arith.remsi %add3A_633, %rem3A_634 : i32
        %ge3A = arith.constant 2 : i32
        %ge3A_636 = arith.cmpi sge, %add3A_95, %ge3A : i32
        %convert_element_type3A_637 = arith.extui %ge3A_636 : i1 to i32
        %cond3A_638 = arith.constant 0 : i32
        %cond3A_639 = arith.cmpi ne, %convert_element_type3A_637, %cond3A_638 : i32
        scf.if %cond3A_639 {
          %dma_wait3A_671 = arith.constant 0 : i32
          %dma_wait3A_672 = arith.constant 0 : i32
          %dma_wait3A_673 = tpu.memref_slice %arg11[%rem3A_635, %dma_wait3A_671, %dma_wait3A_672] : memref<3x16x1024xf32, #tpu.memory_space<vmem>> -> memref<1x16x1024xf32, #tpu.memory_space<vmem>>
          %dma_wait3A_674 = tpu.memref_squeeze %dma_wait3A_673 : memref<1x16x1024xf32, #tpu.memory_space<vmem>> -> memref<16x1024xf32, #tpu.memory_space<vmem>>
          %dma_wait3A_675 = arith.constant 0 : i32
          %dma_wait3A_676 = arith.constant 0 : i32
          %dma_wait3A_677 = tpu.memref_slice %arg7[%dma_wait3A_675, %dma_wait3A_676] : memref<16384x1024xf32, #tpu.memory_space<hbm>> -> memref<16x1024xf32, #tpu.memory_space<hbm>>
          %dma_wait3A_678 = tpu.memref_slice %arg15[%rem3A_635] : memref<3x!tpu.dma_semaphore, #tpu.memory_space<semaphore_mem>> -> memref<1x!tpu.dma_semaphore, #tpu.memory_space<semaphore_mem>>
          %dma_wait3A_679 = tpu.memref_squeeze %dma_wait3A_678 : memref<1x!tpu.dma_semaphore, #tpu.memory_space<semaphore_mem>> -> memref<!tpu.dma_semaphore, #tpu.memory_space<semaphore_mem>>
          %dma_wait3A_680 = arith.constant 0 : i32
          %dma_wait3A_681 = arith.constant 0 : i32
          %dma_wait3A_682 = tpu.memref_slice %arg7[%dma_wait3A_680, %dma_wait3A_681] : memref<16384x1024xf32, #tpu.memory_space<hbm>> -> memref<16x1024xf32, #tpu.memory_space<hbm>>
          %dma_wait3A_683 = arith.constant 0 : i32
          %dma_wait3A_684 = arith.constant 0 : i32
          %dma_wait3A_685 = tpu.memref_slice %arg11[%rem3A_635, %dma_wait3A_683, %dma_wait3A_684] : memref<3x16x1024xf32, #tpu.memory_space<vmem>> -> memref<1x16x1024xf32, #tpu.memory_space<vmem>>
          %dma_wait3A_686 = tpu.memref_squeeze %dma_wait3A_685 : memref<1x16x1024xf32, #tpu.memory_space<vmem>> -> memref<16x1024xf32, #tpu.memory_space<vmem>>
          tpu.wait_dma2 semaphore(%dma_wait3A_679 : memref<!tpu.dma_semaphore, #tpu.memory_space<semaphore_mem>>) src(%dma_wait3A_686 : memref<16x1024xf32, #tpu.memory_space<vmem>>) dst(%dma_wait3A_682 : memref<16x1024xf32, #tpu.memory_space<hbm>>)
        } else {
        }
        %add3A_640 = arith.constant 1 : i32
        %add3A_641 = arith.addi %add3A_95, %add3A_640 : i32
        %mul3A_642 = arith.constant 16 : i32
        %mul3A_643 = arith.muli %add3A_641, %mul3A_642 : i32
        %dma_start3A_644 = arith.constant 0 : i32
        %dma_start3A_645 = arith.constant 0 : i32
        %dma_start3A_646 = tpu.memref_slice %arg11[%rem3A_635, %dma_start3A_644, %dma_start3A_645] : memref<3x16x1024xf32, #tpu.memory_space<vmem>> -> memref<1x16x1024xf32, #tpu.memory_space<vmem>>
        %dma_start3A_647 = tpu.memref_squeeze %dma_start3A_646 : memref<1x16x1024xf32, #tpu.memory_space<vmem>> -> memref<16x1024xf32, #tpu.memory_space<vmem>>
        %dma_start3A_648 = tpu.memref_slice %arg8[%mul3A_643] : memref<512xi32, #tpu.memory_space<vmem>> -> memref<16xi32, #tpu.memory_space<vmem>>
        %dma_start3A_649 = arith.constant 0 : i32
        %dma_start3A_650 = arith.constant 0 : i32
        %dma_start3A_651 = tpu.memref_slice %arg3[%dma_start3A_649, %dma_start3A_650] : memref<100000x1024xf32, #tpu.memory_space<hbm>> -> memref<100000x1024xf32, #tpu.memory_space<hbm>>
        %dma_start3A_652 = tpu.memref_slice %arg14[%rem3A_635] : memref<3x!tpu.dma_semaphore, #tpu.memory_space<semaphore_mem>> -> memref<1x!tpu.dma_semaphore, #tpu.memory_space<semaphore_mem>>
        %dma_start3A_653 = tpu.memref_squeeze %dma_start3A_652 : memref<1x!tpu.dma_semaphore, #tpu.memory_space<semaphore_mem>> -> memref<!tpu.dma_semaphore, #tpu.memory_space<semaphore_mem>>
        tpu.enqueue_indirect_dma source(%dma_start3A_651 : memref<100000x1024xf32, #tpu.memory_space<hbm>>) target(%dma_start3A_647 : memref<16x1024xf32, #tpu.memory_space<vmem>>) offsets(%dma_start3A_648 : memref<16xi32, #tpu.memory_space<vmem>>) semaphore(%dma_start3A_653 : memref<!tpu.dma_semaphore, #tpu.memory_space<semaphore_mem>>)
        %mul3A_654 = arith.constant 16 : i32
        %mul3A_655 = arith.muli %add3A_641, %mul3A_654 : i32
        %add3A_656 = arith.addi %rem3A_3, %mul3A_655 : i32
        %dma_start3A_657 = arith.constant 0 : i32
        %dma_start3A_658 = arith.constant 0 : i32
        %dma_start3A_659 = tpu.memref_slice %arg12[%rem3A_635, %dma_start3A_657, %dma_start3A_658] : memref<3x16x1024xf32, #tpu.memory_space<vmem>> -> memref<1x16x1024xf32, #tpu.memory_space<vmem>>
        %dma_start3A_660 = tpu.memref_squeeze %dma_start3A_659 : memref<1x16x1024xf32, #tpu.memory_space<vmem>> -> memref<16x1024xf32, #tpu.memory_space<vmem>>
        %dma_start3A_661 = arith.constant 0 : i32
        %dma_start3A_662 = tpu.memref_slice %arg4[%add3A_656, %dma_start3A_661] : memref<8192x1024xf32, #tpu.memory_space<hbm>> -> memref<16x1024xf32, #tpu.memory_space<hbm>>
        %dma_start3A_663 = tpu.memref_slice %arg14[%rem3A_635] : memref<3x!tpu.dma_semaphore, #tpu.memory_space<semaphore_mem>> -> memref<1x!tpu.dma_semaphore, #tpu.memory_space<semaphore_mem>>
        %dma_start3A_664 = tpu.memref_squeeze %dma_start3A_663 : memref<1x!tpu.dma_semaphore, #tpu.memory_space<semaphore_mem>> -> memref<!tpu.dma_semaphore, #tpu.memory_space<semaphore_mem>>
        %dma_start3A_665 = arith.constant 0 : i32
        %dma_start3A_666 = arith.constant 0 : i32
        %dma_start3A_667 = tpu.memref_slice %arg12[%rem3A_635, %dma_start3A_665, %dma_start3A_666] : memref<3x16x1024xf32, #tpu.memory_space<vmem>> -> memref<1x16x1024xf32, #tpu.memory_space<vmem>>
        %dma_start3A_668 = tpu.memref_squeeze %dma_start3A_667 : memref<1x16x1024xf32, #tpu.memory_space<vmem>> -> memref<16x1024xf32, #tpu.memory_space<vmem>>
        %dma_start3A_669 = arith.constant 0 : i32
        %dma_start3A_670 = tpu.memref_slice %arg4[%add3A_656, %dma_start3A_669] : memref<8192x1024xf32, #tpu.memory_space<hbm>> -> memref<16x1024xf32, #tpu.memory_space<hbm>>
        tpu.enqueue_dma source(%dma_start3A_670 : memref<16x1024xf32, #tpu.memory_space<hbm>>) target(%dma_start3A_668 : memref<16x1024xf32, #tpu.memory_space<vmem>>) target_semaphore(%dma_start3A_664 : memref<!tpu.dma_semaphore, #tpu.memory_space<semaphore_mem>>)
      } else {
      }
      %dma_wait3A_102 = arith.constant 0 : i32
      %dma_wait3A_103 = arith.constant 0 : i32
      %dma_wait3A_104 = tpu.memref_slice %arg11[%rem3A_97, %dma_wait3A_102, %dma_wait3A_103] : memref<3x16x1024xf32, #tpu.memory_space<vmem>> -> memref<1x16x1024xf32, #tpu.memory_space<vmem>>
      %dma_wait3A_105 = tpu.memref_squeeze %dma_wait3A_104 : memref<1x16x1024xf32, #tpu.memory_space<vmem>> -> memref<16x1024xf32, #tpu.memory_space<vmem>>
      %dma_wait3A_106 = arith.constant 0 : i32
      %dma_wait3A_107 = arith.constant 0 : i32
      %dma_wait3A_108 = tpu.memref_slice %arg3[%dma_wait3A_106, %dma_wait3A_107] : memref<100000x1024xf32, #tpu.memory_space<hbm>> -> memref<16x1024xf32, #tpu.memory_space<hbm>>
      %dma_wait3A_109 = tpu.memref_slice %arg14[%rem3A_97] : memref<3x!tpu.dma_semaphore, #tpu.memory_space<semaphore_mem>> -> memref<1x!tpu.dma_semaphore, #tpu.memory_space<semaphore_mem>>
      %dma_wait3A_110 = tpu.memref_squeeze %dma_wait3A_109 : memref<1x!tpu.dma_semaphore, #tpu.memory_space<semaphore_mem>> -> memref<!tpu.dma_semaphore, #tpu.memory_space<semaphore_mem>>
      %dma_wait3A_111 = arith.constant 0 : i32
      %dma_wait3A_112 = arith.constant 0 : i32
      %dma_wait3A_113 = tpu.memref_slice %arg11[%rem3A_97, %dma_wait3A_111, %dma_wait3A_112] : memref<3x16x1024xf32, #tpu.memory_space<vmem>> -> memref<1x16x1024xf32, #tpu.memory_space<vmem>>
      %dma_wait3A_114 = tpu.memref_squeeze %dma_wait3A_113 : memref<1x16x1024xf32, #tpu.memory_space<vmem>> -> memref<16x1024xf32, #tpu.memory_space<vmem>>
      %dma_wait3A_115 = arith.constant 0 : i32
      %dma_wait3A_116 = arith.constant 0 : i32
      %dma_wait3A_117 = tpu.memref_slice %arg3[%dma_wait3A_115, %dma_wait3A_116] : memref<100000x1024xf32, #tpu.memory_space<hbm>> -> memref<16x1024xf32, #tpu.memory_space<hbm>>
      tpu.wait_dma2 semaphore(%dma_wait3A_110 : memref<!tpu.dma_semaphore, #tpu.memory_space<semaphore_mem>>) src(%dma_wait3A_117 : memref<16x1024xf32, #tpu.memory_space<hbm>>) dst(%dma_wait3A_114 : memref<16x1024xf32, #tpu.memory_space<vmem>>)
      %dma_wait3A_118 = arith.constant 0 : i32
      %dma_wait3A_119 = arith.constant 0 : i32
      %dma_wait3A_120 = tpu.memref_slice %arg12[%rem3A_97, %dma_wait3A_118, %dma_wait3A_119] : memref<3x16x1024xf32, #tpu.memory_space<vmem>> -> memref<1x16x1024xf32, #tpu.memory_space<vmem>>
      %dma_wait3A_121 = tpu.memref_squeeze %dma_wait3A_120 : memref<1x16x1024xf32, #tpu.memory_space<vmem>> -> memref<16x1024xf32, #tpu.memory_space<vmem>>
      %dma_wait3A_122 = arith.constant 0 : i32
      %dma_wait3A_123 = arith.constant 0 : i32
      %dma_wait3A_124 = tpu.memref_slice %arg4[%dma_wait3A_122, %dma_wait3A_123] : memref<8192x1024xf32, #tpu.memory_space<hbm>> -> memref<16x1024xf32, #tpu.memory_space<hbm>>
      %dma_wait3A_125 = tpu.memref_slice %arg14[%rem3A_97] : memref<3x!tpu.dma_semaphore, #tpu.memory_space<semaphore_mem>> -> memref<1x!tpu.dma_semaphore, #tpu.memory_space<semaphore_mem>>
      %dma_wait3A_126 = tpu.memref_squeeze %dma_wait3A_125 : memref<1x!tpu.dma_semaphore, #tpu.memory_space<semaphore_mem>> -> memref<!tpu.dma_semaphore, #tpu.memory_space<semaphore_mem>>
      %dma_wait3A_127 = arith.constant 0 : i32
      %dma_wait3A_128 = arith.constant 0 : i32
      %dma_wait3A_129 = tpu.memref_slice %arg12[%rem3A_97, %dma_wait3A_127, %dma_wait3A_128] : memref<3x16x1024xf32, #tpu.memory_space<vmem>> -> memref<1x16x1024xf32, #tpu.memory_space<vmem>>
      %dma_wait3A_130 = tpu.memref_squeeze %dma_wait3A_129 : memref<1x16x1024xf32, #tpu.memory_space<vmem>> -> memref<16x1024xf32, #tpu.memory_space<vmem>>
      %dma_wait3A_131 = arith.constant 0 : i32
      %dma_wait3A_132 = arith.constant 0 : i32
      %dma_wait3A_133 = tpu.memref_slice %arg4[%dma_wait3A_131, %dma_wait3A_132] : memref<8192x1024xf32, #tpu.memory_space<hbm>> -> memref<16x1024xf32, #tpu.memory_space<hbm>>
      tpu.wait_dma2 semaphore(%dma_wait3A_126 : memref<!tpu.dma_semaphore, #tpu.memory_space<semaphore_mem>>) src(%dma_wait3A_133 : memref<16x1024xf32, #tpu.memory_space<hbm>>) dst(%dma_wait3A_130 : memref<16x1024xf32, #tpu.memory_space<vmem>>)
      %iota3A = tpu.iota {dimensions = array<i32: 0>} : vector<16xi32>
      %broadcast_in_dim3A = arith.constant 0.000000e+00 : f32
      %broadcast_in_dim3A_134 = vector.broadcast %broadcast_in_dim3A : f32 to vector<16xf32>
      %scan3A_135 = arith.constant 0 : i32
      %scan3A_136 = arith.constant 64 : i32
      %scan3A_137 = arith.addi %scan3A_135, %scan3A_136 : i32
      %scan3A_138 = arith.constant 4 : i32
      %scan3A_139:2 = scf.for %scan3A_632 = %scan3A_135 to %scan3A_137 step %scan3A_138 iter_args(%scan3A_633 = %broadcast_in_dim3A_134, %scan3A_634 = %broadcast_in_dim3A_134) -> (vector<16xf32>, vector<16xf32>)  : i32 {
        %mul3A_635 = arith.constant 16 : i32
        %mul3A_636 = arith.muli %scan3A_632, %mul3A_635 : i32
        %get3A_637 = arith.constant 0 : i32
        %get3A_638 = arith.index_cast %rem3A_97 : i32 to index
        %get3A_639 = arith.index_cast %get3A_637 : i32 to index
        %get3A_640 = arith.index_cast %mul3A_636 : i32 to index
        %get3A_641 = tpu.vector_load %arg11[%get3A_638, %get3A_639, %get3A_640] {strides = array<i32>} : memref<3x16x1024xf32, #tpu.memory_space<vmem>>, vector<16xf32>,
        %mul3A_642 = arith.constant 16 : i32
        %mul3A_643 = arith.muli %scan3A_632, %mul3A_642 : i32
        %get3A_644 = arith.constant 0 : i32
        %get3A_645 = arith.index_cast %rem3A_97 : i32 to index
        %get3A_646 = arith.index_cast %get3A_644 : i32 to index
        %get3A_647 = arith.index_cast %mul3A_643 : i32 to index
        %get3A_648 = tpu.vector_load %arg12[%get3A_645, %get3A_646, %get3A_647] {strides = array<i32>} : memref<3x16x1024xf32, #tpu.memory_space<vmem>>, vector<16xf32>,
        %add3A_649 = arith.addf %get3A_641, %get3A_648 : vector<16xf32>
        %mul3A_650 = arith.constant 16 : i32
        %mul3A_651 = arith.muli %scan3A_632, %mul3A_650 : i32
        %swap3A = arith.constant 0 : i32
        %swap3A_652 = arith.index_cast %rem3A_97 : i32 to index
        %swap3A_653 = arith.index_cast %swap3A : i32 to index
        %swap3A_654 = arith.index_cast %mul3A_651 : i32 to index
        %swap3A_655 = tpu.vector_load %arg11[%swap3A_652, %swap3A_653, %swap3A_654] {strides = array<i32>} : memref<3x16x1024xf32, #tpu.memory_space<vmem>>, vector<16xf32>,
        tpu.vector_store %arg11[%swap3A_652, %swap3A_653, %swap3A_654], %add3A_649 {strides = array<i32>} : memref<3x16x1024xf32, #tpu.memory_space<vmem>>, vector<16xf32>,
        %add3A_656 = arith.addf %scan3A_633, %add3A_649 : vector<16xf32>
        %mul3A_657 = arith.mulf %add3A_649, %add3A_649 : vector<16xf32>
        %add3A_658 = arith.addf %scan3A_634, %mul3A_657 : vector<16xf32>
        %scan3A_659 = arith.constant 1 : i32
        %scan3A_660 = arith.addi %scan3A_632, %scan3A_659 : i32
        %mul3A_661 = arith.constant 16 : i32
        %mul3A_662 = arith.muli %scan3A_660, %mul3A_661 : i32
        %get3A_663 = arith.constant 0 : i32
        %get3A_664 = arith.index_cast %rem3A_97 : i32 to index
        %get3A_665 = arith.index_cast %get3A_663 : i32 to index
        %get3A_666 = arith.index_cast %mul3A_662 : i32 to index
        %get3A_667 = tpu.vector_load %arg11[%get3A_664, %get3A_665, %get3A_666] {strides = array<i32>} : memref<3x16x1024xf32, #tpu.memory_space<vmem>>, vector<16xf32>,
        %mul3A_668 = arith.constant 16 : i32
        %mul3A_669 = arith.muli %scan3A_660, %mul3A_668 : i32
        %get3A_670 = arith.constant 0 : i32
        %get3A_671 = arith.index_cast %rem3A_97 : i32 to index
        %get3A_672 = arith.index_cast %get3A_670 : i32 to index
        %get3A_673 = arith.index_cast %mul3A_669 : i32 to index
        %get3A_674 = tpu.vector_load %arg12[%get3A_671, %get3A_672, %get3A_673] {strides = array<i32>} : memref<3x16x1024xf32, #tpu.memory_space<vmem>>, vector<16xf32>,
        %add3A_675 = arith.addf %get3A_667, %get3A_674 : vector<16xf32>
        %mul3A_676 = arith.constant 16 : i32
        %mul3A_677 = arith.muli %scan3A_660, %mul3A_676 : i32
        %swap3A_678 = arith.constant 0 : i32
        %swap3A_679 = arith.index_cast %rem3A_97 : i32 to index
        %swap3A_680 = arith.index_cast %swap3A_678 : i32 to index
        %swap3A_681 = arith.index_cast %mul3A_677 : i32 to index
        %swap3A_682 = tpu.vector_load %arg11[%swap3A_679, %swap3A_680, %swap3A_681] {strides = array<i32>} : memref<3x16x1024xf32, #tpu.memory_space<vmem>>, vector<16xf32>,
        tpu.vector_store %arg11[%swap3A_679, %swap3A_680, %swap3A_681], %add3A_675 {strides = array<i32>} : memref<3x16x1024xf32, #tpu.memory_space<vmem>>, vector<16xf32>,
        %add3A_683 = arith.addf %add3A_656, %add3A_675 : vector<16xf32>
        %mul3A_684 = arith.mulf %add3A_675, %add3A_675 : vector<16xf32>
        %add3A_685 = arith.addf %add3A_658, %mul3A_684 : vector<16xf32>
        %scan3A_686 = arith.constant 2 : i32
        %scan3A_687 = arith.addi %scan3A_632, %scan3A_686 : i32
        %mul3A_688 = arith.constant 16 : i32
        %mul3A_689 = arith.muli %scan3A_687, %mul3A_688 : i32
        %get3A_690 = arith.constant 0 : i32
        %get3A_691 = arith.index_cast %rem3A_97 : i32 to index
        %get3A_692 = arith.index_cast %get3A_690 : i32 to index
        %get3A_693 = arith.index_cast %mul3A_689 : i32 to index
        %get3A_694 = tpu.vector_load %arg11[%get3A_691, %get3A_692, %get3A_693] {strides = array<i32>} : memref<3x16x1024xf32, #tpu.memory_space<vmem>>, vector<16xf32>,
        %mul3A_695 = arith.constant 16 : i32
        %mul3A_696 = arith.muli %scan3A_687, %mul3A_695 : i32
        %get3A_697 = arith.constant 0 : i32
        %get3A_698 = arith.index_cast %rem3A_97 : i32 to index
        %get3A_699 = arith.index_cast %get3A_697 : i32 to index
        %get3A_700 = arith.index_cast %mul3A_696 : i32 to index
        %get3A_701 = tpu.vector_load %arg12[%get3A_698, %get3A_699, %get3A_700] {strides = array<i32>} : memref<3x16x1024xf32, #tpu.memory_space<vmem>>, vector<16xf32>,
        %add3A_702 = arith.addf %get3A_694, %get3A_701 : vector<16xf32>
        %mul3A_703 = arith.constant 16 : i32
        %mul3A_704 = arith.muli %scan3A_687, %mul3A_703 : i32
        %swap3A_705 = arith.constant 0 : i32
        %swap3A_706 = arith.index_cast %rem3A_97 : i32 to index
        %swap3A_707 = arith.index_cast %swap3A_705 : i32 to index
        %swap3A_708 = arith.index_cast %mul3A_704 : i32 to index
        %swap3A_709 = tpu.vector_load %arg11[%swap3A_706, %swap3A_707, %swap3A_708] {strides = array<i32>} : memref<3x16x1024xf32, #tpu.memory_space<vmem>>, vector<16xf32>,
        tpu.vector_store %arg11[%swap3A_706, %swap3A_707, %swap3A_708], %add3A_702 {strides = array<i32>} : memref<3x16x1024xf32, #tpu.memory_space<vmem>>, vector<16xf32>,
        %add3A_710 = arith.addf %add3A_683, %add3A_702 : vector<16xf32>
        %mul3A_711 = arith.mulf %add3A_702, %add3A_702 : vector<16xf32>
        %add3A_712 = arith.addf %add3A_685, %mul3A_711 : vector<16xf32>
        %scan3A_713 = arith.constant 3 : i32
        %scan3A_714 = arith.addi %scan3A_632, %scan3A_713 : i32
        %mul3A_715 = arith.constant 16 : i32
        %mul3A_716 = arith.muli %scan3A_714, %mul3A_715 : i32
        %get3A_717 = arith.constant 0 : i32
        %get3A_718 = arith.index_cast %rem3A_97 : i32 to index
        %get3A_719 = arith.index_cast %get3A_717 : i32 to index
        %get3A_720 = arith.index_cast %mul3A_716 : i32 to index
        %get3A_721 = tpu.vector_load %arg11[%get3A_718, %get3A_719, %get3A_720] {strides = array<i32>} : memref<3x16x1024xf32, #tpu.memory_space<vmem>>, vector<16xf32>,
        %mul3A_722 = arith.constant 16 : i32
        %mul3A_723 = arith.muli %scan3A_714, %mul3A_722 : i32
        %get3A_724 = arith.constant 0 : i32
        %get3A_725 = arith.index_cast %rem3A_97 : i32 to index
        %get3A_726 = arith.index_cast %get3A_724 : i32 to index
        %get3A_727 = arith.index_cast %mul3A_723 : i32 to index
        %get3A_728 = tpu.vector_load %arg12[%get3A_725, %get3A_726, %get3A_727] {strides = array<i32>} : memref<3x16x1024xf32, #tpu.memory_space<vmem>>, vector<16xf32>,
        %add3A_729 = arith.addf %get3A_721, %get3A_728 : vector<16xf32>
        %mul3A_730 = arith.constant 16 : i32
        %mul3A_731 = arith.muli %scan3A_714, %mul3A_730 : i32
        %swap3A_732 = arith.constant 0 : i32
        %swap3A_733 = arith.index_cast %rem3A_97 : i32 to index
        %swap3A_734 = arith.index_cast %swap3A_732 : i32 to index
        %swap3A_735 = arith.index_cast %mul3A_731 : i32 to index
        %swap3A_736 = tpu.vector_load %arg11[%swap3A_733, %swap3A_734, %swap3A_735] {strides = array<i32>} : memref<3x16x1024xf32, #tpu.memory_space<vmem>>, vector<16xf32>,
        tpu.vector_store %arg11[%swap3A_733, %swap3A_734, %swap3A_735], %add3A_729 {strides = array<i32>} : memref<3x16x1024xf32, #tpu.memory_space<vmem>>, vector<16xf32>,
        %add3A_737 = arith.addf %add3A_710, %add3A_729 : vector<16xf32>
        %mul3A_738 = arith.mulf %add3A_729, %add3A_729 : vector<16xf32>
        %add3A_739 = arith.addf %add3A_712, %mul3A_738 : vector<16xf32>
        scf.yield %add3A_737, %add3A_739 : vector<16xf32>, vector<16xf32>
      }
      %scan3A_140 = arith.constant 64 : i32
      %broadcast_in_dim3A_141 = arith.constant 0 : i32
      %broadcast_in_dim3A_142 = vector.broadcast %broadcast_in_dim3A_141 : i32 to vector<16xi32>
      tpu.vector_store_idx %arg13[%iota3A, %broadcast_in_dim3A_142], %scan3A_139#0 : memref<16x33xf32, #tpu.memory_space<vmem>>[vector<16xi32>, vector<16xi32>], vector<16xf32>,
      %add3A_143 = arith.constant 16 : i32
      %add3A_144 = vector.broadcast %add3A_143 : i32 to vector<16xi32>
      %add3A_145 = arith.addi %broadcast_in_dim3A_142, %add3A_144 : vector<16xi32>
      tpu.vector_store_idx %arg13[%iota3A, %add3A_145], %scan3A_139#1 : memref<16x33xf32, #tpu.memory_space<vmem>>[vector<16xi32>, vector<16xi32>], vector<16xf32>,
      %scan3A_146 = arith.constant 0 : i32
      %scan3A_147 = arith.constant 64 : i32
      %scan3A_148 = arith.addi %scan3A_146, %scan3A_147 : i32
      %scan3A_149 = arith.constant 4 : i32
      %scan3A_150:2 = scf.for %scan3A_632 = %scan3A_146 to %scan3A_148 step %scan3A_149 iter_args(%scan3A_633 = %broadcast_in_dim3A_134, %scan3A_634 = %broadcast_in_dim3A_134) -> (vector<16xf32>, vector<16xf32>)  : i32 {
        %mul3A_635 = arith.constant 16 : i32
        %mul3A_636 = arith.muli %scan3A_632, %mul3A_635 : i32
        %get3A_637 = arith.constant 1 : i32
        %get3A_638 = arith.index_cast %rem3A_97 : i32 to index
        %get3A_639 = arith.index_cast %get3A_637 : i32 to index
        %get3A_640 = arith.index_cast %mul3A_636 : i32 to index
        %get3A_641 = tpu.vector_load %arg11[%get3A_638, %get3A_639, %get3A_640] {strides = array<i32>} : memref<3x16x1024xf32, #tpu.memory_space<vmem>>, vector<16xf32>,
        %mul3A_642 = arith.constant 16 : i32
        %mul3A_643 = arith.muli %scan3A_632, %mul3A_642 : i32
        %get3A_644 = arith.constant 1 : i32
        %get3A_645 = arith.index_cast %rem3A_97 : i32 to index
        %get3A_646 = arith.index_cast %get3A_644 : i32 to index
        %get3A_647 = arith.index_cast %mul3A_643 : i32 to index
        %get3A_648 = tpu.vector_load %arg12[%get3A_645, %get3A_646, %get3A_647] {strides = array<i32>} : memref<3x16x1024xf32, #tpu.memory_space<vmem>>, vector<16xf32>,
        %add3A_649 = arith.addf %get3A_641, %get3A_648 : vector<16xf32>
        %mul3A_650 = arith.constant 16 : i32
        %mul3A_651 = arith.muli %scan3A_632, %mul3A_650 : i32
        %swap3A = arith.constant 1 : i32
        %swap3A_652 = arith.index_cast %rem3A_97 : i32 to index
        %swap3A_653 = arith.index_cast %swap3A : i32 to index
        %swap3A_654 = arith.index_cast %mul3A_651 : i32 to index
        %swap3A_655 = tpu.vector_load %arg11[%swap3A_652, %swap3A_653, %swap3A_654] {strides = array<i32>} : memref<3x16x1024xf32, #tpu.memory_space<vmem>>, vector<16xf32>,
        tpu.vector_store %arg11[%swap3A_652, %swap3A_653, %swap3A_654], %add3A_649 {strides = array<i32>} : memref<3x16x1024xf32, #tpu.memory_space<vmem>>, vector<16xf32>,
        %add3A_656 = arith.addf %scan3A_633, %add3A_649 : vector<16xf32>
        %mul3A_657 = arith.mulf %add3A_649, %add3A_649 : vector<16xf32>
        %add3A_658 = arith.addf %scan3A_634, %mul3A_657 : vector<16xf32>
        %scan3A_659 = arith.constant 1 : i32
        %scan3A_660 = arith.addi %scan3A_632, %scan3A_659 : i32
        %mul3A_661 = arith.constant 16 : i32
        %mul3A_662 = arith.muli %scan3A_660, %mul3A_661 : i32
        %get3A_663 = arith.constant 1 : i32
        %get3A_664 = arith.index_cast %rem3A_97 : i32 to index
        %get3A_665 = arith.index_cast %get3A_663 : i32 to index
        %get3A_666 = arith.index_cast %mul3A_662 : i32 to index
        %get3A_667 = tpu.vector_load %arg11[%get3A_664, %get3A_665, %get3A_666] {strides = array<i32>} : memref<3x16x1024xf32, #tpu.memory_space<vmem>>, vector<16xf32>,
        %mul3A_668 = arith.constant 16 : i32
        %mul3A_669 = arith.muli %scan3A_660, %mul3A_668 : i32
        %get3A_670 = arith.constant 1 : i32
        %get3A_671 = arith.index_cast %rem3A_97 : i32 to index
        %get3A_672 = arith.index_cast %get3A_670 : i32 to index
        %get3A_673 = arith.index_cast %mul3A_669 : i32 to index
        %get3A_674 = tpu.vector_load %arg12[%get3A_671, %get3A_672, %get3A_673] {strides = array<i32>} : memref<3x16x1024xf32, #tpu.memory_space<vmem>>, vector<16xf32>,
        %add3A_675 = arith.addf %get3A_667, %get3A_674 : vector<16xf32>
        %mul3A_676 = arith.constant 16 : i32
        %mul3A_677 = arith.muli %scan3A_660, %mul3A_676 : i32
        %swap3A_678 = arith.constant 1 : i32
        %swap3A_679 = arith.index_cast %rem3A_97 : i32 to index
        %swap3A_680 = arith.index_cast %swap3A_678 : i32 to index
        %swap3A_681 = arith.index_cast %mul3A_677 : i32 to index
        %swap3A_682 = tpu.vector_load %arg11[%swap3A_679, %swap3A_680, %swap3A_681] {strides = array<i32>} : memref<3x16x1024xf32, #tpu.memory_space<vmem>>, vector<16xf32>,
        tpu.vector_store %arg11[%swap3A_679, %swap3A_680, %swap3A_681], %add3A_675 {strides = array<i32>} : memref<3x16x1024xf32, #tpu.memory_space<vmem>>, vector<16xf32>,
        %add3A_683 = arith.addf %add3A_656, %add3A_675 : vector<16xf32>
        %mul3A_684 = arith.mulf %add3A_675, %add3A_675 : vector<16xf32>
        %add3A_685 = arith.addf %add3A_658, %mul3A_684 : vector<16xf32>
        %scan3A_686 = arith.constant 2 : i32
        %scan3A_687 = arith.addi %scan3A_632, %scan3A_686 : i32
        %mul3A_688 = arith.constant 16 : i32
        %mul3A_689 = arith.muli %scan3A_687, %mul3A_688 : i32
        %get3A_690 = arith.constant 1 : i32
        %get3A_691 = arith.index_cast %rem3A_97 : i32 to index
        %get3A_692 = arith.index_cast %get3A_690 : i32 to index
        %get3A_693 = arith.index_cast %mul3A_689 : i32 to index
        %get3A_694 = tpu.vector_load %arg11[%get3A_691, %get3A_692, %get3A_693] {strides = array<i32>} : memref<3x16x1024xf32, #tpu.memory_space<vmem>>, vector<16xf32>,
        %mul3A_695 = arith.constant 16 : i32
        %mul3A_696 = arith.muli %scan3A_687, %mul3A_695 : i32
        %get3A_697 = arith.constant 1 : i32
        %get3A_698 = arith.index_cast %rem3A_97 : i32 to index
        %get3A_699 = arith.index_cast %get3A_697 : i32 to index
        %get3A_700 = arith.index_cast %mul3A_696 : i32 to index
        %get3A_701 = tpu.vector_load %arg12[%get3A_698, %get3A_699, %get3A_700] {strides = array<i32>} : memref<3x16x1024xf32, #tpu.memory_space<vmem>>, vector<16xf32>,
        %add3A_702 = arith.addf %get3A_694, %get3A_701 : vector<16xf32>
        %mul3A_703 = arith.constant 16 : i32
        %mul3A_704 = arith.muli %scan3A_687, %mul3A_703 : i32
        %swap3A_705 = arith.constant 1 : i32
        %swap3A_706 = arith.index_cast %rem3A_97 : i32 to index
        %swap3A_707 = arith.index_cast %swap3A_705 : i32 to index
        %swap3A_708 = arith.index_cast %mul3A_704 : i32 to index
        %swap3A_709 = tpu.vector_load %arg11[%swap3A_706, %swap3A_707, %swap3A_708] {strides = array<i32>} : memref<3x16x1024xf32, #tpu.memory_space<vmem>>, vector<16xf32>,
        tpu.vector_store %arg11[%swap3A_706, %swap3A_707, %swap3A_708], %add3A_702 {strides = array<i32>} : memref<3x16x1024xf32, #tpu.memory_space<vmem>>, vector<16xf32>,
        %add3A_710 = arith.addf %add3A_683, %add3A_702 : vector<16xf32>
        %mul3A_711 = arith.mulf %add3A_702, %add3A_702 : vector<16xf32>
        %add3A_712 = arith.addf %add3A_685, %mul3A_711 : vector<16xf32>
        %scan3A_713 = arith.constant 3 : i32
        %scan3A_714 = arith.addi %scan3A_632, %scan3A_713 : i32
        %mul3A_715 = arith.constant 16 : i32
        %mul3A_716 = arith.muli %scan3A_714, %mul3A_715 : i32
        %get3A_717 = arith.constant 1 : i32
        %get3A_718 = arith.index_cast %rem3A_97 : i32 to index
        %get3A_719 = arith.index_cast %get3A_717 : i32 to index
        %get3A_720 = arith.index_cast %mul3A_716 : i32 to index
        %get3A_721 = tpu.vector_load %arg11[%get3A_718, %get3A_719, %get3A_720] {strides = array<i32>} : memref<3x16x1024xf32, #tpu.memory_space<vmem>>, vector<16xf32>,
        %mul3A_722 = arith.constant 16 : i32
        %mul3A_723 = arith.muli %scan3A_714, %mul3A_722 : i32
        %get3A_724 = arith.constant 1 : i32
        %get3A_725 = arith.index_cast %rem3A_97 : i32 to index
        %get3A_726 = arith.index_cast %get3A_724 : i32 to index
        %get3A_727 = arith.index_cast %mul3A_723 : i32 to index
        %get3A_728 = tpu.vector_load %arg12[%get3A_725, %get3A_726, %get3A_727] {strides = array<i32>} : memref<3x16x1024xf32, #tpu.memory_space<vmem>>, vector<16xf32>,
        %add3A_729 = arith.addf %get3A_721, %get3A_728 : vector<16xf32>
        %mul3A_730 = arith.constant 16 : i32
        %mul3A_731 = arith.muli %scan3A_714, %mul3A_730 : i32
        %swap3A_732 = arith.constant 1 : i32
        %swap3A_733 = arith.index_cast %rem3A_97 : i32 to index
        %swap3A_734 = arith.index_cast %swap3A_732 : i32 to index
        %swap3A_735 = arith.index_cast %mul3A_731 : i32 to index
        %swap3A_736 = tpu.vector_load %arg11[%swap3A_733, %swap3A_734, %swap3A_735] {strides = array<i32>} : memref<3x16x1024xf32, #tpu.memory_space<vmem>>, vector<16xf32>,
        tpu.vector_store %arg11[%swap3A_733, %swap3A_734, %swap3A_735], %add3A_729 {strides = array<i32>} : memref<3x16x1024xf32, #tpu.memory_space<vmem>>, vector<16xf32>,
        %add3A_737 = arith.addf %add3A_710, %add3A_729 : vector<16xf32>
        %mul3A_738 = arith.mulf %add3A_729, %add3A_729 : vector<16xf32>
        %add3A_739 = arith.addf %add3A_712, %mul3A_738 : vector<16xf32>
        scf.yield %add3A_737, %add3A_739 : vector<16xf32>, vector<16xf32>
      }
      %scan3A_151 = arith.constant 64 : i32
      %broadcast_in_dim3A_152 = arith.constant 1 : i32
      %broadcast_in_dim3A_153 = vector.broadcast %broadcast_in_dim3A_152 : i32 to vector<16xi32>
      tpu.vector_store_idx %arg13[%iota3A, %broadcast_in_dim3A_153], %scan3A_150#0 : memref<16x33xf32, #tpu.memory_space<vmem>>[vector<16xi32>, vector<16xi32>], vector<16xf32>,
      %add3A_154 = arith.constant 16 : i32
      %add3A_155 = vector.broadcast %add3A_154 : i32 to vector<16xi32>
      %add3A_156 = arith.addi %broadcast_in_dim3A_153, %add3A_155 : vector<16xi32>
      tpu.vector_store_idx %arg13[%iota3A, %add3A_156], %scan3A_150#1 : memref<16x33xf32, #tpu.memory_space<vmem>>[vector<16xi32>, vector<16xi32>], vector<16xf32>,
      %scan3A_157 = arith.constant 0 : i32
      %scan3A_158 = arith.constant 64 : i32
      %scan3A_159 = arith.addi %scan3A_157, %scan3A_158 : i32
      %scan3A_160 = arith.constant 4 : i32
      %scan3A_161:2 = scf.for %scan3A_632 = %scan3A_157 to %scan3A_159 step %scan3A_160 iter_args(%scan3A_633 = %broadcast_in_dim3A_134, %scan3A_634 = %broadcast_in_dim3A_134) -> (vector<16xf32>, vector<16xf32>)  : i32 {
        %mul3A_635 = arith.constant 16 : i32
        %mul3A_636 = arith.muli %scan3A_632, %mul3A_635 : i32
        %get3A_637 = arith.constant 2 : i32
        %get3A_638 = arith.index_cast %rem3A_97 : i32 to index
        %get3A_639 = arith.index_cast %get3A_637 : i32 to index
        %get3A_640 = arith.index_cast %mul3A_636 : i32 to index
        %get3A_641 = tpu.vector_load %arg11[%get3A_638, %get3A_639, %get3A_640] {strides = array<i32>} : memref<3x16x1024xf32, #tpu.memory_space<vmem>>, vector<16xf32>,
        %mul3A_642 = arith.constant 16 : i32
        %mul3A_643 = arith.muli %scan3A_632, %mul3A_642 : i32
        %get3A_644 = arith.constant 2 : i32
        %get3A_645 = arith.index_cast %rem3A_97 : i32 to index
        %get3A_646 = arith.index_cast %get3A_644 : i32 to index
        %get3A_647 = arith.index_cast %mul3A_643 : i32 to index
        %get3A_648 = tpu.vector_load %arg12[%get3A_645, %get3A_646, %get3A_647] {strides = array<i32>} : memref<3x16x1024xf32, #tpu.memory_space<vmem>>, vector<16xf32>,
        %add3A_649 = arith.addf %get3A_641, %get3A_648 : vector<16xf32>
        %mul3A_650 = arith.constant 16 : i32
        %mul3A_651 = arith.muli %scan3A_632, %mul3A_650 : i32
        %swap3A = arith.constant 2 : i32
        %swap3A_652 = arith.index_cast %rem3A_97 : i32 to index
        %swap3A_653 = arith.index_cast %swap3A : i32 to index
        %swap3A_654 = arith.index_cast %mul3A_651 : i32 to index
        %swap3A_655 = tpu.vector_load %arg11[%swap3A_652, %swap3A_653, %swap3A_654] {strides = array<i32>} : memref<3x16x1024xf32, #tpu.memory_space<vmem>>, vector<16xf32>,
        tpu.vector_store %arg11[%swap3A_652, %swap3A_653, %swap3A_654], %add3A_649 {strides = array<i32>} : memref<3x16x1024xf32, #tpu.memory_space<vmem>>, vector<16xf32>,
        %add3A_656 = arith.addf %scan3A_633, %add3A_649 : vector<16xf32>
        %mul3A_657 = arith.mulf %add3A_649, %add3A_649 : vector<16xf32>
        %add3A_658 = arith.addf %scan3A_634, %mul3A_657 : vector<16xf32>
        %scan3A_659 = arith.constant 1 : i32
        %scan3A_660 = arith.addi %scan3A_632, %scan3A_659 : i32
        %mul3A_661 = arith.constant 16 : i32
        %mul3A_662 = arith.muli %scan3A_660, %mul3A_661 : i32
        %get3A_663 = arith.constant 2 : i32
        %get3A_664 = arith.index_cast %rem3A_97 : i32 to index
        %get3A_665 = arith.index_cast %get3A_663 : i32 to index
        %get3A_666 = arith.index_cast %mul3A_662 : i32 to index
        %get3A_667 = tpu.vector_load %arg11[%get3A_664, %get3A_665, %get3A_666] {strides = array<i32>} : memref<3x16x1024xf32, #tpu.memory_space<vmem>>, vector<16xf32>,
        %mul3A_668 = arith.constant 16 : i32
        %mul3A_669 = arith.muli %scan3A_660, %mul3A_668 : i32
        %get3A_670 = arith.constant 2 : i32
        %get3A_671 = arith.index_cast %rem3A_97 : i32 to index
        %get3A_672 = arith.index_cast %get3A_670 : i32 to index
        %get3A_673 = arith.index_cast %mul3A_669 : i32 to index
        %get3A_674 = tpu.vector_load %arg12[%get3A_671, %get3A_672, %get3A_673] {strides = array<i32>} : memref<3x16x1024xf32, #tpu.memory_space<vmem>>, vector<16xf32>,
        %add3A_675 = arith.addf %get3A_667, %get3A_674 : vector<16xf32>
        %mul3A_676 = arith.constant 16 : i32
        %mul3A_677 = arith.muli %scan3A_660, %mul3A_676 : i32
        %swap3A_678 = arith.constant 2 : i32
        %swap3A_679 = arith.index_cast %rem3A_97 : i32 to index
        %swap3A_680 = arith.index_cast %swap3A_678 : i32 to index
        %swap3A_681 = arith.index_cast %mul3A_677 : i32 to index
        %swap3A_682 = tpu.vector_load %arg11[%swap3A_679, %swap3A_680, %swap3A_681] {strides = array<i32>} : memref<3x16x1024xf32, #tpu.memory_space<vmem>>, vector<16xf32>,
        tpu.vector_store %arg11[%swap3A_679, %swap3A_680, %swap3A_681], %add3A_675 {strides = array<i32>} : memref<3x16x1024xf32, #tpu.memory_space<vmem>>, vector<16xf32>,
        %add3A_683 = arith.addf %add3A_656, %add3A_675 : vector<16xf32>
        %mul3A_684 = arith.mulf %add3A_675, %add3A_675 : vector<16xf32>
        %add3A_685 = arith.addf %add3A_658, %mul3A_684 : vector<16xf32>
        %scan3A_686 = arith.constant 2 : i32
        %scan3A_687 = arith.addi %scan3A_632, %scan3A_686 : i32
        %mul3A_688 = arith.constant 16 : i32
        %mul3A_689 = arith.muli %scan3A_687, %mul3A_688 : i32
        %get3A_690 = arith.constant 2 : i32
        %get3A_691 = arith.index_cast %rem3A_97 : i32 to index
        %get3A_692 = arith.index_cast %get3A_690 : i32 to index
        %get3A_693 = arith.index_cast %mul3A_689 : i32 to index
        %get3A_694 = tpu.vector_load %arg11[%get3A_691, %get3A_692, %get3A_693] {strides = array<i32>} : memref<3x16x1024xf32, #tpu.memory_space<vmem>>, vector<16xf32>,
        %mul3A_695 = arith.constant 16 : i32
        %mul3A_696 = arith.muli %scan3A_687, %mul3A_695 : i32
        %get3A_697 = arith.constant 2 : i32
        %get3A_698 = arith.index_cast %rem3A_97 : i32 to index
        %get3A_699 = arith.index_cast %get3A_697 : i32 to index
        %get3A_700 = arith.index_cast %mul3A_696 : i32 to index
        %get3A_701 = tpu.vector_load %arg12[%get3A_698, %get3A_699, %get3A_700] {strides = array<i32>} : memref<3x16x1024xf32, #tpu.memory_space<vmem>>, vector<16xf32>,
        %add3A_702 = arith.addf %get3A_694, %get3A_701 : vector<16xf32>
        %mul3A_703 = arith.constant 16 : i32
        %mul3A_704 = arith.muli %scan3A_687, %mul3A_703 : i32
        %swap3A_705 = arith.constant 2 : i32
        %swap3A_706 = arith.index_cast %rem3A_97 : i32 to index
        %swap3A_707 = arith.index_cast %swap3A_705 : i32 to index
        %swap3A_708 = arith.index_cast %mul3A_704 : i32 to index
        %swap3A_709 = tpu.vector_load %arg11[%swap3A_706, %swap3A_707, %swap3A_708] {strides = array<i32>} : memref<3x16x1024xf32, #tpu.memory_space<vmem>>, vector<16xf32>,
        tpu.vector_store %arg11[%swap3A_706, %swap3A_707, %swap3A_708], %add3A_702 {strides = array<i32>} : memref<3x16x1024xf32, #tpu.memory_space<vmem>>, vector<16xf32>,
        %add3A_710 = arith.addf %add3A_683, %add3A_702 : vector<16xf32>
        %mul3A_711 = arith.mulf %add3A_702, %add3A_702 : vector<16xf32>
        %add3A_712 = arith.addf %add3A_685, %mul3A_711 : vector<16xf32>
        %scan3A_713 = arith.constant 3 : i32
        %scan3A_714 = arith.addi %scan3A_632, %scan3A_713 : i32
        %mul3A_715 = arith.constant 16 : i32
        %mul3A_716 = arith.muli %scan3A_714, %mul3A_715 : i32
        %get3A_717 = arith.constant 2 : i32
        %get3A_718 = arith.index_cast %rem3A_97 : i32 to index
        %get3A_719 = arith.index_cast %get3A_717 : i32 to index
        %get3A_720 = arith.index_cast %mul3A_716 : i32 to index
        %get3A_721 = tpu.vector_load %arg11[%get3A_718, %get3A_719, %get3A_720] {strides = array<i32>} : memref<3x16x1024xf32, #tpu.memory_space<vmem>>, vector<16xf32>,
        %mul3A_722 = arith.constant 16 : i32
        %mul3A_723 = arith.muli %scan3A_714, %mul3A_722 : i32
        %get3A_724 = arith.constant 2 : i32
        %get3A_725 = arith.index_cast %rem3A_97 : i32 to index
        %get3A_726 = arith.index_cast %get3A_724 : i32 to index
        %get3A_727 = arith.index_cast %mul3A_723 : i32 to index
        %get3A_728 = tpu.vector_load %arg12[%get3A_725, %get3A_726, %get3A_727] {strides = array<i32>} : memref<3x16x1024xf32, #tpu.memory_space<vmem>>, vector<16xf32>,
        %add3A_729 = arith.addf %get3A_721, %get3A_728 : vector<16xf32>
        %mul3A_730 = arith.constant 16 : i32
        %mul3A_731 = arith.muli %scan3A_714, %mul3A_730 : i32
        %swap3A_732 = arith.constant 2 : i32
        %swap3A_733 = arith.index_cast %rem3A_97 : i32 to index
        %swap3A_734 = arith.index_cast %swap3A_732 : i32 to index
        %swap3A_735 = arith.index_cast %mul3A_731 : i32 to index
        %swap3A_736 = tpu.vector_load %arg11[%swap3A_733, %swap3A_734, %swap3A_735] {strides = array<i32>} : memref<3x16x1024xf32, #tpu.memory_space<vmem>>, vector<16xf32>,
        tpu.vector_store %arg11[%swap3A_733, %swap3A_734, %swap3A_735], %add3A_729 {strides = array<i32>} : memref<3x16x1024xf32, #tpu.memory_space<vmem>>, vector<16xf32>,
        %add3A_737 = arith.addf %add3A_710, %add3A_729 : vector<16xf32>
        %mul3A_738 = arith.mulf %add3A_729, %add3A_729 : vector<16xf32>
        %add3A_739 = arith.addf %add3A_712, %mul3A_738 : vector<16xf32>
        scf.yield %add3A_737, %add3A_739 : vector<16xf32>, vector<16xf32>
      }
      %scan3A_162 = arith.constant 64 : i32
      %broadcast_in_dim3A_163 = arith.constant 2 : i32
      %broadcast_in_dim3A_164 = vector.broadcast %broadcast_in_dim3A_163 : i32 to vector<16xi32>
      tpu.vector_store_idx %arg13[%iota3A, %broadcast_in_dim3A_164], %scan3A_161#0 : memref<16x33xf32, #tpu.memory_space<vmem>>[vector<16xi32>, vector<16xi32>], vector<16xf32>,
      %add3A_165 = arith.constant 16 : i32
      %add3A_166 = vector.broadcast %add3A_165 : i32 to vector<16xi32>
      %add3A_167 = arith.addi %broadcast_in_dim3A_164, %add3A_166 : vector<16xi32>
      tpu.vector_store_idx %arg13[%iota3A, %add3A_167], %scan3A_161#1 : memref<16x33xf32, #tpu.memory_space<vmem>>[vector<16xi32>, vector<16xi32>], vector<16xf32>,
      %scan3A_168 = arith.constant 0 : i32
      %scan3A_169 = arith.constant 64 : i32
      %scan3A_170 = arith.addi %scan3A_168, %scan3A_169 : i32
      %scan3A_171 = arith.constant 4 : i32
      %scan3A_172:2 = scf.for %scan3A_632 = %scan3A_168 to %scan3A_170 step %scan3A_171 iter_args(%scan3A_633 = %broadcast_in_dim3A_134, %scan3A_634 = %broadcast_in_dim3A_134) -> (vector<16xf32>, vector<16xf32>)  : i32 {
        %mul3A_635 = arith.constant 16 : i32
        %mul3A_636 = arith.muli %scan3A_632, %mul3A_635 : i32
        %get3A_637 = arith.constant 3 : i32
        %get3A_638 = arith.index_cast %rem3A_97 : i32 to index
        %get3A_639 = arith.index_cast %get3A_637 : i32 to index
        %get3A_640 = arith.index_cast %mul3A_636 : i32 to index
        %get3A_641 = tpu.vector_load %arg11[%get3A_638, %get3A_639, %get3A_640] {strides = array<i32>} : memref<3x16x1024xf32, #tpu.memory_space<vmem>>, vector<16xf32>,
        %mul3A_642 = arith.constant 16 : i32
        %mul3A_643 = arith.muli %scan3A_632, %mul3A_642 : i32
        %get3A_644 = arith.constant 3 : i32
        %get3A_645 = arith.index_cast %rem3A_97 : i32 to index
        %get3A_646 = arith.index_cast %get3A_644 : i32 to index
        %get3A_647 = arith.index_cast %mul3A_643 : i32 to index
        %get3A_648 = tpu.vector_load %arg12[%get3A_645, %get3A_646, %get3A_647] {strides = array<i32>} : memref<3x16x1024xf32, #tpu.memory_space<vmem>>, vector<16xf32>,
        %add3A_649 = arith.addf %get3A_641, %get3A_648 : vector<16xf32>
        %mul3A_650 = arith.constant 16 : i32
        %mul3A_651 = arith.muli %scan3A_632, %mul3A_650 : i32
        %swap3A = arith.constant 3 : i32
        %swap3A_652 = arith.index_cast %rem3A_97 : i32 to index
        %swap3A_653 = arith.index_cast %swap3A : i32 to index
        %swap3A_654 = arith.index_cast %mul3A_651 : i32 to index
        %swap3A_655 = tpu.vector_load %arg11[%swap3A_652, %swap3A_653, %swap3A_654] {strides = array<i32>} : memref<3x16x1024xf32, #tpu.memory_space<vmem>>, vector<16xf32>,
        tpu.vector_store %arg11[%swap3A_652, %swap3A_653, %swap3A_654], %add3A_649 {strides = array<i32>} : memref<3x16x1024xf32, #tpu.memory_space<vmem>>, vector<16xf32>,
        %add3A_656 = arith.addf %scan3A_633, %add3A_649 : vector<16xf32>
        %mul3A_657 = arith.mulf %add3A_649, %add3A_649 : vector<16xf32>
        %add3A_658 = arith.addf %scan3A_634, %mul3A_657 : vector<16xf32>
        %scan3A_659 = arith.constant 1 : i32
        %scan3A_660 = arith.addi %scan3A_632, %scan3A_659 : i32
        %mul3A_661 = arith.constant 16 : i32
        %mul3A_662 = arith.muli %scan3A_660, %mul3A_661 : i32
        %get3A_663 = arith.constant 3 : i32
        %get3A_664 = arith.index_cast %rem3A_97 : i32 to index
        %get3A_665 = arith.index_cast %get3A_663 : i32 to index
        %get3A_666 = arith.index_cast %mul3A_662 : i32 to index
        %get3A_667 = tpu.vector_load %arg11[%get3A_664, %get3A_665, %get3A_666] {strides = array<i32>} : memref<3x16x1024xf32, #tpu.memory_space<vmem>>, vector<16xf32>,
        %mul3A_668 = arith.constant 16 : i32
        %mul3A_669 = arith.muli %scan3A_660, %mul3A_668 : i32
        %get3A_670 = arith.constant 3 : i32
        %get3A_671 = arith.index_cast %rem3A_97 : i32 to index
        %get3A_672 = arith.index_cast %get3A_670 : i32 to index
        %get3A_673 = arith.index_cast %mul3A_669 : i32 to index
        %get3A_674 = tpu.vector_load %arg12[%get3A_671, %get3A_672, %get3A_673] {strides = array<i32>} : memref<3x16x1024xf32, #tpu.memory_space<vmem>>, vector<16xf32>,
        %add3A_675 = arith.addf %get3A_667, %get3A_674 : vector<16xf32>
        %mul3A_676 = arith.constant 16 : i32
        %mul3A_677 = arith.muli %scan3A_660, %mul3A_676 : i32
        %swap3A_678 = arith.constant 3 : i32
        %swap3A_679 = arith.index_cast %rem3A_97 : i32 to index
        %swap3A_680 = arith.index_cast %swap3A_678 : i32 to index
        %swap3A_681 = arith.index_cast %mul3A_677 : i32 to index
        %swap3A_682 = tpu.vector_load %arg11[%swap3A_679, %swap3A_680, %swap3A_681] {strides = array<i32>} : memref<3x16x1024xf32, #tpu.memory_space<vmem>>, vector<16xf32>,
        tpu.vector_store %arg11[%swap3A_679, %swap3A_680, %swap3A_681], %add3A_675 {strides = array<i32>} : memref<3x16x1024xf32, #tpu.memory_space<vmem>>, vector<16xf32>,
        %add3A_683 = arith.addf %add3A_656, %add3A_675 : vector<16xf32>
        %mul3A_684 = arith.mulf %add3A_675, %add3A_675 : vector<16xf32>
        %add3A_685 = arith.addf %add3A_658, %mul3A_684 : vector<16xf32>
        %scan3A_686 = arith.constant 2 : i32
        %scan3A_687 = arith.addi %scan3A_632, %scan3A_686 : i32
        %mul3A_688 = arith.constant 16 : i32
        %mul3A_689 = arith.muli %scan3A_687, %mul3A_688 : i32
        %get3A_690 = arith.constant 3 : i32
        %get3A_691 = arith.index_cast %rem3A_97 : i32 to index
        %get3A_692 = arith.index_cast %get3A_690 : i32 to index
        %get3A_693 = arith.index_cast %mul3A_689 : i32 to index
        %get3A_694 = tpu.vector_load %arg11[%get3A_691, %get3A_692, %get3A_693] {strides = array<i32>} : memref<3x16x1024xf32, #tpu.memory_space<vmem>>, vector<16xf32>,
        %mul3A_695 = arith.constant 16 : i32
        %mul3A_696 = arith.muli %scan3A_687, %mul3A_695 : i32
        %get3A_697 = arith.constant 3 : i32
        %get3A_698 = arith.index_cast %rem3A_97 : i32 to index
        %get3A_699 = arith.index_cast %get3A_697 : i32 to index
        %get3A_700 = arith.index_cast %mul3A_696 : i32 to index
        %get3A_701 = tpu.vector_load %arg12[%get3A_698, %get3A_699, %get3A_700] {strides = array<i32>} : memref<3x16x1024xf32, #tpu.memory_space<vmem>>, vector<16xf32>,
        %add3A_702 = arith.addf %get3A_694, %get3A_701 : vector<16xf32>
        %mul3A_703 = arith.constant 16 : i32
        %mul3A_704 = arith.muli %scan3A_687, %mul3A_703 : i32
        %swap3A_705 = arith.constant 3 : i32
        %swap3A_706 = arith.index_cast %rem3A_97 : i32 to index
        %swap3A_707 = arith.index_cast %swap3A_705 : i32 to index
        %swap3A_708 = arith.index_cast %mul3A_704 : i32 to index
        %swap3A_709 = tpu.vector_load %arg11[%swap3A_706, %swap3A_707, %swap3A_708] {strides = array<i32>} : memref<3x16x1024xf32, #tpu.memory_space<vmem>>, vector<16xf32>,
        tpu.vector_store %arg11[%swap3A_706, %swap3A_707, %swap3A_708], %add3A_702 {strides = array<i32>} : memref<3x16x1024xf32, #tpu.memory_space<vmem>>, vector<16xf32>,
        %add3A_710 = arith.addf %add3A_683, %add3A_702 : vector<16xf32>
        %mul3A_711 = arith.mulf %add3A_702, %add3A_702 : vector<16xf32>
        %add3A_712 = arith.addf %add3A_685, %mul3A_711 : vector<16xf32>
        %scan3A_713 = arith.constant 3 : i32
        %scan3A_714 = arith.addi %scan3A_632, %scan3A_713 : i32
        %mul3A_715 = arith.constant 16 : i32
        %mul3A_716 = arith.muli %scan3A_714, %mul3A_715 : i32
        %get3A_717 = arith.constant 3 : i32
        %get3A_718 = arith.index_cast %rem3A_97 : i32 to index
        %get3A_719 = arith.index_cast %get3A_717 : i32 to index
        %get3A_720 = arith.index_cast %mul3A_716 : i32 to index
        %get3A_721 = tpu.vector_load %arg11[%get3A_718, %get3A_719, %get3A_720] {strides = array<i32>} : memref<3x16x1024xf32, #tpu.memory_space<vmem>>, vector<16xf32>,
        %mul3A_722 = arith.constant 16 : i32
        %mul3A_723 = arith.muli %scan3A_714, %mul3A_722 : i32
        %get3A_724 = arith.constant 3 : i32
        %get3A_725 = arith.index_cast %rem3A_97 : i32 to index
        %get3A_726 = arith.index_cast %get3A_724 : i32 to index
        %get3A_727 = arith.index_cast %mul3A_723 : i32 to index
        %get3A_728 = tpu.vector_load %arg12[%get3A_725, %get3A_726, %get3A_727] {strides = array<i32>} : memref<3x16x1024xf32, #tpu.memory_space<vmem>>, vector<16xf32>,
        %add3A_729 = arith.addf %get3A_721, %get3A_728 : vector<16xf32>
        %mul3A_730 = arith.constant 16 : i32
        %mul3A_731 = arith.muli %scan3A_714, %mul3A_730 : i32
        %swap3A_732 = arith.constant 3 : i32
        %swap3A_733 = arith.index_cast %rem3A_97 : i32 to index
        %swap3A_734 = arith.index_cast %swap3A_732 : i32 to index
        %swap3A_735 = arith.index_cast %mul3A_731 : i32 to index
        %swap3A_736 = tpu.vector_load %arg11[%swap3A_733, %swap3A_734, %swap3A_735] {strides = array<i32>} : memref<3x16x1024xf32, #tpu.memory_space<vmem>>, vector<16xf32>,
        tpu.vector_store %arg11[%swap3A_733, %swap3A_734, %swap3A_735], %add3A_729 {strides = array<i32>} : memref<3x16x1024xf32, #tpu.memory_space<vmem>>, vector<16xf32>,
        %add3A_737 = arith.addf %add3A_710, %add3A_729 : vector<16xf32>
        %mul3A_738 = arith.mulf %add3A_729, %add3A_729 : vector<16xf32>
        %add3A_739 = arith.addf %add3A_712, %mul3A_738 : vector<16xf32>
        scf.yield %add3A_737, %add3A_739 : vector<16xf32>, vector<16xf32>
      }
      %scan3A_173 = arith.constant 64 : i32
      %broadcast_in_dim3A_174 = arith.constant 3 : i32
      %broadcast_in_dim3A_175 = vector.broadcast %broadcast_in_dim3A_174 : i32 to vector<16xi32>
      tpu.vector_store_idx %arg13[%iota3A, %broadcast_in_dim3A_175], %scan3A_172#0 : memref<16x33xf32, #tpu.memory_space<vmem>>[vector<16xi32>, vector<16xi32>], vector<16xf32>,
      %add3A_176 = arith.constant 16 : i32
      %add3A_177 = vector.broadcast %add3A_176 : i32 to vector<16xi32>
      %add3A_178 = arith.addi %broadcast_in_dim3A_175, %add3A_177 : vector<16xi32>
      tpu.vector_store_idx %arg13[%iota3A, %add3A_178], %scan3A_172#1 : memref<16x33xf32, #tpu.memory_space<vmem>>[vector<16xi32>, vector<16xi32>], vector<16xf32>,
      %scan3A_179 = arith.constant 0 : i32
      %scan3A_180 = arith.constant 64 : i32
      %scan3A_181 = arith.addi %scan3A_179, %scan3A_180 : i32
      %scan3A_182 = arith.constant 4 : i32
      %scan3A_183:2 = scf.for %scan3A_632 = %scan3A_179 to %scan3A_181 step %scan3A_182 iter_args(%scan3A_633 = %broadcast_in_dim3A_134, %scan3A_634 = %broadcast_in_dim3A_134) -> (vector<16xf32>, vector<16xf32>)  : i32 {
        %mul3A_635 = arith.constant 16 : i32
        %mul3A_636 = arith.muli %scan3A_632, %mul3A_635 : i32
        %get3A_637 = arith.constant 4 : i32
        %get3A_638 = arith.index_cast %rem3A_97 : i32 to index
        %get3A_639 = arith.index_cast %get3A_637 : i32 to index
        %get3A_640 = arith.index_cast %mul3A_636 : i32 to index
        %get3A_641 = tpu.vector_load %arg11[%get3A_638, %get3A_639, %get3A_640] {strides = array<i32>} : memref<3x16x1024xf32, #tpu.memory_space<vmem>>, vector<16xf32>,
        %mul3A_642 = arith.constant 16 : i32
        %mul3A_643 = arith.muli %scan3A_632, %mul3A_642 : i32
        %get3A_644 = arith.constant 4 : i32
        %get3A_645 = arith.index_cast %rem3A_97 : i32 to index
        %get3A_646 = arith.index_cast %get3A_644 : i32 to index
        %get3A_647 = arith.index_cast %mul3A_643 : i32 to index
        %get3A_648 = tpu.vector_load %arg12[%get3A_645, %get3A_646, %get3A_647] {strides = array<i32>} : memref<3x16x1024xf32, #tpu.memory_space<vmem>>, vector<16xf32>,
        %add3A_649 = arith.addf %get3A_641, %get3A_648 : vector<16xf32>
        %mul3A_650 = arith.constant 16 : i32
        %mul3A_651 = arith.muli %scan3A_632, %mul3A_650 : i32
        %swap3A = arith.constant 4 : i32
        %swap3A_652 = arith.index_cast %rem3A_97 : i32 to index
        %swap3A_653 = arith.index_cast %swap3A : i32 to index
        %swap3A_654 = arith.index_cast %mul3A_651 : i32 to index
        %swap3A_655 = tpu.vector_load %arg11[%swap3A_652, %swap3A_653, %swap3A_654] {strides = array<i32>} : memref<3x16x1024xf32, #tpu.memory_space<vmem>>, vector<16xf32>,
        tpu.vector_store %arg11[%swap3A_652, %swap3A_653, %swap3A_654], %add3A_649 {strides = array<i32>} : memref<3x16x1024xf32, #tpu.memory_space<vmem>>, vector<16xf32>,
        %add3A_656 = arith.addf %scan3A_633, %add3A_649 : vector<16xf32>
        %mul3A_657 = arith.mulf %add3A_649, %add3A_649 : vector<16xf32>
        %add3A_658 = arith.addf %scan3A_634, %mul3A_657 : vector<16xf32>
        %scan3A_659 = arith.constant 1 : i32
        %scan3A_660 = arith.addi %scan3A_632, %scan3A_659 : i32
        %mul3A_661 = arith.constant 16 : i32
        %mul3A_662 = arith.muli %scan3A_660, %mul3A_661 : i32
        %get3A_663 = arith.constant 4 : i32
        %get3A_664 = arith.index_cast %rem3A_97 : i32 to index
        %get3A_665 = arith.index_cast %get3A_663 : i32 to index
        %get3A_666 = arith.index_cast %mul3A_662 : i32 to index
        %get3A_667 = tpu.vector_load %arg11[%get3A_664, %get3A_665, %get3A_666] {strides = array<i32>} : memref<3x16x1024xf32, #tpu.memory_space<vmem>>, vector<16xf32>,
        %mul3A_668 = arith.constant 16 : i32
        %mul3A_669 = arith.muli %scan3A_660, %mul3A_668 : i32
        %get3A_670 = arith.constant 4 : i32
        %get3A_671 = arith.index_cast %rem3A_97 : i32 to index
        %get3A_672 = arith.index_cast %get3A_670 : i32 to index
        %get3A_673 = arith.index_cast %mul3A_669 : i32 to index
        %get3A_674 = tpu.vector_load %arg12[%get3A_671, %get3A_672, %get3A_673] {strides = array<i32>} : memref<3x16x1024xf32, #tpu.memory_space<vmem>>, vector<16xf32>,
        %add3A_675 = arith.addf %get3A_667, %get3A_674 : vector<16xf32>
        %mul3A_676 = arith.constant 16 : i32
        %mul3A_677 = arith.muli %scan3A_660, %mul3A_676 : i32
        %swap3A_678 = arith.constant 4 : i32
        %swap3A_679 = arith.index_cast %rem3A_97 : i32 to index
        %swap3A_680 = arith.index_cast %swap3A_678 : i32 to index
        %swap3A_681 = arith.index_cast %mul3A_677 : i32 to index
        %swap3A_682 = tpu.vector_load %arg11[%swap3A_679, %swap3A_680, %swap3A_681] {strides = array<i32>} : memref<3x16x1024xf32, #tpu.memory_space<vmem>>, vector<16xf32>,
        tpu.vector_store %arg11[%swap3A_679, %swap3A_680, %swap3A_681], %add3A_675 {strides = array<i32>} : memref<3x16x1024xf32, #tpu.memory_space<vmem>>, vector<16xf32>,
        %add3A_683 = arith.addf %add3A_656, %add3A_675 : vector<16xf32>
        %mul3A_684 = arith.mulf %add3A_675, %add3A_675 : vector<16xf32>
        %add3A_685 = arith.addf %add3A_658, %mul3A_684 : vector<16xf32>
        %scan3A_686 = arith.constant 2 : i32
        %scan3A_687 = arith.addi %scan3A_632, %scan3A_686 : i32
        %mul3A_688 = arith.constant 16 : i32
        %mul3A_689 = arith.muli %scan3A_687, %mul3A_688 : i32
        %get3A_690 = arith.constant 4 : i32
        %get3A_691 = arith.index_cast %rem3A_97 : i32 to index
        %get3A_692 = arith.index_cast %get3A_690 : i32 to index
        %get3A_693 = arith.index_cast %mul3A_689 : i32 to index
        %get3A_694 = tpu.vector_load %arg11[%get3A_691, %get3A_692, %get3A_693] {strides = array<i32>} : memref<3x16x1024xf32, #tpu.memory_space<vmem>>, vector<16xf32>,
        %mul3A_695 = arith.constant 16 : i32
        %mul3A_696 = arith.muli %scan3A_687, %mul3A_695 : i32
        %get3A_697 = arith.constant 4 : i32
        %get3A_698 = arith.index_cast %rem3A_97 : i32 to index
        %get3A_699 = arith.index_cast %get3A_697 : i32 to index
        %get3A_700 = arith.index_cast %mul3A_696 : i32 to index
        %get3A_701 = tpu.vector_load %arg12[%get3A_698, %get3A_699, %get3A_700] {strides = array<i32>} : memref<3x16x1024xf32, #tpu.memory_space<vmem>>, vector<16xf32>,
        %add3A_702 = arith.addf %get3A_694, %get3A_701 : vector<16xf32>
        %mul3A_703 = arith.constant 16 : i32
        %mul3A_704 = arith.muli %scan3A_687, %mul3A_703 : i32
        %swap3A_705 = arith.constant 4 : i32
        %swap3A_706 = arith.index_cast %rem3A_97 : i32 to index
        %swap3A_707 = arith.index_cast %swap3A_705 : i32 to index
        %swap3A_708 = arith.index_cast %mul3A_704 : i32 to index
        %swap3A_709 = tpu.vector_load %arg11[%swap3A_706, %swap3A_707, %swap3A_708] {strides = array<i32>} : memref<3x16x1024xf32, #tpu.memory_space<vmem>>, vector<16xf32>,
        tpu.vector_store %arg11[%swap3A_706, %swap3A_707, %swap3A_708], %add3A_702 {strides = array<i32>} : memref<3x16x1024xf32, #tpu.memory_space<vmem>>, vector<16xf32>,
        %add3A_710 = arith.addf %add3A_683, %add3A_702 : vector<16xf32>
        %mul3A_711 = arith.mulf %add3A_702, %add3A_702 : vector<16xf32>
        %add3A_712 = arith.addf %add3A_685, %mul3A_711 : vector<16xf32>
        %scan3A_713 = arith.constant 3 : i32
        %scan3A_714 = arith.addi %scan3A_632, %scan3A_713 : i32
        %mul3A_715 = arith.constant 16 : i32
        %mul3A_716 = arith.muli %scan3A_714, %mul3A_715 : i32
        %get3A_717 = arith.constant 4 : i32
        %get3A_718 = arith.index_cast %rem3A_97 : i32 to index
        %get3A_719 = arith.index_cast %get3A_717 : i32 to index
        %get3A_720 = arith.index_cast %mul3A_716 : i32 to index
        %get3A_721 = tpu.vector_load %arg11[%get3A_718, %get3A_719, %get3A_720] {strides = array<i32>} : memref<3x16x1024xf32, #tpu.memory_space<vmem>>, vector<16xf32>,
        %mul3A_722 = arith.constant 16 : i32
        %mul3A_723 = arith.muli %scan3A_714, %mul3A_722 : i32
        %get3A_724 = arith.constant 4 : i32
        %get3A_725 = arith.index_cast %rem3A_97 : i32 to index
        %get3A_726 = arith.index_cast %get3A_724 : i32 to index
        %get3A_727 = arith.index_cast %mul3A_723 : i32 to index
        %get3A_728 = tpu.vector_load %arg12[%get3A_725, %get3A_726, %get3A_727] {strides = array<i32>} : memref<3x16x1024xf32, #tpu.memory_space<vmem>>, vector<16xf32>,
        %add3A_729 = arith.addf %get3A_721, %get3A_728 : vector<16xf32>
        %mul3A_730 = arith.constant 16 : i32
        %mul3A_731 = arith.muli %scan3A_714, %mul3A_730 : i32
        %swap3A_732 = arith.constant 4 : i32
        %swap3A_733 = arith.index_cast %rem3A_97 : i32 to index
        %swap3A_734 = arith.index_cast %swap3A_732 : i32 to index
        %swap3A_735 = arith.index_cast %mul3A_731 : i32 to index
        %swap3A_736 = tpu.vector_load %arg11[%swap3A_733, %swap3A_734, %swap3A_735] {strides = array<i32>} : memref<3x16x1024xf32, #tpu.memory_space<vmem>>, vector<16xf32>,
        tpu.vector_store %arg11[%swap3A_733, %swap3A_734, %swap3A_735], %add3A_729 {strides = array<i32>} : memref<3x16x1024xf32, #tpu.memory_space<vmem>>, vector<16xf32>,
        %add3A_737 = arith.addf %add3A_710, %add3A_729 : vector<16xf32>
        %mul3A_738 = arith.mulf %add3A_729, %add3A_729 : vector<16xf32>
        %add3A_739 = arith.addf %add3A_712, %mul3A_738 : vector<16xf32>
        scf.yield %add3A_737, %add3A_739 : vector<16xf32>, vector<16xf32>
      }
      %scan3A_184 = arith.constant 64 : i32
      %broadcast_in_dim3A_185 = arith.constant 4 : i32
      %broadcast_in_dim3A_186 = vector.broadcast %broadcast_in_dim3A_185 : i32 to vector<16xi32>
      tpu.vector_store_idx %arg13[%iota3A, %broadcast_in_dim3A_186], %scan3A_183#0 : memref<16x33xf32, #tpu.memory_space<vmem>>[vector<16xi32>, vector<16xi32>], vector<16xf32>,
      %add3A_187 = arith.constant 16 : i32
      %add3A_188 = vector.broadcast %add3A_187 : i32 to vector<16xi32>
      %add3A_189 = arith.addi %broadcast_in_dim3A_186, %add3A_188 : vector<16xi32>
      tpu.vector_store_idx %arg13[%iota3A, %add3A_189], %scan3A_183#1 : memref<16x33xf32, #tpu.memory_space<vmem>>[vector<16xi32>, vector<16xi32>], vector<16xf32>,
      %scan3A_190 = arith.constant 0 : i32
      %scan3A_191 = arith.constant 64 : i32
      %scan3A_192 = arith.addi %scan3A_190, %scan3A_191 : i32
      %scan3A_193 = arith.constant 4 : i32
      %scan3A_194:2 = scf.for %scan3A_632 = %scan3A_190 to %scan3A_192 step %scan3A_193 iter_args(%scan3A_633 = %broadcast_in_dim3A_134, %scan3A_634 = %broadcast_in_dim3A_134) -> (vector<16xf32>, vector<16xf32>)  : i32 {
        %mul3A_635 = arith.constant 16 : i32
        %mul3A_636 = arith.muli %scan3A_632, %mul3A_635 : i32
        %get3A_637 = arith.constant 5 : i32
        %get3A_638 = arith.index_cast %rem3A_97 : i32 to index
        %get3A_639 = arith.index_cast %get3A_637 : i32 to index
        %get3A_640 = arith.index_cast %mul3A_636 : i32 to index
        %get3A_641 = tpu.vector_load %arg11[%get3A_638, %get3A_639, %get3A_640] {strides = array<i32>} : memref<3x16x1024xf32, #tpu.memory_space<vmem>>, vector<16xf32>,
        %mul3A_642 = arith.constant 16 : i32
        %mul3A_643 = arith.muli %scan3A_632, %mul3A_642 : i32
        %get3A_644 = arith.constant 5 : i32
        %get3A_645 = arith.index_cast %rem3A_97 : i32 to index
        %get3A_646 = arith.index_cast %get3A_644 : i32 to index
        %get3A_647 = arith.index_cast %mul3A_643 : i32 to index
        %get3A_648 = tpu.vector_load %arg12[%get3A_645, %get3A_646, %get3A_647] {strides = array<i32>} : memref<3x16x1024xf32, #tpu.memory_space<vmem>>, vector<16xf32>,
        %add3A_649 = arith.addf %get3A_641, %get3A_648 : vector<16xf32>
        %mul3A_650 = arith.constant 16 : i32
        %mul3A_651 = arith.muli %scan3A_632, %mul3A_650 : i32
        %swap3A = arith.constant 5 : i32
        %swap3A_652 = arith.index_cast %rem3A_97 : i32 to index
        %swap3A_653 = arith.index_cast %swap3A : i32 to index
        %swap3A_654 = arith.index_cast %mul3A_651 : i32 to index
        %swap3A_655 = tpu.vector_load %arg11[%swap3A_652, %swap3A_653, %swap3A_654] {strides = array<i32>} : memref<3x16x1024xf32, #tpu.memory_space<vmem>>, vector<16xf32>,
        tpu.vector_store %arg11[%swap3A_652, %swap3A_653, %swap3A_654], %add3A_649 {strides = array<i32>} : memref<3x16x1024xf32, #tpu.memory_space<vmem>>, vector<16xf32>,
        %add3A_656 = arith.addf %scan3A_633, %add3A_649 : vector<16xf32>
        %mul3A_657 = arith.mulf %add3A_649, %add3A_649 : vector<16xf32>
        %add3A_658 = arith.addf %scan3A_634, %mul3A_657 : vector<16xf32>
        %scan3A_659 = arith.constant 1 : i32
        %scan3A_660 = arith.addi %scan3A_632, %scan3A_659 : i32
        %mul3A_661 = arith.constant 16 : i32
        %mul3A_662 = arith.muli %scan3A_660, %mul3A_661 : i32
        %get3A_663 = arith.constant 5 : i32
        %get3A_664 = arith.index_cast %rem3A_97 : i32 to index
        %get3A_665 = arith.index_cast %get3A_663 : i32 to index
        %get3A_666 = arith.index_cast %mul3A_662 : i32 to index
        %get3A_667 = tpu.vector_load %arg11[%get3A_664, %get3A_665, %get3A_666] {strides = array<i32>} : memref<3x16x1024xf32, #tpu.memory_space<vmem>>, vector<16xf32>,
        %mul3A_668 = arith.constant 16 : i32
        %mul3A_669 = arith.muli %scan3A_660, %mul3A_668 : i32
        %get3A_670 = arith.constant 5 : i32
        %get3A_671 = arith.index_cast %rem3A_97 : i32 to index
        %get3A_672 = arith.index_cast %get3A_670 : i32 to index
        %get3A_673 = arith.index_cast %mul3A_669 : i32 to index
        %get3A_674 = tpu.vector_load %arg12[%get3A_671, %get3A_672, %get3A_673] {strides = array<i32>} : memref<3x16x1024xf32, #tpu.memory_space<vmem>>, vector<16xf32>,
        %add3A_675 = arith.addf %get3A_667, %get3A_674 : vector<16xf32>
        %mul3A_676 = arith.constant 16 : i32
        %mul3A_677 = arith.muli %scan3A_660, %mul3A_676 : i32
        %swap3A_678 = arith.constant 5 : i32
        %swap3A_679 = arith.index_cast %rem3A_97 : i32 to index
        %swap3A_680 = arith.index_cast %swap3A_678 : i32 to index
        %swap3A_681 = arith.index_cast %mul3A_677 : i32 to index
        %swap3A_682 = tpu.vector_load %arg11[%swap3A_679, %swap3A_680, %swap3A_681] {strides = array<i32>} : memref<3x16x1024xf32, #tpu.memory_space<vmem>>, vector<16xf32>,
        tpu.vector_store %arg11[%swap3A_679, %swap3A_680, %swap3A_681], %add3A_675 {strides = array<i32>} : memref<3x16x1024xf32, #tpu.memory_space<vmem>>, vector<16xf32>,
        %add3A_683 = arith.addf %add3A_656, %add3A_675 : vector<16xf32>
        %mul3A_684 = arith.mulf %add3A_675, %add3A_675 : vector<16xf32>
        %add3A_685 = arith.addf %add3A_658, %mul3A_684 : vector<16xf32>
        %scan3A_686 = arith.constant 2 : i32
        %scan3A_687 = arith.addi %scan3A_632, %scan3A_686 : i32
        %mul3A_688 = arith.constant 16 : i32
        %mul3A_689 = arith.muli %scan3A_687, %mul3A_688 : i32
        %get3A_690 = arith.constant 5 : i32
        %get3A_691 = arith.index_cast %rem3A_97 : i32 to index
        %get3A_692 = arith.index_cast %get3A_690 : i32 to index
        %get3A_693 = arith.index_cast %mul3A_689 : i32 to index
        %get3A_694 = tpu.vector_load %arg11[%get3A_691, %get3A_692, %get3A_693] {strides = array<i32>} : memref<3x16x1024xf32, #tpu.memory_space<vmem>>, vector<16xf32>,
        %mul3A_695 = arith.constant 16 : i32
        %mul3A_696 = arith.muli %scan3A_687, %mul3A_695 : i32
        %get3A_697 = arith.constant 5 : i32
        %get3A_698 = arith.index_cast %rem3A_97 : i32 to index
        %get3A_699 = arith.index_cast %get3A_697 : i32 to index
        %get3A_700 = arith.index_cast %mul3A_696 : i32 to index
        %get3A_701 = tpu.vector_load %arg12[%get3A_698, %get3A_699, %get3A_700] {strides = array<i32>} : memref<3x16x1024xf32, #tpu.memory_space<vmem>>, vector<16xf32>,
        %add3A_702 = arith.addf %get3A_694, %get3A_701 : vector<16xf32>
        %mul3A_703 = arith.constant 16 : i32
        %mul3A_704 = arith.muli %scan3A_687, %mul3A_703 : i32
        %swap3A_705 = arith.constant 5 : i32
        %swap3A_706 = arith.index_cast %rem3A_97 : i32 to index
        %swap3A_707 = arith.index_cast %swap3A_705 : i32 to index
        %swap3A_708 = arith.index_cast %mul3A_704 : i32 to index
        %swap3A_709 = tpu.vector_load %arg11[%swap3A_706, %swap3A_707, %swap3A_708] {strides = array<i32>} : memref<3x16x1024xf32, #tpu.memory_space<vmem>>, vector<16xf32>,
        tpu.vector_store %arg11[%swap3A_706, %swap3A_707, %swap3A_708], %add3A_702 {strides = array<i32>} : memref<3x16x1024xf32, #tpu.memory_space<vmem>>, vector<16xf32>,
        %add3A_710 = arith.addf %add3A_683, %add3A_702 : vector<16xf32>
        %mul3A_711 = arith.mulf %add3A_702, %add3A_702 : vector<16xf32>
        %add3A_712 = arith.addf %add3A_685, %mul3A_711 : vector<16xf32>
        %scan3A_713 = arith.constant 3 : i32
        %scan3A_714 = arith.addi %scan3A_632, %scan3A_713 : i32
        %mul3A_715 = arith.constant 16 : i32
        %mul3A_716 = arith.muli %scan3A_714, %mul3A_715 : i32
        %get3A_717 = arith.constant 5 : i32
        %get3A_718 = arith.index_cast %rem3A_97 : i32 to index
        %get3A_719 = arith.index_cast %get3A_717 : i32 to index
        %get3A_720 = arith.index_cast %mul3A_716 : i32 to index
        %get3A_721 = tpu.vector_load %arg11[%get3A_718, %get3A_719, %get3A_720] {strides = array<i32>} : memref<3x16x1024xf32, #tpu.memory_space<vmem>>, vector<16xf32>,
        %mul3A_722 = arith.constant 16 : i32
        %mul3A_723 = arith.muli %scan3A_714, %mul3A_722 : i32
        %get3A_724 = arith.constant 5 : i32
        %get3A_725 = arith.index_cast %rem3A_97 : i32 to index
        %get3A_726 = arith.index_cast %get3A_724 : i32 to index
        %get3A_727 = arith.index_cast %mul3A_723 : i32 to index
        %get3A_728 = tpu.vector_load %arg12[%get3A_725, %get3A_726, %get3A_727] {strides = array<i32>} : memref<3x16x1024xf32, #tpu.memory_space<vmem>>, vector<16xf32>,
        %add3A_729 = arith.addf %get3A_721, %get3A_728 : vector<16xf32>
        %mul3A_730 = arith.constant 16 : i32
        %mul3A_731 = arith.muli %scan3A_714, %mul3A_730 : i32
        %swap3A_732 = arith.constant 5 : i32
        %swap3A_733 = arith.index_cast %rem3A_97 : i32 to index
        %swap3A_734 = arith.index_cast %swap3A_732 : i32 to index
        %swap3A_735 = arith.index_cast %mul3A_731 : i32 to index
        %swap3A_736 = tpu.vector_load %arg11[%swap3A_733, %swap3A_734, %swap3A_735] {strides = array<i32>} : memref<3x16x1024xf32, #tpu.memory_space<vmem>>, vector<16xf32>,
        tpu.vector_store %arg11[%swap3A_733, %swap3A_734, %swap3A_735], %add3A_729 {strides = array<i32>} : memref<3x16x1024xf32, #tpu.memory_space<vmem>>, vector<16xf32>,
        %add3A_737 = arith.addf %add3A_710, %add3A_729 : vector<16xf32>
        %mul3A_738 = arith.mulf %add3A_729, %add3A_729 : vector<16xf32>
        %add3A_739 = arith.addf %add3A_712, %mul3A_738 : vector<16xf32>
        scf.yield %add3A_737, %add3A_739 : vector<16xf32>, vector<16xf32>
      }
      %scan3A_195 = arith.constant 64 : i32
      %broadcast_in_dim3A_196 = arith.constant 5 : i32
      %broadcast_in_dim3A_197 = vector.broadcast %broadcast_in_dim3A_196 : i32 to vector<16xi32>
      tpu.vector_store_idx %arg13[%iota3A, %broadcast_in_dim3A_197], %scan3A_194#0 : memref<16x33xf32, #tpu.memory_space<vmem>>[vector<16xi32>, vector<16xi32>], vector<16xf32>,
      %add3A_198 = arith.constant 16 : i32
      %add3A_199 = vector.broadcast %add3A_198 : i32 to vector<16xi32>
      %add3A_200 = arith.addi %broadcast_in_dim3A_197, %add3A_199 : vector<16xi32>
      tpu.vector_store_idx %arg13[%iota3A, %add3A_200], %scan3A_194#1 : memref<16x33xf32, #tpu.memory_space<vmem>>[vector<16xi32>, vector<16xi32>], vector<16xf32>,
      %scan3A_201 = arith.constant 0 : i32
      %scan3A_202 = arith.constant 64 : i32
      %scan3A_203 = arith.addi %scan3A_201, %scan3A_202 : i32
      %scan3A_204 = arith.constant 4 : i32
      %scan3A_205:2 = scf.for %scan3A_632 = %scan3A_201 to %scan3A_203 step %scan3A_204 iter_args(%scan3A_633 = %broadcast_in_dim3A_134, %scan3A_634 = %broadcast_in_dim3A_134) -> (vector<16xf32>, vector<16xf32>)  : i32 {
        %mul3A_635 = arith.constant 16 : i32
        %mul3A_636 = arith.muli %scan3A_632, %mul3A_635 : i32
        %get3A_637 = arith.constant 6 : i32
        %get3A_638 = arith.index_cast %rem3A_97 : i32 to index
        %get3A_639 = arith.index_cast %get3A_637 : i32 to index
        %get3A_640 = arith.index_cast %mul3A_636 : i32 to index
        %get3A_641 = tpu.vector_load %arg11[%get3A_638, %get3A_639, %get3A_640] {strides = array<i32>} : memref<3x16x1024xf32, #tpu.memory_space<vmem>>, vector<16xf32>,
        %mul3A_642 = arith.constant 16 : i32
        %mul3A_643 = arith.muli %scan3A_632, %mul3A_642 : i32
        %get3A_644 = arith.constant 6 : i32
        %get3A_645 = arith.index_cast %rem3A_97 : i32 to index
        %get3A_646 = arith.index_cast %get3A_644 : i32 to index
        %get3A_647 = arith.index_cast %mul3A_643 : i32 to index
        %get3A_648 = tpu.vector_load %arg12[%get3A_645, %get3A_646, %get3A_647] {strides = array<i32>} : memref<3x16x1024xf32, #tpu.memory_space<vmem>>, vector<16xf32>,
        %add3A_649 = arith.addf %get3A_641, %get3A_648 : vector<16xf32>
        %mul3A_650 = arith.constant 16 : i32
        %mul3A_651 = arith.muli %scan3A_632, %mul3A_650 : i32
        %swap3A = arith.constant 6 : i32
        %swap3A_652 = arith.index_cast %rem3A_97 : i32 to index
        %swap3A_653 = arith.index_cast %swap3A : i32 to index
        %swap3A_654 = arith.index_cast %mul3A_651 : i32 to index
        %swap3A_655 = tpu.vector_load %arg11[%swap3A_652, %swap3A_653, %swap3A_654] {strides = array<i32>} : memref<3x16x1024xf32, #tpu.memory_space<vmem>>, vector<16xf32>,
        tpu.vector_store %arg11[%swap3A_652, %swap3A_653, %swap3A_654], %add3A_649 {strides = array<i32>} : memref<3x16x1024xf32, #tpu.memory_space<vmem>>, vector<16xf32>,
        %add3A_656 = arith.addf %scan3A_633, %add3A_649 : vector<16xf32>
        %mul3A_657 = arith.mulf %add3A_649, %add3A_649 : vector<16xf32>
        %add3A_658 = arith.addf %scan3A_634, %mul3A_657 : vector<16xf32>
        %scan3A_659 = arith.constant 1 : i32
        %scan3A_660 = arith.addi %scan3A_632, %scan3A_659 : i32
        %mul3A_661 = arith.constant 16 : i32
        %mul3A_662 = arith.muli %scan3A_660, %mul3A_661 : i32
        %get3A_663 = arith.constant 6 : i32
        %get3A_664 = arith.index_cast %rem3A_97 : i32 to index
        %get3A_665 = arith.index_cast %get3A_663 : i32 to index
        %get3A_666 = arith.index_cast %mul3A_662 : i32 to index
        %get3A_667 = tpu.vector_load %arg11[%get3A_664, %get3A_665, %get3A_666] {strides = array<i32>} : memref<3x16x1024xf32, #tpu.memory_space<vmem>>, vector<16xf32>,
        %mul3A_668 = arith.constant 16 : i32
        %mul3A_669 = arith.muli %scan3A_660, %mul3A_668 : i32
        %get3A_670 = arith.constant 6 : i32
        %get3A_671 = arith.index_cast %rem3A_97 : i32 to index
        %get3A_672 = arith.index_cast %get3A_670 : i32 to index
        %get3A_673 = arith.index_cast %mul3A_669 : i32 to index
        %get3A_674 = tpu.vector_load %arg12[%get3A_671, %get3A_672, %get3A_673] {strides = array<i32>} : memref<3x16x1024xf32, #tpu.memory_space<vmem>>, vector<16xf32>,
        %add3A_675 = arith.addf %get3A_667, %get3A_674 : vector<16xf32>
        %mul3A_676 = arith.constant 16 : i32
        %mul3A_677 = arith.muli %scan3A_660, %mul3A_676 : i32
        %swap3A_678 = arith.constant 6 : i32
        %swap3A_679 = arith.index_cast %rem3A_97 : i32 to index
        %swap3A_680 = arith.index_cast %swap3A_678 : i32 to index
        %swap3A_681 = arith.index_cast %mul3A_677 : i32 to index
        %swap3A_682 = tpu.vector_load %arg11[%swap3A_679, %swap3A_680, %swap3A_681] {strides = array<i32>} : memref<3x16x1024xf32, #tpu.memory_space<vmem>>, vector<16xf32>,
        tpu.vector_store %arg11[%swap3A_679, %swap3A_680, %swap3A_681], %add3A_675 {strides = array<i32>} : memref<3x16x1024xf32, #tpu.memory_space<vmem>>, vector<16xf32>,
        %add3A_683 = arith.addf %add3A_656, %add3A_675 : vector<16xf32>
        %mul3A_684 = arith.mulf %add3A_675, %add3A_675 : vector<16xf32>
        %add3A_685 = arith.addf %add3A_658, %mul3A_684 : vector<16xf32>
        %scan3A_686 = arith.constant 2 : i32
        %scan3A_687 = arith.addi %scan3A_632, %scan3A_686 : i32
        %mul3A_688 = arith.constant 16 : i32
        %mul3A_689 = arith.muli %scan3A_687, %mul3A_688 : i32
        %get3A_690 = arith.constant 6 : i32
        %get3A_691 = arith.index_cast %rem3A_97 : i32 to index
        %get3A_692 = arith.index_cast %get3A_690 : i32 to index
        %get3A_693 = arith.index_cast %mul3A_689 : i32 to index
        %get3A_694 = tpu.vector_load %arg11[%get3A_691, %get3A_692, %get3A_693] {strides = array<i32>} : memref<3x16x1024xf32, #tpu.memory_space<vmem>>, vector<16xf32>,
        %mul3A_695 = arith.constant 16 : i32
        %mul3A_696 = arith.muli %scan3A_687, %mul3A_695 : i32
        %get3A_697 = arith.constant 6 : i32
        %get3A_698 = arith.index_cast %rem3A_97 : i32 to index
        %get3A_699 = arith.index_cast %get3A_697 : i32 to index
        %get3A_700 = arith.index_cast %mul3A_696 : i32 to index
        %get3A_701 = tpu.vector_load %arg12[%get3A_698, %get3A_699, %get3A_700] {strides = array<i32>} : memref<3x16x1024xf32, #tpu.memory_space<vmem>>, vector<16xf32>,
        %add3A_702 = arith.addf %get3A_694, %get3A_701 : vector<16xf32>
        %mul3A_703 = arith.constant 16 : i32
        %mul3A_704 = arith.muli %scan3A_687, %mul3A_703 : i32
        %swap3A_705 = arith.constant 6 : i32
        %swap3A_706 = arith.index_cast %rem3A_97 : i32 to index
        %swap3A_707 = arith.index_cast %swap3A_705 : i32 to index
        %swap3A_708 = arith.index_cast %mul3A_704 : i32 to index
        %swap3A_709 = tpu.vector_load %arg11[%swap3A_706, %swap3A_707, %swap3A_708] {strides = array<i32>} : memref<3x16x1024xf32, #tpu.memory_space<vmem>>, vector<16xf32>,
        tpu.vector_store %arg11[%swap3A_706, %swap3A_707, %swap3A_708], %add3A_702 {strides = array<i32>} : memref<3x16x1024xf32, #tpu.memory_space<vmem>>, vector<16xf32>,
        %add3A_710 = arith.addf %add3A_683, %add3A_702 : vector<16xf32>
        %mul3A_711 = arith.mulf %add3A_702, %add3A_702 : vector<16xf32>
        %add3A_712 = arith.addf %add3A_685, %mul3A_711 : vector<16xf32>
        %scan3A_713 = arith.constant 3 : i32
        %scan3A_714 = arith.addi %scan3A_632, %scan3A_713 : i32
        %mul3A_715 = arith.constant 16 : i32
        %mul3A_716 = arith.muli %scan3A_714, %mul3A_715 : i32
        %get3A_717 = arith.constant 6 : i32
        %get3A_718 = arith.index_cast %rem3A_97 : i32 to index
        %get3A_719 = arith.index_cast %get3A_717 : i32 to index
        %get3A_720 = arith.index_cast %mul3A_716 : i32 to index
        %get3A_721 = tpu.vector_load %arg11[%get3A_718, %get3A_719, %get3A_720] {strides = array<i32>} : memref<3x16x1024xf32, #tpu.memory_space<vmem>>, vector<16xf32>,
        %mul3A_722 = arith.constant 16 : i32
        %mul3A_723 = arith.muli %scan3A_714, %mul3A_722 : i32
        %get3A_724 = arith.constant 6 : i32
        %get3A_725 = arith.index_cast %rem3A_97 : i32 to index
        %get3A_726 = arith.index_cast %get3A_724 : i32 to index
        %get3A_727 = arith.index_cast %mul3A_723 : i32 to index
        %get3A_728 = tpu.vector_load %arg12[%get3A_725, %get3A_726, %get3A_727] {strides = array<i32>} : memref<3x16x1024xf32, #tpu.memory_space<vmem>>, vector<16xf32>,
        %add3A_729 = arith.addf %get3A_721, %get3A_728 : vector<16xf32>
        %mul3A_730 = arith.constant 16 : i32
        %mul3A_731 = arith.muli %scan3A_714, %mul3A_730 : i32
        %swap3A_732 = arith.constant 6 : i32
        %swap3A_733 = arith.index_cast %rem3A_97 : i32 to index
        %swap3A_734 = arith.index_cast %swap3A_732 : i32 to index
        %swap3A_735 = arith.index_cast %mul3A_731 : i32 to index
        %swap3A_736 = tpu.vector_load %arg11[%swap3A_733, %swap3A_734, %swap3A_735] {strides = array<i32>} : memref<3x16x1024xf32, #tpu.memory_space<vmem>>, vector<16xf32>,
        tpu.vector_store %arg11[%swap3A_733, %swap3A_734, %swap3A_735], %add3A_729 {strides = array<i32>} : memref<3x16x1024xf32, #tpu.memory_space<vmem>>, vector<16xf32>,
        %add3A_737 = arith.addf %add3A_710, %add3A_729 : vector<16xf32>
        %mul3A_738 = arith.mulf %add3A_729, %add3A_729 : vector<16xf32>
        %add3A_739 = arith.addf %add3A_712, %mul3A_738 : vector<16xf32>
        scf.yield %add3A_737, %add3A_739 : vector<16xf32>, vector<16xf32>
      }
      %scan3A_206 = arith.constant 64 : i32
      %broadcast_in_dim3A_207 = arith.constant 6 : i32
      %broadcast_in_dim3A_208 = vector.broadcast %broadcast_in_dim3A_207 : i32 to vector<16xi32>
      tpu.vector_store_idx %arg13[%iota3A, %broadcast_in_dim3A_208], %scan3A_205#0 : memref<16x33xf32, #tpu.memory_space<vmem>>[vector<16xi32>, vector<16xi32>], vector<16xf32>,
      %add3A_209 = arith.constant 16 : i32
      %add3A_210 = vector.broadcast %add3A_209 : i32 to vector<16xi32>
      %add3A_211 = arith.addi %broadcast_in_dim3A_208, %add3A_210 : vector<16xi32>
      tpu.vector_store_idx %arg13[%iota3A, %add3A_211], %scan3A_205#1 : memref<16x33xf32, #tpu.memory_space<vmem>>[vector<16xi32>, vector<16xi32>], vector<16xf32>,
      %scan3A_212 = arith.constant 0 : i32
      %scan3A_213 = arith.constant 64 : i32
      %scan3A_214 = arith.addi %scan3A_212, %scan3A_213 : i32
      %scan3A_215 = arith.constant 4 : i32
      %scan3A_216:2 = scf.for %scan3A_632 = %scan3A_212 to %scan3A_214 step %scan3A_215 iter_args(%scan3A_633 = %broadcast_in_dim3A_134, %scan3A_634 = %broadcast_in_dim3A_134) -> (vector<16xf32>, vector<16xf32>)  : i32 {
        %mul3A_635 = arith.constant 16 : i32
        %mul3A_636 = arith.muli %scan3A_632, %mul3A_635 : i32
        %get3A_637 = arith.constant 7 : i32
        %get3A_638 = arith.index_cast %rem3A_97 : i32 to index
        %get3A_639 = arith.index_cast %get3A_637 : i32 to index
        %get3A_640 = arith.index_cast %mul3A_636 : i32 to index
        %get3A_641 = tpu.vector_load %arg11[%get3A_638, %get3A_639, %get3A_640] {strides = array<i32>} : memref<3x16x1024xf32, #tpu.memory_space<vmem>>, vector<16xf32>,
        %mul3A_642 = arith.constant 16 : i32
        %mul3A_643 = arith.muli %scan3A_632, %mul3A_642 : i32
        %get3A_644 = arith.constant 7 : i32
        %get3A_645 = arith.index_cast %rem3A_97 : i32 to index
        %get3A_646 = arith.index_cast %get3A_644 : i32 to index
        %get3A_647 = arith.index_cast %mul3A_643 : i32 to index
        %get3A_648 = tpu.vector_load %arg12[%get3A_645, %get3A_646, %get3A_647] {strides = array<i32>} : memref<3x16x1024xf32, #tpu.memory_space<vmem>>, vector<16xf32>,
        %add3A_649 = arith.addf %get3A_641, %get3A_648 : vector<16xf32>
        %mul3A_650 = arith.constant 16 : i32
        %mul3A_651 = arith.muli %scan3A_632, %mul3A_650 : i32
        %swap3A = arith.constant 7 : i32
        %swap3A_652 = arith.index_cast %rem3A_97 : i32 to index
        %swap3A_653 = arith.index_cast %swap3A : i32 to index
        %swap3A_654 = arith.index_cast %mul3A_651 : i32 to index
        %swap3A_655 = tpu.vector_load %arg11[%swap3A_652, %swap3A_653, %swap3A_654] {strides = array<i32>} : memref<3x16x1024xf32, #tpu.memory_space<vmem>>, vector<16xf32>,
        tpu.vector_store %arg11[%swap3A_652, %swap3A_653, %swap3A_654], %add3A_649 {strides = array<i32>} : memref<3x16x1024xf32, #tpu.memory_space<vmem>>, vector<16xf32>,
        %add3A_656 = arith.addf %scan3A_633, %add3A_649 : vector<16xf32>
        %mul3A_657 = arith.mulf %add3A_649, %add3A_649 : vector<16xf32>
        %add3A_658 = arith.addf %scan3A_634, %mul3A_657 : vector<16xf32>
        %scan3A_659 = arith.constant 1 : i32
        %scan3A_660 = arith.addi %scan3A_632, %scan3A_659 : i32
        %mul3A_661 = arith.constant 16 : i32
        %mul3A_662 = arith.muli %scan3A_660, %mul3A_661 : i32
        %get3A_663 = arith.constant 7 : i32
        %get3A_664 = arith.index_cast %rem3A_97 : i32 to index
        %get3A_665 = arith.index_cast %get3A_663 : i32 to index
        %get3A_666 = arith.index_cast %mul3A_662 : i32 to index
        %get3A_667 = tpu.vector_load %arg11[%get3A_664, %get3A_665, %get3A_666] {strides = array<i32>} : memref<3x16x1024xf32, #tpu.memory_space<vmem>>, vector<16xf32>,
        %mul3A_668 = arith.constant 16 : i32
        %mul3A_669 = arith.muli %scan3A_660, %mul3A_668 : i32
        %get3A_670 = arith.constant 7 : i32
        %get3A_671 = arith.index_cast %rem3A_97 : i32 to index
        %get3A_672 = arith.index_cast %get3A_670 : i32 to index
        %get3A_673 = arith.index_cast %mul3A_669 : i32 to index
        %get3A_674 = tpu.vector_load %arg12[%get3A_671, %get3A_672, %get3A_673] {strides = array<i32>} : memref<3x16x1024xf32, #tpu.memory_space<vmem>>, vector<16xf32>,
        %add3A_675 = arith.addf %get3A_667, %get3A_674 : vector<16xf32>
        %mul3A_676 = arith.constant 16 : i32
        %mul3A_677 = arith.muli %scan3A_660, %mul3A_676 : i32
        %swap3A_678 = arith.constant 7 : i32
        %swap3A_679 = arith.index_cast %rem3A_97 : i32 to index
        %swap3A_680 = arith.index_cast %swap3A_678 : i32 to index
        %swap3A_681 = arith.index_cast %mul3A_677 : i32 to index
        %swap3A_682 = tpu.vector_load %arg11[%swap3A_679, %swap3A_680, %swap3A_681] {strides = array<i32>} : memref<3x16x1024xf32, #tpu.memory_space<vmem>>, vector<16xf32>,
        tpu.vector_store %arg11[%swap3A_679, %swap3A_680, %swap3A_681], %add3A_675 {strides = array<i32>} : memref<3x16x1024xf32, #tpu.memory_space<vmem>>, vector<16xf32>,
        %add3A_683 = arith.addf %add3A_656, %add3A_675 : vector<16xf32>
        %mul3A_684 = arith.mulf %add3A_675, %add3A_675 : vector<16xf32>
        %add3A_685 = arith.addf %add3A_658, %mul3A_684 : vector<16xf32>
        %scan3A_686 = arith.constant 2 : i32
        %scan3A_687 = arith.addi %scan3A_632, %scan3A_686 : i32
        %mul3A_688 = arith.constant 16 : i32
        %mul3A_689 = arith.muli %scan3A_687, %mul3A_688 : i32
        %get3A_690 = arith.constant 7 : i32
        %get3A_691 = arith.index_cast %rem3A_97 : i32 to index
        %get3A_692 = arith.index_cast %get3A_690 : i32 to index
        %get3A_693 = arith.index_cast %mul3A_689 : i32 to index
        %get3A_694 = tpu.vector_load %arg11[%get3A_691, %get3A_692, %get3A_693] {strides = array<i32>} : memref<3x16x1024xf32, #tpu.memory_space<vmem>>, vector<16xf32>,
        %mul3A_695 = arith.constant 16 : i32
        %mul3A_696 = arith.muli %scan3A_687, %mul3A_695 : i32
        %get3A_697 = arith.constant 7 : i32
        %get3A_698 = arith.index_cast %rem3A_97 : i32 to index
        %get3A_699 = arith.index_cast %get3A_697 : i32 to index
        %get3A_700 = arith.index_cast %mul3A_696 : i32 to index
        %get3A_701 = tpu.vector_load %arg12[%get3A_698, %get3A_699, %get3A_700] {strides = array<i32>} : memref<3x16x1024xf32, #tpu.memory_space<vmem>>, vector<16xf32>,
        %add3A_702 = arith.addf %get3A_694, %get3A_701 : vector<16xf32>
        %mul3A_703 = arith.constant 16 : i32
        %mul3A_704 = arith.muli %scan3A_687, %mul3A_703 : i32
        %swap3A_705 = arith.constant 7 : i32
        %swap3A_706 = arith.index_cast %rem3A_97 : i32 to index
        %swap3A_707 = arith.index_cast %swap3A_705 : i32 to index
        %swap3A_708 = arith.index_cast %mul3A_704 : i32 to index
        %swap3A_709 = tpu.vector_load %arg11[%swap3A_706, %swap3A_707, %swap3A_708] {strides = array<i32>} : memref<3x16x1024xf32, #tpu.memory_space<vmem>>, vector<16xf32>,
        tpu.vector_store %arg11[%swap3A_706, %swap3A_707, %swap3A_708], %add3A_702 {strides = array<i32>} : memref<3x16x1024xf32, #tpu.memory_space<vmem>>, vector<16xf32>,
        %add3A_710 = arith.addf %add3A_683, %add3A_702 : vector<16xf32>
        %mul3A_711 = arith.mulf %add3A_702, %add3A_702 : vector<16xf32>
        %add3A_712 = arith.addf %add3A_685, %mul3A_711 : vector<16xf32>
        %scan3A_713 = arith.constant 3 : i32
        %scan3A_714 = arith.addi %scan3A_632, %scan3A_713 : i32
        %mul3A_715 = arith.constant 16 : i32
        %mul3A_716 = arith.muli %scan3A_714, %mul3A_715 : i32
        %get3A_717 = arith.constant 7 : i32
        %get3A_718 = arith.index_cast %rem3A_97 : i32 to index
        %get3A_719 = arith.index_cast %get3A_717 : i32 to index
        %get3A_720 = arith.index_cast %mul3A_716 : i32 to index
        %get3A_721 = tpu.vector_load %arg11[%get3A_718, %get3A_719, %get3A_720] {strides = array<i32>} : memref<3x16x1024xf32, #tpu.memory_space<vmem>>, vector<16xf32>,
        %mul3A_722 = arith.constant 16 : i32
        %mul3A_723 = arith.muli %scan3A_714, %mul3A_722 : i32
        %get3A_724 = arith.constant 7 : i32
        %get3A_725 = arith.index_cast %rem3A_97 : i32 to index
        %get3A_726 = arith.index_cast %get3A_724 : i32 to index
        %get3A_727 = arith.index_cast %mul3A_723 : i32 to index
        %get3A_728 = tpu.vector_load %arg12[%get3A_725, %get3A_726, %get3A_727] {strides = array<i32>} : memref<3x16x1024xf32, #tpu.memory_space<vmem>>, vector<16xf32>,
        %add3A_729 = arith.addf %get3A_721, %get3A_728 : vector<16xf32>
        %mul3A_730 = arith.constant 16 : i32
        %mul3A_731 = arith.muli %scan3A_714, %mul3A_730 : i32
        %swap3A_732 = arith.constant 7 : i32
        %swap3A_733 = arith.index_cast %rem3A_97 : i32 to index
        %swap3A_734 = arith.index_cast %swap3A_732 : i32 to index
        %swap3A_735 = arith.index_cast %mul3A_731 : i32 to index
        %swap3A_736 = tpu.vector_load %arg11[%swap3A_733, %swap3A_734, %swap3A_735] {strides = array<i32>} : memref<3x16x1024xf32, #tpu.memory_space<vmem>>, vector<16xf32>,
        tpu.vector_store %arg11[%swap3A_733, %swap3A_734, %swap3A_735], %add3A_729 {strides = array<i32>} : memref<3x16x1024xf32, #tpu.memory_space<vmem>>, vector<16xf32>,
        %add3A_737 = arith.addf %add3A_710, %add3A_729 : vector<16xf32>
        %mul3A_738 = arith.mulf %add3A_729, %add3A_729 : vector<16xf32>
        %add3A_739 = arith.addf %add3A_712, %mul3A_738 : vector<16xf32>
        scf.yield %add3A_737, %add3A_739 : vector<16xf32>, vector<16xf32>
      }
      %scan3A_217 = arith.constant 64 : i32
      %broadcast_in_dim3A_218 = arith.constant 7 : i32
      %broadcast_in_dim3A_219 = vector.broadcast %broadcast_in_dim3A_218 : i32 to vector<16xi32>
      tpu.vector_store_idx %arg13[%iota3A, %broadcast_in_dim3A_219], %scan3A_216#0 : memref<16x33xf32, #tpu.memory_space<vmem>>[vector<16xi32>, vector<16xi32>], vector<16xf32>,
      %add3A_220 = arith.constant 16 : i32
      %add3A_221 = vector.broadcast %add3A_220 : i32 to vector<16xi32>
      %add3A_222 = arith.addi %broadcast_in_dim3A_219, %add3A_221 : vector<16xi32>
      tpu.vector_store_idx %arg13[%iota3A, %add3A_222], %scan3A_216#1 : memref<16x33xf32, #tpu.memory_space<vmem>>[vector<16xi32>, vector<16xi32>], vector<16xf32>,
      %scan3A_223 = arith.constant 0 : i32
      %scan3A_224 = arith.constant 64 : i32
      %scan3A_225 = arith.addi %scan3A_223, %scan3A_224 : i32
      %scan3A_226 = arith.constant 4 : i32
      %scan3A_227:2 = scf.for %scan3A_632 = %scan3A_223 to %scan3A_225 step %scan3A_226 iter_args(%scan3A_633 = %broadcast_in_dim3A_134, %scan3A_634 = %broadcast_in_dim3A_134) -> (vector<16xf32>, vector<16xf32>)  : i32 {
        %mul3A_635 = arith.constant 16 : i32
        %mul3A_636 = arith.muli %scan3A_632, %mul3A_635 : i32
        %get3A_637 = arith.constant 8 : i32
        %get3A_638 = arith.index_cast %rem3A_97 : i32 to index
        %get3A_639 = arith.index_cast %get3A_637 : i32 to index
        %get3A_640 = arith.index_cast %mul3A_636 : i32 to index
        %get3A_641 = tpu.vector_load %arg11[%get3A_638, %get3A_639, %get3A_640] {strides = array<i32>} : memref<3x16x1024xf32, #tpu.memory_space<vmem>>, vector<16xf32>,
        %mul3A_642 = arith.constant 16 : i32
        %mul3A_643 = arith.muli %scan3A_632, %mul3A_642 : i32
        %get3A_644 = arith.constant 8 : i32
        %get3A_645 = arith.index_cast %rem3A_97 : i32 to index
        %get3A_646 = arith.index_cast %get3A_644 : i32 to index
        %get3A_647 = arith.index_cast %mul3A_643 : i32 to index
        %get3A_648 = tpu.vector_load %arg12[%get3A_645, %get3A_646, %get3A_647] {strides = array<i32>} : memref<3x16x1024xf32, #tpu.memory_space<vmem>>, vector<16xf32>,
        %add3A_649 = arith.addf %get3A_641, %get3A_648 : vector<16xf32>
        %mul3A_650 = arith.constant 16 : i32
        %mul3A_651 = arith.muli %scan3A_632, %mul3A_650 : i32
        %swap3A = arith.constant 8 : i32
        %swap3A_652 = arith.index_cast %rem3A_97 : i32 to index
        %swap3A_653 = arith.index_cast %swap3A : i32 to index
        %swap3A_654 = arith.index_cast %mul3A_651 : i32 to index
        %swap3A_655 = tpu.vector_load %arg11[%swap3A_652, %swap3A_653, %swap3A_654] {strides = array<i32>} : memref<3x16x1024xf32, #tpu.memory_space<vmem>>, vector<16xf32>,
        tpu.vector_store %arg11[%swap3A_652, %swap3A_653, %swap3A_654], %add3A_649 {strides = array<i32>} : memref<3x16x1024xf32, #tpu.memory_space<vmem>>, vector<16xf32>,
        %add3A_656 = arith.addf %scan3A_633, %add3A_649 : vector<16xf32>
        %mul3A_657 = arith.mulf %add3A_649, %add3A_649 : vector<16xf32>
        %add3A_658 = arith.addf %scan3A_634, %mul3A_657 : vector<16xf32>
        %scan3A_659 = arith.constant 1 : i32
        %scan3A_660 = arith.addi %scan3A_632, %scan3A_659 : i32
        %mul3A_661 = arith.constant 16 : i32
        %mul3A_662 = arith.muli %scan3A_660, %mul3A_661 : i32
        %get3A_663 = arith.constant 8 : i32
        %get3A_664 = arith.index_cast %rem3A_97 : i32 to index
        %get3A_665 = arith.index_cast %get3A_663 : i32 to index
        %get3A_666 = arith.index_cast %mul3A_662 : i32 to index
        %get3A_667 = tpu.vector_load %arg11[%get3A_664, %get3A_665, %get3A_666] {strides = array<i32>} : memref<3x16x1024xf32, #tpu.memory_space<vmem>>, vector<16xf32>,
        %mul3A_668 = arith.constant 16 : i32
        %mul3A_669 = arith.muli %scan3A_660, %mul3A_668 : i32
        %get3A_670 = arith.constant 8 : i32
        %get3A_671 = arith.index_cast %rem3A_97 : i32 to index
        %get3A_672 = arith.index_cast %get3A_670 : i32 to index
        %get3A_673 = arith.index_cast %mul3A_669 : i32 to index
        %get3A_674 = tpu.vector_load %arg12[%get3A_671, %get3A_672, %get3A_673] {strides = array<i32>} : memref<3x16x1024xf32, #tpu.memory_space<vmem>>, vector<16xf32>,
        %add3A_675 = arith.addf %get3A_667, %get3A_674 : vector<16xf32>
        %mul3A_676 = arith.constant 16 : i32
        %mul3A_677 = arith.muli %scan3A_660, %mul3A_676 : i32
        %swap3A_678 = arith.constant 8 : i32
        %swap3A_679 = arith.index_cast %rem3A_97 : i32 to index
        %swap3A_680 = arith.index_cast %swap3A_678 : i32 to index
        %swap3A_681 = arith.index_cast %mul3A_677 : i32 to index
        %swap3A_682 = tpu.vector_load %arg11[%swap3A_679, %swap3A_680, %swap3A_681] {strides = array<i32>} : memref<3x16x1024xf32, #tpu.memory_space<vmem>>, vector<16xf32>,
        tpu.vector_store %arg11[%swap3A_679, %swap3A_680, %swap3A_681], %add3A_675 {strides = array<i32>} : memref<3x16x1024xf32, #tpu.memory_space<vmem>>, vector<16xf32>,
        %add3A_683 = arith.addf %add3A_656, %add3A_675 : vector<16xf32>
        %mul3A_684 = arith.mulf %add3A_675, %add3A_675 : vector<16xf32>
        %add3A_685 = arith.addf %add3A_658, %mul3A_684 : vector<16xf32>
        %scan3A_686 = arith.constant 2 : i32
        %scan3A_687 = arith.addi %scan3A_632, %scan3A_686 : i32
        %mul3A_688 = arith.constant 16 : i32
        %mul3A_689 = arith.muli %scan3A_687, %mul3A_688 : i32
        %get3A_690 = arith.constant 8 : i32
        %get3A_691 = arith.index_cast %rem3A_97 : i32 to index
        %get3A_692 = arith.index_cast %get3A_690 : i32 to index
        %get3A_693 = arith.index_cast %mul3A_689 : i32 to index
        %get3A_694 = tpu.vector_load %arg11[%get3A_691, %get3A_692, %get3A_693] {strides = array<i32>} : memref<3x16x1024xf32, #tpu.memory_space<vmem>>, vector<16xf32>,
        %mul3A_695 = arith.constant 16 : i32
        %mul3A_696 = arith.muli %scan3A_687, %mul3A_695 : i32
        %get3A_697 = arith.constant 8 : i32
        %get3A_698 = arith.index_cast %rem3A_97 : i32 to index
        %get3A_699 = arith.index_cast %get3A_697 : i32 to index
        %get3A_700 = arith.index_cast %mul3A_696 : i32 to index
        %get3A_701 = tpu.vector_load %arg12[%get3A_698, %get3A_699, %get3A_700] {strides = array<i32>} : memref<3x16x1024xf32, #tpu.memory_space<vmem>>, vector<16xf32>,
        %add3A_702 = arith.addf %get3A_694, %get3A_701 : vector<16xf32>
        %mul3A_703 = arith.constant 16 : i32
        %mul3A_704 = arith.muli %scan3A_687, %mul3A_703 : i32
        %swap3A_705 = arith.constant 8 : i32
        %swap3A_706 = arith.index_cast %rem3A_97 : i32 to index
        %swap3A_707 = arith.index_cast %swap3A_705 : i32 to index
        %swap3A_708 = arith.index_cast %mul3A_704 : i32 to index
        %swap3A_709 = tpu.vector_load %arg11[%swap3A_706, %swap3A_707, %swap3A_708] {strides = array<i32>} : memref<3x16x1024xf32, #tpu.memory_space<vmem>>, vector<16xf32>,
        tpu.vector_store %arg11[%swap3A_706, %swap3A_707, %swap3A_708], %add3A_702 {strides = array<i32>} : memref<3x16x1024xf32, #tpu.memory_space<vmem>>, vector<16xf32>,
        %add3A_710 = arith.addf %add3A_683, %add3A_702 : vector<16xf32>
        %mul3A_711 = arith.mulf %add3A_702, %add3A_702 : vector<16xf32>
        %add3A_712 = arith.addf %add3A_685, %mul3A_711 : vector<16xf32>
        %scan3A_713 = arith.constant 3 : i32
        %scan3A_714 = arith.addi %scan3A_632, %scan3A_713 : i32
        %mul3A_715 = arith.constant 16 : i32
        %mul3A_716 = arith.muli %scan3A_714, %mul3A_715 : i32
        %get3A_717 = arith.constant 8 : i32
        %get3A_718 = arith.index_cast %rem3A_97 : i32 to index
        %get3A_719 = arith.index_cast %get3A_717 : i32 to index
        %get3A_720 = arith.index_cast %mul3A_716 : i32 to index
        %get3A_721 = tpu.vector_load %arg11[%get3A_718, %get3A_719, %get3A_720] {strides = array<i32>} : memref<3x16x1024xf32, #tpu.memory_space<vmem>>, vector<16xf32>,
        %mul3A_722 = arith.constant 16 : i32
        %mul3A_723 = arith.muli %scan3A_714, %mul3A_722 : i32
        %get3A_724 = arith.constant 8 : i32
        %get3A_725 = arith.index_cast %rem3A_97 : i32 to index
        %get3A_726 = arith.index_cast %get3A_724 : i32 to index
        %get3A_727 = arith.index_cast %mul3A_723 : i32 to index
        %get3A_728 = tpu.vector_load %arg12[%get3A_725, %get3A_726, %get3A_727] {strides = array<i32>} : memref<3x16x1024xf32, #tpu.memory_space<vmem>>, vector<16xf32>,
        %add3A_729 = arith.addf %get3A_721, %get3A_728 : vector<16xf32>
        %mul3A_730 = arith.constant 16 : i32
        %mul3A_731 = arith.muli %scan3A_714, %mul3A_730 : i32
        %swap3A_732 = arith.constant 8 : i32
        %swap3A_733 = arith.index_cast %rem3A_97 : i32 to index
        %swap3A_734 = arith.index_cast %swap3A_732 : i32 to index
        %swap3A_735 = arith.index_cast %mul3A_731 : i32 to index
        %swap3A_736 = tpu.vector_load %arg11[%swap3A_733, %swap3A_734, %swap3A_735] {strides = array<i32>} : memref<3x16x1024xf32, #tpu.memory_space<vmem>>, vector<16xf32>,
        tpu.vector_store %arg11[%swap3A_733, %swap3A_734, %swap3A_735], %add3A_729 {strides = array<i32>} : memref<3x16x1024xf32, #tpu.memory_space<vmem>>, vector<16xf32>,
        %add3A_737 = arith.addf %add3A_710, %add3A_729 : vector<16xf32>
        %mul3A_738 = arith.mulf %add3A_729, %add3A_729 : vector<16xf32>
        %add3A_739 = arith.addf %add3A_712, %mul3A_738 : vector<16xf32>
        scf.yield %add3A_737, %add3A_739 : vector<16xf32>, vector<16xf32>
      }
      %scan3A_228 = arith.constant 64 : i32
      %broadcast_in_dim3A_229 = arith.constant 8 : i32
      %broadcast_in_dim3A_230 = vector.broadcast %broadcast_in_dim3A_229 : i32 to vector<16xi32>
      tpu.vector_store_idx %arg13[%iota3A, %broadcast_in_dim3A_230], %scan3A_227#0 : memref<16x33xf32, #tpu.memory_space<vmem>>[vector<16xi32>, vector<16xi32>], vector<16xf32>,
      %add3A_231 = arith.constant 16 : i32
      %add3A_232 = vector.broadcast %add3A_231 : i32 to vector<16xi32>
      %add3A_233 = arith.addi %broadcast_in_dim3A_230, %add3A_232 : vector<16xi32>
      tpu.vector_store_idx %arg13[%iota3A, %add3A_233], %scan3A_227#1 : memref<16x33xf32, #tpu.memory_space<vmem>>[vector<16xi32>, vector<16xi32>], vector<16xf32>,
      %scan3A_234 = arith.constant 0 : i32
      %scan3A_235 = arith.constant 64 : i32
      %scan3A_236 = arith.addi %scan3A_234, %scan3A_235 : i32
      %scan3A_237 = arith.constant 4 : i32
      %scan3A_238:2 = scf.for %scan3A_632 = %scan3A_234 to %scan3A_236 step %scan3A_237 iter_args(%scan3A_633 = %broadcast_in_dim3A_134, %scan3A_634 = %broadcast_in_dim3A_134) -> (vector<16xf32>, vector<16xf32>)  : i32 {
        %mul3A_635 = arith.constant 16 : i32
        %mul3A_636 = arith.muli %scan3A_632, %mul3A_635 : i32
        %get3A_637 = arith.constant 9 : i32
        %get3A_638 = arith.index_cast %rem3A_97 : i32 to index
        %get3A_639 = arith.index_cast %get3A_637 : i32 to index
        %get3A_640 = arith.index_cast %mul3A_636 : i32 to index
        %get3A_641 = tpu.vector_load %arg11[%get3A_638, %get3A_639, %get3A_640] {strides = array<i32>} : memref<3x16x1024xf32, #tpu.memory_space<vmem>>, vector<16xf32>,
        %mul3A_642 = arith.constant 16 : i32
        %mul3A_643 = arith.muli %scan3A_632, %mul3A_642 : i32
        %get3A_644 = arith.constant 9 : i32
        %get3A_645 = arith.index_cast %rem3A_97 : i32 to index
        %get3A_646 = arith.index_cast %get3A_644 : i32 to index
        %get3A_647 = arith.index_cast %mul3A_643 : i32 to index
        %get3A_648 = tpu.vector_load %arg12[%get3A_645, %get3A_646, %get3A_647] {strides = array<i32>} : memref<3x16x1024xf32, #tpu.memory_space<vmem>>, vector<16xf32>,
        %add3A_649 = arith.addf %get3A_641, %get3A_648 : vector<16xf32>
        %mul3A_650 = arith.constant 16 : i32
        %mul3A_651 = arith.muli %scan3A_632, %mul3A_650 : i32
        %swap3A = arith.constant 9 : i32
        %swap3A_652 = arith.index_cast %rem3A_97 : i32 to index
        %swap3A_653 = arith.index_cast %swap3A : i32 to index
        %swap3A_654 = arith.index_cast %mul3A_651 : i32 to index
        %swap3A_655 = tpu.vector_load %arg11[%swap3A_652, %swap3A_653, %swap3A_654] {strides = array<i32>} : memref<3x16x1024xf32, #tpu.memory_space<vmem>>, vector<16xf32>,
        tpu.vector_store %arg11[%swap3A_652, %swap3A_653, %swap3A_654], %add3A_649 {strides = array<i32>} : memref<3x16x1024xf32, #tpu.memory_space<vmem>>, vector<16xf32>,
        %add3A_656 = arith.addf %scan3A_633, %add3A_649 : vector<16xf32>
        %mul3A_657 = arith.mulf %add3A_649, %add3A_649 : vector<16xf32>
        %add3A_658 = arith.addf %scan3A_634, %mul3A_657 : vector<16xf32>
        %scan3A_659 = arith.constant 1 : i32
        %scan3A_660 = arith.addi %scan3A_632, %scan3A_659 : i32
        %mul3A_661 = arith.constant 16 : i32
        %mul3A_662 = arith.muli %scan3A_660, %mul3A_661 : i32
        %get3A_663 = arith.constant 9 : i32
        %get3A_664 = arith.index_cast %rem3A_97 : i32 to index
        %get3A_665 = arith.index_cast %get3A_663 : i32 to index
        %get3A_666 = arith.index_cast %mul3A_662 : i32 to index
        %get3A_667 = tpu.vector_load %arg11[%get3A_664, %get3A_665, %get3A_666] {strides = array<i32>} : memref<3x16x1024xf32, #tpu.memory_space<vmem>>, vector<16xf32>,
        %mul3A_668 = arith.constant 16 : i32
        %mul3A_669 = arith.muli %scan3A_660, %mul3A_668 : i32
        %get3A_670 = arith.constant 9 : i32
        %get3A_671 = arith.index_cast %rem3A_97 : i32 to index
        %get3A_672 = arith.index_cast %get3A_670 : i32 to index
        %get3A_673 = arith.index_cast %mul3A_669 : i32 to index
        %get3A_674 = tpu.vector_load %arg12[%get3A_671, %get3A_672, %get3A_673] {strides = array<i32>} : memref<3x16x1024xf32, #tpu.memory_space<vmem>>, vector<16xf32>,
        %add3A_675 = arith.addf %get3A_667, %get3A_674 : vector<16xf32>
        %mul3A_676 = arith.constant 16 : i32
        %mul3A_677 = arith.muli %scan3A_660, %mul3A_676 : i32
        %swap3A_678 = arith.constant 9 : i32
        %swap3A_679 = arith.index_cast %rem3A_97 : i32 to index
        %swap3A_680 = arith.index_cast %swap3A_678 : i32 to index
        %swap3A_681 = arith.index_cast %mul3A_677 : i32 to index
        %swap3A_682 = tpu.vector_load %arg11[%swap3A_679, %swap3A_680, %swap3A_681] {strides = array<i32>} : memref<3x16x1024xf32, #tpu.memory_space<vmem>>, vector<16xf32>,
        tpu.vector_store %arg11[%swap3A_679, %swap3A_680, %swap3A_681], %add3A_675 {strides = array<i32>} : memref<3x16x1024xf32, #tpu.memory_space<vmem>>, vector<16xf32>,
        %add3A_683 = arith.addf %add3A_656, %add3A_675 : vector<16xf32>
        %mul3A_684 = arith.mulf %add3A_675, %add3A_675 : vector<16xf32>
        %add3A_685 = arith.addf %add3A_658, %mul3A_684 : vector<16xf32>
        %scan3A_686 = arith.constant 2 : i32
        %scan3A_687 = arith.addi %scan3A_632, %scan3A_686 : i32
        %mul3A_688 = arith.constant 16 : i32
        %mul3A_689 = arith.muli %scan3A_687, %mul3A_688 : i32
        %get3A_690 = arith.constant 9 : i32
        %get3A_691 = arith.index_cast %rem3A_97 : i32 to index
        %get3A_692 = arith.index_cast %get3A_690 : i32 to index
        %get3A_693 = arith.index_cast %mul3A_689 : i32 to index
        %get3A_694 = tpu.vector_load %arg11[%get3A_691, %get3A_692, %get3A_693] {strides = array<i32>} : memref<3x16x1024xf32, #tpu.memory_space<vmem>>, vector<16xf32>,
        %mul3A_695 = arith.constant 16 : i32
        %mul3A_696 = arith.muli %scan3A_687, %mul3A_695 : i32
        %get3A_697 = arith.constant 9 : i32
        %get3A_698 = arith.index_cast %rem3A_97 : i32 to index
        %get3A_699 = arith.index_cast %get3A_697 : i32 to index
        %get3A_700 = arith.index_cast %mul3A_696 : i32 to index
        %get3A_701 = tpu.vector_load %arg12[%get3A_698, %get3A_699, %get3A_700] {strides = array<i32>} : memref<3x16x1024xf32, #tpu.memory_space<vmem>>, vector<16xf32>,
        %add3A_702 = arith.addf %get3A_694, %get3A_701 : vector<16xf32>
        %mul3A_703 = arith.constant 16 : i32
        %mul3A_704 = arith.muli %scan3A_687, %mul3A_703 : i32
        %swap3A_705 = arith.constant 9 : i32
        %swap3A_706 = arith.index_cast %rem3A_97 : i32 to index
        %swap3A_707 = arith.index_cast %swap3A_705 : i32 to index
        %swap3A_708 = arith.index_cast %mul3A_704 : i32 to index
        %swap3A_709 = tpu.vector_load %arg11[%swap3A_706, %swap3A_707, %swap3A_708] {strides = array<i32>} : memref<3x16x1024xf32, #tpu.memory_space<vmem>>, vector<16xf32>,
        tpu.vector_store %arg11[%swap3A_706, %swap3A_707, %swap3A_708], %add3A_702 {strides = array<i32>} : memref<3x16x1024xf32, #tpu.memory_space<vmem>>, vector<16xf32>,
        %add3A_710 = arith.addf %add3A_683, %add3A_702 : vector<16xf32>
        %mul3A_711 = arith.mulf %add3A_702, %add3A_702 : vector<16xf32>
        %add3A_712 = arith.addf %add3A_685, %mul3A_711 : vector<16xf32>
        %scan3A_713 = arith.constant 3 : i32
        %scan3A_714 = arith.addi %scan3A_632, %scan3A_713 : i32
        %mul3A_715 = arith.constant 16 : i32
        %mul3A_716 = arith.muli %scan3A_714, %mul3A_715 : i32
        %get3A_717 = arith.constant 9 : i32
        %get3A_718 = arith.index_cast %rem3A_97 : i32 to index
        %get3A_719 = arith.index_cast %get3A_717 : i32 to index
        %get3A_720 = arith.index_cast %mul3A_716 : i32 to index
        %get3A_721 = tpu.vector_load %arg11[%get3A_718, %get3A_719, %get3A_720] {strides = array<i32>} : memref<3x16x1024xf32, #tpu.memory_space<vmem>>, vector<16xf32>,
        %mul3A_722 = arith.constant 16 : i32
        %mul3A_723 = arith.muli %scan3A_714, %mul3A_722 : i32
        %get3A_724 = arith.constant 9 : i32
        %get3A_725 = arith.index_cast %rem3A_97 : i32 to index
        %get3A_726 = arith.index_cast %get3A_724 : i32 to index
        %get3A_727 = arith.index_cast %mul3A_723 : i32 to index
        %get3A_728 = tpu.vector_load %arg12[%get3A_725, %get3A_726, %get3A_727] {strides = array<i32>} : memref<3x16x1024xf32, #tpu.memory_space<vmem>>, vector<16xf32>,
        %add3A_729 = arith.addf %get3A_721, %get3A_728 : vector<16xf32>
        %mul3A_730 = arith.constant 16 : i32
        %mul3A_731 = arith.muli %scan3A_714, %mul3A_730 : i32
        %swap3A_732 = arith.constant 9 : i32
        %swap3A_733 = arith.index_cast %rem3A_97 : i32 to index
        %swap3A_734 = arith.index_cast %swap3A_732 : i32 to index
        %swap3A_735 = arith.index_cast %mul3A_731 : i32 to index
        %swap3A_736 = tpu.vector_load %arg11[%swap3A_733, %swap3A_734, %swap3A_735] {strides = array<i32>} : memref<3x16x1024xf32, #tpu.memory_space<vmem>>, vector<16xf32>,
        tpu.vector_store %arg11[%swap3A_733, %swap3A_734, %swap3A_735], %add3A_729 {strides = array<i32>} : memref<3x16x1024xf32, #tpu.memory_space<vmem>>, vector<16xf32>,
        %add3A_737 = arith.addf %add3A_710, %add3A_729 : vector<16xf32>
        %mul3A_738 = arith.mulf %add3A_729, %add3A_729 : vector<16xf32>
        %add3A_739 = arith.addf %add3A_712, %mul3A_738 : vector<16xf32>
        scf.yield %add3A_737, %add3A_739 : vector<16xf32>, vector<16xf32>
      }
      %scan3A_239 = arith.constant 64 : i32
      %broadcast_in_dim3A_240 = arith.constant 9 : i32
      %broadcast_in_dim3A_241 = vector.broadcast %broadcast_in_dim3A_240 : i32 to vector<16xi32>
      tpu.vector_store_idx %arg13[%iota3A, %broadcast_in_dim3A_241], %scan3A_238#0 : memref<16x33xf32, #tpu.memory_space<vmem>>[vector<16xi32>, vector<16xi32>], vector<16xf32>,
      %add3A_242 = arith.constant 16 : i32
      %add3A_243 = vector.broadcast %add3A_242 : i32 to vector<16xi32>
      %add3A_244 = arith.addi %broadcast_in_dim3A_241, %add3A_243 : vector<16xi32>
      tpu.vector_store_idx %arg13[%iota3A, %add3A_244], %scan3A_238#1 : memref<16x33xf32, #tpu.memory_space<vmem>>[vector<16xi32>, vector<16xi32>], vector<16xf32>,
      %scan3A_245 = arith.constant 0 : i32
      %scan3A_246 = arith.constant 64 : i32
      %scan3A_247 = arith.addi %scan3A_245, %scan3A_246 : i32
      %scan3A_248 = arith.constant 4 : i32
      %scan3A_249:2 = scf.for %scan3A_632 = %scan3A_245 to %scan3A_247 step %scan3A_248 iter_args(%scan3A_633 = %broadcast_in_dim3A_134, %scan3A_634 = %broadcast_in_dim3A_134) -> (vector<16xf32>, vector<16xf32>)  : i32 {
        %mul3A_635 = arith.constant 16 : i32
        %mul3A_636 = arith.muli %scan3A_632, %mul3A_635 : i32
        %get3A_637 = arith.constant 10 : i32
        %get3A_638 = arith.index_cast %rem3A_97 : i32 to index
        %get3A_639 = arith.index_cast %get3A_637 : i32 to index
        %get3A_640 = arith.index_cast %mul3A_636 : i32 to index
        %get3A_641 = tpu.vector_load %arg11[%get3A_638, %get3A_639, %get3A_640] {strides = array<i32>} : memref<3x16x1024xf32, #tpu.memory_space<vmem>>, vector<16xf32>,
        %mul3A_642 = arith.constant 16 : i32
        %mul3A_643 = arith.muli %scan3A_632, %mul3A_642 : i32
        %get3A_644 = arith.constant 10 : i32
        %get3A_645 = arith.index_cast %rem3A_97 : i32 to index
        %get3A_646 = arith.index_cast %get3A_644 : i32 to index
        %get3A_647 = arith.index_cast %mul3A_643 : i32 to index
        %get3A_648 = tpu.vector_load %arg12[%get3A_645, %get3A_646, %get3A_647] {strides = array<i32>} : memref<3x16x1024xf32, #tpu.memory_space<vmem>>, vector<16xf32>,
        %add3A_649 = arith.addf %get3A_641, %get3A_648 : vector<16xf32>
        %mul3A_650 = arith.constant 16 : i32
        %mul3A_651 = arith.muli %scan3A_632, %mul3A_650 : i32
        %swap3A = arith.constant 10 : i32
        %swap3A_652 = arith.index_cast %rem3A_97 : i32 to index
        %swap3A_653 = arith.index_cast %swap3A : i32 to index
        %swap3A_654 = arith.index_cast %mul3A_651 : i32 to index
        %swap3A_655 = tpu.vector_load %arg11[%swap3A_652, %swap3A_653, %swap3A_654] {strides = array<i32>} : memref<3x16x1024xf32, #tpu.memory_space<vmem>>, vector<16xf32>,
        tpu.vector_store %arg11[%swap3A_652, %swap3A_653, %swap3A_654], %add3A_649 {strides = array<i32>} : memref<3x16x1024xf32, #tpu.memory_space<vmem>>, vector<16xf32>,
        %add3A_656 = arith.addf %scan3A_633, %add3A_649 : vector<16xf32>
        %mul3A_657 = arith.mulf %add3A_649, %add3A_649 : vector<16xf32>
        %add3A_658 = arith.addf %scan3A_634, %mul3A_657 : vector<16xf32>
        %scan3A_659 = arith.constant 1 : i32
        %scan3A_660 = arith.addi %scan3A_632, %scan3A_659 : i32
        %mul3A_661 = arith.constant 16 : i32
        %mul3A_662 = arith.muli %scan3A_660, %mul3A_661 : i32
        %get3A_663 = arith.constant 10 : i32
        %get3A_664 = arith.index_cast %rem3A_97 : i32 to index
        %get3A_665 = arith.index_cast %get3A_663 : i32 to index
        %get3A_666 = arith.index_cast %mul3A_662 : i32 to index
        %get3A_667 = tpu.vector_load %arg11[%get3A_664, %get3A_665, %get3A_666] {strides = array<i32>} : memref<3x16x1024xf32, #tpu.memory_space<vmem>>, vector<16xf32>,
        %mul3A_668 = arith.constant 16 : i32
        %mul3A_669 = arith.muli %scan3A_660, %mul3A_668 : i32
        %get3A_670 = arith.constant 10 : i32
        %get3A_671 = arith.index_cast %rem3A_97 : i32 to index
        %get3A_672 = arith.index_cast %get3A_670 : i32 to index
        %get3A_673 = arith.index_cast %mul3A_669 : i32 to index
        %get3A_674 = tpu.vector_load %arg12[%get3A_671, %get3A_672, %get3A_673] {strides = array<i32>} : memref<3x16x1024xf32, #tpu.memory_space<vmem>>, vector<16xf32>,
        %add3A_675 = arith.addf %get3A_667, %get3A_674 : vector<16xf32>
        %mul3A_676 = arith.constant 16 : i32
        %mul3A_677 = arith.muli %scan3A_660, %mul3A_676 : i32
        %swap3A_678 = arith.constant 10 : i32
        %swap3A_679 = arith.index_cast %rem3A_97 : i32 to index
        %swap3A_680 = arith.index_cast %swap3A_678 : i32 to index
        %swap3A_681 = arith.index_cast %mul3A_677 : i32 to index
        %swap3A_682 = tpu.vector_load %arg11[%swap3A_679, %swap3A_680, %swap3A_681] {strides = array<i32>} : memref<3x16x1024xf32, #tpu.memory_space<vmem>>, vector<16xf32>,
        tpu.vector_store %arg11[%swap3A_679, %swap3A_680, %swap3A_681], %add3A_675 {strides = array<i32>} : memref<3x16x1024xf32, #tpu.memory_space<vmem>>, vector<16xf32>,
        %add3A_683 = arith.addf %add3A_656, %add3A_675 : vector<16xf32>
        %mul3A_684 = arith.mulf %add3A_675, %add3A_675 : vector<16xf32>
        %add3A_685 = arith.addf %add3A_658, %mul3A_684 : vector<16xf32>
        %scan3A_686 = arith.constant 2 : i32
        %scan3A_687 = arith.addi %scan3A_632, %scan3A_686 : i32
        %mul3A_688 = arith.constant 16 : i32
        %mul3A_689 = arith.muli %scan3A_687, %mul3A_688 : i32
        %get3A_690 = arith.constant 10 : i32
        %get3A_691 = arith.index_cast %rem3A_97 : i32 to index
        %get3A_692 = arith.index_cast %get3A_690 : i32 to index
        %get3A_693 = arith.index_cast %mul3A_689 : i32 to index
        %get3A_694 = tpu.vector_load %arg11[%get3A_691, %get3A_692, %get3A_693] {strides = array<i32>} : memref<3x16x1024xf32, #tpu.memory_space<vmem>>, vector<16xf32>,
        %mul3A_695 = arith.constant 16 : i32
        %mul3A_696 = arith.muli %scan3A_687, %mul3A_695 : i32
        %get3A_697 = arith.constant 10 : i32
        %get3A_698 = arith.index_cast %rem3A_97 : i32 to index
        %get3A_699 = arith.index_cast %get3A_697 : i32 to index
        %get3A_700 = arith.index_cast %mul3A_696 : i32 to index
        %get3A_701 = tpu.vector_load %arg12[%get3A_698, %get3A_699, %get3A_700] {strides = array<i32>} : memref<3x16x1024xf32, #tpu.memory_space<vmem>>, vector<16xf32>,
        %add3A_702 = arith.addf %get3A_694, %get3A_701 : vector<16xf32>
        %mul3A_703 = arith.constant 16 : i32
        %mul3A_704 = arith.muli %scan3A_687, %mul3A_703 : i32
        %swap3A_705 = arith.constant 10 : i32
        %swap3A_706 = arith.index_cast %rem3A_97 : i32 to index
        %swap3A_707 = arith.index_cast %swap3A_705 : i32 to index
        %swap3A_708 = arith.index_cast %mul3A_704 : i32 to index
        %swap3A_709 = tpu.vector_load %arg11[%swap3A_706, %swap3A_707, %swap3A_708] {strides = array<i32>} : memref<3x16x1024xf32, #tpu.memory_space<vmem>>, vector<16xf32>,
        tpu.vector_store %arg11[%swap3A_706, %swap3A_707, %swap3A_708], %add3A_702 {strides = array<i32>} : memref<3x16x1024xf32, #tpu.memory_space<vmem>>, vector<16xf32>,
        %add3A_710 = arith.addf %add3A_683, %add3A_702 : vector<16xf32>
        %mul3A_711 = arith.mulf %add3A_702, %add3A_702 : vector<16xf32>
        %add3A_712 = arith.addf %add3A_685, %mul3A_711 : vector<16xf32>
        %scan3A_713 = arith.constant 3 : i32
        %scan3A_714 = arith.addi %scan3A_632, %scan3A_713 : i32
        %mul3A_715 = arith.constant 16 : i32
        %mul3A_716 = arith.muli %scan3A_714, %mul3A_715 : i32
        %get3A_717 = arith.constant 10 : i32
        %get3A_718 = arith.index_cast %rem3A_97 : i32 to index
        %get3A_719 = arith.index_cast %get3A_717 : i32 to index
        %get3A_720 = arith.index_cast %mul3A_716 : i32 to index
        %get3A_721 = tpu.vector_load %arg11[%get3A_718, %get3A_719, %get3A_720] {strides = array<i32>} : memref<3x16x1024xf32, #tpu.memory_space<vmem>>, vector<16xf32>,
        %mul3A_722 = arith.constant 16 : i32
        %mul3A_723 = arith.muli %scan3A_714, %mul3A_722 : i32
        %get3A_724 = arith.constant 10 : i32
        %get3A_725 = arith.index_cast %rem3A_97 : i32 to index
        %get3A_726 = arith.index_cast %get3A_724 : i32 to index
        %get3A_727 = arith.index_cast %mul3A_723 : i32 to index
        %get3A_728 = tpu.vector_load %arg12[%get3A_725, %get3A_726, %get3A_727] {strides = array<i32>} : memref<3x16x1024xf32, #tpu.memory_space<vmem>>, vector<16xf32>,
        %add3A_729 = arith.addf %get3A_721, %get3A_728 : vector<16xf32>
        %mul3A_730 = arith.constant 16 : i32
        %mul3A_731 = arith.muli %scan3A_714, %mul3A_730 : i32
        %swap3A_732 = arith.constant 10 : i32
        %swap3A_733 = arith.index_cast %rem3A_97 : i32 to index
        %swap3A_734 = arith.index_cast %swap3A_732 : i32 to index
        %swap3A_735 = arith.index_cast %mul3A_731 : i32 to index
        %swap3A_736 = tpu.vector_load %arg11[%swap3A_733, %swap3A_734, %swap3A_735] {strides = array<i32>} : memref<3x16x1024xf32, #tpu.memory_space<vmem>>, vector<16xf32>,
        tpu.vector_store %arg11[%swap3A_733, %swap3A_734, %swap3A_735], %add3A_729 {strides = array<i32>} : memref<3x16x1024xf32, #tpu.memory_space<vmem>>, vector<16xf32>,
        %add3A_737 = arith.addf %add3A_710, %add3A_729 : vector<16xf32>
        %mul3A_738 = arith.mulf %add3A_729, %add3A_729 : vector<16xf32>
        %add3A_739 = arith.addf %add3A_712, %mul3A_738 : vector<16xf32>
        scf.yield %add3A_737, %add3A_739 : vector<16xf32>, vector<16xf32>
      }
      %scan3A_250 = arith.constant 64 : i32
      %broadcast_in_dim3A_251 = arith.constant 10 : i32
      %broadcast_in_dim3A_252 = vector.broadcast %broadcast_in_dim3A_251 : i32 to vector<16xi32>
      tpu.vector_store_idx %arg13[%iota3A, %broadcast_in_dim3A_252], %scan3A_249#0 : memref<16x33xf32, #tpu.memory_space<vmem>>[vector<16xi32>, vector<16xi32>], vector<16xf32>,
      %add3A_253 = arith.constant 16 : i32
      %add3A_254 = vector.broadcast %add3A_253 : i32 to vector<16xi32>
      %add3A_255 = arith.addi %broadcast_in_dim3A_252, %add3A_254 : vector<16xi32>
      tpu.vector_store_idx %arg13[%iota3A, %add3A_255], %scan3A_249#1 : memref<16x33xf32, #tpu.memory_space<vmem>>[vector<16xi32>, vector<16xi32>], vector<16xf32>,
      %scan3A_256 = arith.constant 0 : i32
      %scan3A_257 = arith.constant 64 : i32
      %scan3A_258 = arith.addi %scan3A_256, %scan3A_257 : i32
      %scan3A_259 = arith.constant 4 : i32
      %scan3A_260:2 = scf.for %scan3A_632 = %scan3A_256 to %scan3A_258 step %scan3A_259 iter_args(%scan3A_633 = %broadcast_in_dim3A_134, %scan3A_634 = %broadcast_in_dim3A_134) -> (vector<16xf32>, vector<16xf32>)  : i32 {
        %mul3A_635 = arith.constant 16 : i32
        %mul3A_636 = arith.muli %scan3A_632, %mul3A_635 : i32
        %get3A_637 = arith.constant 11 : i32
        %get3A_638 = arith.index_cast %rem3A_97 : i32 to index
        %get3A_639 = arith.index_cast %get3A_637 : i32 to index
        %get3A_640 = arith.index_cast %mul3A_636 : i32 to index
        %get3A_641 = tpu.vector_load %arg11[%get3A_638, %get3A_639, %get3A_640] {strides = array<i32>} : memref<3x16x1024xf32, #tpu.memory_space<vmem>>, vector<16xf32>,
        %mul3A_642 = arith.constant 16 : i32
        %mul3A_643 = arith.muli %scan3A_632, %mul3A_642 : i32
        %get3A_644 = arith.constant 11 : i32
        %get3A_645 = arith.index_cast %rem3A_97 : i32 to index
        %get3A_646 = arith.index_cast %get3A_644 : i32 to index
        %get3A_647 = arith.index_cast %mul3A_643 : i32 to index
        %get3A_648 = tpu.vector_load %arg12[%get3A_645, %get3A_646, %get3A_647] {strides = array<i32>} : memref<3x16x1024xf32, #tpu.memory_space<vmem>>, vector<16xf32>,
        %add3A_649 = arith.addf %get3A_641, %get3A_648 : vector<16xf32>
        %mul3A_650 = arith.constant 16 : i32
        %mul3A_651 = arith.muli %scan3A_632, %mul3A_650 : i32
        %swap3A = arith.constant 11 : i32
        %swap3A_652 = arith.index_cast %rem3A_97 : i32 to index
        %swap3A_653 = arith.index_cast %swap3A : i32 to index
        %swap3A_654 = arith.index_cast %mul3A_651 : i32 to index
        %swap3A_655 = tpu.vector_load %arg11[%swap3A_652, %swap3A_653, %swap3A_654] {strides = array<i32>} : memref<3x16x1024xf32, #tpu.memory_space<vmem>>, vector<16xf32>,
        tpu.vector_store %arg11[%swap3A_652, %swap3A_653, %swap3A_654], %add3A_649 {strides = array<i32>} : memref<3x16x1024xf32, #tpu.memory_space<vmem>>, vector<16xf32>,
        %add3A_656 = arith.addf %scan3A_633, %add3A_649 : vector<16xf32>
        %mul3A_657 = arith.mulf %add3A_649, %add3A_649 : vector<16xf32>
        %add3A_658 = arith.addf %scan3A_634, %mul3A_657 : vector<16xf32>
        %scan3A_659 = arith.constant 1 : i32
        %scan3A_660 = arith.addi %scan3A_632, %scan3A_659 : i32
        %mul3A_661 = arith.constant 16 : i32
        %mul3A_662 = arith.muli %scan3A_660, %mul3A_661 : i32
        %get3A_663 = arith.constant 11 : i32
        %get3A_664 = arith.index_cast %rem3A_97 : i32 to index
        %get3A_665 = arith.index_cast %get3A_663 : i32 to index
        %get3A_666 = arith.index_cast %mul3A_662 : i32 to index
        %get3A_667 = tpu.vector_load %arg11[%get3A_664, %get3A_665, %get3A_666] {strides = array<i32>} : memref<3x16x1024xf32, #tpu.memory_space<vmem>>, vector<16xf32>,
        %mul3A_668 = arith.constant 16 : i32
        %mul3A_669 = arith.muli %scan3A_660, %mul3A_668 : i32
        %get3A_670 = arith.constant 11 : i32
        %get3A_671 = arith.index_cast %rem3A_97 : i32 to index
        %get3A_672 = arith.index_cast %get3A_670 : i32 to index
        %get3A_673 = arith.index_cast %mul3A_669 : i32 to index
        %get3A_674 = tpu.vector_load %arg12[%get3A_671, %get3A_672, %get3A_673] {strides = array<i32>} : memref<3x16x1024xf32, #tpu.memory_space<vmem>>, vector<16xf32>,
        %add3A_675 = arith.addf %get3A_667, %get3A_674 : vector<16xf32>
        %mul3A_676 = arith.constant 16 : i32
        %mul3A_677 = arith.muli %scan3A_660, %mul3A_676 : i32
        %swap3A_678 = arith.constant 11 : i32
        %swap3A_679 = arith.index_cast %rem3A_97 : i32 to index
        %swap3A_680 = arith.index_cast %swap3A_678 : i32 to index
        %swap3A_681 = arith.index_cast %mul3A_677 : i32 to index
        %swap3A_682 = tpu.vector_load %arg11[%swap3A_679, %swap3A_680, %swap3A_681] {strides = array<i32>} : memref<3x16x1024xf32, #tpu.memory_space<vmem>>, vector<16xf32>,
        tpu.vector_store %arg11[%swap3A_679, %swap3A_680, %swap3A_681], %add3A_675 {strides = array<i32>} : memref<3x16x1024xf32, #tpu.memory_space<vmem>>, vector<16xf32>,
        %add3A_683 = arith.addf %add3A_656, %add3A_675 : vector<16xf32>
        %mul3A_684 = arith.mulf %add3A_675, %add3A_675 : vector<16xf32>
        %add3A_685 = arith.addf %add3A_658, %mul3A_684 : vector<16xf32>
        %scan3A_686 = arith.constant 2 : i32
        %scan3A_687 = arith.addi %scan3A_632, %scan3A_686 : i32
        %mul3A_688 = arith.constant 16 : i32
        %mul3A_689 = arith.muli %scan3A_687, %mul3A_688 : i32
        %get3A_690 = arith.constant 11 : i32
        %get3A_691 = arith.index_cast %rem3A_97 : i32 to index
        %get3A_692 = arith.index_cast %get3A_690 : i32 to index
        %get3A_693 = arith.index_cast %mul3A_689 : i32 to index
        %get3A_694 = tpu.vector_load %arg11[%get3A_691, %get3A_692, %get3A_693] {strides = array<i32>} : memref<3x16x1024xf32, #tpu.memory_space<vmem>>, vector<16xf32>,
        %mul3A_695 = arith.constant 16 : i32
        %mul3A_696 = arith.muli %scan3A_687, %mul3A_695 : i32
        %get3A_697 = arith.constant 11 : i32
        %get3A_698 = arith.index_cast %rem3A_97 : i32 to index
        %get3A_699 = arith.index_cast %get3A_697 : i32 to index
        %get3A_700 = arith.index_cast %mul3A_696 : i32 to index
        %get3A_701 = tpu.vector_load %arg12[%get3A_698, %get3A_699, %get3A_700] {strides = array<i32>} : memref<3x16x1024xf32, #tpu.memory_space<vmem>>, vector<16xf32>,
        %add3A_702 = arith.addf %get3A_694, %get3A_701 : vector<16xf32>
        %mul3A_703 = arith.constant 16 : i32
        %mul3A_704 = arith.muli %scan3A_687, %mul3A_703 : i32
        %swap3A_705 = arith.constant 11 : i32
        %swap3A_706 = arith.index_cast %rem3A_97 : i32 to index
        %swap3A_707 = arith.index_cast %swap3A_705 : i32 to index
        %swap3A_708 = arith.index_cast %mul3A_704 : i32 to index
        %swap3A_709 = tpu.vector_load %arg11[%swap3A_706, %swap3A_707, %swap3A_708] {strides = array<i32>} : memref<3x16x1024xf32, #tpu.memory_space<vmem>>, vector<16xf32>,
        tpu.vector_store %arg11[%swap3A_706, %swap3A_707, %swap3A_708], %add3A_702 {strides = array<i32>} : memref<3x16x1024xf32, #tpu.memory_space<vmem>>, vector<16xf32>,
        %add3A_710 = arith.addf %add3A_683, %add3A_702 : vector<16xf32>
        %mul3A_711 = arith.mulf %add3A_702, %add3A_702 : vector<16xf32>
        %add3A_712 = arith.addf %add3A_685, %mul3A_711 : vector<16xf32>
        %scan3A_713 = arith.constant 3 : i32
        %scan3A_714 = arith.addi %scan3A_632, %scan3A_713 : i32
        %mul3A_715 = arith.constant 16 : i32
        %mul3A_716 = arith.muli %scan3A_714, %mul3A_715 : i32
        %get3A_717 = arith.constant 11 : i32
        %get3A_718 = arith.index_cast %rem3A_97 : i32 to index
        %get3A_719 = arith.index_cast %get3A_717 : i32 to index
        %get3A_720 = arith.index_cast %mul3A_716 : i32 to index
        %get3A_721 = tpu.vector_load %arg11[%get3A_718, %get3A_719, %get3A_720] {strides = array<i32>} : memref<3x16x1024xf32, #tpu.memory_space<vmem>>, vector<16xf32>,
        %mul3A_722 = arith.constant 16 : i32
        %mul3A_723 = arith.muli %scan3A_714, %mul3A_722 : i32
        %get3A_724 = arith.constant 11 : i32
        %get3A_725 = arith.index_cast %rem3A_97 : i32 to index
        %get3A_726 = arith.index_cast %get3A_724 : i32 to index
        %get3A_727 = arith.index_cast %mul3A_723 : i32 to index
        %get3A_728 = tpu.vector_load %arg12[%get3A_725, %get3A_726, %get3A_727] {strides = array<i32>} : memref<3x16x1024xf32, #tpu.memory_space<vmem>>, vector<16xf32>,
        %add3A_729 = arith.addf %get3A_721, %get3A_728 : vector<16xf32>
        %mul3A_730 = arith.constant 16 : i32
        %mul3A_731 = arith.muli %scan3A_714, %mul3A_730 : i32
        %swap3A_732 = arith.constant 11 : i32
        %swap3A_733 = arith.index_cast %rem3A_97 : i32 to index
        %swap3A_734 = arith.index_cast %swap3A_732 : i32 to index
        %swap3A_735 = arith.index_cast %mul3A_731 : i32 to index
        %swap3A_736 = tpu.vector_load %arg11[%swap3A_733, %swap3A_734, %swap3A_735] {strides = array<i32>} : memref<3x16x1024xf32, #tpu.memory_space<vmem>>, vector<16xf32>,
        tpu.vector_store %arg11[%swap3A_733, %swap3A_734, %swap3A_735], %add3A_729 {strides = array<i32>} : memref<3x16x1024xf32, #tpu.memory_space<vmem>>, vector<16xf32>,
        %add3A_737 = arith.addf %add3A_710, %add3A_729 : vector<16xf32>
        %mul3A_738 = arith.mulf %add3A_729, %add3A_729 : vector<16xf32>
        %add3A_739 = arith.addf %add3A_712, %mul3A_738 : vector<16xf32>
        scf.yield %add3A_737, %add3A_739 : vector<16xf32>, vector<16xf32>
      }
      %scan3A_261 = arith.constant 64 : i32
      %broadcast_in_dim3A_262 = arith.constant 11 : i32
      %broadcast_in_dim3A_263 = vector.broadcast %broadcast_in_dim3A_262 : i32 to vector<16xi32>
      tpu.vector_store_idx %arg13[%iota3A, %broadcast_in_dim3A_263], %scan3A_260#0 : memref<16x33xf32, #tpu.memory_space<vmem>>[vector<16xi32>, vector<16xi32>], vector<16xf32>,
      %add3A_264 = arith.constant 16 : i32
      %add3A_265 = vector.broadcast %add3A_264 : i32 to vector<16xi32>
      %add3A_266 = arith.addi %broadcast_in_dim3A_263, %add3A_265 : vector<16xi32>
      tpu.vector_store_idx %arg13[%iota3A, %add3A_266], %scan3A_260#1 : memref<16x33xf32, #tpu.memory_space<vmem>>[vector<16xi32>, vector<16xi32>], vector<16xf32>,
      %scan3A_267 = arith.constant 0 : i32
      %scan3A_268 = arith.constant 64 : i32
      %scan3A_269 = arith.addi %scan3A_267, %scan3A_268 : i32
      %scan3A_270 = arith.constant 4 : i32
      %scan3A_271:2 = scf.for %scan3A_632 = %scan3A_267 to %scan3A_269 step %scan3A_270 iter_args(%scan3A_633 = %broadcast_in_dim3A_134, %scan3A_634 = %broadcast_in_dim3A_134) -> (vector<16xf32>, vector<16xf32>)  : i32 {
        %mul3A_635 = arith.constant 16 : i32
        %mul3A_636 = arith.muli %scan3A_632, %mul3A_635 : i32
        %get3A_637 = arith.constant 12 : i32
        %get3A_638 = arith.index_cast %rem3A_97 : i32 to index
        %get3A_639 = arith.index_cast %get3A_637 : i32 to index
        %get3A_640 = arith.index_cast %mul3A_636 : i32 to index
        %get3A_641 = tpu.vector_load %arg11[%get3A_638, %get3A_639, %get3A_640] {strides = array<i32>} : memref<3x16x1024xf32, #tpu.memory_space<vmem>>, vector<16xf32>,
        %mul3A_642 = arith.constant 16 : i32
        %mul3A_643 = arith.muli %scan3A_632, %mul3A_642 : i32
        %get3A_644 = arith.constant 12 : i32
        %get3A_645 = arith.index_cast %rem3A_97 : i32 to index
        %get3A_646 = arith.index_cast %get3A_644 : i32 to index
        %get3A_647 = arith.index_cast %mul3A_643 : i32 to index
        %get3A_648 = tpu.vector_load %arg12[%get3A_645, %get3A_646, %get3A_647] {strides = array<i32>} : memref<3x16x1024xf32, #tpu.memory_space<vmem>>, vector<16xf32>,
        %add3A_649 = arith.addf %get3A_641, %get3A_648 : vector<16xf32>
        %mul3A_650 = arith.constant 16 : i32
        %mul3A_651 = arith.muli %scan3A_632, %mul3A_650 : i32
        %swap3A = arith.constant 12 : i32
        %swap3A_652 = arith.index_cast %rem3A_97 : i32 to index
        %swap3A_653 = arith.index_cast %swap3A : i32 to index
        %swap3A_654 = arith.index_cast %mul3A_651 : i32 to index
        %swap3A_655 = tpu.vector_load %arg11[%swap3A_652, %swap3A_653, %swap3A_654] {strides = array<i32>} : memref<3x16x1024xf32, #tpu.memory_space<vmem>>, vector<16xf32>,
        tpu.vector_store %arg11[%swap3A_652, %swap3A_653, %swap3A_654], %add3A_649 {strides = array<i32>} : memref<3x16x1024xf32, #tpu.memory_space<vmem>>, vector<16xf32>,
        %add3A_656 = arith.addf %scan3A_633, %add3A_649 : vector<16xf32>
        %mul3A_657 = arith.mulf %add3A_649, %add3A_649 : vector<16xf32>
        %add3A_658 = arith.addf %scan3A_634, %mul3A_657 : vector<16xf32>
        %scan3A_659 = arith.constant 1 : i32
        %scan3A_660 = arith.addi %scan3A_632, %scan3A_659 : i32
        %mul3A_661 = arith.constant 16 : i32
        %mul3A_662 = arith.muli %scan3A_660, %mul3A_661 : i32
        %get3A_663 = arith.constant 12 : i32
        %get3A_664 = arith.index_cast %rem3A_97 : i32 to index
        %get3A_665 = arith.index_cast %get3A_663 : i32 to index
        %get3A_666 = arith.index_cast %mul3A_662 : i32 to index
        %get3A_667 = tpu.vector_load %arg11[%get3A_664, %get3A_665, %get3A_666] {strides = array<i32>} : memref<3x16x1024xf32, #tpu.memory_space<vmem>>, vector<16xf32>,
        %mul3A_668 = arith.constant 16 : i32
        %mul3A_669 = arith.muli %scan3A_660, %mul3A_668 : i32
        %get3A_670 = arith.constant 12 : i32
        %get3A_671 = arith.index_cast %rem3A_97 : i32 to index
        %get3A_672 = arith.index_cast %get3A_670 : i32 to index
        %get3A_673 = arith.index_cast %mul3A_669 : i32 to index
        %get3A_674 = tpu.vector_load %arg12[%get3A_671, %get3A_672, %get3A_673] {strides = array<i32>} : memref<3x16x1024xf32, #tpu.memory_space<vmem>>, vector<16xf32>,
        %add3A_675 = arith.addf %get3A_667, %get3A_674 : vector<16xf32>
        %mul3A_676 = arith.constant 16 : i32
        %mul3A_677 = arith.muli %scan3A_660, %mul3A_676 : i32
        %swap3A_678 = arith.constant 12 : i32
        %swap3A_679 = arith.index_cast %rem3A_97 : i32 to index
        %swap3A_680 = arith.index_cast %swap3A_678 : i32 to index
        %swap3A_681 = arith.index_cast %mul3A_677 : i32 to index
        %swap3A_682 = tpu.vector_load %arg11[%swap3A_679, %swap3A_680, %swap3A_681] {strides = array<i32>} : memref<3x16x1024xf32, #tpu.memory_space<vmem>>, vector<16xf32>,
        tpu.vector_store %arg11[%swap3A_679, %swap3A_680, %swap3A_681], %add3A_675 {strides = array<i32>} : memref<3x16x1024xf32, #tpu.memory_space<vmem>>, vector<16xf32>,
        %add3A_683 = arith.addf %add3A_656, %add3A_675 : vector<16xf32>
        %mul3A_684 = arith.mulf %add3A_675, %add3A_675 : vector<16xf32>
        %add3A_685 = arith.addf %add3A_658, %mul3A_684 : vector<16xf32>
        %scan3A_686 = arith.constant 2 : i32
        %scan3A_687 = arith.addi %scan3A_632, %scan3A_686 : i32
        %mul3A_688 = arith.constant 16 : i32
        %mul3A_689 = arith.muli %scan3A_687, %mul3A_688 : i32
        %get3A_690 = arith.constant 12 : i32
        %get3A_691 = arith.index_cast %rem3A_97 : i32 to index
        %get3A_692 = arith.index_cast %get3A_690 : i32 to index
        %get3A_693 = arith.index_cast %mul3A_689 : i32 to index
        %get3A_694 = tpu.vector_load %arg11[%get3A_691, %get3A_692, %get3A_693] {strides = array<i32>} : memref<3x16x1024xf32, #tpu.memory_space<vmem>>, vector<16xf32>,
        %mul3A_695 = arith.constant 16 : i32
        %mul3A_696 = arith.muli %scan3A_687, %mul3A_695 : i32
        %get3A_697 = arith.constant 12 : i32
        %get3A_698 = arith.index_cast %rem3A_97 : i32 to index
        %get3A_699 = arith.index_cast %get3A_697 : i32 to index
        %get3A_700 = arith.index_cast %mul3A_696 : i32 to index
        %get3A_701 = tpu.vector_load %arg12[%get3A_698, %get3A_699, %get3A_700] {strides = array<i32>} : memref<3x16x1024xf32, #tpu.memory_space<vmem>>, vector<16xf32>,
        %add3A_702 = arith.addf %get3A_694, %get3A_701 : vector<16xf32>
        %mul3A_703 = arith.constant 16 : i32
        %mul3A_704 = arith.muli %scan3A_687, %mul3A_703 : i32
        %swap3A_705 = arith.constant 12 : i32
        %swap3A_706 = arith.index_cast %rem3A_97 : i32 to index
        %swap3A_707 = arith.index_cast %swap3A_705 : i32 to index
        %swap3A_708 = arith.index_cast %mul3A_704 : i32 to index
        %swap3A_709 = tpu.vector_load %arg11[%swap3A_706, %swap3A_707, %swap3A_708] {strides = array<i32>} : memref<3x16x1024xf32, #tpu.memory_space<vmem>>, vector<16xf32>,
        tpu.vector_store %arg11[%swap3A_706, %swap3A_707, %swap3A_708], %add3A_702 {strides = array<i32>} : memref<3x16x1024xf32, #tpu.memory_space<vmem>>, vector<16xf32>,
        %add3A_710 = arith.addf %add3A_683, %add3A_702 : vector<16xf32>
        %mul3A_711 = arith.mulf %add3A_702, %add3A_702 : vector<16xf32>
        %add3A_712 = arith.addf %add3A_685, %mul3A_711 : vector<16xf32>
        %scan3A_713 = arith.constant 3 : i32
        %scan3A_714 = arith.addi %scan3A_632, %scan3A_713 : i32
        %mul3A_715 = arith.constant 16 : i32
        %mul3A_716 = arith.muli %scan3A_714, %mul3A_715 : i32
        %get3A_717 = arith.constant 12 : i32
        %get3A_718 = arith.index_cast %rem3A_97 : i32 to index
        %get3A_719 = arith.index_cast %get3A_717 : i32 to index
        %get3A_720 = arith.index_cast %mul3A_716 : i32 to index
        %get3A_721 = tpu.vector_load %arg11[%get3A_718, %get3A_719, %get3A_720] {strides = array<i32>} : memref<3x16x1024xf32, #tpu.memory_space<vmem>>, vector<16xf32>,
        %mul3A_722 = arith.constant 16 : i32
        %mul3A_723 = arith.muli %scan3A_714, %mul3A_722 : i32
        %get3A_724 = arith.constant 12 : i32
        %get3A_725 = arith.index_cast %rem3A_97 : i32 to index
        %get3A_726 = arith.index_cast %get3A_724 : i32 to index
        %get3A_727 = arith.index_cast %mul3A_723 : i32 to index
        %get3A_728 = tpu.vector_load %arg12[%get3A_725, %get3A_726, %get3A_727] {strides = array<i32>} : memref<3x16x1024xf32, #tpu.memory_space<vmem>>, vector<16xf32>,
        %add3A_729 = arith.addf %get3A_721, %get3A_728 : vector<16xf32>
        %mul3A_730 = arith.constant 16 : i32
        %mul3A_731 = arith.muli %scan3A_714, %mul3A_730 : i32
        %swap3A_732 = arith.constant 12 : i32
        %swap3A_733 = arith.index_cast %rem3A_97 : i32 to index
        %swap3A_734 = arith.index_cast %swap3A_732 : i32 to index
        %swap3A_735 = arith.index_cast %mul3A_731 : i32 to index
        %swap3A_736 = tpu.vector_load %arg11[%swap3A_733, %swap3A_734, %swap3A_735] {strides = array<i32>} : memref<3x16x1024xf32, #tpu.memory_space<vmem>>, vector<16xf32>,
        tpu.vector_store %arg11[%swap3A_733, %swap3A_734, %swap3A_735], %add3A_729 {strides = array<i32>} : memref<3x16x1024xf32, #tpu.memory_space<vmem>>, vector<16xf32>,
        %add3A_737 = arith.addf %add3A_710, %add3A_729 : vector<16xf32>
        %mul3A_738 = arith.mulf %add3A_729, %add3A_729 : vector<16xf32>
        %add3A_739 = arith.addf %add3A_712, %mul3A_738 : vector<16xf32>
        scf.yield %add3A_737, %add3A_739 : vector<16xf32>, vector<16xf32>
      }
      %scan3A_272 = arith.constant 64 : i32
      %broadcast_in_dim3A_273 = arith.constant 12 : i32
      %broadcast_in_dim3A_274 = vector.broadcast %broadcast_in_dim3A_273 : i32 to vector<16xi32>
      tpu.vector_store_idx %arg13[%iota3A, %broadcast_in_dim3A_274], %scan3A_271#0 : memref<16x33xf32, #tpu.memory_space<vmem>>[vector<16xi32>, vector<16xi32>], vector<16xf32>,
      %add3A_275 = arith.constant 16 : i32
      %add3A_276 = vector.broadcast %add3A_275 : i32 to vector<16xi32>
      %add3A_277 = arith.addi %broadcast_in_dim3A_274, %add3A_276 : vector<16xi32>
      tpu.vector_store_idx %arg13[%iota3A, %add3A_277], %scan3A_271#1 : memref<16x33xf32, #tpu.memory_space<vmem>>[vector<16xi32>, vector<16xi32>], vector<16xf32>,
      %scan3A_278 = arith.constant 0 : i32
      %scan3A_279 = arith.constant 64 : i32
      %scan3A_280 = arith.addi %scan3A_278, %scan3A_279 : i32
      %scan3A_281 = arith.constant 4 : i32
      %scan3A_282:2 = scf.for %scan3A_632 = %scan3A_278 to %scan3A_280 step %scan3A_281 iter_args(%scan3A_633 = %broadcast_in_dim3A_134, %scan3A_634 = %broadcast_in_dim3A_134) -> (vector<16xf32>, vector<16xf32>)  : i32 {
        %mul3A_635 = arith.constant 16 : i32
        %mul3A_636 = arith.muli %scan3A_632, %mul3A_635 : i32
        %get3A_637 = arith.constant 13 : i32
        %get3A_638 = arith.index_cast %rem3A_97 : i32 to index
        %get3A_639 = arith.index_cast %get3A_637 : i32 to index
        %get3A_640 = arith.index_cast %mul3A_636 : i32 to index
        %get3A_641 = tpu.vector_load %arg11[%get3A_638, %get3A_639, %get3A_640] {strides = array<i32>} : memref<3x16x1024xf32, #tpu.memory_space<vmem>>, vector<16xf32>,
        %mul3A_642 = arith.constant 16 : i32
        %mul3A_643 = arith.muli %scan3A_632, %mul3A_642 : i32
        %get3A_644 = arith.constant 13 : i32
        %get3A_645 = arith.index_cast %rem3A_97 : i32 to index
        %get3A_646 = arith.index_cast %get3A_644 : i32 to index
        %get3A_647 = arith.index_cast %mul3A_643 : i32 to index
        %get3A_648 = tpu.vector_load %arg12[%get3A_645, %get3A_646, %get3A_647] {strides = array<i32>} : memref<3x16x1024xf32, #tpu.memory_space<vmem>>, vector<16xf32>,
        %add3A_649 = arith.addf %get3A_641, %get3A_648 : vector<16xf32>
        %mul3A_650 = arith.constant 16 : i32
        %mul3A_651 = arith.muli %scan3A_632, %mul3A_650 : i32
        %swap3A = arith.constant 13 : i32
        %swap3A_652 = arith.index_cast %rem3A_97 : i32 to index
        %swap3A_653 = arith.index_cast %swap3A : i32 to index
        %swap3A_654 = arith.index_cast %mul3A_651 : i32 to index
        %swap3A_655 = tpu.vector_load %arg11[%swap3A_652, %swap3A_653, %swap3A_654] {strides = array<i32>} : memref<3x16x1024xf32, #tpu.memory_space<vmem>>, vector<16xf32>,
        tpu.vector_store %arg11[%swap3A_652, %swap3A_653, %swap3A_654], %add3A_649 {strides = array<i32>} : memref<3x16x1024xf32, #tpu.memory_space<vmem>>, vector<16xf32>,
        %add3A_656 = arith.addf %scan3A_633, %add3A_649 : vector<16xf32>
        %mul3A_657 = arith.mulf %add3A_649, %add3A_649 : vector<16xf32>
        %add3A_658 = arith.addf %scan3A_634, %mul3A_657 : vector<16xf32>
        %scan3A_659 = arith.constant 1 : i32
        %scan3A_660 = arith.addi %scan3A_632, %scan3A_659 : i32
        %mul3A_661 = arith.constant 16 : i32
        %mul3A_662 = arith.muli %scan3A_660, %mul3A_661 : i32
        %get3A_663 = arith.constant 13 : i32
        %get3A_664 = arith.index_cast %rem3A_97 : i32 to index
        %get3A_665 = arith.index_cast %get3A_663 : i32 to index
        %get3A_666 = arith.index_cast %mul3A_662 : i32 to index
        %get3A_667 = tpu.vector_load %arg11[%get3A_664, %get3A_665, %get3A_666] {strides = array<i32>} : memref<3x16x1024xf32, #tpu.memory_space<vmem>>, vector<16xf32>,
        %mul3A_668 = arith.constant 16 : i32
        %mul3A_669 = arith.muli %scan3A_660, %mul3A_668 : i32
        %get3A_670 = arith.constant 13 : i32
        %get3A_671 = arith.index_cast %rem3A_97 : i32 to index
        %get3A_672 = arith.index_cast %get3A_670 : i32 to index
        %get3A_673 = arith.index_cast %mul3A_669 : i32 to index
        %get3A_674 = tpu.vector_load %arg12[%get3A_671, %get3A_672, %get3A_673] {strides = array<i32>} : memref<3x16x1024xf32, #tpu.memory_space<vmem>>, vector<16xf32>,
        %add3A_675 = arith.addf %get3A_667, %get3A_674 : vector<16xf32>
        %mul3A_676 = arith.constant 16 : i32
        %mul3A_677 = arith.muli %scan3A_660, %mul3A_676 : i32
        %swap3A_678 = arith.constant 13 : i32
        %swap3A_679 = arith.index_cast %rem3A_97 : i32 to index
        %swap3A_680 = arith.index_cast %swap3A_678 : i32 to index
        %swap3A_681 = arith.index_cast %mul3A_677 : i32 to index
        %swap3A_682 = tpu.vector_load %arg11[%swap3A_679, %swap3A_680, %swap3A_681] {strides = array<i32>} : memref<3x16x1024xf32, #tpu.memory_space<vmem>>, vector<16xf32>,
        tpu.vector_store %arg11[%swap3A_679, %swap3A_680, %swap3A_681], %add3A_675 {strides = array<i32>} : memref<3x16x1024xf32, #tpu.memory_space<vmem>>, vector<16xf32>,
        %add3A_683 = arith.addf %add3A_656, %add3A_675 : vector<16xf32>
        %mul3A_684 = arith.mulf %add3A_675, %add3A_675 : vector<16xf32>
        %add3A_685 = arith.addf %add3A_658, %mul3A_684 : vector<16xf32>
        %scan3A_686 = arith.constant 2 : i32
        %scan3A_687 = arith.addi %scan3A_632, %scan3A_686 : i32
        %mul3A_688 = arith.constant 16 : i32
        %mul3A_689 = arith.muli %scan3A_687, %mul3A_688 : i32
        %get3A_690 = arith.constant 13 : i32
        %get3A_691 = arith.index_cast %rem3A_97 : i32 to index
        %get3A_692 = arith.index_cast %get3A_690 : i32 to index
        %get3A_693 = arith.index_cast %mul3A_689 : i32 to index
        %get3A_694 = tpu.vector_load %arg11[%get3A_691, %get3A_692, %get3A_693] {strides = array<i32>} : memref<3x16x1024xf32, #tpu.memory_space<vmem>>, vector<16xf32>,
        %mul3A_695 = arith.constant 16 : i32
        %mul3A_696 = arith.muli %scan3A_687, %mul3A_695 : i32
        %get3A_697 = arith.constant 13 : i32
        %get3A_698 = arith.index_cast %rem3A_97 : i32 to index
        %get3A_699 = arith.index_cast %get3A_697 : i32 to index
        %get3A_700 = arith.index_cast %mul3A_696 : i32 to index
        %get3A_701 = tpu.vector_load %arg12[%get3A_698, %get3A_699, %get3A_700] {strides = array<i32>} : memref<3x16x1024xf32, #tpu.memory_space<vmem>>, vector<16xf32>,
        %add3A_702 = arith.addf %get3A_694, %get3A_701 : vector<16xf32>
        %mul3A_703 = arith.constant 16 : i32
        %mul3A_704 = arith.muli %scan3A_687, %mul3A_703 : i32
        %swap3A_705 = arith.constant 13 : i32
        %swap3A_706 = arith.index_cast %rem3A_97 : i32 to index
        %swap3A_707 = arith.index_cast %swap3A_705 : i32 to index
        %swap3A_708 = arith.index_cast %mul3A_704 : i32 to index
        %swap3A_709 = tpu.vector_load %arg11[%swap3A_706, %swap3A_707, %swap3A_708] {strides = array<i32>} : memref<3x16x1024xf32, #tpu.memory_space<vmem>>, vector<16xf32>,
        tpu.vector_store %arg11[%swap3A_706, %swap3A_707, %swap3A_708], %add3A_702 {strides = array<i32>} : memref<3x16x1024xf32, #tpu.memory_space<vmem>>, vector<16xf32>,
        %add3A_710 = arith.addf %add3A_683, %add3A_702 : vector<16xf32>
        %mul3A_711 = arith.mulf %add3A_702, %add3A_702 : vector<16xf32>
        %add3A_712 = arith.addf %add3A_685, %mul3A_711 : vector<16xf32>
        %scan3A_713 = arith.constant 3 : i32
        %scan3A_714 = arith.addi %scan3A_632, %scan3A_713 : i32
        %mul3A_715 = arith.constant 16 : i32
        %mul3A_716 = arith.muli %scan3A_714, %mul3A_715 : i32
        %get3A_717 = arith.constant 13 : i32
        %get3A_718 = arith.index_cast %rem3A_97 : i32 to index
        %get3A_719 = arith.index_cast %get3A_717 : i32 to index
        %get3A_720 = arith.index_cast %mul3A_716 : i32 to index
        %get3A_721 = tpu.vector_load %arg11[%get3A_718, %get3A_719, %get3A_720] {strides = array<i32>} : memref<3x16x1024xf32, #tpu.memory_space<vmem>>, vector<16xf32>,
        %mul3A_722 = arith.constant 16 : i32
        %mul3A_723 = arith.muli %scan3A_714, %mul3A_722 : i32
        %get3A_724 = arith.constant 13 : i32
        %get3A_725 = arith.index_cast %rem3A_97 : i32 to index
        %get3A_726 = arith.index_cast %get3A_724 : i32 to index
        %get3A_727 = arith.index_cast %mul3A_723 : i32 to index
        %get3A_728 = tpu.vector_load %arg12[%get3A_725, %get3A_726, %get3A_727] {strides = array<i32>} : memref<3x16x1024xf32, #tpu.memory_space<vmem>>, vector<16xf32>,
        %add3A_729 = arith.addf %get3A_721, %get3A_728 : vector<16xf32>
        %mul3A_730 = arith.constant 16 : i32
        %mul3A_731 = arith.muli %scan3A_714, %mul3A_730 : i32
        %swap3A_732 = arith.constant 13 : i32
        %swap3A_733 = arith.index_cast %rem3A_97 : i32 to index
        %swap3A_734 = arith.index_cast %swap3A_732 : i32 to index
        %swap3A_735 = arith.index_cast %mul3A_731 : i32 to index
        %swap3A_736 = tpu.vector_load %arg11[%swap3A_733, %swap3A_734, %swap3A_735] {strides = array<i32>} : memref<3x16x1024xf32, #tpu.memory_space<vmem>>, vector<16xf32>,
        tpu.vector_store %arg11[%swap3A_733, %swap3A_734, %swap3A_735], %add3A_729 {strides = array<i32>} : memref<3x16x1024xf32, #tpu.memory_space<vmem>>, vector<16xf32>,
        %add3A_737 = arith.addf %add3A_710, %add3A_729 : vector<16xf32>
        %mul3A_738 = arith.mulf %add3A_729, %add3A_729 : vector<16xf32>
        %add3A_739 = arith.addf %add3A_712, %mul3A_738 : vector<16xf32>
        scf.yield %add3A_737, %add3A_739 : vector<16xf32>, vector<16xf32>
      }
      %scan3A_283 = arith.constant 64 : i32
      %broadcast_in_dim3A_284 = arith.constant 13 : i32
      %broadcast_in_dim3A_285 = vector.broadcast %broadcast_in_dim3A_284 : i32 to vector<16xi32>
      tpu.vector_store_idx %arg13[%iota3A, %broadcast_in_dim3A_285], %scan3A_282#0 : memref<16x33xf32, #tpu.memory_space<vmem>>[vector<16xi32>, vector<16xi32>], vector<16xf32>,
      %add3A_286 = arith.constant 16 : i32
      %add3A_287 = vector.broadcast %add3A_286 : i32 to vector<16xi32>
      %add3A_288 = arith.addi %broadcast_in_dim3A_285, %add3A_287 : vector<16xi32>
      tpu.vector_store_idx %arg13[%iota3A, %add3A_288], %scan3A_282#1 : memref<16x33xf32, #tpu.memory_space<vmem>>[vector<16xi32>, vector<16xi32>], vector<16xf32>,
      %scan3A_289 = arith.constant 0 : i32
      %scan3A_290 = arith.constant 64 : i32
      %scan3A_291 = arith.addi %scan3A_289, %scan3A_290 : i32
      %scan3A_292 = arith.constant 4 : i32
      %scan3A_293:2 = scf.for %scan3A_632 = %scan3A_289 to %scan3A_291 step %scan3A_292 iter_args(%scan3A_633 = %broadcast_in_dim3A_134, %scan3A_634 = %broadcast_in_dim3A_134) -> (vector<16xf32>, vector<16xf32>)  : i32 {
        %mul3A_635 = arith.constant 16 : i32
        %mul3A_636 = arith.muli %scan3A_632, %mul3A_635 : i32
        %get3A_637 = arith.constant 14 : i32
        %get3A_638 = arith.index_cast %rem3A_97 : i32 to index
        %get3A_639 = arith.index_cast %get3A_637 : i32 to index
        %get3A_640 = arith.index_cast %mul3A_636 : i32 to index
        %get3A_641 = tpu.vector_load %arg11[%get3A_638, %get3A_639, %get3A_640] {strides = array<i32>} : memref<3x16x1024xf32, #tpu.memory_space<vmem>>, vector<16xf32>,
        %mul3A_642 = arith.constant 16 : i32
        %mul3A_643 = arith.muli %scan3A_632, %mul3A_642 : i32
        %get3A_644 = arith.constant 14 : i32
        %get3A_645 = arith.index_cast %rem3A_97 : i32 to index
        %get3A_646 = arith.index_cast %get3A_644 : i32 to index
        %get3A_647 = arith.index_cast %mul3A_643 : i32 to index
        %get3A_648 = tpu.vector_load %arg12[%get3A_645, %get3A_646, %get3A_647] {strides = array<i32>} : memref<3x16x1024xf32, #tpu.memory_space<vmem>>, vector<16xf32>,
        %add3A_649 = arith.addf %get3A_641, %get3A_648 : vector<16xf32>
        %mul3A_650 = arith.constant 16 : i32
        %mul3A_651 = arith.muli %scan3A_632, %mul3A_650 : i32
        %swap3A = arith.constant 14 : i32
        %swap3A_652 = arith.index_cast %rem3A_97 : i32 to index
        %swap3A_653 = arith.index_cast %swap3A : i32 to index
        %swap3A_654 = arith.index_cast %mul3A_651 : i32 to index
        %swap3A_655 = tpu.vector_load %arg11[%swap3A_652, %swap3A_653, %swap3A_654] {strides = array<i32>} : memref<3x16x1024xf32, #tpu.memory_space<vmem>>, vector<16xf32>,
        tpu.vector_store %arg11[%swap3A_652, %swap3A_653, %swap3A_654], %add3A_649 {strides = array<i32>} : memref<3x16x1024xf32, #tpu.memory_space<vmem>>, vector<16xf32>,
        %add3A_656 = arith.addf %scan3A_633, %add3A_649 : vector<16xf32>
        %mul3A_657 = arith.mulf %add3A_649, %add3A_649 : vector<16xf32>
        %add3A_658 = arith.addf %scan3A_634, %mul3A_657 : vector<16xf32>
        %scan3A_659 = arith.constant 1 : i32
        %scan3A_660 = arith.addi %scan3A_632, %scan3A_659 : i32
        %mul3A_661 = arith.constant 16 : i32
        %mul3A_662 = arith.muli %scan3A_660, %mul3A_661 : i32
        %get3A_663 = arith.constant 14 : i32
        %get3A_664 = arith.index_cast %rem3A_97 : i32 to index
        %get3A_665 = arith.index_cast %get3A_663 : i32 to index
        %get3A_666 = arith.index_cast %mul3A_662 : i32 to index
        %get3A_667 = tpu.vector_load %arg11[%get3A_664, %get3A_665, %get3A_666] {strides = array<i32>} : memref<3x16x1024xf32, #tpu.memory_space<vmem>>, vector<16xf32>,
        %mul3A_668 = arith.constant 16 : i32
        %mul3A_669 = arith.muli %scan3A_660, %mul3A_668 : i32
        %get3A_670 = arith.constant 14 : i32
        %get3A_671 = arith.index_cast %rem3A_97 : i32 to index
        %get3A_672 = arith.index_cast %get3A_670 : i32 to index
        %get3A_673 = arith.index_cast %mul3A_669 : i32 to index
        %get3A_674 = tpu.vector_load %arg12[%get3A_671, %get3A_672, %get3A_673] {strides = array<i32>} : memref<3x16x1024xf32, #tpu.memory_space<vmem>>, vector<16xf32>,
        %add3A_675 = arith.addf %get3A_667, %get3A_674 : vector<16xf32>
        %mul3A_676 = arith.constant 16 : i32
        %mul3A_677 = arith.muli %scan3A_660, %mul3A_676 : i32
        %swap3A_678 = arith.constant 14 : i32
        %swap3A_679 = arith.index_cast %rem3A_97 : i32 to index
        %swap3A_680 = arith.index_cast %swap3A_678 : i32 to index
        %swap3A_681 = arith.index_cast %mul3A_677 : i32 to index
        %swap3A_682 = tpu.vector_load %arg11[%swap3A_679, %swap3A_680, %swap3A_681] {strides = array<i32>} : memref<3x16x1024xf32, #tpu.memory_space<vmem>>, vector<16xf32>,
        tpu.vector_store %arg11[%swap3A_679, %swap3A_680, %swap3A_681], %add3A_675 {strides = array<i32>} : memref<3x16x1024xf32, #tpu.memory_space<vmem>>, vector<16xf32>,
        %add3A_683 = arith.addf %add3A_656, %add3A_675 : vector<16xf32>
        %mul3A_684 = arith.mulf %add3A_675, %add3A_675 : vector<16xf32>
        %add3A_685 = arith.addf %add3A_658, %mul3A_684 : vector<16xf32>
        %scan3A_686 = arith.constant 2 : i32
        %scan3A_687 = arith.addi %scan3A_632, %scan3A_686 : i32
        %mul3A_688 = arith.constant 16 : i32
        %mul3A_689 = arith.muli %scan3A_687, %mul3A_688 : i32
        %get3A_690 = arith.constant 14 : i32
        %get3A_691 = arith.index_cast %rem3A_97 : i32 to index
        %get3A_692 = arith.index_cast %get3A_690 : i32 to index
        %get3A_693 = arith.index_cast %mul3A_689 : i32 to index
        %get3A_694 = tpu.vector_load %arg11[%get3A_691, %get3A_692, %get3A_693] {strides = array<i32>} : memref<3x16x1024xf32, #tpu.memory_space<vmem>>, vector<16xf32>,
        %mul3A_695 = arith.constant 16 : i32
        %mul3A_696 = arith.muli %scan3A_687, %mul3A_695 : i32
        %get3A_697 = arith.constant 14 : i32
        %get3A_698 = arith.index_cast %rem3A_97 : i32 to index
        %get3A_699 = arith.index_cast %get3A_697 : i32 to index
        %get3A_700 = arith.index_cast %mul3A_696 : i32 to index
        %get3A_701 = tpu.vector_load %arg12[%get3A_698, %get3A_699, %get3A_700] {strides = array<i32>} : memref<3x16x1024xf32, #tpu.memory_space<vmem>>, vector<16xf32>,
        %add3A_702 = arith.addf %get3A_694, %get3A_701 : vector<16xf32>
        %mul3A_703 = arith.constant 16 : i32
        %mul3A_704 = arith.muli %scan3A_687, %mul3A_703 : i32
        %swap3A_705 = arith.constant 14 : i32
        %swap3A_706 = arith.index_cast %rem3A_97 : i32 to index
        %swap3A_707 = arith.index_cast %swap3A_705 : i32 to index
        %swap3A_708 = arith.index_cast %mul3A_704 : i32 to index
        %swap3A_709 = tpu.vector_load %arg11[%swap3A_706, %swap3A_707, %swap3A_708] {strides = array<i32>} : memref<3x16x1024xf32, #tpu.memory_space<vmem>>, vector<16xf32>,
        tpu.vector_store %arg11[%swap3A_706, %swap3A_707, %swap3A_708], %add3A_702 {strides = array<i32>} : memref<3x16x1024xf32, #tpu.memory_space<vmem>>, vector<16xf32>,
        %add3A_710 = arith.addf %add3A_683, %add3A_702 : vector<16xf32>
        %mul3A_711 = arith.mulf %add3A_702, %add3A_702 : vector<16xf32>
        %add3A_712 = arith.addf %add3A_685, %mul3A_711 : vector<16xf32>
        %scan3A_713 = arith.constant 3 : i32
        %scan3A_714 = arith.addi %scan3A_632, %scan3A_713 : i32
        %mul3A_715 = arith.constant 16 : i32
        %mul3A_716 = arith.muli %scan3A_714, %mul3A_715 : i32
        %get3A_717 = arith.constant 14 : i32
        %get3A_718 = arith.index_cast %rem3A_97 : i32 to index
        %get3A_719 = arith.index_cast %get3A_717 : i32 to index
        %get3A_720 = arith.index_cast %mul3A_716 : i32 to index
        %get3A_721 = tpu.vector_load %arg11[%get3A_718, %get3A_719, %get3A_720] {strides = array<i32>} : memref<3x16x1024xf32, #tpu.memory_space<vmem>>, vector<16xf32>,
        %mul3A_722 = arith.constant 16 : i32
        %mul3A_723 = arith.muli %scan3A_714, %mul3A_722 : i32
        %get3A_724 = arith.constant 14 : i32
        %get3A_725 = arith.index_cast %rem3A_97 : i32 to index
        %get3A_726 = arith.index_cast %get3A_724 : i32 to index
        %get3A_727 = arith.index_cast %mul3A_723 : i32 to index
        %get3A_728 = tpu.vector_load %arg12[%get3A_725, %get3A_726, %get3A_727] {strides = array<i32>} : memref<3x16x1024xf32, #tpu.memory_space<vmem>>, vector<16xf32>,
        %add3A_729 = arith.addf %get3A_721, %get3A_728 : vector<16xf32>
        %mul3A_730 = arith.constant 16 : i32
        %mul3A_731 = arith.muli %scan3A_714, %mul3A_730 : i32
        %swap3A_732 = arith.constant 14 : i32
        %swap3A_733 = arith.index_cast %rem3A_97 : i32 to index
        %swap3A_734 = arith.index_cast %swap3A_732 : i32 to index
        %swap3A_735 = arith.index_cast %mul3A_731 : i32 to index
        %swap3A_736 = tpu.vector_load %arg11[%swap3A_733, %swap3A_734, %swap3A_735] {strides = array<i32>} : memref<3x16x1024xf32, #tpu.memory_space<vmem>>, vector<16xf32>,
        tpu.vector_store %arg11[%swap3A_733, %swap3A_734, %swap3A_735], %add3A_729 {strides = array<i32>} : memref<3x16x1024xf32, #tpu.memory_space<vmem>>, vector<16xf32>,
        %add3A_737 = arith.addf %add3A_710, %add3A_729 : vector<16xf32>
        %mul3A_738 = arith.mulf %add3A_729, %add3A_729 : vector<16xf32>
        %add3A_739 = arith.addf %add3A_712, %mul3A_738 : vector<16xf32>
        scf.yield %add3A_737, %add3A_739 : vector<16xf32>, vector<16xf32>
      }
      %scan3A_294 = arith.constant 64 : i32
      %broadcast_in_dim3A_295 = arith.constant 14 : i32
      %broadcast_in_dim3A_296 = vector.broadcast %broadcast_in_dim3A_295 : i32 to vector<16xi32>
      tpu.vector_store_idx %arg13[%iota3A, %broadcast_in_dim3A_296], %scan3A_293#0 : memref<16x33xf32, #tpu.memory_space<vmem>>[vector<16xi32>, vector<16xi32>], vector<16xf32>,
      %add3A_297 = arith.constant 16 : i32
      %add3A_298 = vector.broadcast %add3A_297 : i32 to vector<16xi32>
      %add3A_299 = arith.addi %broadcast_in_dim3A_296, %add3A_298 : vector<16xi32>
      tpu.vector_store_idx %arg13[%iota3A, %add3A_299], %scan3A_293#1 : memref<16x33xf32, #tpu.memory_space<vmem>>[vector<16xi32>, vector<16xi32>], vector<16xf32>,
      %scan3A_300 = arith.constant 0 : i32
      %scan3A_301 = arith.constant 64 : i32
      %scan3A_302 = arith.addi %scan3A_300, %scan3A_301 : i32
      %scan3A_303 = arith.constant 4 : i32
      %scan3A_304:2 = scf.for %scan3A_632 = %scan3A_300 to %scan3A_302 step %scan3A_303 iter_args(%scan3A_633 = %broadcast_in_dim3A_134, %scan3A_634 = %broadcast_in_dim3A_134) -> (vector<16xf32>, vector<16xf32>)  : i32 {
        %mul3A_635 = arith.constant 16 : i32
        %mul3A_636 = arith.muli %scan3A_632, %mul3A_635 : i32
        %get3A_637 = arith.constant 15 : i32
        %get3A_638 = arith.index_cast %rem3A_97 : i32 to index
        %get3A_639 = arith.index_cast %get3A_637 : i32 to index
        %get3A_640 = arith.index_cast %mul3A_636 : i32 to index
        %get3A_641 = tpu.vector_load %arg11[%get3A_638, %get3A_639, %get3A_640] {strides = array<i32>} : memref<3x16x1024xf32, #tpu.memory_space<vmem>>, vector<16xf32>,
        %mul3A_642 = arith.constant 16 : i32
        %mul3A_643 = arith.muli %scan3A_632, %mul3A_642 : i32
        %get3A_644 = arith.constant 15 : i32
        %get3A_645 = arith.index_cast %rem3A_97 : i32 to index
        %get3A_646 = arith.index_cast %get3A_644 : i32 to index
        %get3A_647 = arith.index_cast %mul3A_643 : i32 to index
        %get3A_648 = tpu.vector_load %arg12[%get3A_645, %get3A_646, %get3A_647] {strides = array<i32>} : memref<3x16x1024xf32, #tpu.memory_space<vmem>>, vector<16xf32>,
        %add3A_649 = arith.addf %get3A_641, %get3A_648 : vector<16xf32>
        %mul3A_650 = arith.constant 16 : i32
        %mul3A_651 = arith.muli %scan3A_632, %mul3A_650 : i32
        %swap3A = arith.constant 15 : i32
        %swap3A_652 = arith.index_cast %rem3A_97 : i32 to index
        %swap3A_653 = arith.index_cast %swap3A : i32 to index
        %swap3A_654 = arith.index_cast %mul3A_651 : i32 to index
        %swap3A_655 = tpu.vector_load %arg11[%swap3A_652, %swap3A_653, %swap3A_654] {strides = array<i32>} : memref<3x16x1024xf32, #tpu.memory_space<vmem>>, vector<16xf32>,
        tpu.vector_store %arg11[%swap3A_652, %swap3A_653, %swap3A_654], %add3A_649 {strides = array<i32>} : memref<3x16x1024xf32, #tpu.memory_space<vmem>>, vector<16xf32>,
        %add3A_656 = arith.addf %scan3A_633, %add3A_649 : vector<16xf32>
        %mul3A_657 = arith.mulf %add3A_649, %add3A_649 : vector<16xf32>
        %add3A_658 = arith.addf %scan3A_634, %mul3A_657 : vector<16xf32>
        %scan3A_659 = arith.constant 1 : i32
        %scan3A_660 = arith.addi %scan3A_632, %scan3A_659 : i32
        %mul3A_661 = arith.constant 16 : i32
        %mul3A_662 = arith.muli %scan3A_660, %mul3A_661 : i32
        %get3A_663 = arith.constant 15 : i32
        %get3A_664 = arith.index_cast %rem3A_97 : i32 to index
        %get3A_665 = arith.index_cast %get3A_663 : i32 to index
        %get3A_666 = arith.index_cast %mul3A_662 : i32 to index
        %get3A_667 = tpu.vector_load %arg11[%get3A_664, %get3A_665, %get3A_666] {strides = array<i32>} : memref<3x16x1024xf32, #tpu.memory_space<vmem>>, vector<16xf32>,
        %mul3A_668 = arith.constant 16 : i32
        %mul3A_669 = arith.muli %scan3A_660, %mul3A_668 : i32
        %get3A_670 = arith.constant 15 : i32
        %get3A_671 = arith.index_cast %rem3A_97 : i32 to index
        %get3A_672 = arith.index_cast %get3A_670 : i32 to index
        %get3A_673 = arith.index_cast %mul3A_669 : i32 to index
        %get3A_674 = tpu.vector_load %arg12[%get3A_671, %get3A_672, %get3A_673] {strides = array<i32>} : memref<3x16x1024xf32, #tpu.memory_space<vmem>>, vector<16xf32>,
        %add3A_675 = arith.addf %get3A_667, %get3A_674 : vector<16xf32>
        %mul3A_676 = arith.constant 16 : i32
        %mul3A_677 = arith.muli %scan3A_660, %mul3A_676 : i32
        %swap3A_678 = arith.constant 15 : i32
        %swap3A_679 = arith.index_cast %rem3A_97 : i32 to index
        %swap3A_680 = arith.index_cast %swap3A_678 : i32 to index
        %swap3A_681 = arith.index_cast %mul3A_677 : i32 to index
        %swap3A_682 = tpu.vector_load %arg11[%swap3A_679, %swap3A_680, %swap3A_681] {strides = array<i32>} : memref<3x16x1024xf32, #tpu.memory_space<vmem>>, vector<16xf32>,
        tpu.vector_store %arg11[%swap3A_679, %swap3A_680, %swap3A_681], %add3A_675 {strides = array<i32>} : memref<3x16x1024xf32, #tpu.memory_space<vmem>>, vector<16xf32>,
        %add3A_683 = arith.addf %add3A_656, %add3A_675 : vector<16xf32>
        %mul3A_684 = arith.mulf %add3A_675, %add3A_675 : vector<16xf32>
        %add3A_685 = arith.addf %add3A_658, %mul3A_684 : vector<16xf32>
        %scan3A_686 = arith.constant 2 : i32
        %scan3A_687 = arith.addi %scan3A_632, %scan3A_686 : i32
        %mul3A_688 = arith.constant 16 : i32
        %mul3A_689 = arith.muli %scan3A_687, %mul3A_688 : i32
        %get3A_690 = arith.constant 15 : i32
        %get3A_691 = arith.index_cast %rem3A_97 : i32 to index
        %get3A_692 = arith.index_cast %get3A_690 : i32 to index
        %get3A_693 = arith.index_cast %mul3A_689 : i32 to index
        %get3A_694 = tpu.vector_load %arg11[%get3A_691, %get3A_692, %get3A_693] {strides = array<i32>} : memref<3x16x1024xf32, #tpu.memory_space<vmem>>, vector<16xf32>,
        %mul3A_695 = arith.constant 16 : i32
        %mul3A_696 = arith.muli %scan3A_687, %mul3A_695 : i32
        %get3A_697 = arith.constant 15 : i32
        %get3A_698 = arith.index_cast %rem3A_97 : i32 to index
        %get3A_699 = arith.index_cast %get3A_697 : i32 to index
        %get3A_700 = arith.index_cast %mul3A_696 : i32 to index
        %get3A_701 = tpu.vector_load %arg12[%get3A_698, %get3A_699, %get3A_700] {strides = array<i32>} : memref<3x16x1024xf32, #tpu.memory_space<vmem>>, vector<16xf32>,
        %add3A_702 = arith.addf %get3A_694, %get3A_701 : vector<16xf32>
        %mul3A_703 = arith.constant 16 : i32
        %mul3A_704 = arith.muli %scan3A_687, %mul3A_703 : i32
        %swap3A_705 = arith.constant 15 : i32
        %swap3A_706 = arith.index_cast %rem3A_97 : i32 to index
        %swap3A_707 = arith.index_cast %swap3A_705 : i32 to index
        %swap3A_708 = arith.index_cast %mul3A_704 : i32 to index
        %swap3A_709 = tpu.vector_load %arg11[%swap3A_706, %swap3A_707, %swap3A_708] {strides = array<i32>} : memref<3x16x1024xf32, #tpu.memory_space<vmem>>, vector<16xf32>,
        tpu.vector_store %arg11[%swap3A_706, %swap3A_707, %swap3A_708], %add3A_702 {strides = array<i32>} : memref<3x16x1024xf32, #tpu.memory_space<vmem>>, vector<16xf32>,
        %add3A_710 = arith.addf %add3A_683, %add3A_702 : vector<16xf32>
        %mul3A_711 = arith.mulf %add3A_702, %add3A_702 : vector<16xf32>
        %add3A_712 = arith.addf %add3A_685, %mul3A_711 : vector<16xf32>
        %scan3A_713 = arith.constant 3 : i32
        %scan3A_714 = arith.addi %scan3A_632, %scan3A_713 : i32
        %mul3A_715 = arith.constant 16 : i32
        %mul3A_716 = arith.muli %scan3A_714, %mul3A_715 : i32
        %get3A_717 = arith.constant 15 : i32
        %get3A_718 = arith.index_cast %rem3A_97 : i32 to index
        %get3A_719 = arith.index_cast %get3A_717 : i32 to index
        %get3A_720 = arith.index_cast %mul3A_716 : i32 to index
        %get3A_721 = tpu.vector_load %arg11[%get3A_718, %get3A_719, %get3A_720] {strides = array<i32>} : memref<3x16x1024xf32, #tpu.memory_space<vmem>>, vector<16xf32>,
        %mul3A_722 = arith.constant 16 : i32
        %mul3A_723 = arith.muli %scan3A_714, %mul3A_722 : i32
        %get3A_724 = arith.constant 15 : i32
        %get3A_725 = arith.index_cast %rem3A_97 : i32 to index
        %get3A_726 = arith.index_cast %get3A_724 : i32 to index
        %get3A_727 = arith.index_cast %mul3A_723 : i32 to index
        %get3A_728 = tpu.vector_load %arg12[%get3A_725, %get3A_726, %get3A_727] {strides = array<i32>} : memref<3x16x1024xf32, #tpu.memory_space<vmem>>, vector<16xf32>,
        %add3A_729 = arith.addf %get3A_721, %get3A_728 : vector<16xf32>
        %mul3A_730 = arith.constant 16 : i32
        %mul3A_731 = arith.muli %scan3A_714, %mul3A_730 : i32
        %swap3A_732 = arith.constant 15 : i32
        %swap3A_733 = arith.index_cast %rem3A_97 : i32 to index
        %swap3A_734 = arith.index_cast %swap3A_732 : i32 to index
        %swap3A_735 = arith.index_cast %mul3A_731 : i32 to index
        %swap3A_736 = tpu.vector_load %arg11[%swap3A_733, %swap3A_734, %swap3A_735] {strides = array<i32>} : memref<3x16x1024xf32, #tpu.memory_space<vmem>>, vector<16xf32>,
        tpu.vector_store %arg11[%swap3A_733, %swap3A_734, %swap3A_735], %add3A_729 {strides = array<i32>} : memref<3x16x1024xf32, #tpu.memory_space<vmem>>, vector<16xf32>,
        %add3A_737 = arith.addf %add3A_710, %add3A_729 : vector<16xf32>
        %mul3A_738 = arith.mulf %add3A_729, %add3A_729 : vector<16xf32>
        %add3A_739 = arith.addf %add3A_712, %mul3A_738 : vector<16xf32>
        scf.yield %add3A_737, %add3A_739 : vector<16xf32>, vector<16xf32>
      }
      %scan3A_305 = arith.constant 64 : i32
      %broadcast_in_dim3A_306 = arith.constant 15 : i32
      %broadcast_in_dim3A_307 = vector.broadcast %broadcast_in_dim3A_306 : i32 to vector<16xi32>
      tpu.vector_store_idx %arg13[%iota3A, %broadcast_in_dim3A_307], %scan3A_304#0 : memref<16x33xf32, #tpu.memory_space<vmem>>[vector<16xi32>, vector<16xi32>], vector<16xf32>,
      %add3A_308 = arith.constant 16 : i32
      %add3A_309 = vector.broadcast %add3A_308 : i32 to vector<16xi32>
      %add3A_310 = arith.addi %broadcast_in_dim3A_307, %add3A_309 : vector<16xi32>
      tpu.vector_store_idx %arg13[%iota3A, %add3A_310], %scan3A_304#1 : memref<16x33xf32, #tpu.memory_space<vmem>>[vector<16xi32>, vector<16xi32>], vector<16xf32>,
      %get3A = arith.constant 0 : i32
      %get3A_311 = arith.index_cast %get3A : i32 to index
      %get3A_312 = arith.constant 0 : index
      %get3A_313 = tpu.vector_load %arg13[%get3A_311, %get3A_312] {strides = array<i32>} : memref<16x33xf32, #tpu.memory_space<vmem>>, vector<16xf32>,
      %get3A_314 = arith.constant 0 : i32
      %get3A_315 = arith.index_cast %get3A_314 : i32 to index
      %get3A_316 = arith.constant 16 : index
      %get3A_317 = tpu.vector_load %arg13[%get3A_315, %get3A_316] {strides = array<i32>} : memref<16x33xf32, #tpu.memory_space<vmem>>, vector<16xf32>,
      %get3A_318 = arith.constant 1 : i32
      %get3A_319 = arith.index_cast %get3A_318 : i32 to index
      %get3A_320 = arith.constant 0 : index
      %get3A_321 = tpu.vector_load %arg13[%get3A_319, %get3A_320] {strides = array<i32>} : memref<16x33xf32, #tpu.memory_space<vmem>>, vector<16xf32>,
      %add3A_322 = arith.addf %get3A_313, %get3A_321 : vector<16xf32>
      %get3A_323 = arith.constant 1 : i32
      %get3A_324 = arith.index_cast %get3A_323 : i32 to index
      %get3A_325 = arith.constant 16 : index
      %get3A_326 = tpu.vector_load %arg13[%get3A_324, %get3A_325] {strides = array<i32>} : memref<16x33xf32, #tpu.memory_space<vmem>>, vector<16xf32>,
      %add3A_327 = arith.addf %get3A_317, %get3A_326 : vector<16xf32>
      %get3A_328 = arith.constant 2 : i32
      %get3A_329 = arith.index_cast %get3A_328 : i32 to index
      %get3A_330 = arith.constant 0 : index
      %get3A_331 = tpu.vector_load %arg13[%get3A_329, %get3A_330] {strides = array<i32>} : memref<16x33xf32, #tpu.memory_space<vmem>>, vector<16xf32>,
      %add3A_332 = arith.addf %add3A_322, %get3A_331 : vector<16xf32>
      %get3A_333 = arith.constant 2 : i32
      %get3A_334 = arith.index_cast %get3A_333 : i32 to index
      %get3A_335 = arith.constant 16 : index
      %get3A_336 = tpu.vector_load %arg13[%get3A_334, %get3A_335] {strides = array<i32>} : memref<16x33xf32, #tpu.memory_space<vmem>>, vector<16xf32>,
      %add3A_337 = arith.addf %add3A_327, %get3A_336 : vector<16xf32>
      %get3A_338 = arith.constant 3 : i32
      %get3A_339 = arith.index_cast %get3A_338 : i32 to index
      %get3A_340 = arith.constant 0 : index
      %get3A_341 = tpu.vector_load %arg13[%get3A_339, %get3A_340] {strides = array<i32>} : memref<16x33xf32, #tpu.memory_space<vmem>>, vector<16xf32>,
      %add3A_342 = arith.addf %add3A_332, %get3A_341 : vector<16xf32>
      %get3A_343 = arith.constant 3 : i32
      %get3A_344 = arith.index_cast %get3A_343 : i32 to index
      %get3A_345 = arith.constant 16 : index
      %get3A_346 = tpu.vector_load %arg13[%get3A_344, %get3A_345] {strides = array<i32>} : memref<16x33xf32, #tpu.memory_space<vmem>>, vector<16xf32>,
      %add3A_347 = arith.addf %add3A_337, %get3A_346 : vector<16xf32>
      %get3A_348 = arith.constant 4 : i32
      %get3A_349 = arith.index_cast %get3A_348 : i32 to index
      %get3A_350 = arith.constant 0 : index
      %get3A_351 = tpu.vector_load %arg13[%get3A_349, %get3A_350] {strides = array<i32>} : memref<16x33xf32, #tpu.memory_space<vmem>>, vector<16xf32>,
      %add3A_352 = arith.addf %add3A_342, %get3A_351 : vector<16xf32>
      %get3A_353 = arith.constant 4 : i32
      %get3A_354 = arith.index_cast %get3A_353 : i32 to index
      %get3A_355 = arith.constant 16 : index
      %get3A_356 = tpu.vector_load %arg13[%get3A_354, %get3A_355] {strides = array<i32>} : memref<16x33xf32, #tpu.memory_space<vmem>>, vector<16xf32>,
      %add3A_357 = arith.addf %add3A_347, %get3A_356 : vector<16xf32>
      %get3A_358 = arith.constant 5 : i32
      %get3A_359 = arith.index_cast %get3A_358 : i32 to index
      %get3A_360 = arith.constant 0 : index
      %get3A_361 = tpu.vector_load %arg13[%get3A_359, %get3A_360] {strides = array<i32>} : memref<16x33xf32, #tpu.memory_space<vmem>>, vector<16xf32>,
      %add3A_362 = arith.addf %add3A_352, %get3A_361 : vector<16xf32>
      %get3A_363 = arith.constant 5 : i32
      %get3A_364 = arith.index_cast %get3A_363 : i32 to index
      %get3A_365 = arith.constant 16 : index
      %get3A_366 = tpu.vector_load %arg13[%get3A_364, %get3A_365] {strides = array<i32>} : memref<16x33xf32, #tpu.memory_space<vmem>>, vector<16xf32>,
      %add3A_367 = arith.addf %add3A_357, %get3A_366 : vector<16xf32>
      %get3A_368 = arith.constant 6 : i32
      %get3A_369 = arith.index_cast %get3A_368 : i32 to index
      %get3A_370 = arith.constant 0 : index
      %get3A_371 = tpu.vector_load %arg13[%get3A_369, %get3A_370] {strides = array<i32>} : memref<16x33xf32, #tpu.memory_space<vmem>>, vector<16xf32>,
      %add3A_372 = arith.addf %add3A_362, %get3A_371 : vector<16xf32>
      %get3A_373 = arith.constant 6 : i32
      %get3A_374 = arith.index_cast %get3A_373 : i32 to index
      %get3A_375 = arith.constant 16 : index
      %get3A_376 = tpu.vector_load %arg13[%get3A_374, %get3A_375] {strides = array<i32>} : memref<16x33xf32, #tpu.memory_space<vmem>>, vector<16xf32>,
      %add3A_377 = arith.addf %add3A_367, %get3A_376 : vector<16xf32>
      %get3A_378 = arith.constant 7 : i32
      %get3A_379 = arith.index_cast %get3A_378 : i32 to index
      %get3A_380 = arith.constant 0 : index
      %get3A_381 = tpu.vector_load %arg13[%get3A_379, %get3A_380] {strides = array<i32>} : memref<16x33xf32, #tpu.memory_space<vmem>>, vector<16xf32>,
      %add3A_382 = arith.addf %add3A_372, %get3A_381 : vector<16xf32>
      %get3A_383 = arith.constant 7 : i32
      %get3A_384 = arith.index_cast %get3A_383 : i32 to index
      %get3A_385 = arith.constant 16 : index
      %get3A_386 = tpu.vector_load %arg13[%get3A_384, %get3A_385] {strides = array<i32>} : memref<16x33xf32, #tpu.memory_space<vmem>>, vector<16xf32>,
      %add3A_387 = arith.addf %add3A_377, %get3A_386 : vector<16xf32>
      %get3A_388 = arith.constant 8 : i32
      %get3A_389 = arith.index_cast %get3A_388 : i32 to index
      %get3A_390 = arith.constant 0 : index
      %get3A_391 = tpu.vector_load %arg13[%get3A_389, %get3A_390] {strides = array<i32>} : memref<16x33xf32, #tpu.memory_space<vmem>>, vector<16xf32>,
      %add3A_392 = arith.addf %add3A_382, %get3A_391 : vector<16xf32>
      %get3A_393 = arith.constant 8 : i32
      %get3A_394 = arith.index_cast %get3A_393 : i32 to index
      %get3A_395 = arith.constant 16 : index
      %get3A_396 = tpu.vector_load %arg13[%get3A_394, %get3A_395] {strides = array<i32>} : memref<16x33xf32, #tpu.memory_space<vmem>>, vector<16xf32>,
      %add3A_397 = arith.addf %add3A_387, %get3A_396 : vector<16xf32>
      %get3A_398 = arith.constant 9 : i32
      %get3A_399 = arith.index_cast %get3A_398 : i32 to index
      %get3A_400 = arith.constant 0 : index
      %get3A_401 = tpu.vector_load %arg13[%get3A_399, %get3A_400] {strides = array<i32>} : memref<16x33xf32, #tpu.memory_space<vmem>>, vector<16xf32>,
      %add3A_402 = arith.addf %add3A_392, %get3A_401 : vector<16xf32>
      %get3A_403 = arith.constant 9 : i32
      %get3A_404 = arith.index_cast %get3A_403 : i32 to index
      %get3A_405 = arith.constant 16 : index
      %get3A_406 = tpu.vector_load %arg13[%get3A_404, %get3A_405] {strides = array<i32>} : memref<16x33xf32, #tpu.memory_space<vmem>>, vector<16xf32>,
      %add3A_407 = arith.addf %add3A_397, %get3A_406 : vector<16xf32>
      %get3A_408 = arith.constant 10 : i32
      %get3A_409 = arith.index_cast %get3A_408 : i32 to index
      %get3A_410 = arith.constant 0 : index
      %get3A_411 = tpu.vector_load %arg13[%get3A_409, %get3A_410] {strides = array<i32>} : memref<16x33xf32, #tpu.memory_space<vmem>>, vector<16xf32>,
      %add3A_412 = arith.addf %add3A_402, %get3A_411 : vector<16xf32>
      %get3A_413 = arith.constant 10 : i32
      %get3A_414 = arith.index_cast %get3A_413 : i32 to index
      %get3A_415 = arith.constant 16 : index
      %get3A_416 = tpu.vector_load %arg13[%get3A_414, %get3A_415] {strides = array<i32>} : memref<16x33xf32, #tpu.memory_space<vmem>>, vector<16xf32>,
      %add3A_417 = arith.addf %add3A_407, %get3A_416 : vector<16xf32>
      %get3A_418 = arith.constant 11 : i32
      %get3A_419 = arith.index_cast %get3A_418 : i32 to index
      %get3A_420 = arith.constant 0 : index
      %get3A_421 = tpu.vector_load %arg13[%get3A_419, %get3A_420] {strides = array<i32>} : memref<16x33xf32, #tpu.memory_space<vmem>>, vector<16xf32>,
      %add3A_422 = arith.addf %add3A_412, %get3A_421 : vector<16xf32>
      %get3A_423 = arith.constant 11 : i32
      %get3A_424 = arith.index_cast %get3A_423 : i32 to index
      %get3A_425 = arith.constant 16 : index
      %get3A_426 = tpu.vector_load %arg13[%get3A_424, %get3A_425] {strides = array<i32>} : memref<16x33xf32, #tpu.memory_space<vmem>>, vector<16xf32>,
      %add3A_427 = arith.addf %add3A_417, %get3A_426 : vector<16xf32>
      %get3A_428 = arith.constant 12 : i32
      %get3A_429 = arith.index_cast %get3A_428 : i32 to index
      %get3A_430 = arith.constant 0 : index
      %get3A_431 = tpu.vector_load %arg13[%get3A_429, %get3A_430] {strides = array<i32>} : memref<16x33xf32, #tpu.memory_space<vmem>>, vector<16xf32>,
      %add3A_432 = arith.addf %add3A_422, %get3A_431 : vector<16xf32>
      %get3A_433 = arith.constant 12 : i32
      %get3A_434 = arith.index_cast %get3A_433 : i32 to index
      %get3A_435 = arith.constant 16 : index
      %get3A_436 = tpu.vector_load %arg13[%get3A_434, %get3A_435] {strides = array<i32>} : memref<16x33xf32, #tpu.memory_space<vmem>>, vector<16xf32>,
      %add3A_437 = arith.addf %add3A_427, %get3A_436 : vector<16xf32>
      %get3A_438 = arith.constant 13 : i32
      %get3A_439 = arith.index_cast %get3A_438 : i32 to index
      %get3A_440 = arith.constant 0 : index
      %get3A_441 = tpu.vector_load %arg13[%get3A_439, %get3A_440] {strides = array<i32>} : memref<16x33xf32, #tpu.memory_space<vmem>>, vector<16xf32>,
      %add3A_442 = arith.addf %add3A_432, %get3A_441 : vector<16xf32>
      %get3A_443 = arith.constant 13 : i32
      %get3A_444 = arith.index_cast %get3A_443 : i32 to index
      %get3A_445 = arith.constant 16 : index
      %get3A_446 = tpu.vector_load %arg13[%get3A_444, %get3A_445] {strides = array<i32>} : memref<16x33xf32, #tpu.memory_space<vmem>>, vector<16xf32>,
      %add3A_447 = arith.addf %add3A_437, %get3A_446 : vector<16xf32>
      %get3A_448 = arith.constant 14 : i32
      %get3A_449 = arith.index_cast %get3A_448 : i32 to index
      %get3A_450 = arith.constant 0 : index
      %get3A_451 = tpu.vector_load %arg13[%get3A_449, %get3A_450] {strides = array<i32>} : memref<16x33xf32, #tpu.memory_space<vmem>>, vector<16xf32>,
      %add3A_452 = arith.addf %add3A_442, %get3A_451 : vector<16xf32>
      %get3A_453 = arith.constant 14 : i32
      %get3A_454 = arith.index_cast %get3A_453 : i32 to index
      %get3A_455 = arith.constant 16 : index
      %get3A_456 = tpu.vector_load %arg13[%get3A_454, %get3A_455] {strides = array<i32>} : memref<16x33xf32, #tpu.memory_space<vmem>>, vector<16xf32>,
      %add3A_457 = arith.addf %add3A_447, %get3A_456 : vector<16xf32>
      %get3A_458 = arith.constant 15 : i32
      %get3A_459 = arith.index_cast %get3A_458 : i32 to index
      %get3A_460 = arith.constant 0 : index
      %get3A_461 = tpu.vector_load %arg13[%get3A_459, %get3A_460] {strides = array<i32>} : memref<16x33xf32, #tpu.memory_space<vmem>>, vector<16xf32>,
      %add3A_462 = arith.addf %add3A_452, %get3A_461 : vector<16xf32>
      %get3A_463 = arith.constant 15 : i32
      %get3A_464 = arith.index_cast %get3A_463 : i32 to index
      %get3A_465 = arith.constant 16 : index
      %get3A_466 = tpu.vector_load %arg13[%get3A_464, %get3A_465] {strides = array<i32>} : memref<16x33xf32, #tpu.memory_space<vmem>>, vector<16xf32>,
      %add3A_467 = arith.addf %add3A_457, %get3A_466 : vector<16xf32>
      %mul3A_468 = arith.constant 9.765625E-4 : f32
      %mul3A_469 = vector.broadcast %mul3A_468 : f32 to vector<16xf32>
      %mul3A_470 = arith.mulf %add3A_462, %mul3A_469 : vector<16xf32>
      %mul3A_471 = arith.constant 9.765625E-4 : f32
      %mul3A_472 = vector.broadcast %mul3A_471 : f32 to vector<16xf32>
      %mul3A_473 = arith.mulf %add3A_467, %mul3A_472 : vector<16xf32>
      %mul3A_474 = arith.mulf %mul3A_470, %mul3A_470 : vector<16xf32>
      %sub3A = arith.subf %mul3A_473, %mul3A_474 : vector<16xf32>
      %add3A_475 = arith.constant 9.99999996E-13 : f32
      %add3A_476 = vector.broadcast %add3A_475 : f32 to vector<16xf32>
      %add3A_477 = arith.addf %sub3A, %add3A_476 : vector<16xf32>
      %bitcast3A = vector.bitcast %add3A_477 : vector<16xf32> to vector<16xi32>
      %broadcast_in_dim3A_478 = arith.constant 1597463007 : i32
      %broadcast_in_dim3A_479 = vector.broadcast %broadcast_in_dim3A_478 : i32 to vector<16xi32>
      %shift_right_arithmetic3A = arith.constant 1 : i32
      %shift_right_arithmetic3A_480 = vector.broadcast %shift_right_arithmetic3A : i32 to vector<16xi32>
      %shift_right_arithmetic3A_481 = arith.shrsi %bitcast3A, %shift_right_arithmetic3A_480 : vector<16xi32>
      %sub3A_482 = arith.subi %broadcast_in_dim3A_479, %shift_right_arithmetic3A_481 : vector<16xi32>
      %bitcast3A_483 = vector.bitcast %sub3A_482 : vector<16xi32> to vector<16xf32>
      %mul3A_484 = arith.constant 5.000000e-01 : f32
      %mul3A_485 = vector.broadcast %mul3A_484 : f32 to vector<16xf32>
      %mul3A_486 = arith.mulf %mul3A_485, %add3A_477 : vector<16xf32>
      %mul3A_487 = arith.mulf %mul3A_486, %bitcast3A_483 : vector<16xf32>
      %mul3A_488 = arith.mulf %mul3A_487, %bitcast3A_483 : vector<16xf32>
      %sub3A_489 = arith.constant 1.500000e+00 : f32
      %sub3A_490 = vector.broadcast %sub3A_489 : f32 to vector<16xf32>
      %sub3A_491 = arith.subf %sub3A_490, %mul3A_488 : vector<16xf32>
      %mul3A_492 = arith.mulf %bitcast3A_483, %sub3A_491 : vector<16xf32>
      %mul3A_493 = arith.constant 5.000000e-01 : f32
      %mul3A_494 = vector.broadcast %mul3A_493 : f32 to vector<16xf32>
      %mul3A_495 = arith.mulf %mul3A_494, %add3A_477 : vector<16xf32>
      %mul3A_496 = arith.mulf %mul3A_495, %mul3A_492 : vector<16xf32>
      %mul3A_497 = arith.mulf %mul3A_496, %mul3A_492 : vector<16xf32>
      %sub3A_498 = arith.constant 1.500000e+00 : f32
      %sub3A_499 = vector.broadcast %sub3A_498 : f32 to vector<16xf32>
      %sub3A_500 = arith.subf %sub3A_499, %mul3A_497 : vector<16xf32>
      %mul3A_501 = arith.mulf %mul3A_492, %sub3A_500 : vector<16xf32>
      %mul3A_502 = arith.constant 5.000000e-01 : f32
      %mul3A_503 = vector.broadcast %mul3A_502 : f32 to vector<16xf32>
      %mul3A_504 = arith.mulf %mul3A_503, %add3A_477 : vector<16xf32>
      %mul3A_505 = arith.mulf %mul3A_504, %mul3A_501 : vector<16xf32>
      %mul3A_506 = arith.mulf %mul3A_505, %mul3A_501 : vector<16xf32>
      %sub3A_507 = arith.constant 1.500000e+00 : f32
      %sub3A_508 = vector.broadcast %sub3A_507 : f32 to vector<16xf32>
      %sub3A_509 = arith.subf %sub3A_508, %mul3A_506 : vector<16xf32>
      %mul3A_510 = arith.mulf %mul3A_501, %sub3A_509 : vector<16xf32>
      %neg3A = arith.constant 0.000000e+00 : f32
      %neg3A_511 = vector.broadcast %neg3A : f32 to vector<16xf32>
      %neg3A_512 = arith.subf %neg3A_511, %mul3A_470 : vector<16xf32>
      %mul3A_513 = arith.mulf %neg3A_512, %mul3A_510 : vector<16xf32>
      %slice3A = vector.extract_strided_slice %mul3A_510 {offsets = [0], sizes = [1], strides = [1]} : vector<16xf32> to vector<1xf32>
      %squeeze3A = vector.extract %slice3A[0] : f32 from vector<1xf32>
      %broadcast_in_dim3A_514 = vector.broadcast %squeeze3A : f32 to vector<16xf32>
      %slice3A_515 = vector.extract_strided_slice %mul3A_510 {offsets = [1], sizes = [1], strides = [1]} : vector<16xf32> to vector<1xf32>
      %squeeze3A_516 = vector.extract %slice3A_515[0] : f32 from vector<1xf32>
      %broadcast_in_dim3A_517 = vector.broadcast %squeeze3A_516 : f32 to vector<16xf32>
      %slice3A_518 = vector.extract_strided_slice %mul3A_510 {offsets = [2], sizes = [1], strides = [1]} : vector<16xf32> to vector<1xf32>
      %squeeze3A_519 = vector.extract %slice3A_518[0] : f32 from vector<1xf32>
      %broadcast_in_dim3A_520 = vector.broadcast %squeeze3A_519 : f32 to vector<16xf32>
      %slice3A_521 = vector.extract_strided_slice %mul3A_510 {offsets = [3], sizes = [1], strides = [1]} : vector<16xf32> to vector<1xf32>
      %squeeze3A_522 = vector.extract %slice3A_521[0] : f32 from vector<1xf32>
      %broadcast_in_dim3A_523 = vector.broadcast %squeeze3A_522 : f32 to vector<16xf32>
      %slice3A_524 = vector.extract_strided_slice %mul3A_510 {offsets = [4], sizes = [1], strides = [1]} : vector<16xf32> to vector<1xf32>
      %squeeze3A_525 = vector.extract %slice3A_524[0] : f32 from vector<1xf32>
      %broadcast_in_dim3A_526 = vector.broadcast %squeeze3A_525 : f32 to vector<16xf32>
      %slice3A_527 = vector.extract_strided_slice %mul3A_510 {offsets = [5], sizes = [1], strides = [1]} : vector<16xf32> to vector<1xf32>
      %squeeze3A_528 = vector.extract %slice3A_527[0] : f32 from vector<1xf32>
      %broadcast_in_dim3A_529 = vector.broadcast %squeeze3A_528 : f32 to vector<16xf32>
      %slice3A_530 = vector.extract_strided_slice %mul3A_510 {offsets = [6], sizes = [1], strides = [1]} : vector<16xf32> to vector<1xf32>
      %squeeze3A_531 = vector.extract %slice3A_530[0] : f32 from vector<1xf32>
      %broadcast_in_dim3A_532 = vector.broadcast %squeeze3A_531 : f32 to vector<16xf32>
      %slice3A_533 = vector.extract_strided_slice %mul3A_510 {offsets = [7], sizes = [1], strides = [1]} : vector<16xf32> to vector<1xf32>
      %squeeze3A_534 = vector.extract %slice3A_533[0] : f32 from vector<1xf32>
      %broadcast_in_dim3A_535 = vector.broadcast %squeeze3A_534 : f32 to vector<16xf32>
      %slice3A_536 = vector.extract_strided_slice %mul3A_510 {offsets = [8], sizes = [1], strides = [1]} : vector<16xf32> to vector<1xf32>
      %squeeze3A_537 = vector.extract %slice3A_536[0] : f32 from vector<1xf32>
      %broadcast_in_dim3A_538 = vector.broadcast %squeeze3A_537 : f32 to vector<16xf32>
      %slice3A_539 = vector.extract_strided_slice %mul3A_510 {offsets = [9], sizes = [1], strides = [1]} : vector<16xf32> to vector<1xf32>
      %squeeze3A_540 = vector.extract %slice3A_539[0] : f32 from vector<1xf32>
      %broadcast_in_dim3A_541 = vector.broadcast %squeeze3A_540 : f32 to vector<16xf32>
      %slice3A_542 = vector.extract_strided_slice %mul3A_510 {offsets = [10], sizes = [1], strides = [1]} : vector<16xf32> to vector<1xf32>
      %squeeze3A_543 = vector.extract %slice3A_542[0] : f32 from vector<1xf32>
      %broadcast_in_dim3A_544 = vector.broadcast %squeeze3A_543 : f32 to vector<16xf32>
      %slice3A_545 = vector.extract_strided_slice %mul3A_510 {offsets = [11], sizes = [1], strides = [1]} : vector<16xf32> to vector<1xf32>
      %squeeze3A_546 = vector.extract %slice3A_545[0] : f32 from vector<1xf32>
      %broadcast_in_dim3A_547 = vector.broadcast %squeeze3A_546 : f32 to vector<16xf32>
      %slice3A_548 = vector.extract_strided_slice %mul3A_510 {offsets = [12], sizes = [1], strides = [1]} : vector<16xf32> to vector<1xf32>
      %squeeze3A_549 = vector.extract %slice3A_548[0] : f32 from vector<1xf32>
      %broadcast_in_dim3A_550 = vector.broadcast %squeeze3A_549 : f32 to vector<16xf32>
      %slice3A_551 = vector.extract_strided_slice %mul3A_510 {offsets = [13], sizes = [1], strides = [1]} : vector<16xf32> to vector<1xf32>
      %squeeze3A_552 = vector.extract %slice3A_551[0] : f32 from vector<1xf32>
      %broadcast_in_dim3A_553 = vector.broadcast %squeeze3A_552 : f32 to vector<16xf32>
      %slice3A_554 = vector.extract_strided_slice %mul3A_510 {offsets = [14], sizes = [1], strides = [1]} : vector<16xf32> to vector<1xf32>
      %squeeze3A_555 = vector.extract %slice3A_554[0] : f32 from vector<1xf32>
      %broadcast_in_dim3A_556 = vector.broadcast %squeeze3A_555 : f32 to vector<16xf32>
      %slice3A_557 = vector.extract_strided_slice %mul3A_510 {offsets = [15], sizes = [1], strides = [1]} : vector<16xf32> to vector<1xf32>
      %squeeze3A_558 = vector.extract %slice3A_557[0] : f32 from vector<1xf32>
      %broadcast_in_dim3A_559 = vector.broadcast %squeeze3A_558 : f32 to vector<16xf32>
      %slice3A_560 = vector.extract_strided_slice %mul3A_513 {offsets = [0], sizes = [1], strides = [1]} : vector<16xf32> to vector<1xf32>
      %squeeze3A_561 = vector.extract %slice3A_560[0] : f32 from vector<1xf32>
      %broadcast_in_dim3A_562 = vector.broadcast %squeeze3A_561 : f32 to vector<16xf32>
      %slice3A_563 = vector.extract_strided_slice %mul3A_513 {offsets = [1], sizes = [1], strides = [1]} : vector<16xf32> to vector<1xf32>
      %squeeze3A_564 = vector.extract %slice3A_563[0] : f32 from vector<1xf32>
      %broadcast_in_dim3A_565 = vector.broadcast %squeeze3A_564 : f32 to vector<16xf32>
      %slice3A_566 = vector.extract_strided_slice %mul3A_513 {offsets = [2], sizes = [1], strides = [1]} : vector<16xf32> to vector<1xf32>
      %squeeze3A_567 = vector.extract %slice3A_566[0] : f32 from vector<1xf32>
      %broadcast_in_dim3A_568 = vector.broadcast %squeeze3A_567 : f32 to vector<16xf32>
      %slice3A_569 = vector.extract_strided_slice %mul3A_513 {offsets = [3], sizes = [1], strides = [1]} : vector<16xf32> to vector<1xf32>
      %squeeze3A_570 = vector.extract %slice3A_569[0] : f32 from vector<1xf32>
      %broadcast_in_dim3A_571 = vector.broadcast %squeeze3A_570 : f32 to vector<16xf32>
      %slice3A_572 = vector.extract_strided_slice %mul3A_513 {offsets = [4], sizes = [1], strides = [1]} : vector<16xf32> to vector<1xf32>
      %squeeze3A_573 = vector.extract %slice3A_572[0] : f32 from vector<1xf32>
      %broadcast_in_dim3A_574 = vector.broadcast %squeeze3A_573 : f32 to vector<16xf32>
      %slice3A_575 = vector.extract_strided_slice %mul3A_513 {offsets = [5], sizes = [1], strides = [1]} : vector<16xf32> to vector<1xf32>
      %squeeze3A_576 = vector.extract %slice3A_575[0] : f32 from vector<1xf32>
      %broadcast_in_dim3A_577 = vector.broadcast %squeeze3A_576 : f32 to vector<16xf32>
      %slice3A_578 = vector.extract_strided_slice %mul3A_513 {offsets = [6], sizes = [1], strides = [1]} : vector<16xf32> to vector<1xf32>
      %squeeze3A_579 = vector.extract %slice3A_578[0] : f32 from vector<1xf32>
      %broadcast_in_dim3A_580 = vector.broadcast %squeeze3A_579 : f32 to vector<16xf32>
      %slice3A_581 = vector.extract_strided_slice %mul3A_513 {offsets = [7], sizes = [1], strides = [1]} : vector<16xf32> to vector<1xf32>
      %squeeze3A_582 = vector.extract %slice3A_581[0] : f32 from vector<1xf32>
      %broadcast_in_dim3A_583 = vector.broadcast %squeeze3A_582 : f32 to vector<16xf32>
      %slice3A_584 = vector.extract_strided_slice %mul3A_513 {offsets = [8], sizes = [1], strides = [1]} : vector<16xf32> to vector<1xf32>
      %squeeze3A_585 = vector.extract %slice3A_584[0] : f32 from vector<1xf32>
      %broadcast_in_dim3A_586 = vector.broadcast %squeeze3A_585 : f32 to vector<16xf32>
      %slice3A_587 = vector.extract_strided_slice %mul3A_513 {offsets = [9], sizes = [1], strides = [1]} : vector<16xf32> to vector<1xf32>
      %squeeze3A_588 = vector.extract %slice3A_587[0] : f32 from vector<1xf32>
      %broadcast_in_dim3A_589 = vector.broadcast %squeeze3A_588 : f32 to vector<16xf32>
      %slice3A_590 = vector.extract_strided_slice %mul3A_513 {offsets = [10], sizes = [1], strides = [1]} : vector<16xf32> to vector<1xf32>
      %squeeze3A_591 = vector.extract %slice3A_590[0] : f32 from vector<1xf32>
      %broadcast_in_dim3A_592 = vector.broadcast %squeeze3A_591 : f32 to vector<16xf32>
      %slice3A_593 = vector.extract_strided_slice %mul3A_513 {offsets = [11], sizes = [1], strides = [1]} : vector<16xf32> to vector<1xf32>
      %squeeze3A_594 = vector.extract %slice3A_593[0] : f32 from vector<1xf32>
      %broadcast_in_dim3A_595 = vector.broadcast %squeeze3A_594 : f32 to vector<16xf32>
      %slice3A_596 = vector.extract_strided_slice %mul3A_513 {offsets = [12], sizes = [1], strides = [1]} : vector<16xf32> to vector<1xf32>
      %squeeze3A_597 = vector.extract %slice3A_596[0] : f32 from vector<1xf32>
      %broadcast_in_dim3A_598 = vector.broadcast %squeeze3A_597 : f32 to vector<16xf32>
      %slice3A_599 = vector.extract_strided_slice %mul3A_513 {offsets = [13], sizes = [1], strides = [1]} : vector<16xf32> to vector<1xf32>
      %squeeze3A_600 = vector.extract %slice3A_599[0] : f32 from vector<1xf32>
      %broadcast_in_dim3A_601 = vector.broadcast %squeeze3A_600 : f32 to vector<16xf32>
      %slice3A_602 = vector.extract_strided_slice %mul3A_513 {offsets = [14], sizes = [1], strides = [1]} : vector<16xf32> to vector<1xf32>
      %squeeze3A_603 = vector.extract %slice3A_602[0] : f32 from vector<1xf32>
      %broadcast_in_dim3A_604 = vector.broadcast %squeeze3A_603 : f32 to vector<16xf32>
      %slice3A_605 = vector.extract_strided_slice %mul3A_513 {offsets = [15], sizes = [1], strides = [1]} : vector<16xf32> to vector<1xf32>
      %squeeze3A_606 = vector.extract %slice3A_605[0] : f32 from vector<1xf32>
      %broadcast_in_dim3A_607 = vector.broadcast %squeeze3A_606 : f32 to vector<16xf32>
      %scan3A_608 = arith.constant 0 : i32
      %scan3A_609 = arith.constant 0 : i32
      %scan3A_610 = arith.constant 64 : i32
      %scan3A_611 = arith.addi %scan3A_609, %scan3A_610 : i32
      %scan3A_612 = arith.constant 1 : i32
      %scan3A_613 = scf.for %scan3A_632 = %scan3A_609 to %scan3A_611 step %scan3A_612 iter_args(%scan3A_633 = %scan3A_608) -> (i32)  : i32 {
        %mul3A_634 = arith.constant 16 : i32
        %mul3A_635 = arith.muli %scan3A_632, %mul3A_634 : i32
        %get3A_636 = arith.index_cast %mul3A_635 : i32 to index
        %get3A_637 = tpu.vector_load %arg9[%get3A_636] {strides = array<i32>} : memref<1024xf32, #tpu.memory_space<vmem>>, vector<16xf32>,
        %mul3A_638 = arith.constant 16 : i32
        %mul3A_639 = arith.muli %scan3A_632, %mul3A_638 : i32
        %get3A_640 = arith.index_cast %mul3A_639 : i32 to index
        %get3A_641 = tpu.vector_load %arg10[%get3A_640] {strides = array<i32>} : memref<1024xf32, #tpu.memory_space<vmem>>, vector<16xf32>,
        %mul3A_642 = arith.constant 16 : i32
        %mul3A_643 = arith.muli %scan3A_632, %mul3A_642 : i32
        %get3A_644 = arith.constant 0 : i32
        %get3A_645 = arith.index_cast %rem3A_97 : i32 to index
        %get3A_646 = arith.index_cast %get3A_644 : i32 to index
        %get3A_647 = arith.index_cast %mul3A_643 : i32 to index
        %get3A_648 = tpu.vector_load %arg11[%get3A_645, %get3A_646, %get3A_647] {strides = array<i32>} : memref<3x16x1024xf32, #tpu.memory_space<vmem>>, vector<16xf32>,
        %mul3A_649 = arith.mulf %get3A_648, %broadcast_in_dim3A_514 : vector<16xf32>
        %add3A_650 = arith.addf %mul3A_649, %broadcast_in_dim3A_562 : vector<16xf32>
        %mul3A_651 = arith.mulf %add3A_650, %get3A_637 : vector<16xf32>
        %add3A_652 = arith.addf %mul3A_651, %get3A_641 : vector<16xf32>
        %mul3A_653 = arith.constant 16 : i32
        %mul3A_654 = arith.muli %scan3A_632, %mul3A_653 : i32
        %swap3A = arith.constant 0 : i32
        %swap3A_655 = arith.index_cast %rem3A_97 : i32 to index
        %swap3A_656 = arith.index_cast %swap3A : i32 to index
        %swap3A_657 = arith.index_cast %mul3A_654 : i32 to index
        %swap3A_658 = tpu.vector_load %arg11[%swap3A_655, %swap3A_656, %swap3A_657] {strides = array<i32>} : memref<3x16x1024xf32, #tpu.memory_space<vmem>>, vector<16xf32>,
        tpu.vector_store %arg11[%swap3A_655, %swap3A_656, %swap3A_657], %add3A_652 {strides = array<i32>} : memref<3x16x1024xf32, #tpu.memory_space<vmem>>, vector<16xf32>,
        %mul3A_659 = arith.constant 16 : i32
        %mul3A_660 = arith.muli %scan3A_632, %mul3A_659 : i32
        %get3A_661 = arith.constant 1 : i32
        %get3A_662 = arith.index_cast %rem3A_97 : i32 to index
        %get3A_663 = arith.index_cast %get3A_661 : i32 to index
        %get3A_664 = arith.index_cast %mul3A_660 : i32 to index
        %get3A_665 = tpu.vector_load %arg11[%get3A_662, %get3A_663, %get3A_664] {strides = array<i32>} : memref<3x16x1024xf32, #tpu.memory_space<vmem>>, vector<16xf32>,
        %mul3A_666 = arith.mulf %get3A_665, %broadcast_in_dim3A_517 : vector<16xf32>
        %add3A_667 = arith.addf %mul3A_666, %broadcast_in_dim3A_565 : vector<16xf32>
        %mul3A_668 = arith.mulf %add3A_667, %get3A_637 : vector<16xf32>
        %add3A_669 = arith.addf %mul3A_668, %get3A_641 : vector<16xf32>
        %mul3A_670 = arith.constant 16 : i32
        %mul3A_671 = arith.muli %scan3A_632, %mul3A_670 : i32
        %swap3A_672 = arith.constant 1 : i32
        %swap3A_673 = arith.index_cast %rem3A_97 : i32 to index
        %swap3A_674 = arith.index_cast %swap3A_672 : i32 to index
        %swap3A_675 = arith.index_cast %mul3A_671 : i32 to index
        %swap3A_676 = tpu.vector_load %arg11[%swap3A_673, %swap3A_674, %swap3A_675] {strides = array<i32>} : memref<3x16x1024xf32, #tpu.memory_space<vmem>>, vector<16xf32>,
        tpu.vector_store %arg11[%swap3A_673, %swap3A_674, %swap3A_675], %add3A_669 {strides = array<i32>} : memref<3x16x1024xf32, #tpu.memory_space<vmem>>, vector<16xf32>,
        %mul3A_677 = arith.constant 16 : i32
        %mul3A_678 = arith.muli %scan3A_632, %mul3A_677 : i32
        %get3A_679 = arith.constant 2 : i32
        %get3A_680 = arith.index_cast %rem3A_97 : i32 to index
        %get3A_681 = arith.index_cast %get3A_679 : i32 to index
        %get3A_682 = arith.index_cast %mul3A_678 : i32 to index
        %get3A_683 = tpu.vector_load %arg11[%get3A_680, %get3A_681, %get3A_682] {strides = array<i32>} : memref<3x16x1024xf32, #tpu.memory_space<vmem>>, vector<16xf32>,
        %mul3A_684 = arith.mulf %get3A_683, %broadcast_in_dim3A_520 : vector<16xf32>
        %add3A_685 = arith.addf %mul3A_684, %broadcast_in_dim3A_568 : vector<16xf32>
        %mul3A_686 = arith.mulf %add3A_685, %get3A_637 : vector<16xf32>
        %add3A_687 = arith.addf %mul3A_686, %get3A_641 : vector<16xf32>
        %mul3A_688 = arith.constant 16 : i32
        %mul3A_689 = arith.muli %scan3A_632, %mul3A_688 : i32
        %swap3A_690 = arith.constant 2 : i32
        %swap3A_691 = arith.index_cast %rem3A_97 : i32 to index
        %swap3A_692 = arith.index_cast %swap3A_690 : i32 to index
        %swap3A_693 = arith.index_cast %mul3A_689 : i32 to index
        %swap3A_694 = tpu.vector_load %arg11[%swap3A_691, %swap3A_692, %swap3A_693] {strides = array<i32>} : memref<3x16x1024xf32, #tpu.memory_space<vmem>>, vector<16xf32>,
        tpu.vector_store %arg11[%swap3A_691, %swap3A_692, %swap3A_693], %add3A_687 {strides = array<i32>} : memref<3x16x1024xf32, #tpu.memory_space<vmem>>, vector<16xf32>,
        %mul3A_695 = arith.constant 16 : i32
        %mul3A_696 = arith.muli %scan3A_632, %mul3A_695 : i32
        %get3A_697 = arith.constant 3 : i32
        %get3A_698 = arith.index_cast %rem3A_97 : i32 to index
        %get3A_699 = arith.index_cast %get3A_697 : i32 to index
        %get3A_700 = arith.index_cast %mul3A_696 : i32 to index
        %get3A_701 = tpu.vector_load %arg11[%get3A_698, %get3A_699, %get3A_700] {strides = array<i32>} : memref<3x16x1024xf32, #tpu.memory_space<vmem>>, vector<16xf32>,
        %mul3A_702 = arith.mulf %get3A_701, %broadcast_in_dim3A_523 : vector<16xf32>
        %add3A_703 = arith.addf %mul3A_702, %broadcast_in_dim3A_571 : vector<16xf32>
        %mul3A_704 = arith.mulf %add3A_703, %get3A_637 : vector<16xf32>
        %add3A_705 = arith.addf %mul3A_704, %get3A_641 : vector<16xf32>
        %mul3A_706 = arith.constant 16 : i32
        %mul3A_707 = arith.muli %scan3A_632, %mul3A_706 : i32
        %swap3A_708 = arith.constant 3 : i32
        %swap3A_709 = arith.index_cast %rem3A_97 : i32 to index
        %swap3A_710 = arith.index_cast %swap3A_708 : i32 to index
        %swap3A_711 = arith.index_cast %mul3A_707 : i32 to index
        %swap3A_712 = tpu.vector_load %arg11[%swap3A_709, %swap3A_710, %swap3A_711] {strides = array<i32>} : memref<3x16x1024xf32, #tpu.memory_space<vmem>>, vector<16xf32>,
        tpu.vector_store %arg11[%swap3A_709, %swap3A_710, %swap3A_711], %add3A_705 {strides = array<i32>} : memref<3x16x1024xf32, #tpu.memory_space<vmem>>, vector<16xf32>,
        %mul3A_713 = arith.constant 16 : i32
        %mul3A_714 = arith.muli %scan3A_632, %mul3A_713 : i32
        %get3A_715 = arith.constant 4 : i32
        %get3A_716 = arith.index_cast %rem3A_97 : i32 to index
        %get3A_717 = arith.index_cast %get3A_715 : i32 to index
        %get3A_718 = arith.index_cast %mul3A_714 : i32 to index
        %get3A_719 = tpu.vector_load %arg11[%get3A_716, %get3A_717, %get3A_718] {strides = array<i32>} : memref<3x16x1024xf32, #tpu.memory_space<vmem>>, vector<16xf32>,
        %mul3A_720 = arith.mulf %get3A_719, %broadcast_in_dim3A_526 : vector<16xf32>
        %add3A_721 = arith.addf %mul3A_720, %broadcast_in_dim3A_574 : vector<16xf32>
        %mul3A_722 = arith.mulf %add3A_721, %get3A_637 : vector<16xf32>
        %add3A_723 = arith.addf %mul3A_722, %get3A_641 : vector<16xf32>
        %mul3A_724 = arith.constant 16 : i32
        %mul3A_725 = arith.muli %scan3A_632, %mul3A_724 : i32
        %swap3A_726 = arith.constant 4 : i32
        %swap3A_727 = arith.index_cast %rem3A_97 : i32 to index
        %swap3A_728 = arith.index_cast %swap3A_726 : i32 to index
        %swap3A_729 = arith.index_cast %mul3A_725 : i32 to index
        %swap3A_730 = tpu.vector_load %arg11[%swap3A_727, %swap3A_728, %swap3A_729] {strides = array<i32>} : memref<3x16x1024xf32, #tpu.memory_space<vmem>>, vector<16xf32>,
        tpu.vector_store %arg11[%swap3A_727, %swap3A_728, %swap3A_729], %add3A_723 {strides = array<i32>} : memref<3x16x1024xf32, #tpu.memory_space<vmem>>, vector<16xf32>,
        %mul3A_731 = arith.constant 16 : i32
        %mul3A_732 = arith.muli %scan3A_632, %mul3A_731 : i32
        %get3A_733 = arith.constant 5 : i32
        %get3A_734 = arith.index_cast %rem3A_97 : i32 to index
        %get3A_735 = arith.index_cast %get3A_733 : i32 to index
        %get3A_736 = arith.index_cast %mul3A_732 : i32 to index
        %get3A_737 = tpu.vector_load %arg11[%get3A_734, %get3A_735, %get3A_736] {strides = array<i32>} : memref<3x16x1024xf32, #tpu.memory_space<vmem>>, vector<16xf32>,
        %mul3A_738 = arith.mulf %get3A_737, %broadcast_in_dim3A_529 : vector<16xf32>
        %add3A_739 = arith.addf %mul3A_738, %broadcast_in_dim3A_577 : vector<16xf32>
        %mul3A_740 = arith.mulf %add3A_739, %get3A_637 : vector<16xf32>
        %add3A_741 = arith.addf %mul3A_740, %get3A_641 : vector<16xf32>
        %mul3A_742 = arith.constant 16 : i32
        %mul3A_743 = arith.muli %scan3A_632, %mul3A_742 : i32
        %swap3A_744 = arith.constant 5 : i32
        %swap3A_745 = arith.index_cast %rem3A_97 : i32 to index
        %swap3A_746 = arith.index_cast %swap3A_744 : i32 to index
        %swap3A_747 = arith.index_cast %mul3A_743 : i32 to index
        %swap3A_748 = tpu.vector_load %arg11[%swap3A_745, %swap3A_746, %swap3A_747] {strides = array<i32>} : memref<3x16x1024xf32, #tpu.memory_space<vmem>>, vector<16xf32>,
        tpu.vector_store %arg11[%swap3A_745, %swap3A_746, %swap3A_747], %add3A_741 {strides = array<i32>} : memref<3x16x1024xf32, #tpu.memory_space<vmem>>, vector<16xf32>,
        %mul3A_749 = arith.constant 16 : i32
        %mul3A_750 = arith.muli %scan3A_632, %mul3A_749 : i32
        %get3A_751 = arith.constant 6 : i32
        %get3A_752 = arith.index_cast %rem3A_97 : i32 to index
        %get3A_753 = arith.index_cast %get3A_751 : i32 to index
        %get3A_754 = arith.index_cast %mul3A_750 : i32 to index
        %get3A_755 = tpu.vector_load %arg11[%get3A_752, %get3A_753, %get3A_754] {strides = array<i32>} : memref<3x16x1024xf32, #tpu.memory_space<vmem>>, vector<16xf32>,
        %mul3A_756 = arith.mulf %get3A_755, %broadcast_in_dim3A_532 : vector<16xf32>
        %add3A_757 = arith.addf %mul3A_756, %broadcast_in_dim3A_580 : vector<16xf32>
        %mul3A_758 = arith.mulf %add3A_757, %get3A_637 : vector<16xf32>
        %add3A_759 = arith.addf %mul3A_758, %get3A_641 : vector<16xf32>
        %mul3A_760 = arith.constant 16 : i32
        %mul3A_761 = arith.muli %scan3A_632, %mul3A_760 : i32
        %swap3A_762 = arith.constant 6 : i32
        %swap3A_763 = arith.index_cast %rem3A_97 : i32 to index
        %swap3A_764 = arith.index_cast %swap3A_762 : i32 to index
        %swap3A_765 = arith.index_cast %mul3A_761 : i32 to index
        %swap3A_766 = tpu.vector_load %arg11[%swap3A_763, %swap3A_764, %swap3A_765] {strides = array<i32>} : memref<3x16x1024xf32, #tpu.memory_space<vmem>>, vector<16xf32>,
        tpu.vector_store %arg11[%swap3A_763, %swap3A_764, %swap3A_765], %add3A_759 {strides = array<i32>} : memref<3x16x1024xf32, #tpu.memory_space<vmem>>, vector<16xf32>,
        %mul3A_767 = arith.constant 16 : i32
        %mul3A_768 = arith.muli %scan3A_632, %mul3A_767 : i32
        %get3A_769 = arith.constant 7 : i32
        %get3A_770 = arith.index_cast %rem3A_97 : i32 to index
        %get3A_771 = arith.index_cast %get3A_769 : i32 to index
        %get3A_772 = arith.index_cast %mul3A_768 : i32 to index
        %get3A_773 = tpu.vector_load %arg11[%get3A_770, %get3A_771, %get3A_772] {strides = array<i32>} : memref<3x16x1024xf32, #tpu.memory_space<vmem>>, vector<16xf32>,
        %mul3A_774 = arith.mulf %get3A_773, %broadcast_in_dim3A_535 : vector<16xf32>
        %add3A_775 = arith.addf %mul3A_774, %broadcast_in_dim3A_583 : vector<16xf32>
        %mul3A_776 = arith.mulf %add3A_775, %get3A_637 : vector<16xf32>
        %add3A_777 = arith.addf %mul3A_776, %get3A_641 : vector<16xf32>
        %mul3A_778 = arith.constant 16 : i32
        %mul3A_779 = arith.muli %scan3A_632, %mul3A_778 : i32
        %swap3A_780 = arith.constant 7 : i32
        %swap3A_781 = arith.index_cast %rem3A_97 : i32 to index
        %swap3A_782 = arith.index_cast %swap3A_780 : i32 to index
        %swap3A_783 = arith.index_cast %mul3A_779 : i32 to index
        %swap3A_784 = tpu.vector_load %arg11[%swap3A_781, %swap3A_782, %swap3A_783] {strides = array<i32>} : memref<3x16x1024xf32, #tpu.memory_space<vmem>>, vector<16xf32>,
        tpu.vector_store %arg11[%swap3A_781, %swap3A_782, %swap3A_783], %add3A_777 {strides = array<i32>} : memref<3x16x1024xf32, #tpu.memory_space<vmem>>, vector<16xf32>,
        %mul3A_785 = arith.constant 16 : i32
        %mul3A_786 = arith.muli %scan3A_632, %mul3A_785 : i32
        %get3A_787 = arith.constant 8 : i32
        %get3A_788 = arith.index_cast %rem3A_97 : i32 to index
        %get3A_789 = arith.index_cast %get3A_787 : i32 to index
        %get3A_790 = arith.index_cast %mul3A_786 : i32 to index
        %get3A_791 = tpu.vector_load %arg11[%get3A_788, %get3A_789, %get3A_790] {strides = array<i32>} : memref<3x16x1024xf32, #tpu.memory_space<vmem>>, vector<16xf32>,
        %mul3A_792 = arith.mulf %get3A_791, %broadcast_in_dim3A_538 : vector<16xf32>
        %add3A_793 = arith.addf %mul3A_792, %broadcast_in_dim3A_586 : vector<16xf32>
        %mul3A_794 = arith.mulf %add3A_793, %get3A_637 : vector<16xf32>
        %add3A_795 = arith.addf %mul3A_794, %get3A_641 : vector<16xf32>
        %mul3A_796 = arith.constant 16 : i32
        %mul3A_797 = arith.muli %scan3A_632, %mul3A_796 : i32
        %swap3A_798 = arith.constant 8 : i32
        %swap3A_799 = arith.index_cast %rem3A_97 : i32 to index
        %swap3A_800 = arith.index_cast %swap3A_798 : i32 to index
        %swap3A_801 = arith.index_cast %mul3A_797 : i32 to index
        %swap3A_802 = tpu.vector_load %arg11[%swap3A_799, %swap3A_800, %swap3A_801] {strides = array<i32>} : memref<3x16x1024xf32, #tpu.memory_space<vmem>>, vector<16xf32>,
        tpu.vector_store %arg11[%swap3A_799, %swap3A_800, %swap3A_801], %add3A_795 {strides = array<i32>} : memref<3x16x1024xf32, #tpu.memory_space<vmem>>, vector<16xf32>,
        %mul3A_803 = arith.constant 16 : i32
        %mul3A_804 = arith.muli %scan3A_632, %mul3A_803 : i32
        %get3A_805 = arith.constant 9 : i32
        %get3A_806 = arith.index_cast %rem3A_97 : i32 to index
        %get3A_807 = arith.index_cast %get3A_805 : i32 to index
        %get3A_808 = arith.index_cast %mul3A_804 : i32 to index
        %get3A_809 = tpu.vector_load %arg11[%get3A_806, %get3A_807, %get3A_808] {strides = array<i32>} : memref<3x16x1024xf32, #tpu.memory_space<vmem>>, vector<16xf32>,
        %mul3A_810 = arith.mulf %get3A_809, %broadcast_in_dim3A_541 : vector<16xf32>
        %add3A_811 = arith.addf %mul3A_810, %broadcast_in_dim3A_589 : vector<16xf32>
        %mul3A_812 = arith.mulf %add3A_811, %get3A_637 : vector<16xf32>
        %add3A_813 = arith.addf %mul3A_812, %get3A_641 : vector<16xf32>
        %mul3A_814 = arith.constant 16 : i32
        %mul3A_815 = arith.muli %scan3A_632, %mul3A_814 : i32
        %swap3A_816 = arith.constant 9 : i32
        %swap3A_817 = arith.index_cast %rem3A_97 : i32 to index
        %swap3A_818 = arith.index_cast %swap3A_816 : i32 to index
        %swap3A_819 = arith.index_cast %mul3A_815 : i32 to index
        %swap3A_820 = tpu.vector_load %arg11[%swap3A_817, %swap3A_818, %swap3A_819] {strides = array<i32>} : memref<3x16x1024xf32, #tpu.memory_space<vmem>>, vector<16xf32>,
        tpu.vector_store %arg11[%swap3A_817, %swap3A_818, %swap3A_819], %add3A_813 {strides = array<i32>} : memref<3x16x1024xf32, #tpu.memory_space<vmem>>, vector<16xf32>,
        %mul3A_821 = arith.constant 16 : i32
        %mul3A_822 = arith.muli %scan3A_632, %mul3A_821 : i32
        %get3A_823 = arith.constant 10 : i32
        %get3A_824 = arith.index_cast %rem3A_97 : i32 to index
        %get3A_825 = arith.index_cast %get3A_823 : i32 to index
        %get3A_826 = arith.index_cast %mul3A_822 : i32 to index
        %get3A_827 = tpu.vector_load %arg11[%get3A_824, %get3A_825, %get3A_826] {strides = array<i32>} : memref<3x16x1024xf32, #tpu.memory_space<vmem>>, vector<16xf32>,
        %mul3A_828 = arith.mulf %get3A_827, %broadcast_in_dim3A_544 : vector<16xf32>
        %add3A_829 = arith.addf %mul3A_828, %broadcast_in_dim3A_592 : vector<16xf32>
        %mul3A_830 = arith.mulf %add3A_829, %get3A_637 : vector<16xf32>
        %add3A_831 = arith.addf %mul3A_830, %get3A_641 : vector<16xf32>
        %mul3A_832 = arith.constant 16 : i32
        %mul3A_833 = arith.muli %scan3A_632, %mul3A_832 : i32
        %swap3A_834 = arith.constant 10 : i32
        %swap3A_835 = arith.index_cast %rem3A_97 : i32 to index
        %swap3A_836 = arith.index_cast %swap3A_834 : i32 to index
        %swap3A_837 = arith.index_cast %mul3A_833 : i32 to index
        %swap3A_838 = tpu.vector_load %arg11[%swap3A_835, %swap3A_836, %swap3A_837] {strides = array<i32>} : memref<3x16x1024xf32, #tpu.memory_space<vmem>>, vector<16xf32>,
        tpu.vector_store %arg11[%swap3A_835, %swap3A_836, %swap3A_837], %add3A_831 {strides = array<i32>} : memref<3x16x1024xf32, #tpu.memory_space<vmem>>, vector<16xf32>,
        %mul3A_839 = arith.constant 16 : i32
        %mul3A_840 = arith.muli %scan3A_632, %mul3A_839 : i32
        %get3A_841 = arith.constant 11 : i32
        %get3A_842 = arith.index_cast %rem3A_97 : i32 to index
        %get3A_843 = arith.index_cast %get3A_841 : i32 to index
        %get3A_844 = arith.index_cast %mul3A_840 : i32 to index
        %get3A_845 = tpu.vector_load %arg11[%get3A_842, %get3A_843, %get3A_844] {strides = array<i32>} : memref<3x16x1024xf32, #tpu.memory_space<vmem>>, vector<16xf32>,
        %mul3A_846 = arith.mulf %get3A_845, %broadcast_in_dim3A_547 : vector<16xf32>
        %add3A_847 = arith.addf %mul3A_846, %broadcast_in_dim3A_595 : vector<16xf32>
        %mul3A_848 = arith.mulf %add3A_847, %get3A_637 : vector<16xf32>
        %add3A_849 = arith.addf %mul3A_848, %get3A_641 : vector<16xf32>
        %mul3A_850 = arith.constant 16 : i32
        %mul3A_851 = arith.muli %scan3A_632, %mul3A_850 : i32
        %swap3A_852 = arith.constant 11 : i32
        %swap3A_853 = arith.index_cast %rem3A_97 : i32 to index
        %swap3A_854 = arith.index_cast %swap3A_852 : i32 to index
        %swap3A_855 = arith.index_cast %mul3A_851 : i32 to index
        %swap3A_856 = tpu.vector_load %arg11[%swap3A_853, %swap3A_854, %swap3A_855] {strides = array<i32>} : memref<3x16x1024xf32, #tpu.memory_space<vmem>>, vector<16xf32>,
        tpu.vector_store %arg11[%swap3A_853, %swap3A_854, %swap3A_855], %add3A_849 {strides = array<i32>} : memref<3x16x1024xf32, #tpu.memory_space<vmem>>, vector<16xf32>,
        %mul3A_857 = arith.constant 16 : i32
        %mul3A_858 = arith.muli %scan3A_632, %mul3A_857 : i32
        %get3A_859 = arith.constant 12 : i32
        %get3A_860 = arith.index_cast %rem3A_97 : i32 to index
        %get3A_861 = arith.index_cast %get3A_859 : i32 to index
        %get3A_862 = arith.index_cast %mul3A_858 : i32 to index
        %get3A_863 = tpu.vector_load %arg11[%get3A_860, %get3A_861, %get3A_862] {strides = array<i32>} : memref<3x16x1024xf32, #tpu.memory_space<vmem>>, vector<16xf32>,
        %mul3A_864 = arith.mulf %get3A_863, %broadcast_in_dim3A_550 : vector<16xf32>
        %add3A_865 = arith.addf %mul3A_864, %broadcast_in_dim3A_598 : vector<16xf32>
        %mul3A_866 = arith.mulf %add3A_865, %get3A_637 : vector<16xf32>
        %add3A_867 = arith.addf %mul3A_866, %get3A_641 : vector<16xf32>
        %mul3A_868 = arith.constant 16 : i32
        %mul3A_869 = arith.muli %scan3A_632, %mul3A_868 : i32
        %swap3A_870 = arith.constant 12 : i32
        %swap3A_871 = arith.index_cast %rem3A_97 : i32 to index
        %swap3A_872 = arith.index_cast %swap3A_870 : i32 to index
        %swap3A_873 = arith.index_cast %mul3A_869 : i32 to index
        %swap3A_874 = tpu.vector_load %arg11[%swap3A_871, %swap3A_872, %swap3A_873] {strides = array<i32>} : memref<3x16x1024xf32, #tpu.memory_space<vmem>>, vector<16xf32>,
        tpu.vector_store %arg11[%swap3A_871, %swap3A_872, %swap3A_873], %add3A_867 {strides = array<i32>} : memref<3x16x1024xf32, #tpu.memory_space<vmem>>, vector<16xf32>,
        %mul3A_875 = arith.constant 16 : i32
        %mul3A_876 = arith.muli %scan3A_632, %mul3A_875 : i32
        %get3A_877 = arith.constant 13 : i32
        %get3A_878 = arith.index_cast %rem3A_97 : i32 to index
        %get3A_879 = arith.index_cast %get3A_877 : i32 to index
        %get3A_880 = arith.index_cast %mul3A_876 : i32 to index
        %get3A_881 = tpu.vector_load %arg11[%get3A_878, %get3A_879, %get3A_880] {strides = array<i32>} : memref<3x16x1024xf32, #tpu.memory_space<vmem>>, vector<16xf32>,
        %mul3A_882 = arith.mulf %get3A_881, %broadcast_in_dim3A_553 : vector<16xf32>
        %add3A_883 = arith.addf %mul3A_882, %broadcast_in_dim3A_601 : vector<16xf32>
        %mul3A_884 = arith.mulf %add3A_883, %get3A_637 : vector<16xf32>
        %add3A_885 = arith.addf %mul3A_884, %get3A_641 : vector<16xf32>
        %mul3A_886 = arith.constant 16 : i32
        %mul3A_887 = arith.muli %scan3A_632, %mul3A_886 : i32
        %swap3A_888 = arith.constant 13 : i32
        %swap3A_889 = arith.index_cast %rem3A_97 : i32 to index
        %swap3A_890 = arith.index_cast %swap3A_888 : i32 to index
        %swap3A_891 = arith.index_cast %mul3A_887 : i32 to index
        %swap3A_892 = tpu.vector_load %arg11[%swap3A_889, %swap3A_890, %swap3A_891] {strides = array<i32>} : memref<3x16x1024xf32, #tpu.memory_space<vmem>>, vector<16xf32>,
        tpu.vector_store %arg11[%swap3A_889, %swap3A_890, %swap3A_891], %add3A_885 {strides = array<i32>} : memref<3x16x1024xf32, #tpu.memory_space<vmem>>, vector<16xf32>,
        %mul3A_893 = arith.constant 16 : i32
        %mul3A_894 = arith.muli %scan3A_632, %mul3A_893 : i32
        %get3A_895 = arith.constant 14 : i32
        %get3A_896 = arith.index_cast %rem3A_97 : i32 to index
        %get3A_897 = arith.index_cast %get3A_895 : i32 to index
        %get3A_898 = arith.index_cast %mul3A_894 : i32 to index
        %get3A_899 = tpu.vector_load %arg11[%get3A_896, %get3A_897, %get3A_898] {strides = array<i32>} : memref<3x16x1024xf32, #tpu.memory_space<vmem>>, vector<16xf32>,
        %mul3A_900 = arith.mulf %get3A_899, %broadcast_in_dim3A_556 : vector<16xf32>
        %add3A_901 = arith.addf %mul3A_900, %broadcast_in_dim3A_604 : vector<16xf32>
        %mul3A_902 = arith.mulf %add3A_901, %get3A_637 : vector<16xf32>
        %add3A_903 = arith.addf %mul3A_902, %get3A_641 : vector<16xf32>
        %mul3A_904 = arith.constant 16 : i32
        %mul3A_905 = arith.muli %scan3A_632, %mul3A_904 : i32
        %swap3A_906 = arith.constant 14 : i32
        %swap3A_907 = arith.index_cast %rem3A_97 : i32 to index
        %swap3A_908 = arith.index_cast %swap3A_906 : i32 to index
        %swap3A_909 = arith.index_cast %mul3A_905 : i32 to index
        %swap3A_910 = tpu.vector_load %arg11[%swap3A_907, %swap3A_908, %swap3A_909] {strides = array<i32>} : memref<3x16x1024xf32, #tpu.memory_space<vmem>>, vector<16xf32>,
        tpu.vector_store %arg11[%swap3A_907, %swap3A_908, %swap3A_909], %add3A_903 {strides = array<i32>} : memref<3x16x1024xf32, #tpu.memory_space<vmem>>, vector<16xf32>,
        %mul3A_911 = arith.constant 16 : i32
        %mul3A_912 = arith.muli %scan3A_632, %mul3A_911 : i32
        %get3A_913 = arith.constant 15 : i32
        %get3A_914 = arith.index_cast %rem3A_97 : i32 to index
        %get3A_915 = arith.index_cast %get3A_913 : i32 to index
        %get3A_916 = arith.index_cast %mul3A_912 : i32 to index
        %get3A_917 = tpu.vector_load %arg11[%get3A_914, %get3A_915, %get3A_916] {strides = array<i32>} : memref<3x16x1024xf32, #tpu.memory_space<vmem>>, vector<16xf32>,
        %mul3A_918 = arith.mulf %get3A_917, %broadcast_in_dim3A_559 : vector<16xf32>
        %add3A_919 = arith.addf %mul3A_918, %broadcast_in_dim3A_607 : vector<16xf32>
        %mul3A_920 = arith.mulf %add3A_919, %get3A_637 : vector<16xf32>
        %add3A_921 = arith.addf %mul3A_920, %get3A_641 : vector<16xf32>
        %mul3A_922 = arith.constant 16 : i32
        %mul3A_923 = arith.muli %scan3A_632, %mul3A_922 : i32
        %swap3A_924 = arith.constant 15 : i32
        %swap3A_925 = arith.index_cast %rem3A_97 : i32 to index
        %swap3A_926 = arith.index_cast %swap3A_924 : i32 to index
        %swap3A_927 = arith.index_cast %mul3A_923 : i32 to index
        %swap3A_928 = tpu.vector_load %arg11[%swap3A_925, %swap3A_926, %swap3A_927] {strides = array<i32>} : memref<3x16x1024xf32, #tpu.memory_space<vmem>>, vector<16xf32>,
        tpu.vector_store %arg11[%swap3A_925, %swap3A_926, %swap3A_927], %add3A_921 {strides = array<i32>} : memref<3x16x1024xf32, #tpu.memory_space<vmem>>, vector<16xf32>,
        %scan3A_929 = arith.constant 0 : i32
        scf.yield %scan3A_929 : i32
      }
      %scan3A_614 = arith.constant 64 : i32
      %mul3A_615 = arith.constant 16 : i32
      %mul3A_616 = arith.muli %add3A_95, %mul3A_615 : i32
      %add3A_617 = arith.addi %mul3A_2, %mul3A_616 : i32
      %dma_start3A_618 = arith.constant 0 : i32
      %dma_start3A_619 = arith.constant 0 : i32
      %dma_start3A_620 = tpu.memref_slice %arg11[%rem3A_97, %dma_start3A_618, %dma_start3A_619] : memref<3x16x1024xf32, #tpu.memory_space<vmem>> -> memref<1x16x1024xf32, #tpu.memory_space<vmem>>
      %dma_start3A_621 = tpu.memref_squeeze %dma_start3A_620 : memref<1x16x1024xf32, #tpu.memory_space<vmem>> -> memref<16x1024xf32, #tpu.memory_space<vmem>>
      %dma_start3A_622 = arith.constant 0 : i32
      %dma_start3A_623 = tpu.memref_slice %arg7[%add3A_617, %dma_start3A_622] : memref<16384x1024xf32, #tpu.memory_space<hbm>> -> memref<16x1024xf32, #tpu.memory_space<hbm>>
      %dma_start3A_624 = tpu.memref_slice %arg15[%rem3A_97] : memref<3x!tpu.dma_semaphore, #tpu.memory_space<semaphore_mem>> -> memref<1x!tpu.dma_semaphore, #tpu.memory_space<semaphore_mem>>
      %dma_start3A_625 = tpu.memref_squeeze %dma_start3A_624 : memref<1x!tpu.dma_semaphore, #tpu.memory_space<semaphore_mem>> -> memref<!tpu.dma_semaphore, #tpu.memory_space<semaphore_mem>>
      %dma_start3A_626 = arith.constant 0 : i32
      %dma_start3A_627 = tpu.memref_slice %arg7[%add3A_617, %dma_start3A_626] : memref<16384x1024xf32, #tpu.memory_space<hbm>> -> memref<16x1024xf32, #tpu.memory_space<hbm>>
      %dma_start3A_628 = arith.constant 0 : i32
      %dma_start3A_629 = arith.constant 0 : i32
      %dma_start3A_630 = tpu.memref_slice %arg11[%rem3A_97, %dma_start3A_628, %dma_start3A_629] : memref<3x16x1024xf32, #tpu.memory_space<vmem>> -> memref<1x16x1024xf32, #tpu.memory_space<vmem>>
      %dma_start3A_631 = tpu.memref_squeeze %dma_start3A_630 : memref<1x16x1024xf32, #tpu.memory_space<vmem>> -> memref<16x1024xf32, #tpu.memory_space<vmem>>
      tpu.enqueue_dma source(%dma_start3A_631 : memref<16x1024xf32, #tpu.memory_space<vmem>>) target(%dma_start3A_627 : memref<16x1024xf32, #tpu.memory_space<hbm>>) target_semaphore(%dma_start3A_625 : memref<!tpu.dma_semaphore, #tpu.memory_space<semaphore_mem>>)
    }
    %scan3A_37 = arith.constant 32 : i32
    %dma_wait3A = arith.constant 1 : i32
    %dma_wait3A_38 = arith.constant 1 : i32
    %dma_wait3A_39 = arith.constant 0 : i32
    %dma_wait3A_40 = arith.constant 0 : i32
    %dma_wait3A_41 = tpu.memref_slice %arg11[%dma_wait3A, %dma_wait3A_39, %dma_wait3A_40] : memref<3x16x1024xf32, #tpu.memory_space<vmem>> -> memref<1x16x1024xf32, #tpu.memory_space<vmem>>
    %dma_wait3A_42 = tpu.memref_squeeze %dma_wait3A_41 : memref<1x16x1024xf32, #tpu.memory_space<vmem>> -> memref<16x1024xf32, #tpu.memory_space<vmem>>
    %dma_wait3A_43 = arith.constant 0 : i32
    %dma_wait3A_44 = arith.constant 0 : i32
    %dma_wait3A_45 = tpu.memref_slice %arg7[%dma_wait3A_43, %dma_wait3A_44] : memref<16384x1024xf32, #tpu.memory_space<hbm>> -> memref<16x1024xf32, #tpu.memory_space<hbm>>
    %dma_wait3A_46 = tpu.memref_slice %arg15[%dma_wait3A_38] : memref<3x!tpu.dma_semaphore, #tpu.memory_space<semaphore_mem>> -> memref<1x!tpu.dma_semaphore, #tpu.memory_space<semaphore_mem>>
    %dma_wait3A_47 = tpu.memref_squeeze %dma_wait3A_46 : memref<1x!tpu.dma_semaphore, #tpu.memory_space<semaphore_mem>> -> memref<!tpu.dma_semaphore, #tpu.memory_space<semaphore_mem>>
    %dma_wait3A_48 = arith.constant 0 : i32
    %dma_wait3A_49 = arith.constant 0 : i32
    %dma_wait3A_50 = tpu.memref_slice %arg7[%dma_wait3A_48, %dma_wait3A_49] : memref<16384x1024xf32, #tpu.memory_space<hbm>> -> memref<16x1024xf32, #tpu.memory_space<hbm>>
    %dma_wait3A_51 = arith.constant 0 : i32
    %dma_wait3A_52 = arith.constant 0 : i32
    %dma_wait3A_53 = tpu.memref_slice %arg11[%dma_wait3A, %dma_wait3A_51, %dma_wait3A_52] : memref<3x16x1024xf32, #tpu.memory_space<vmem>> -> memref<1x16x1024xf32, #tpu.memory_space<vmem>>
    %dma_wait3A_54 = tpu.memref_squeeze %dma_wait3A_53 : memref<1x16x1024xf32, #tpu.memory_space<vmem>> -> memref<16x1024xf32, #tpu.memory_space<vmem>>
    tpu.wait_dma2 semaphore(%dma_wait3A_47 : memref<!tpu.dma_semaphore, #tpu.memory_space<semaphore_mem>>) src(%dma_wait3A_54 : memref<16x1024xf32, #tpu.memory_space<vmem>>) dst(%dma_wait3A_50 : memref<16x1024xf32, #tpu.memory_space<hbm>>)
    %dma_wait3A_55 = arith.constant 0 : i32
    %dma_wait3A_56 = arith.constant 0 : i32
    %dma_wait3A_57 = arith.constant 0 : i32
    %dma_wait3A_58 = arith.constant 0 : i32
    %dma_wait3A_59 = tpu.memref_slice %arg11[%dma_wait3A_55, %dma_wait3A_57, %dma_wait3A_58] : memref<3x16x1024xf32, #tpu.memory_space<vmem>> -> memref<1x16x1024xf32, #tpu.memory_space<vmem>>
    %dma_wait3A_60 = tpu.memref_squeeze %dma_wait3A_59 : memref<1x16x1024xf32, #tpu.memory_space<vmem>> -> memref<16x1024xf32, #tpu.memory_space<vmem>>
    %dma_wait3A_61 = arith.constant 0 : i32
    %dma_wait3A_62 = arith.constant 0 : i32
    %dma_wait3A_63 = tpu.memref_slice %arg7[%dma_wait3A_61, %dma_wait3A_62] : memref<16384x1024xf32, #tpu.memory_space<hbm>> -> memref<16x1024xf32, #tpu.memory_space<hbm>>
    %dma_wait3A_64 = tpu.memref_slice %arg15[%dma_wait3A_56] : memref<3x!tpu.dma_semaphore, #tpu.memory_space<semaphore_mem>> -> memref<1x!tpu.dma_semaphore, #tpu.memory_space<semaphore_mem>>
    %dma_wait3A_65 = tpu.memref_squeeze %dma_wait3A_64 : memref<1x!tpu.dma_semaphore, #tpu.memory_space<semaphore_mem>> -> memref<!tpu.dma_semaphore, #tpu.memory_space<semaphore_mem>>
    %dma_wait3A_66 = arith.constant 0 : i32
    %dma_wait3A_67 = arith.constant 0 : i32
    %dma_wait3A_68 = tpu.memref_slice %arg7[%dma_wait3A_66, %dma_wait3A_67] : memref<16384x1024xf32, #tpu.memory_space<hbm>> -> memref<16x1024xf32, #tpu.memory_space<hbm>>
    %dma_wait3A_69 = arith.constant 0 : i32
    %dma_wait3A_70 = arith.constant 0 : i32
    %dma_wait3A_71 = tpu.memref_slice %arg11[%dma_wait3A_55, %dma_wait3A_69, %dma_wait3A_70] : memref<3x16x1024xf32, #tpu.memory_space<vmem>> -> memref<1x16x1024xf32, #tpu.memory_space<vmem>>
    %dma_wait3A_72 = tpu.memref_squeeze %dma_wait3A_71 : memref<1x16x1024xf32, #tpu.memory_space<vmem>> -> memref<16x1024xf32, #tpu.memory_space<vmem>>
    tpu.wait_dma2 semaphore(%dma_wait3A_65 : memref<!tpu.dma_semaphore, #tpu.memory_space<semaphore_mem>>) src(%dma_wait3A_72 : memref<16x1024xf32, #tpu.memory_space<vmem>>) dst(%dma_wait3A_68 : memref<16x1024xf32, #tpu.memory_space<hbm>>)
    %dma_wait3A_73 = arith.constant 2 : i32
    %dma_wait3A_74 = arith.constant 2 : i32
    %dma_wait3A_75 = arith.constant 0 : i32
    %dma_wait3A_76 = arith.constant 0 : i32
    %dma_wait3A_77 = tpu.memref_slice %arg11[%dma_wait3A_73, %dma_wait3A_75, %dma_wait3A_76] : memref<3x16x1024xf32, #tpu.memory_space<vmem>> -> memref<1x16x1024xf32, #tpu.memory_space<vmem>>
    %dma_wait3A_78 = tpu.memref_squeeze %dma_wait3A_77 : memref<1x16x1024xf32, #tpu.memory_space<vmem>> -> memref<16x1024xf32, #tpu.memory_space<vmem>>
    %dma_wait3A_79 = arith.constant 0 : i32
    %dma_wait3A_80 = arith.constant 0 : i32
    %dma_wait3A_81 = tpu.memref_slice %arg7[%dma_wait3A_79, %dma_wait3A_80] : memref<16384x1024xf32, #tpu.memory_space<hbm>> -> memref<16x1024xf32, #tpu.memory_space<hbm>>
    %dma_wait3A_82 = tpu.memref_slice %arg15[%dma_wait3A_74] : memref<3x!tpu.dma_semaphore, #tpu.memory_space<semaphore_mem>> -> memref<1x!tpu.dma_semaphore, #tpu.memory_space<semaphore_mem>>
    %dma_wait3A_83 = tpu.memref_squeeze %dma_wait3A_82 : memref<1x!tpu.dma_semaphore, #tpu.memory_space<semaphore_mem>> -> memref<!tpu.dma_semaphore, #tpu.memory_space<semaphore_mem>>
    %dma_wait3A_84 = arith.constant 0 : i32
    %dma_wait3A_85 = arith.constant 0 : i32
    %dma_wait3A_86 = tpu.memref_slice %arg7[%dma_wait3A_84, %dma_wait3A_85] : memref<16384x1024xf32, #tpu.memory_space<hbm>> -> memref<16x1024xf32, #tpu.memory_space<hbm>>
    %dma_wait3A_87 = arith.constant 0 : i32
    %dma_wait3A_88 = arith.constant 0 : i32
    %dma_wait3A_89 = tpu.memref_slice %arg11[%dma_wait3A_73, %dma_wait3A_87, %dma_wait3A_88] : memref<3x16x1024xf32, #tpu.memory_space<vmem>> -> memref<1x16x1024xf32, #tpu.memory_space<vmem>>
    %dma_wait3A_90 = tpu.memref_squeeze %dma_wait3A_89 : memref<1x16x1024xf32, #tpu.memory_space<vmem>> -> memref<16x1024xf32, #tpu.memory_space<vmem>>
    tpu.wait_dma2 semaphore(%dma_wait3A_83 : memref<!tpu.dma_semaphore, #tpu.memory_space<semaphore_mem>>) src(%dma_wait3A_90 : memref<16x1024xf32, #tpu.memory_space<vmem>>) dst(%dma_wait3A_86 : memref<16x1024xf32, #tpu.memory_space<hbm>>)
    return
  }
}

</mosaic_0001>

<sc_bundles>
// kernel: kernel.3.cloned.1.call-start
scs
__scs_entry_jumppad:
0x0: {  	(pc) =	sbr.rel $0x88, $3  }
0x1: {  	(tag) =	ssettag $0x0;
	lr =	simm.s32 $0x1  }
0x2: {  	[smem:$0x3F9C] =	sst lr;
	_ =	strace $0xD0000000  }
0x3: {  	_ = 	snop  }
0x4: {  	_ = 	snop  }
0x5: {  	_ = 	snop  }
0x6: {  	_ = 	snop  }
0x7: {  	_ = 	snop  }
__scs_overlays_trampoline_lowered:
0x8: {  	[smem:$0x3FAB] =	sst s0  }
0x9: {  	[smem:$0x3FAC] =	sst s1  }
0xa: {  	[smem:$0x3FAD] =	sst s2  }
0xb: {  	[smem:$0x3FAE] =	sst s3  }
0xc: {  	[smem:$0x3FAF] =	sst s4  }
0xd: {  	[smem:$0x3FB0] =	sst s5  }
0xe: {  	[smem:$0x3FB1] =	sst s6  }
0xf: {  	[smem:$0x3FB2] =	sst s7  }
0x10: {  	[smem:$0x3FB3] =	sst s8  }
0x11: {  	[smem:$0x3FB4] =	sst s9;
	s0 =	simm.s32 @!p0 $0x0  }
0x12: {  	s1 =	sld [smem:$0x3F9A];
	s0 =	simm.s32 @p0 $0x1  }
0x13: {  	[smem:$0x3FB5] =	sst s0;
	s0 =	simm.s32 @!p1 $0x0  }
0x14: {  	s2 =	sld [smem:$0x3F99];
	s0 =	simm.s32 @p1 $0x1  }
0x15: {  	[smem:$0x3FB6] =	sst s0;
	s0 =	simm.s32 @!p2 $0x0  }
0x16: {  	s3 =	sld [smem:$0x3FDB];
	s0 =	simm.s32 @p2 $0x1  }
0x17: {  	s4 =	simm.s32 $0x1BF5;
	[smem:$0x3FB8] =	sst s0  }
0x18: {  	s0 =	sld [smem:$0x3F9B];
	_ =	swait.ge [sflag:s4], $0x0  }
0x19: {  	s7 =	sld [smem:$0x3F9C]  }
0x1a: {  	s8 =	sadd.s32 $0xFFFFE003, lr  }
0x1b: {  	s9 =	sadd.s32 $0xFFFFFEF7, lr;
	s5 =	simm.s32 $0xFFFFFFFF;
	p2 =	slt.u32 s8, $0xFFFFF086  }
0x1c: {  	p1 =	slt.u32 s9, $0xF7A;
	s5 =	simm.s32 @!p2 $0x0  }
0x1d: {  	s5 =	simm.s32 @p1 $0x1;
	p0 =	seq.s32 s7, s2  }
0x1e: {  	s7 =	smul.u32 @!p0 $0xF7A, s2;
	p2 =	seq.s32 @!p0 s5, $0x0  }
0x1f: {  	s9 =	smul.u32 $0xF7A, s1;
	s8 =	simm.s32 @!p0 $0x1BF5;
	p2 =	por !p2, p0  }
0x20: {  	[sflag:s8] =	ssyncset.s32 @!p0 $0xFFFFF086;
	s6 =	sadd.s32 @!p0 s3, s7;
	s7 =	simm.s32 @!p0 $0x108  }
0x21: {  	s3 =	sadd.s32 s3, s9;
	s6 =	sadd.s32 @!p0 $0x88, s6;
	s7 =	simm.s32 @p2 $0x1082  }
0x22: {  	[simem:s7], [sflag:s8] =	dma.local @!p0 [hbm:s6], $0xF7A  }
0x23: {  	s9 =	sor.u32 $0xD0000000, s2;
	s6 =	simm.s32 $0x108;
	_ =	swait.ge @!p0 [sflag:s8], $0x0  }
0x24: {  	s3 =	sadd.s32 $0x88, s3;
	s6 =	simm.s32 @!p1 $0x1082;
	[sflag:s4] =	ssyncset.s32 $0xFFFFF086  }
0x25: {  	[simem:s6], [sflag:s4] =	dma.local [hbm:s3], $0xF7A  }
0x26: {  	[smem:$0x3F9C] =	sst s1;
	(tag) =	ssettag s2;
	_ =	strace s9  }
0x27: {  	s1 =	sld [smem:$0x3FAC]  }
0x28: {  	s2 =	sld [smem:$0x3FAD]  }
0x29: {  	s4 =	sld [smem:$0x3FAF]  }
0x2a: {  	p0 =	seq.s32 s5, $0x0;
	s5 =	sld [smem:$0x3FB0]  }
0x2b: {  	s6 =	sld [smem:$0x3FB1]  }
0x2c: {  	s7 =	sld [smem:$0x3FB2]  }
0x2d: {  	s3 =	simm.s32 $0x108;
	s8 =	sld [smem:$0x3FB3]  }
0x2e: {  	s3 =	simm.s32 @!p0 $0x1082;
	s9 =	sld [smem:$0x3FB4]  }
0x2f: {  	lr =	sadd.s32 s0, s3;
	s0 =	sld [smem:$0x3FAB]  }
0x30: {  	s3 =	sld [smem:$0x3FAE]  }
0x31: {  	[smem:$0x3FB7] =	sst s10  }
0x32: {  	s10 =	sld [smem:$0x3FB5];
	_ =	sdelay $0x3  }
0x33: {  	p0 =	seq.s32 s10, $0x1;
	s10 =	sld [smem:$0x3FB7];
	_ =	sdelay $0x3  }
0x34: {  	[smem:$0x3FB7] =	sst s10  }
0x35: {  	s10 =	sld [smem:$0x3FB6];
	_ =	sdelay $0x3  }
0x36: {  	p1 =	seq.s32 s10, $0x1;
	s10 =	sld [smem:$0x3FB7];
	_ =	sdelay $0x3  }
0x37: {  	[smem:$0x3FB7] =	sst s10  }
0x38: {  	s10 =	sld [smem:$0x3FB8]  }
0x39: {  	_ = 	snop;
	(pc) =	sbr.ind lr, $3  }
0x3a: {  	_ = 	snop  }
0x3b: {  	_ = 	snop  }
0x3c: {  	p2 =	seq.s32 s10, $0x1;
	s10 =	sld [smem:$0x3FB7]  }
0x3d: {  	_ =	shalt  }
0x3e: {  	_ =	shalt  }
0x3f: {  	_ =	shalt  }
0x40: {  	_ =	shalt  }
0x41: {  	_ =	shalt  }
0x42: {  	_ =	shalt  }
0x43: {  	_ =	shalt  }
0x44: {  	_ =	shalt  }
0x45: {  	_ =	shalt  }
0x46: {  	_ =	shalt  }
0x47: {  	_ =	shalt  }
0x48: {  	_ =	shalt  }
0x49: {  	_ =	shalt  }
0x4a: {  	_ =	shalt  }
0x4b: {  	_ =	shalt  }
0x4c: {  	_ =	shalt  }
0x4d: {  	_ =	shalt  }
0x4e: {  	_ =	shalt  }
0x4f: {  	_ =	shalt  }
0x50: {  	_ =	shalt  }
0x51: {  	_ =	shalt  }
0x52: {  	_ =	shalt  }
0x53: {  	_ =	shalt  }
0x54: {  	_ =	shalt  }
0x55: {  	_ =	shalt  }
0x56: {  	_ =	shalt  }
0x57: {  	_ =	shalt  }
0x58: {  	_ =	shalt  }
0x59: {  	_ =	shalt  }
0x5a: {  	_ =	shalt  }
0x5b: {  	_ =	shalt  }
0x5c: {  	_ =	shalt  }
0x5d: {  	_ =	shalt  }
0x5e: {  	_ =	shalt  }
0x5f: {  	_ =	shalt  }
0x60: {  	_ =	shalt  }
0x61: {  	_ =	shalt  }
0x62: {  	_ =	shalt  }
0x63: {  	_ =	shalt  }
0x64: {  	_ =	shalt  }
0x65: {  	_ =	shalt  }
0x66: {  	_ =	shalt  }
0x67: {  	_ =	shalt  }
0x68: {  	_ =	shalt  }
0x69: {  	_ =	shalt  }
0x6a: {  	_ =	shalt  }
0x6b: {  	_ =	shalt  }
0x6c: {  	_ =	shalt  }
0x6d: {  	_ =	shalt  }
0x6e: {  	_ =	shalt  }
0x6f: {  	_ =	shalt  }
0x70: {  	_ =	shalt  }
0x71: {  	_ =	shalt  }
0x72: {  	_ =	shalt  }
0x73: {  	_ =	shalt  }
0x74: {  	_ =	shalt  }
0x75: {  	_ =	shalt  }
0x76: {  	_ =	shalt  }
0x77: {  	_ =	shalt  }
0x78: {  	_ =	shalt  }
0x79: {  	_ =	shalt  }
0x7a: {  	_ =	shalt  }
0x7b: {  	_ =	shalt  }
0x7c: {  	_ =	shalt  }
0x7d: {  	_ =	shalt  }
0x7e: {  	_ =	shalt  }
0x7f: {  	_ =	shalt  }
0x80: {  	_ =	shalt  }
0x81: {  	_ =	shalt  }
0x82: {  	_ =	shalt  }
0x83: {  	_ =	shalt  }
0x84: {  	_ =	shalt  }
0x85: {  	_ =	shalt  }
0x86: {  	_ =	shalt  }
0x87: {  	_ =	shalt  }
.Lfunc_end0:
.L_simem_size_0:
called_computation_lowered:
.L_overlay_start_0:
0x88: {  	s2 =	sld [smem:$0x3FD9]  }
0x89: {  	s3 =	sld [smem:$0x3FFE];
	_ =	sdelay $0x1  }
0x8a: {  	s1 =	srdreg.scid  }
0x8b: {  	s0 =	sand.u32 $0x1, s1  }
0x8c: {  	s17 =	sshll.u32 s0, $0xA;
	s2 =	sadd.s32 s3, s2  }
0x8d: {  	s2 =	sadd.s32 s2, s17  }
0x8e: {  	[smem:$0x3FC3] =	sst s2  }
0x8f: {  	_ = 	snop  }
0x90: {  	s2 =	sld [smem:$0x3FC8]  }
0x91: {  	s18 =	sld [smem:$0x3FC7]  }
0x92: {  	s4 =	sld [smem:$0x3FC6]  }
0x93: {  	s5 =	sld [smem:$0x3FC5]  }
0x94: {  	s6 =	sld [smem:$0x3FD0];
	(tm) =	ssettm $0x1  }
0x95: {  	s7 =	sld [smem:$0x3FFB];
	_ =	sdelay $0x3  }
0x96: {  	_ =	strace s7  }
0x97: {  	s7 =	sld [smem:$0x3FFC];
	_ =	sdelay $0x3  }
0x98: {  	_ =	strace s7  }
0x99: {  	s7 =	sld [smem:$0x3FFD];
	_ =	sdelay $0x3  }
0x9a: {  	_ =	strace s7  }
0x9b: {  	_ =	strace $0x8FFFFFFF  }
0x9c: {  	s19 =	sld [smem:$0x3FDB];
	_ =	sdelay $0x1  }
0x9d: {  	s8 =	simm.s32 $_scs_section_size  }
0x9e: {  	s9 =	simm.s32 $_size__tile_overlayer_lowered;
	s10 =	simm.s32 $_tile_overlayer_lowered  }
0x9f: {  	s22 =	simm.s32 $0x1BFF;
	s21 =	sshll.u32 s10, $0x1;
	s7 =	sadd.s32 s8, s19  }
0xa0: {  	s11 =	simm.s32 $0x0;
	s20 =	sshll.u32 s9, $0x1;
	s9 =	sadd.s32 s21, s7  }
0xa1: {  	[timem:s11], [sflag:s22] =	dma.local [hbm:s9], s20  }
0xa2: {  	_ =	swait.ge [sflag:s22], s20  }
0xa3: {  	s8 =	ssub.s32 $0x0, s20;
	[sflag:s22] =	ssyncset.done $0x0  }
0xa4: {  	[sflag:s22] =	ssyncadd.s32 s8;
	_ =	sdelay $0x1  }
0xa5: {  	s23 =	simm.s32 $0x1B8B  }
0xa6: {  	_ =	swait.ge [sflag:s23], $0x1  }
0xa7: {  	[sflag:s23] =	ssyncset.done $0x0  }
0xa8: {  	s25 =	simm.s32 $0x1B8E;
	s24 =	sld [smem:$0x3FFE];
	[sflag:s23] =	ssyncadd.s32 $0xFFFFFFFF  }
0xa9: {  	s26 =	simm.s32 $execute0_lowered;
	[smem:$0x3FD2] =	sst s25  }
0xaa: {  	s9 =	sshll.u32 s26, $0x1;
	_ =	strace $0x80000046;
	[dreg:$0x1] =	wrdreg $0xFFFFFFFF  }
0xab: {  	s28 =	simm.s32 $_size_execute0_lowered;
	s7 =	sadd.s32 s7, s9;
	[dreg:$0x0] =	wrdreg $0x0  }
0xac: {  	s9 =	sshll.u32 s28, $0x1;
	[dreg:$0x2] =	wrdreg s7  }
0xad: {  	[dreg:$0x3] =	wrdreg s9  }
0xae: {  	[dreg:$0x4] =	wrdreg $0xC0  }
0xaf: {  	_ =	task [dreg:s11], $0x5FFFF  }
0xb0: {  	[dreg:$0x1] =	wrdreg $0xFFFFFFFF  }
0xb1: {  	[dreg:$0x0] =	wrdreg $0x60  }
0xb2: {  	[dreg:$0x2] =	wrdreg s24  }
0xb3: {  	[dreg:$0x3] =	wrdreg s2  }
0xb4: {  	[dreg:$0x4] =	wrdreg s18  }
0xb5: {  	[dreg:$0x5] =	wrdreg s4  }
0xb6: {  	[dreg:$0x6] =	wrdreg s5  }
0xb7: {  	[dreg:$0x7] =	wrdreg s6  }
0xb8: {  	[dreg:$0x8] =	wrdreg $0x9  }
0xb9: {  	_ =	task.clear_ibuf [dreg:s11], $0x9FFFF;
	_ =	strace $0x90000046  }
0xba: {  	s29 =	simm.s32 $0x9;
	_ =	strace $0x80000048  }
0xbb: {  	_ =	swait.ge [sflag:s29], $0x1  }
0xbc: {  	[sflag:s29] =	ssyncadd.s32 $0xFFFFFFFF  }
0xbd: {  	_ =	strace $0x90000048  }
0xbe: {  	_ =	sfence  }
0xbf: {  	s30 =	sld [smem:$0x0];
	_ =	sdelay $0x2  }
0xc0: {  	s31 =	sshll.u32 s1, $0xD;
	s1 =	sshrl.u32 s1, $0x2  }
0xc1: {  	s3 =	sand.u32 $0x4000, s31;
	s1 =	sadd.s32 s1, s30  }
0xc2: {  	s0 =	sor.u32 s3, s0;
	s1 =	sshll.u32 s1, $0x11  }
0xc3: {  	s0 =	sor.u32 s1, s0  }
0xc4: {  	s0 =	sadd.s32 $0x8F2B, s0  }
0xc5: {  	[sflag:s0] =	ssyncadd.remote.s32 $0x1  }
0xc6: {  	_ =	sfence.sel $0xFFFF  }
0xc7: {  	[dreg:$0x0] =	wrdreg $0xFFFFFFFF;
	(pc) =	sbr.abs _section_cstart, $3  }
0xc8: {  	[dreg:$0x1] =	wrdreg $0xFFFFFFFF  }
0xc9: {  	_ =	task.clear_ibuf [dreg:s11], $0x2FFFF;
	_ =	strace $0x9FFFFFFF  }
0xca: {  	(tm) =	ssettm $0x7FFFFFFF  }
0xcb: {  	_ =	shalt  }
tec
execute0_lowered:
.L_overlay_start_1:
0x0: {  	(tag) =	ssettag $0x1  }
0x1: {  	s2 =	rddreg [dreg:$0x0]  }
0x2: {  	s0 =	rddreg [dreg:$0x1]  }
0x3: {  	s1 =	rddreg [dreg:$0x2];
	s3 =	srdreg.scid  }
0x4: {  	s4 =	rddreg [dreg:$0x5];
	s5 =	stileid.u32;
	s6 =	simm.s32 $0x0  }
0x5: {  	v3 =	vlaneseq.u32;
	s15 =	simm.s32 $0x7;
	s28 =	simm.s32 $0x18A00;
	s3 =	sand.u32 $0x1, s3  }
0x6: {  	s5 =	sshll.u32 s5, $0xA;
	[smem:$0x7FF] =	sst s6;
	s9 =	sadd.s32 $0x100, s0;
	v2 =	vshrl.u32 v3, $0x3;
	v1 =	vand.u32 $0x7, v3  }
0x7: {  	v0 =	vmul.u32 $0x80, v3;
	s7 =	sshll.u32 s3, $0x9;
	s3 =	ssub.s32 $0x2, s3;
	_ =	strace $0x80000047;
	[tilespmem:$0x1FFA0] =	vst v1;
	v1 =	vmul.u32 $0x8, v2  }
0x8: {  	s10 =	sadd.s32 $0x200, s0;
	s5 =	sor.u32 s7, s5;
	s8 =	sshrl.u32 s3, $0x1  }
0x9: {  	vm0 =	vmmov $0xffff;
	s11 =	sadd.s32 $0x300, s0;
	v7 =	vor.u32 $0x2, v0;
	s7 =	sshrl.u32 s5, $0x3;
	s3 =	ssub.s32 s3, s8;
	[tilespmem:$0x1FFB0] =	vst v1;
	v1 =	vor.u32 $0x8, v3  }
0xa: {  	v8 =	vor.u32 $0x12, v0;
	v9 =	vor.u32 $0x3, v0;
	s2 =	sadd.s32 s7, s2;
	s7 =	sand.u32 $0xE00, s5;
	s31 =	smax.u32 s3, $0x1;
	[tilespmem:$0x1FFC0] =	vst v1;
	v1 =	vor.u32 $0x10, v0  }
0xb: {  	v10 =	vor.u32 $0x13, v0;
	v11 =	vor.u32 $0x4, v0;
	s2 =	sadd.s32 $0x400, s2;
	s30 =	sshll.u32 s7, $0x7;
	[dreg:$0x9] =	wrdreg s31;
	[tilespmem:$0x1FFD0] =	vst v1;
	v1 =	vor.u32 $0x1, v0  }
0xc: {  	v12 =	vor.u32 $0x14, v0;
	v13 =	vor.u32 $0x5, v0;
	s5 =	sshll.u32 s5, $0x7;
	[dreg:$0x7] =	wrdreg s2;
	s2 =	sadd.s32 s1, s30;
	[tilespmem:$0x1FFE0] =	vst v1;
	v1 =	vor.u32 $0x11, v0  }
0xd: {  	v14 =	vor.u32 $0x15, v0;
	v15 =	vor.u32 $0x6, v0;
	v16 =	vor.u32 $0x16, v0;
	s13 =	sadd.s32 s4, s5;
	[dreg:$0x8] =	wrdreg s2;
	[tilespmem:$0x1FFF0] =	vst v1;
	s2 =	simm.s32 $0x0  }
.LBB2_1:
0xe: {  	s3 =	rddreg [dreg:$0x7]  }
0xf: {  	[tilespmem:s6], [sflag:$0x7] =	stream.linear.gather [hbm4b:s3+s6], $0x200, $0x38;
	[tilespmem:$0x19200] =	vst v63  }
0x10: {  	_ =	swait.ge [sflag:s15], $0x200  }
0x11: {  	[sflag:s15] =	ssyncset.done $0x0  }
0x12: {  	[sflag:s15] =	ssyncadd.s32 $0xFFFFFE00  }
0x13: {  	s4 =	simm.s32 $0x200;
	s17 =	rddreg [dreg:$0x3]  }
0x14: {  	[tilespmem:s4], [sflag:$0x7] =	stream.linear.gather [hbm4b:s17+s6], $0x400, $0x38;
	[tilespmem:$0x19200] =	vst v63  }
0x15: {  	_ =	swait.ge [sflag:s15], $0x400  }
0x16: {  	[sflag:s15] =	ssyncset.done $0x0  }
0x17: {  	[sflag:s15] =	ssyncadd.s32 $0xFFFFFC00  }
0x18: {  	s19 =	simm.s32 $0x600;
	s18 =	rddreg [dreg:$0x4]  }
0x19: {  	[tilespmem:s19], [sflag:$0x7] =	stream.linear.gather [hbm4b:s18+s6], $0x400, $0x38;
	[tilespmem:$0x19200] =	vst v63  }
0x1a: {  	_ =	swait.ge [sflag:s15], $0x400  }
0x1b: {  	[sflag:s15] =	ssyncset.done $0x0  }
0x1c: {  	[sflag:s15] =	ssyncadd.s32 $0xFFFFFC00  }
0x1d: {  	v17 =	vld [tilespmem:$0x0];
	_ =	sdelay $0x2  }
0x1e: {  	v1 =	vld [tilespmem:$0x1FFA0];
	_ =	sdelay $0x1  }
0x1f: {  	v18 =	vshll.u32 v17, $0x3  }
0x20: {  	v17 =	vand.u32 $0x7, v17;
	v18 =	vand.u32 $0xFFFFFFC0, v18  }
0x21: {  	v17 =	vor.u32 v17, v18  }
0x22: {  	v18 =	vperm.xlane v17, v1;
	v1 =	vld [tilespmem:$0x1FFB0];
	_ =	sdelay $0x4  }
0x23: {  	v18 =	vadd.s32 v1, v18  }
0x24: {  	v2 =	vld [tilespmem:$0x1FFC0];
	_ =	sdelay $0x2  }
0x25: {  	s20 =	simm.s32 $0xA00  }
0x26: {  	[tilespmem:s20], [sflag:$0x1] =	stream.indirect_vreg.gather [hbm4b:s0+s6], $0x80, v18, vm0, $0xb8;
	[tilespmem:$0x19200] =	vst v63  }
0x27: {  	s21 =	simm.s32 $0x1200;
	v17 =	vperm.xlane v17, v2  }
0x28: {  	[tilespmem:s21], [sflag:$0x1] =	stream.indirect_vreg.gather [hbm4b:s9+s6], $0x80, v18, vm0, $0xb8;
	[tilespmem:$0x19200] =	vst v63  }
0x29: {  	s22 =	simm.s32 $0x1A00;
	v17 =	vadd.s32 v1, v17  }
0x2a: {  	[tilespmem:s22], [sflag:$0x1] =	stream.indirect_vreg.gather [hbm4b:s10+s6], $0x80, v18, vm0, $0xb8;
	[tilespmem:$0x19200] =	vst v63  }
0x2b: {  	s23 =	simm.s32 $0x2200  }
0x2c: {  	[tilespmem:s23], [sflag:$0x1] =	stream.indirect_vreg.gather [hbm4b:s11+s6], $0x80, v18, vm0, $0xb8;
	[tilespmem:$0x19200] =	vst v63  }
0x2d: {  	s24 =	simm.s32 $0x2A00  }
0x2e: {  	[tilespmem:s24], [sflag:$0x1] =	stream.indirect_vreg.gather [hbm4b:s0+s6], $0x80, v17, vm0, $0xb8;
	[tilespmem:$0x19200] =	vst v63  }
0x2f: {  	s25 =	simm.s32 $0x3200  }
0x30: {  	[tilespmem:s25], [sflag:$0x1] =	stream.indirect_vreg.gather [hbm4b:s9+s6], $0x80, v17, vm0, $0xb8;
	[tilespmem:$0x19200] =	vst v63  }
0x31: {  	s26 =	simm.s32 $0x3A00  }
0x32: {  	[tilespmem:s26], [sflag:$0x1] =	stream.indirect_vreg.gather [hbm4b:s10+s6], $0x80, v17, vm0, $0xb8;
	[tilespmem:$0x19200] =	vst v63  }
0x33: {  	s29 =	simm.s32 $0x4200;
	s31 =	simm.s32 $0xCA00;
	s5 =	simm.s32 $0x0  }
0x34: {  	[tilespmem:s29], [sflag:$0x1] =	stream.indirect_vreg.gather [hbm4b:s11+s6], $0x80, v17, vm0, $0xb8;
	[tilespmem:$0x19200] =	vst v63  }
0x35: {  	s3 =	simm.s32 $0x2000;
	s4 =	simm.s32 $0x0;
	s30 =	rddreg [dreg:$0x8]  }
0x36: {  	[tilespmem:s31], [sflag:$0x1] =	stream.linear.gather [hbm4b:s30+s6], $0x4000, $0x38;
	[tilespmem:$0x19200] =	vst v63  }
.LBB2_2:
0x37: {  	s16 =	sadd.s32 $0x1, s5;
	p0 =	seq.s32 s5, $0x1F  }
0x38: {  	s8 =	smul.u32 @!p0 $0xAB, s16;
	_ =	sdelay $0x1  }
0x39: {  	s8 =	sshrl.u32 @!p0 s8, $0x9  }
0x3a: {  	s8 =	sand.u32 @!p0 $0x7F, s8  }
0x3b: {  	s8 =	smul.u32 @!p0 $0x3, s8;
	_ =	sdelay $0x1  }
0x3c: {  	p1 =	slt.u32 @!p0 s5, $0x2;
	s8 =	ssub.s32 @!p0 s16, s8  }
0x3d: {  	p1 =	por p1, p0;
	s8 =	sand.u32 @!p0 $0xFF, s8  }
0x3e: {  	s17 =	sadd.s32 @!p1 $0x4, s8  }
0x3f: {  	_ =	swait.ge @!p1 [sflag:s17], $0x4000  }
0x40: {  	[sflag:s17] =	ssyncset.done @!p1 $0x0  }
0x41: {  	[sflag:s17] =	ssyncadd.s32 @!p1 $0xFFFFC000;
	s17 =	sshll.u32 @!p0 s16, $0x4  }
0x42: {  	v17 =	vld @!p0 [tilespmem:s17+$0x0];
	_ =	sdelay $0x4  }
0x43: {  	v18 =	vshll.u32 @!p0 v17, $0x3  }
0x44: {  	v19 =	vlaneseq.u32 @!p0;
	v17 =	vand.u32 @!p0 $0x7, v17;
	v18 =	vand.u32 @!p0 $0xFFFFFFC0, v18  }
0x45: {  	v20 =	vshrl.u32 @!p0 v19, $0x3;
	v17 =	vor.u32 @!p0 v17, v18;
	v18 =	vand.u32 @!p0 $0x7, v19  }
0x46: {  	v20 =	vmul.u32 @!p0 $0x8, v20;
	v18 =	vperm.xlane @!p0 v17, v18;
	_ =	sdelay $0x1  }
0x47: {  	v18 =	vadd.s32 @!p0 v20, v18;
	_ =	sdelay $0x2  }
0x48: {  	s18 =	sshll.u32 @!p0 s8, $0xE  }
0x49: {  	vm1 =	vmmov @!p0 $0xffff;
	s20 =	simm.s32 @!p0 $0x0;
	s8 =	sadd.s32 @!p0 $0x1, s8;
	s19 =	sor.u32 @!p0 $0xA00, s18  }
0x4a: {  	v19 =	vor.u32 @!p0 $0x8, v19;
	[tilespmem:s19], [sflag:s8] =	stream.indirect_vreg.gather @!p0 [hbm4b:s0+s20], $0x80, v18, vm1, $0xb8;
	[tilespmem:$0x19200] =	vst v63  }
0x4b: {  	v17 =	vperm.xlane @!p0 v17, v19;
	s19 =	sor.u32 @!p0 $0x1200, s18  }
0x4c: {  	[tilespmem:s19], [sflag:s8] =	stream.indirect_vreg.gather @!p0 [hbm4b:s9+s20], $0x80, v18, vm1, $0xb8;
	[tilespmem:$0x19200] =	vst v63  }
0x4d: {  	v17 =	vadd.s32 @!p0 v20, v17;
	s19 =	sor.u32 @!p0 $0x1A00, s18  }
0x4e: {  	[tilespmem:s19], [sflag:s8] =	stream.indirect_vreg.gather @!p0 [hbm4b:s10+s20], $0x80, v18, vm1, $0xb8;
	[tilespmem:$0x19200] =	vst v63  }
0x4f: {  	s12 =	smul.u32 $0xAB, s5;
	s19 =	sor.u32 @!p0 $0x2200, s18  }
0x50: {  	[tilespmem:s19], [sflag:s8] =	stream.indirect_vreg.gather @!p0 [hbm4b:s11+s20], $0x80, v18, vm1, $0xb8;
	[tilespmem:$0x19200] =	vst v63  }
0x51: {  	s21 =	sor.u32 @!p0 $0x2A00, s18;
	s19 =	sshrl.u32 s12, $0x9  }
0x52: {  	[tilespmem:s21], [sflag:s8] =	stream.indirect_vreg.gather @!p0 [hbm4b:s0+s20], $0x80, v17, vm1, $0xb8;
	[tilespmem:$0x19200] =	vst v63  }
0x53: {  	s19 =	sand.u32 $0x7F, s19;
	s21 =	sor.u32 @!p0 $0x3200, s18  }
0x54: {  	[tilespmem:s21], [sflag:s8] =	stream.indirect_vreg.gather @!p0 [hbm4b:s9+s20], $0x80, v17, vm1, $0xb8;
	[tilespmem:$0x19200] =	vst v63  }
0x55: {  	s19 =	smul.u32 $0x3, s19;
	s21 =	sor.u32 @!p0 $0x3A00, s18  }
0x56: {  	[tilespmem:s21], [sflag:s8] =	stream.indirect_vreg.gather @!p0 [hbm4b:s10+s20], $0x80, v17, vm1, $0xb8;
	[tilespmem:$0x19200] =	vst v63  }
0x57: {  	s17 =	sadd.s32 @!p0 s7, s17;
	s19 =	ssub.s32 s5, s19;
	s21 =	sadd.s32 @!p0 $0x4200, s18  }
0x58: {  	[tilespmem:s21], [sflag:s8] =	stream.indirect_vreg.gather @!p0 [hbm4b:s11+s20], $0x80, v17, vm1, $0xb8;
	[tilespmem:$0x19200] =	vst v63  }
0x59: {  	s21 =	sshll.u32 @!p0 s17, $0x7;
	s17 =	sand.u32 $0xFF, s19  }
0x5a: {  	s18 =	sadd.s32 @!p0 $0xCA00, s18;
	s19 =	sadd.s32 @!p0 s1, s21;
	s14 =	sadd.s32 $0x1, s17  }
0x5b: {  	[tilespmem:s18], [sflag:s8] =	stream.linear.gather @!p0 [hbm4b:s19+s20], $0x4000, $0x38;
	[tilespmem:$0x19200] =	vst v63  }
0x5c: {  	_ =	swait.ge [sflag:s14], $0x4000  }
0x5d: {  	[sflag:s14] =	ssyncset.done $0x0  }
0x5e: {  	s21 =	simm.s32 $0x0;
	[sflag:s14] =	ssyncadd.s32 $0xFFFFC000  }
0x5f: {  	s22 =	sand.u32 $0x40, s21;
	s23 =	sand.u32 $0x1C00, s21;
	_ =	swait.ge [sflag:s14], $0x4000  }
0x60: {  	s18 =	sshll.u32 s17, $0xE;
	s19 =	sor.u32 s23, s22;
	[sflag:s14] =	ssyncset.done $0x0  }
0x61: {  	s24 =	sor.u32 s18, s19;
	[sflag:s14] =	ssyncadd.s32 $0xFFFFC000  }
0x62: {  	v17 =	vld [tilespmem:s24+$0xCA30]  }
0x63: {  	v19 =	vld [tilespmem:s24+$0xCA10]  }
0x64: {  	v20 =	vld [tilespmem:s24+$0xA10]  }
0x65: {  	v18 =	vld [tilespmem:s24+$0xCA20]  }
0x66: {  	s25 =	simm.s32 $0x200;
	s26 =	simm.s32 $0x40;
	v21 =	vld [tilespmem:s24+$0xA20]  }
0x67: {  	s20 =	sand.u32 $0x40, s26;
	s19 =	sand.u32 $0x1C00, s25;
	v22 =	vld [tilespmem:s24+$0xCA00]  }
0x68: {  	s19 =	sor.u32 s19, s20;
	v23 =	vld [tilespmem:s24+$0xA30]  }
0x69: {  	s22 =	sor.u32 s18, s19;
	v24 =	vadd.f32 v19, v20;
	v19 =	vld [tilespmem:s24+$0xA00]  }
0x6a: {  	v25 =	vld [tilespmem:s22+$0xCA30]  }
0x6b: {  	v26 =	vld [tilespmem:s22+$0xCA10]  }
0x6c: {  	v20 =	vld [tilespmem:s22+$0xCA20];
	[tilespmem:s24+$0xA10] =	vst v24  }
0x6d: {  	v27 =	vadd.f32 v18, v21;
	v21 =	vld [tilespmem:s22+$0xA10]  }
0x6e: {  	v18 =	vadd.f32 v17, v23;
	v17 =	vadd.f32 v22, v19  }
0x6f: {  	[tilespmem:s24+$0xA20] =	vst v27  }
0x70: {  	s29 =	simm.s32 $0x400;
	s30 =	simm.s32 $0x80;
	v30 =	vimm.f32 $0.0e+00;
	v23 =	vld [tilespmem:s22+$0xA20];
	v32 =	vmul.f32 v17, v17  }
0x71: {  	s20 =	sand.u32 $0x40, s30;
	s19 =	sand.u32 $0x1C00, s29;
	v29 =	vld [tilespmem:s22+$0xCA00];
	[tilespmem:s24+$0xA30] =	vst v18;
	v33 =	vadd.f32 v17, v30  }
0x72: {  	s19 =	sor.u32 s19, s20;
	v28 =	vld [tilespmem:s22+$0xA30];
	[tilespmem:s24+$0xA00] =	vst v17;
	v22 =	vadd.f32 v26, v21;
	v26 =	vmul.f32 v24, v24;
	v30 =	vadd.f32 v32, v30  }
0x73: {  	s31 =	smulhi.u32 $0xAAAAAAAB, s5;
	s21 =	sor.u32 s18, s19;
	v31 =	vld [tilespmem:s22+$0xA00]  }
0x74: {  	v19 =	vld [tilespmem:s21+$0xCA30];
	v26 =	vadd.f32 v26, v30  }
0x75: {  	s8 =	sshrl.u32 s31, $0x1;
	v17 =	vld [tilespmem:s21+$0xCA20];
	v20 =	vadd.f32 v20, v23;
	v62 =	vadd.f32 v24, v33  }
0x76: {  	s8 =	smul.u32 $0xC000, s8;
	v63 =	vmul.f32 v27, v27;
	v21 =	vld [tilespmem:s21+$0xCA10];
	[tilespmem:s22+$0xA10] =	vst v22  }
0x77: {  	s23 =	simm.s32 $0x8;
	s25 =	simm.s32 $0xC0;
	v23 =	vadd.f32 v25, v28;
	v28 =	vmul.f32 v18, v18;
	v24 =	vld [tilespmem:s21+$0xA10];
	[tilespmem:s22+$0xA20] =	vst v20;
	v30 =	vadd.f32 v27, v62  }
0x78: {  	s20 =	ssub.s32 s4, s8;
	s19 =	ssub.s32 s3, s8;
	s24 =	simm.s32 $0x600;
	v27 =	vmovc v22;
	v25 =	vld [tilespmem:s21+$0xA20];
	v29 =	vadd.f32 v29, v31;
	v31 =	vadd.f32 v63, v26;
	v26 =	vmov v20  }
.LBB2_3:
0x79: {  	s8 =	sand.u32 $0x40, s25;
	s26 =	sand.u32 $0x1C00, s24;
	s23 =	sadd.s32 $0x4, s23;
	v32 =	vld [tilespmem:s21+$0xCA00];
	[tilespmem:s22+$0xA30] =	vst v23;
	v30 =	vadd.f32 v18, v30;
	v33 =	vmov v19;
	v18 =	vmov v23  }
0x7a: {  	s8 =	sor.u32 s26, s8;
	p0 =	slt.u32 s23, $0x3C;
	v34 =	vld [tilespmem:s21+$0xA30];
	[tilespmem:s22+$0xA00] =	vst v29;
	v35 =	vmul.f32 v29, v29;
	v28 =	vadd.f32 v28, v31;
	s22 =	smov.u32 s21  }
0x7b: {  	s21 =	sor.u32 s18, s8;
	v31 =	vld [tilespmem:s22+$0xA00];
	v29 =	vadd.f32 v29, v30;
	v30 =	vmul.f32 v27, v22  }
.Ltmp0:
0x7c: {  	v19 =	vld [tilespmem:s21+$0xCA30];
	v27 =	vadd.f32 v21, v24;
	v24 =	vadd.f32 v35, v28;
	(pc) =	sbr.rel @p0 .LBB2_3-.Ltmp0, $4  }
0x7d: {  	v35 =	vmul.f32 v26, v20;
	v29 =	vadd.f32 v22, v29;
	v26 =	vadd.f32 v17, v25;
	v17 =	vld [tilespmem:s21+$0xCA20]  }
0x7e: {  	v28 =	vmul.f32 v23, v18;
	v21 =	vld [tilespmem:s21+$0xCA10];
	[tilespmem:s22+$0xA10] =	vst v27;
	v36 =	vadd.f32 v30, v24;
	v22 =	vmov v27  }
0x7f: {  	v24 =	vld [tilespmem:s21+$0xA10];
	[tilespmem:s22+$0xA20] =	vst v26;
	v23 =	vadd.f32 v33, v34;
	v30 =	vadd.f32 v20, v29;
	v20 =	vmov v26  }
0x80: {  	s24 =	sadd.s32 $0x200, s24;
	s25 =	sadd.s32 $0x40, s25;
	v25 =	vld [tilespmem:s21+$0xA20];
	v29 =	vadd.f32 v32, v31;
	v31 =	vadd.f32 v35, v36  }
0x81: {  	v32 =	vld [tilespmem:s21+$0xCA00];
	[tilespmem:s22+$0xA30] =	vst v23;
	v18 =	vadd.f32 v18, v30  }
0x82: {  	v30 =	vld [tilespmem:s21+$0xA30];
	[tilespmem:s22+$0xA00] =	vst v29;
	v33 =	vmul.f32 v29, v29;
	v28 =	vadd.f32 v28, v31  }
0x83: {  	v31 =	vld [tilespmem:s21+$0xA00];
	v18 =	vadd.f32 v29, v18  }
0x84: {  	v27 =	vmul.f32 v27, v22;
	v28 =	vadd.f32 v33, v28  }
0x85: {  	v18 =	vadd.f32 v22, v18  }
0x86: {  	v22 =	vmul.f32 v26, v20;
	v26 =	vadd.f32 v27, v28  }
0x87: {  	v18 =	vadd.f32 v20, v18  }
0x88: {  	v20 =	vmul.f32 v23, v23;
	v27 =	vadd.f32 v32, v31;
	v22 =	vadd.f32 v22, v26  }
0x89: {  	v18 =	vadd.f32 v23, v18  }
0x8a: {  	v21 =	vadd.f32 v21, v24;
	v23 =	vmul.f32 v27, v27;
	v20 =	vadd.f32 v20, v22  }
0x8b: {  	v18 =	vadd.f32 v27, v18  }
0x8c: {  	v1 =	vld [tilespmem:$0x1FFD0];
	v17 =	vadd.f32 v17, v25;
	v22 =	vmul.f32 v21, v21;
	v20 =	vadd.f32 v23, v20  }
0x8d: {  	v18 =	vadd.f32 v21, v18  }
0x8e: {  	v19 =	vadd.f32 v19, v30;
	v23 =	vmul.f32 v17, v17;
	v20 =	vadd.f32 v22, v20  }
0x8f: {  	[tilespmem:s21+$0xA10] =	vst v21;
	v18 =	vadd.f32 v17, v18  }
0x90: {  	[tilespmem:s21+$0xA20] =	vst v17;
	v17 =	vmul.f32 v19, v19;
	v20 =	vadd.f32 v23, v20  }
0x91: {  	s8 =	simm.s32 $0x0;
	[tilespmem:s21+$0xA30] =	vst v19;
	v18 =	vadd.f32 v19, v18  }
0x92: {  	s26 =	sand.u32 $0x40, s8;
	s8 =	sand.u32 $0x1C00, s8;
	[tilespmem:s21+$0xA00] =	vst v27;
	v17 =	vadd.f32 v17, v20  }
0x93: {  	s8 =	sor.u32 s8, s26;
	[tilespmem:v0+s28+$0x0] =	vst.idx.msk $0xffff, v18  }
0x94: {  	s8 =	sor.u32 s18, s8;
	[tilespmem:v1+s28+$0x0] =	vst.idx.msk $0xffff, v17  }
0x95: {  	v17 =	vld [tilespmem:s8+$0xCAB0]  }
0x96: {  	v19 =	vld [tilespmem:s8+$0xCA90]  }
0x97: {  	v20 =	vld [tilespmem:s8+$0xA90]  }
0x98: {  	v18 =	vld [tilespmem:s8+$0xCAA0]  }
0x99: {  	s29 =	simm.s32 $0x200;
	s30 =	simm.s32 $0x40;
	v21 =	vld [tilespmem:s8+$0xAA0]  }
0x9a: {  	s22 =	sand.u32 $0x40, s30;
	s21 =	sand.u32 $0x1C00, s29;
	v22 =	vld [tilespmem:s8+$0xCA80]  }
0x9b: {  	s21 =	sor.u32 s21, s22;
	v23 =	vld [tilespmem:s8+$0xAB0]  }
0x9c: {  	s22 =	sor.u32 s18, s21;
	v24 =	vadd.f32 v19, v20;
	v19 =	vld [tilespmem:s8+$0xA80]  }
0x9d: {  	v25 =	vld [tilespmem:s22+$0xCAB0]  }
0x9e: {  	v26 =	vld [tilespmem:s22+$0xCA90]  }
0x9f: {  	v20 =	vld [tilespmem:s22+$0xCAA0];
	[tilespmem:s8+$0xA90] =	vst v24  }
0xa0: {  	v27 =	vadd.f32 v18, v21;
	v21 =	vld [tilespmem:s22+$0xA90]  }
0xa1: {  	v18 =	vadd.f32 v17, v23;
	v17 =	vadd.f32 v22, v19  }
0xa2: {  	[tilespmem:s8+$0xAA0] =	vst v27  }
0xa3: {  	s31 =	simm.s32 $0x400;
	s23 =	simm.s32 $0x80;
	v30 =	vimm.f32 $0.0e+00;
	v23 =	vld [tilespmem:s22+$0xAA0];
	v60 =	vmul.f32 v17, v17  }
0xa4: {  	s23 =	sand.u32 $0x40, s23;
	s21 =	sand.u32 $0x1C00, s31;
	v29 =	vld [tilespmem:s22+$0xCA80];
	[tilespmem:s8+$0xAB0] =	vst v18;
	v61 =	vadd.f32 v17, v30  }
0xa5: {  	s21 =	sor.u32 s21, s23;
	v28 =	vld [tilespmem:s22+$0xAB0];
	[tilespmem:s8+$0xA80] =	vst v17;
	v22 =	vadd.f32 v26, v21;
	v26 =	vmul.f32 v24, v24;
	v30 =	vadd.f32 v60, v30  }
0xa6: {  	s21 =	sor.u32 s18, s21;
	v31 =	vld [tilespmem:s22+$0xA80]  }
0xa7: {  	v19 =	vld [tilespmem:s21+$0xCAB0];
	v26 =	vadd.f32 v26, v30  }
0xa8: {  	v17 =	vld [tilespmem:s21+$0xCAA0];
	v20 =	vadd.f32 v20, v23;
	v62 =	vadd.f32 v24, v61  }
0xa9: {  	v63 =	vmul.f32 v27, v27;
	v21 =	vld [tilespmem:s21+$0xCA90];
	[tilespmem:s22+$0xA90] =	vst v22  }
0xaa: {  	v23 =	vadd.f32 v25, v28;
	v28 =	vmul.f32 v18, v18;
	v24 =	vld [tilespmem:s21+$0xA90];
	[tilespmem:s22+$0xAA0] =	vst v20;
	v30 =	vadd.f32 v27, v62  }
0xab: {  	s24 =	simm.s32 $0x600;
	s25 =	simm.s32 $0xC0;
	s23 =	simm.s32 $0x8;
	v27 =	vmovc v22;
	v25 =	vld [tilespmem:s21+$0xAA0];
	v29 =	vadd.f32 v29, v31;
	v31 =	vadd.f32 v63, v26;
	v26 =	vmov v20  }
.LBB2_5:
0xac: {  	s8 =	sand.u32 $0x40, s25;
	s26 =	sand.u32 $0x1C00, s24;
	s23 =	sadd.s32 $0x4, s23;
	v32 =	vld [tilespmem:s21+$0xCA80];
	[tilespmem:s22+$0xAB0] =	vst v23;
	v30 =	vadd.f32 v18, v30;
	v33 =	vmov v19;
	v18 =	vmov v23  }
0xad: {  	s8 =	sor.u32 s26, s8;
	p0 =	slt.u32 s23, $0x3C;
	v34 =	vld [tilespmem:s21+$0xAB0];
	[tilespmem:s22+$0xA80] =	vst v29;
	v35 =	vmul.f32 v29, v29;
	v28 =	vadd.f32 v28, v31;
	s22 =	smov.u32 s21  }
0xae: {  	s21 =	sor.u32 s18, s8;
	v31 =	vld [tilespmem:s22+$0xA80];
	v29 =	vadd.f32 v29, v30;
	v30 =	vmul.f32 v27, v22  }
.Ltmp1:
0xaf: {  	v19 =	vld [tilespmem:s21+$0xCAB0];
	v27 =	vadd.f32 v21, v24;
	v24 =	vadd.f32 v35, v28;
	(pc) =	sbr.rel @p0 .LBB2_5-.Ltmp1, $4  }
0xb0: {  	v35 =	vmul.f32 v26, v20;
	v29 =	vadd.f32 v22, v29;
	v26 =	vadd.f32 v17, v25;
	v17 =	vld [tilespmem:s21+$0xCAA0]  }
0xb1: {  	v28 =	vmul.f32 v23, v18;
	v21 =	vld [tilespmem:s21+$0xCA90];
	[tilespmem:s22+$0xA90] =	vst v27;
	v36 =	vadd.f32 v30, v24;
	v22 =	vmov v27  }
0xb2: {  	v24 =	vld [tilespmem:s21+$0xA90];
	[tilespmem:s22+$0xAA0] =	vst v26;
	v23 =	vadd.f32 v33, v34;
	v30 =	vadd.f32 v20, v29;
	v20 =	vmov v26  }
0xb3: {  	s24 =	sadd.s32 $0x200, s24;
	s25 =	sadd.s32 $0x40, s25;
	v25 =	vld [tilespmem:s21+$0xAA0];
	v29 =	vadd.f32 v32, v31;
	v31 =	vadd.f32 v35, v36  }
0xb4: {  	v18 =	vadd.f32 v18, v30  }
0xb5: {  	v32 =	vld [tilespmem:s21+$0xCA80];
	[tilespmem:s22+$0xAB0] =	vst v23  }
0xb6: {  	v30 =	vld [tilespmem:s21+$0xAB0];
	[tilespmem:s22+$0xA80] =	vst v29;
	v18 =	vadd.f32 v29, v18  }
0xb7: {  	v33 =	vmul.f32 v29, v29;
	v28 =	vadd.f32 v28, v31;
	v31 =	vld [tilespmem:s21+$0xA80]  }
0xb8: {  	v18 =	vadd.f32 v22, v18  }
0xb9: {  	v27 =	vmul.f32 v27, v22;
	v28 =	vadd.f32 v33, v28  }
0xba: {  	v18 =	vadd.f32 v20, v18  }
0xbb: {  	v22 =	vmul.f32 v26, v20;
	v26 =	vadd.f32 v27, v28  }
0xbc: {  	v27 =	vadd.f32 v32, v31;
	v18 =	vadd.f32 v23, v18;
	_ =	sdelay $0x1  }
0xbd: {  	v1 =	vld [tilespmem:$0x1FFE0];
	v21 =	vadd.f32 v21, v24;
	v18 =	vadd.f32 v27, v18;
	_ =	sdelay $0x1  }
0xbe: {  	v17 =	vadd.f32 v17, v25;
	v18 =	vadd.f32 v21, v18  }
0xbf: {  	v19 =	vadd.f32 v19, v30  }
0xc0: {  	[tilespmem:s21+$0xA90] =	vst v21;
	v20 =	vmul.f32 v23, v23;
	v22 =	vadd.f32 v22, v26;
	v18 =	vadd.f32 v17, v18  }
0xc1: {  	[tilespmem:s21+$0xAA0] =	vst v17  }
0xc2: {  	[tilespmem:s21+$0xAB0] =	vst v19;
	v23 =	vmul.f32 v27, v27;
	v20 =	vadd.f32 v20, v22;
	v18 =	vadd.f32 v19, v18  }
0xc3: {  	[tilespmem:s21+$0xA80] =	vst v27  }
0xc4: {  	v22 =	vmul.f32 v21, v21;
	v20 =	vadd.f32 v23, v20;
	[tilespmem:v1+s28+$0x0] =	vst.idx.msk $0xffff, v18;
	v1 =	vld [tilespmem:$0x1FFF0];
	_ =	sdelay $0x1  }
0xc5: {  	v23 =	vmul.f32 v17, v17;
	v20 =	vadd.f32 v22, v20;
	_ =	sdelay $0x1  }
0xc6: {  	v17 =	vmul.f32 v19, v19;
	v20 =	vadd.f32 v23, v20  }
0xc7: {  	s8 =	simm.s32 $0x0  }
0xc8: {  	s26 =	sand.u32 $0x40, s8;
	s8 =	sand.u32 $0x1C00, s8;
	v17 =	vadd.f32 v17, v20  }
0xc9: {  	s8 =	sor.u32 s8, s26  }
0xca: {  	s8 =	sor.u32 s18, s8;
	[tilespmem:v1+s28+$0x0] =	vst.idx.msk $0xffff, v17  }
0xcb: {  	v17 =	vld [tilespmem:s8+$0xCB30]  }
0xcc: {  	v19 =	vld [tilespmem:s8+$0xCB10]  }
0xcd: {  	v20 =	vld [tilespmem:s8+$0xB10]  }
0xce: {  	v18 =	vld [tilespmem:s8+$0xCB20]  }
0xcf: {  	s29 =	simm.s32 $0x200;
	s30 =	simm.s32 $0x40;
	v21 =	vld [tilespmem:s8+$0xB20]  }
0xd0: {  	s22 =	sand.u32 $0x40, s30;
	s21 =	sand.u32 $0x1C00, s29;
	v22 =	vld [tilespmem:s8+$0xCB00]  }
0xd1: {  	s21 =	sor.u32 s21, s22;
	v23 =	vld [tilespmem:s8+$0xB30]  }
0xd2: {  	s22 =	sor.u32 s18, s21;
	v24 =	vadd.f32 v19, v20;
	v19 =	vld [tilespmem:s8+$0xB00]  }
0xd3: {  	v25 =	vld [tilespmem:s22+$0xCB30]  }
0xd4: {  	v26 =	vld [tilespmem:s22+$0xCB10]  }
0xd5: {  	v20 =	vld [tilespmem:s22+$0xCB20];
	[tilespmem:s8+$0xB10] =	vst v24  }
0xd6: {  	v27 =	vadd.f32 v18, v21;
	v21 =	vld [tilespmem:s22+$0xB10]  }
0xd7: {  	v18 =	vadd.f32 v17, v23;
	v17 =	vadd.f32 v22, v19  }
0xd8: {  	[tilespmem:s8+$0xB20] =	vst v27  }
0xd9: {  	s31 =	simm.s32 $0x400;
	s23 =	simm.s32 $0x80;
	v30 =	vimm.f32 $0.0e+00;
	v23 =	vld [tilespmem:s22+$0xB20];
	v60 =	vmul.f32 v17, v17  }
0xda: {  	s23 =	sand.u32 $0x40, s23;
	s21 =	sand.u32 $0x1C00, s31;
	v29 =	vld [tilespmem:s22+$0xCB00];
	[tilespmem:s8+$0xB30] =	vst v18;
	v61 =	vadd.f32 v17, v30  }
0xdb: {  	s21 =	sor.u32 s21, s23;
	v28 =	vld [tilespmem:s22+$0xB30];
	[tilespmem:s8+$0xB00] =	vst v17;
	v22 =	vadd.f32 v26, v21;
	v26 =	vmul.f32 v24, v24;
	v30 =	vadd.f32 v60, v30  }
0xdc: {  	s21 =	sor.u32 s18, s21;
	v31 =	vld [tilespmem:s22+$0xB00]  }
0xdd: {  	v19 =	vld [tilespmem:s21+$0xCB30];
	v26 =	vadd.f32 v26, v30  }
0xde: {  	v17 =	vld [tilespmem:s21+$0xCB20];
	v20 =	vadd.f32 v20, v23;
	v62 =	vadd.f32 v24, v61  }
0xdf: {  	v63 =	vmul.f32 v27, v27;
	v21 =	vld [tilespmem:s21+$0xCB10];
	[tilespmem:s22+$0xB10] =	vst v22  }
0xe0: {  	v23 =	vadd.f32 v25, v28;
	v28 =	vmul.f32 v18, v18;
	v24 =	vld [tilespmem:s21+$0xB10];
	[tilespmem:s22+$0xB20] =	vst v20;
	v30 =	vadd.f32 v27, v62  }
0xe1: {  	s24 =	simm.s32 $0x600;
	s25 =	simm.s32 $0xC0;
	s23 =	simm.s32 $0x8;
	v27 =	vmovc v22;
	v25 =	vld [tilespmem:s21+$0xB20];
	v29 =	vadd.f32 v29, v31;
	v31 =	vadd.f32 v63, v26;
	v26 =	vmov v20  }
.LBB2_7:
0xe2: {  	s8 =	sand.u32 $0x40, s25;
	s26 =	sand.u32 $0x1C00, s24;
	s23 =	sadd.s32 $0x4, s23;
	v32 =	vld [tilespmem:s21+$0xCB00];
	[tilespmem:s22+$0xB30] =	vst v23;
	v30 =	vadd.f32 v18, v30;
	v33 =	vmov v19;
	v18 =	vmov v23  }
0xe3: {  	s8 =	sor.u32 s26, s8;
	p0 =	slt.u32 s23, $0x3C;
	v34 =	vld [tilespmem:s21+$0xB30];
	[tilespmem:s22+$0xB00] =	vst v29;
	v35 =	vmul.f32 v29, v29;
	v28 =	vadd.f32 v28, v31;
	s22 =	smov.u32 s21  }
0xe4: {  	s21 =	sor.u32 s18, s8;
	v31 =	vld [tilespmem:s22+$0xB00];
	v29 =	vadd.f32 v29, v30;
	v30 =	vmul.f32 v27, v22  }
.Ltmp2:
0xe5: {  	v19 =	vld [tilespmem:s21+$0xCB30];
	v27 =	vadd.f32 v21, v24;
	v24 =	vadd.f32 v35, v28;
	(pc) =	sbr.rel @p0 .LBB2_7-.Ltmp2, $4  }
0xe6: {  	v35 =	vmul.f32 v26, v20;
	v29 =	vadd.f32 v22, v29;
	v26 =	vadd.f32 v17, v25;
	v17 =	vld [tilespmem:s21+$0xCB20]  }
0xe7: {  	v28 =	vmul.f32 v23, v18;
	v21 =	vld [tilespmem:s21+$0xCB10];
	[tilespmem:s22+$0xB10] =	vst v27;
	v36 =	vadd.f32 v30, v24;
	v22 =	vmov v27  }
0xe8: {  	v24 =	vld [tilespmem:s21+$0xB10];
	[tilespmem:s22+$0xB20] =	vst v26;
	v23 =	vadd.f32 v33, v34;
	v30 =	vadd.f32 v20, v29;
	v20 =	vmov v26  }
0xe9: {  	s24 =	sadd.s32 $0x200, s24;
	s25 =	sadd.s32 $0x40, s25;
	v25 =	vld [tilespmem:s21+$0xB20];
	v29 =	vadd.f32 v32, v31;
	v31 =	vadd.f32 v35, v36  }
0xea: {  	v32 =	vld [tilespmem:s21+$0xCB00];
	[tilespmem:s22+$0xB30] =	vst v23;
	v18 =	vadd.f32 v18, v30  }
0xeb: {  	v30 =	vld [tilespmem:s21+$0xB30];
	[tilespmem:s22+$0xB00] =	vst v29;
	v33 =	vmul.f32 v29, v29;
	v28 =	vadd.f32 v28, v31  }
0xec: {  	v31 =	vld [tilespmem:s21+$0xB00];
	v18 =	vadd.f32 v29, v18  }
0xed: {  	v27 =	vmul.f32 v27, v22;
	v28 =	vadd.f32 v33, v28  }
0xee: {  	v18 =	vadd.f32 v22, v18  }
0xef: {  	v22 =	vmul.f32 v26, v20;
	v26 =	vadd.f32 v27, v28  }
0xf0: {  	v18 =	vadd.f32 v20, v18  }
0xf1: {  	v20 =	vmul.f32 v23, v23;
	v27 =	vadd.f32 v32, v31;
	v22 =	vadd.f32 v22, v26  }
0xf2: {  	v18 =	vadd.f32 v23, v18  }
0xf3: {  	v21 =	vadd.f32 v21, v24;
	v23 =	vmul.f32 v27, v27;
	v20 =	vadd.f32 v20, v22  }
0xf4: {  	v18 =	vadd.f32 v27, v18  }
0xf5: {  	v17 =	vadd.f32 v17, v25;
	v22 =	vmul.f32 v21, v21;
	v20 =	vadd.f32 v23, v20  }
0xf6: {  	v18 =	vadd.f32 v21, v18  }
0xf7: {  	v19 =	vadd.f32 v19, v30;
	v23 =	vmul.f32 v17, v17;
	v20 =	vadd.f32 v22, v20  }
0xf8: {  	[tilespmem:s21+$0xB10] =	vst v21;
	v18 =	vadd.f32 v17, v18  }
0xf9: {  	[tilespmem:s21+$0xB20] =	vst v17;
	v17 =	vmul.f32 v19, v19;
	v20 =	vadd.f32 v23, v20  }
0xfa: {  	s8 =	simm.s32 $0x0;
	[tilespmem:s21+$0xB30] =	vst v19;
	v18 =	vadd.f32 v19, v18  }
0xfb: {  	s26 =	sand.u32 $0x40, s8;
	s8 =	sand.u32 $0x1C00, s8;
	[tilespmem:s21+$0xB00] =	vst v27;
	v17 =	vadd.f32 v17, v20  }
0xfc: {  	s8 =	sor.u32 s8, s26;
	[tilespmem:v7+s28+$0x0] =	vst.idx.msk $0xffff, v18  }
0xfd: {  	s8 =	sor.u32 s18, s8;
	[tilespmem:v8+s28+$0x0] =	vst.idx.msk $0xffff, v17  }
0xfe: {  	v17 =	vld [tilespmem:s8+$0xCBB0]  }
0xff: {  	v19 =	vld [tilespmem:s8+$0xCB90]  }
0x100: {  	v20 =	vld [tilespmem:s8+$0xB90]  }
0x101: {  	v18 =	vld [tilespmem:s8+$0xCBA0]  }
0x102: {  	s29 =	simm.s32 $0x200;
	s30 =	simm.s32 $0x40;
	v21 =	vld [tilespmem:s8+$0xBA0]  }
0x103: {  	s22 =	sand.u32 $0x40, s30;
	s21 =	sand.u32 $0x1C00, s29;
	v22 =	vld [tilespmem:s8+$0xCB80]  }
0x104: {  	s21 =	sor.u32 s21, s22;
	v23 =	vld [tilespmem:s8+$0xBB0]  }
0x105: {  	s22 =	sor.u32 s18, s21;
	v24 =	vadd.f32 v19, v20;
	v19 =	vld [tilespmem:s8+$0xB80]  }
0x106: {  	v25 =	vld [tilespmem:s22+$0xCBB0]  }
0x107: {  	v26 =	vld [tilespmem:s22+$0xCB90]  }
0x108: {  	v20 =	vld [tilespmem:s22+$0xCBA0];
	[tilespmem:s8+$0xB90] =	vst v24  }
0x109: {  	v27 =	vadd.f32 v18, v21;
	v21 =	vld [tilespmem:s22+$0xB90]  }
0x10a: {  	v18 =	vadd.f32 v17, v23;
	v17 =	vadd.f32 v22, v19  }
0x10b: {  	[tilespmem:s8+$0xBA0] =	vst v27  }
0x10c: {  	s31 =	simm.s32 $0x400;
	s23 =	simm.s32 $0x80;
	v30 =	vimm.f32 $0.0e+00;
	v23 =	vld [tilespmem:s22+$0xBA0];
	v60 =	vmul.f32 v17, v17  }
0x10d: {  	s23 =	sand.u32 $0x40, s23;
	s21 =	sand.u32 $0x1C00, s31;
	v29 =	vld [tilespmem:s22+$0xCB80];
	[tilespmem:s8+$0xBB0] =	vst v18;
	v61 =	vadd.f32 v17, v30  }
0x10e: {  	s21 =	sor.u32 s21, s23;
	v28 =	vld [tilespmem:s22+$0xBB0];
	[tilespmem:s8+$0xB80] =	vst v17;
	v22 =	vadd.f32 v26, v21;
	v26 =	vmul.f32 v24, v24;
	v30 =	vadd.f32 v60, v30  }
0x10f: {  	s21 =	sor.u32 s18, s21;
	v31 =	vld [tilespmem:s22+$0xB80]  }
0x110: {  	v19 =	vld [tilespmem:s21+$0xCBB0];
	v26 =	vadd.f32 v26, v30  }
0x111: {  	v17 =	vld [tilespmem:s21+$0xCBA0];
	v20 =	vadd.f32 v20, v23;
	v62 =	vadd.f32 v24, v61  }
0x112: {  	v63 =	vmul.f32 v27, v27;
	v21 =	vld [tilespmem:s21+$0xCB90];
	[tilespmem:s22+$0xB90] =	vst v22  }
0x113: {  	v23 =	vadd.f32 v25, v28;
	v28 =	vmul.f32 v18, v18;
	v24 =	vld [tilespmem:s21+$0xB90];
	[tilespmem:s22+$0xBA0] =	vst v20;
	v30 =	vadd.f32 v27, v62  }
0x114: {  	s24 =	simm.s32 $0x600;
	s25 =	simm.s32 $0xC0;
	s23 =	simm.s32 $0x8;
	v27 =	vmovc v22;
	v25 =	vld [tilespmem:s21+$0xBA0];
	v29 =	vadd.f32 v29, v31;
	v31 =	vadd.f32 v63, v26;
	v26 =	vmov v20  }
.LBB2_9:
0x115: {  	s8 =	sand.u32 $0x40, s25;
	s26 =	sand.u32 $0x1C00, s24;
	s23 =	sadd.s32 $0x4, s23;
	v32 =	vld [tilespmem:s21+$0xCB80];
	[tilespmem:s22+$0xBB0] =	vst v23;
	v30 =	vadd.f32 v18, v30;
	v33 =	vmov v19;
	v18 =	vmov v23  }
0x116: {  	s8 =	sor.u32 s26, s8;
	p0 =	slt.u32 s23, $0x3C;
	v34 =	vld [tilespmem:s21+$0xBB0];
	[tilespmem:s22+$0xB80] =	vst v29;
	v35 =	vmul.f32 v29, v29;
	v28 =	vadd.f32 v28, v31;
	s22 =	smov.u32 s21  }
0x117: {  	s21 =	sor.u32 s18, s8;
	v31 =	vld [tilespmem:s22+$0xB80];
	v29 =	vadd.f32 v29, v30;
	v30 =	vmul.f32 v27, v22  }
.Ltmp3:
0x118: {  	v19 =	vld [tilespmem:s21+$0xCBB0];
	v27 =	vadd.f32 v21, v24;
	v24 =	vadd.f32 v35, v28;
	(pc) =	sbr.rel @p0 .LBB2_9-.Ltmp3, $4  }
0x119: {  	v35 =	vmul.f32 v26, v20;
	v29 =	vadd.f32 v22, v29;
	v26 =	vadd.f32 v17, v25;
	v17 =	vld [tilespmem:s21+$0xCBA0]  }
0x11a: {  	v28 =	vmul.f32 v23, v18;
	v21 =	vld [tilespmem:s21+$0xCB90];
	[tilespmem:s22+$0xB90] =	vst v27;
	v36 =	vadd.f32 v30, v24;
	v22 =	vmov v27  }
0x11b: {  	v24 =	vld [tilespmem:s21+$0xB90];
	[tilespmem:s22+$0xBA0] =	vst v26;
	v23 =	vadd.f32 v33, v34;
	v30 =	vadd.f32 v20, v29;
	v20 =	vmov v26  }
0x11c: {  	s24 =	sadd.s32 $0x200, s24;
	s25 =	sadd.s32 $0x40, s25;
	v25 =	vld [tilespmem:s21+$0xBA0];
	v29 =	vadd.f32 v32, v31;
	v31 =	vadd.f32 v35, v36  }
0x11d: {  	v32 =	vld [tilespmem:s21+$0xCB80];
	[tilespmem:s22+$0xBB0] =	vst v23;
	v18 =	vadd.f32 v18, v30  }
0x11e: {  	v60 =	vld [tilespmem:s21+$0xBB0];
	[tilespmem:s22+$0xB80] =	vst v29;
	v33 =	vmul.f32 v29, v29;
	v28 =	vadd.f32 v28, v31  }
0x11f: {  	v61 =	vld [tilespmem:s21+$0xB80];
	v18 =	vadd.f32 v29, v18  }
0x120: {  	v27 =	vmul.f32 v27, v22;
	v28 =	vadd.f32 v33, v28  }
0x121: {  	v18 =	vadd.f32 v22, v18  }
0x122: {  	v22 =	vmul.f32 v26, v20;
	v62 =	vadd.f32 v27, v28  }
0x123: {  	v18 =	vadd.f32 v20, v18  }
0x124: {  	v20 =	vmul.f32 v23, v23;
	v63 =	vadd.f32 v32, v61;
	v22 =	vadd.f32 v22, v62  }
0x125: {  	v18 =	vadd.f32 v23, v18  }
0x126: {  	v21 =	vadd.f32 v21, v24;
	v23 =	vmul.f32 v63, v63;
	v20 =	vadd.f32 v20, v22  }
0x127: {  	v18 =	vadd.f32 v63, v18  }
0x128: {  	v17 =	vadd.f32 v17, v25;
	v22 =	vmul.f32 v21, v21;
	v20 =	vadd.f32 v23, v20  }
0x129: {  	v18 =	vadd.f32 v21, v18  }
0x12a: {  	v19 =	vadd.f32 v19, v60;
	v23 =	vmul.f32 v17, v17;
	v20 =	vadd.f32 v22, v20  }
0x12b: {  	[tilespmem:s21+$0xB90] =	vst v21;
	v18 =	vadd.f32 v17, v18  }
0x12c: {  	p0 =	por $0x0, $0x0;
	s8 =	simm.s32 $0x1;
	[tilespmem:s21+$0xBA0] =	vst v17;
	v17 =	vmul.f32 v19, v19;
	v20 =	vadd.f32 v23, v20  }
0x12d: {  	s8 =	simm.s32 @!p0 $0x0;
	[tilespmem:s21+$0xBB0] =	vst v19;
	v18 =	vadd.f32 v19, v18  }
0x12e: {  	s8 =	sshll.u32 s8, $0x6;
	[tilespmem:s21+$0xB80] =	vst v63;
	v17 =	vadd.f32 v17, v20  }
0x12f: {  	s8 =	sadd.s32 s8, s20;
	[tilespmem:v9+s28+$0x0] =	vst.idx.msk $0xffff, v18  }
0x130: {  	s29 =	sor.u32 $0x200, s8;
	[tilespmem:v10+s28+$0x0] =	vst.idx.msk $0xffff, v17  }
0x131: {  	v17 =	vld [tilespmem:s29+$0xA00]  }
0x132: {  	v18 =	vld [tilespmem:s29+$0xCA00];
	_ =	sdelay $0x4  }
0x133: {  	v17 =	vadd.f32 v18, v17;
	_ =	sdelay $0x1  }
0x134: {  	s30 =	sor.u32 $0x210, s8;
	[tilespmem:s29+$0xA00] =	vst v17  }
0x135: {  	v18 =	vld [tilespmem:s30+$0xA00]  }
0x136: {  	v19 =	vld [tilespmem:s30+$0xCA00];
	_ =	sdelay $0x4  }
0x137: {  	v18 =	vadd.f32 v19, v18;
	_ =	sdelay $0x1  }
0x138: {  	s31 =	sor.u32 $0x220, s8;
	[tilespmem:s30+$0xA00] =	vst v18  }
0x139: {  	v19 =	vld [tilespmem:s31+$0xA00]  }
0x13a: {  	v20 =	vld [tilespmem:s31+$0xCA00];
	_ =	sdelay $0x3  }
0x13b: {  	v21 =	vmul.f32 v17, v17  }
0x13c: {  	v22 =	vimm.f32 $0.0e+00;
	v23 =	vadd.f32 v20, v19  }
0x13d: {  	v19 =	vmul.f32 v18, v18;
	v20 =	vadd.f32 v21, v22  }
0x13e: {  	s23 =	sor.u32 $0x230, s8;
	[tilespmem:s31+$0xA00] =	vst v23  }
0x13f: {  	v17 =	vadd.f32 v17, v22;
	v22 =	vadd.f32 v19, v20;
	v19 =	vld [tilespmem:s23+$0xA00]  }
0x140: {  	v20 =	vld [tilespmem:s23+$0xCA00];
	_ =	sdelay $0x1  }
0x141: {  	v17 =	vadd.f32 v18, v17;
	v21 =	vmul.f32 v23, v23  }
0x142: {  	p0 =	por !p0, !p0;
	s8 =	simm.s32 $0x1  }
0x143: {  	s22 =	smov.u32 s20;
	s8 =	simm.s32 @!p0 $0x0;
	s21 =	simm.s32 $0x4;
	v18 =	vadd.f32 v23, v17;
	v17 =	vadd.f32 v21, v22  }
.LBB2_11:
0x144: {  	s21 =	sadd.s32 $0x4, s21;
	s8 =	sshll.u32 s8, $0x6;
	v19 =	vadd.f32 v20, v19;
	s22 =	sadd.s32 $0x200, s22  }
0x145: {  	p1 =	slt.u32 s21, $0x3C;
	s8 =	sadd.s32 s8, s22  }
0x146: {  	s24 =	sor.u32 $0x200, s8;
	[tilespmem:s23+$0xA00] =	vst v19;
	v18 =	vadd.f32 v19, v18;
	v19 =	vmul.f32 v19, v19  }
0x147: {  	v20 =	vld [tilespmem:s24+$0xA00]  }
0x148: {  	v21 =	vld [tilespmem:s24+$0xCA00];
	v17 =	vadd.f32 v19, v17;
	_ =	sdelay $0x4  }
0x149: {  	v19 =	vadd.f32 v21, v20;
	_ =	sdelay $0x1  }
0x14a: {  	s23 =	sor.u32 $0x210, s8;
	[tilespmem:s24+$0xA00] =	vst v19;
	v20 =	vmul.f32 v19, v19  }
0x14b: {  	v21 =	vld [tilespmem:s23+$0xA00]  }
0x14c: {  	v22 =	vld [tilespmem:s23+$0xCA00];
	_ =	sdelay $0x4  }
0x14d: {  	v21 =	vadd.f32 v22, v21;
	_ =	sdelay $0x1  }
0x14e: {  	[tilespmem:s23+$0xA00] =	vst v21;
	v22 =	vmul.f32 v21, v21;
	s23 =	sor.u32 $0x220, s8  }
0x14f: {  	v23 =	vld [tilespmem:s23+$0xA00]  }
0x150: {  	v24 =	vld [tilespmem:s23+$0xCA00];
	_ =	sdelay $0x4  }
0x151: {  	v23 =	vadd.f32 v24, v23;
	_ =	sdelay $0x1  }
0x152: {  	[tilespmem:s23+$0xA00] =	vst v23;
	v24 =	vmul.f32 v23, v23;
	s23 =	sor.u32 $0x230, s8  }
0x153: {  	v18 =	vadd.f32 v19, v18;
	v17 =	vadd.f32 v20, v17;
	v19 =	vld [tilespmem:s23+$0xA00]  }
.Ltmp4:
0x154: {  	v20 =	vld [tilespmem:s23+$0xCA00];
	(pc) =	sbr.rel @p1 .LBB2_11-.Ltmp4, $3  }
0x155: {  	v18 =	vadd.f32 v21, v18;
	v17 =	vadd.f32 v22, v17;
	_ =	sdelay $0x1  }
0x156: {  	p0 =	por !p0, !p0;
	v18 =	vadd.f32 v23, v18;
	s8 =	simm.s32 $0x1;
	v17 =	vadd.f32 v24, v17  }
0x157: {  	s8 =	simm.s32 @!p0 $0x0  }
0x158: {  	s8 =	sshll.u32 s8, $0x6;
	v19 =	vadd.f32 v20, v19;
	s21 =	sadd.s32 $0x200, s22  }
0x159: {  	s8 =	sadd.s32 s8, s21  }
0x15a: {  	s21 =	sor.u32 $0x200, s8;
	[tilespmem:s23+$0xA00] =	vst v19  }
0x15b: {  	v20 =	vld [tilespmem:s21+$0xA00]  }
0x15c: {  	v21 =	vld [tilespmem:s21+$0xCA00];
	_ =	sdelay $0x4  }
0x15d: {  	v20 =	vadd.f32 v21, v20;
	_ =	sdelay $0x1  }
0x15e: {  	s24 =	sor.u32 $0x210, s8;
	[tilespmem:s21+$0xA00] =	vst v20  }
0x15f: {  	v21 =	vld [tilespmem:s24+$0xA00]  }
0x160: {  	v22 =	vld [tilespmem:s24+$0xCA00];
	_ =	sdelay $0x4  }
0x161: {  	v21 =	vadd.f32 v22, v21;
	_ =	sdelay $0x1  }
0x162: {  	s25 =	sor.u32 $0x220, s8;
	[tilespmem:s24+$0xA00] =	vst v21  }
0x163: {  	v22 =	vld [tilespmem:s25+$0xA00]  }
0x164: {  	v23 =	vld [tilespmem:s25+$0xCA00];
	_ =	sdelay $0x4  }
0x165: {  	v22 =	vadd.f32 v23, v22;
	_ =	sdelay $0x1  }
0x166: {  	s8 =	sor.u32 $0x230, s8;
	[tilespmem:s25+$0xA00] =	vst v22  }
0x167: {  	v23 =	vmul.f32 v19, v19;
	v24 =	vld [tilespmem:s8+$0xA00]  }
0x168: {  	v18 =	vadd.f32 v19, v18;
	v19 =	vld [tilespmem:s8+$0xCA00]  }
0x169: {  	v17 =	vadd.f32 v23, v17;
	v23 =	vmul.f32 v20, v20  }
0x16a: {  	v18 =	vadd.f32 v20, v18  }
0x16b: {  	v20 =	vmul.f32 v21, v21;
	v17 =	vadd.f32 v23, v17  }
0x16c: {  	v18 =	vadd.f32 v21, v18  }
0x16d: {  	v21 =	vmul.f32 v22, v22;
	v17 =	vadd.f32 v20, v17;
	v19 =	vadd.f32 v19, v24  }
0x16e: {  	v18 =	vadd.f32 v22, v18  }
0x16f: {  	p0 =	por $0x0, $0x0;
	s21 =	simm.s32 $0x1;
	v17 =	vadd.f32 v21, v17;
	v20 =	vmul.f32 v19, v19  }
0x170: {  	s21 =	simm.s32 @!p0 $0x0;
	v18 =	vadd.f32 v19, v18  }
0x171: {  	s26 =	sshll.u32 s21, $0x6;
	[tilespmem:s8+$0xA00] =	vst v19;
	v17 =	vadd.f32 v20, v17  }
0x172: {  	s8 =	sadd.s32 s26, s20;
	[tilespmem:v11+s28+$0x0] =	vst.idx.msk $0xffff, v18  }
0x173: {  	s29 =	sor.u32 $0x280, s8;
	[tilespmem:v12+s28+$0x0] =	vst.idx.msk $0xffff, v17  }
0x174: {  	v17 =	vld [tilespmem:s29+$0xA00]  }
0x175: {  	v18 =	vld [tilespmem:s29+$0xCA00];
	_ =	sdelay $0x4  }
0x176: {  	v17 =	vadd.f32 v18, v17;
	_ =	sdelay $0x1  }
0x177: {  	s30 =	sor.u32 $0x290, s8;
	[tilespmem:s29+$0xA00] =	vst v17  }
0x178: {  	v18 =	vld [tilespmem:s30+$0xA00]  }
0x179: {  	v19 =	vld [tilespmem:s30+$0xCA00];
	_ =	sdelay $0x4  }
0x17a: {  	v18 =	vadd.f32 v19, v18;
	_ =	sdelay $0x1  }
0x17b: {  	s31 =	sor.u32 $0x2A0, s8;
	[tilespmem:s30+$0xA00] =	vst v18  }
0x17c: {  	v19 =	vld [tilespmem:s31+$0xA00]  }
0x17d: {  	v20 =	vld [tilespmem:s31+$0xCA00];
	_ =	sdelay $0x3  }
0x17e: {  	v21 =	vmul.f32 v17, v17  }
0x17f: {  	v22 =	vimm.f32 $0.0e+00;
	v23 =	vadd.f32 v20, v19  }
0x180: {  	v19 =	vmul.f32 v18, v18;
	v20 =	vadd.f32 v21, v22  }
0x181: {  	s23 =	sor.u32 $0x2B0, s8;
	[tilespmem:s31+$0xA00] =	vst v23  }
0x182: {  	v17 =	vadd.f32 v17, v22;
	v22 =	vadd.f32 v19, v20;
	v19 =	vld [tilespmem:s23+$0xA00]  }
0x183: {  	v20 =	vld [tilespmem:s23+$0xCA00];
	_ =	sdelay $0x1  }
0x184: {  	v17 =	vadd.f32 v18, v17;
	v21 =	vmul.f32 v23, v23  }
0x185: {  	p0 =	por !p0, !p0;
	s8 =	simm.s32 $0x1  }
0x186: {  	s22 =	smov.u32 s20;
	s21 =	simm.s32 $0x4;
	s8 =	simm.s32 @!p0 $0x0;
	v18 =	vadd.f32 v23, v17;
	v17 =	vadd.f32 v21, v22  }
.LBB2_13:
0x187: {  	s21 =	sadd.s32 $0x4, s21;
	s8 =	sshll.u32 s8, $0x6;
	v19 =	vadd.f32 v20, v19;
	s22 =	sadd.s32 $0x200, s22  }
0x188: {  	p1 =	slt.u32 s21, $0x3C;
	s8 =	sadd.s32 s8, s22  }
0x189: {  	s24 =	sor.u32 $0x280, s8;
	[tilespmem:s23+$0xA00] =	vst v19;
	v18 =	vadd.f32 v19, v18;
	v19 =	vmul.f32 v19, v19  }
0x18a: {  	v20 =	vld [tilespmem:s24+$0xA00]  }
0x18b: {  	v21 =	vld [tilespmem:s24+$0xCA00];
	v17 =	vadd.f32 v19, v17;
	_ =	sdelay $0x4  }
0x18c: {  	v19 =	vadd.f32 v21, v20;
	_ =	sdelay $0x1  }
0x18d: {  	s23 =	sor.u32 $0x290, s8;
	[tilespmem:s24+$0xA00] =	vst v19;
	v20 =	vmul.f32 v19, v19  }
0x18e: {  	v21 =	vld [tilespmem:s23+$0xA00]  }
0x18f: {  	v22 =	vld [tilespmem:s23+$0xCA00];
	_ =	sdelay $0x4  }
0x190: {  	v21 =	vadd.f32 v22, v21;
	_ =	sdelay $0x1  }
0x191: {  	[tilespmem:s23+$0xA00] =	vst v21;
	v22 =	vmul.f32 v21, v21;
	s23 =	sor.u32 $0x2A0, s8  }
0x192: {  	v23 =	vld [tilespmem:s23+$0xA00]  }
0x193: {  	v24 =	vld [tilespmem:s23+$0xCA00];
	_ =	sdelay $0x4  }
0x194: {  	v23 =	vadd.f32 v24, v23;
	_ =	sdelay $0x1  }
0x195: {  	[tilespmem:s23+$0xA00] =	vst v23;
	v24 =	vmul.f32 v23, v23;
	s23 =	sor.u32 $0x2B0, s8  }
0x196: {  	v18 =	vadd.f32 v19, v18;
	v17 =	vadd.f32 v20, v17;
	v19 =	vld [tilespmem:s23+$0xA00]  }
.Ltmp5:
0x197: {  	v20 =	vld [tilespmem:s23+$0xCA00];
	(pc) =	sbr.rel @p1 .LBB2_13-.Ltmp5, $3  }
0x198: {  	v18 =	vadd.f32 v21, v18;
	v17 =	vadd.f32 v22, v17;
	_ =	sdelay $0x1  }
0x199: {  	p0 =	por !p0, !p0;
	v18 =	vadd.f32 v23, v18;
	s8 =	simm.s32 $0x1;
	v17 =	vadd.f32 v24, v17  }
0x19a: {  	s8 =	simm.s32 @!p0 $0x0  }
0x19b: {  	s8 =	sshll.u32 s8, $0x6;
	v19 =	vadd.f32 v20, v19;
	s21 =	sadd.s32 $0x200, s22  }
0x19c: {  	s8 =	sadd.s32 s8, s21  }
0x19d: {  	s21 =	sor.u32 $0x280, s8;
	[tilespmem:s23+$0xA00] =	vst v19  }
0x19e: {  	v20 =	vld [tilespmem:s21+$0xA00]  }
0x19f: {  	v21 =	vld [tilespmem:s21+$0xCA00];
	_ =	sdelay $0x4  }
0x1a0: {  	v20 =	vadd.f32 v21, v20;
	_ =	sdelay $0x1  }
0x1a1: {  	s24 =	sor.u32 $0x290, s8;
	[tilespmem:s21+$0xA00] =	vst v20  }
0x1a2: {  	v21 =	vld [tilespmem:s24+$0xA00]  }
0x1a3: {  	v22 =	vld [tilespmem:s24+$0xCA00];
	_ =	sdelay $0x4  }
0x1a4: {  	v21 =	vadd.f32 v22, v21;
	_ =	sdelay $0x1  }
0x1a5: {  	s25 =	sor.u32 $0x2A0, s8;
	[tilespmem:s24+$0xA00] =	vst v21  }
0x1a6: {  	v22 =	vld [tilespmem:s25+$0xA00]  }
0x1a7: {  	v23 =	vld [tilespmem:s25+$0xCA00];
	_ =	sdelay $0x4  }
0x1a8: {  	v22 =	vadd.f32 v23, v22;
	_ =	sdelay $0x1  }
0x1a9: {  	s8 =	sor.u32 $0x2B0, s8;
	[tilespmem:s25+$0xA00] =	vst v22  }
0x1aa: {  	v23 =	vmul.f32 v19, v19;
	v24 =	vld [tilespmem:s8+$0xA00]  }
0x1ab: {  	v18 =	vadd.f32 v19, v18;
	v19 =	vld [tilespmem:s8+$0xCA00]  }
0x1ac: {  	v17 =	vadd.f32 v23, v17;
	v23 =	vmul.f32 v20, v20  }
0x1ad: {  	v18 =	vadd.f32 v20, v18  }
0x1ae: {  	v20 =	vmul.f32 v21, v21;
	v17 =	vadd.f32 v23, v17  }
0x1af: {  	v18 =	vadd.f32 v21, v18  }
0x1b0: {  	v21 =	vmul.f32 v22, v22;
	v17 =	vadd.f32 v20, v17;
	v19 =	vadd.f32 v19, v24  }
0x1b1: {  	v18 =	vadd.f32 v22, v18  }
0x1b2: {  	p0 =	por $0x0, $0x0;
	s21 =	simm.s32 $0x1;
	v17 =	vadd.f32 v21, v17;
	v20 =	vmul.f32 v19, v19  }
0x1b3: {  	s21 =	simm.s32 @!p0 $0x0;
	v18 =	vadd.f32 v19, v18  }
0x1b4: {  	s26 =	sshll.u32 s21, $0x6;
	[tilespmem:s8+$0xA00] =	vst v19;
	v17 =	vadd.f32 v20, v17  }
0x1b5: {  	s8 =	sadd.s32 s26, s20;
	[tilespmem:v13+s28+$0x0] =	vst.idx.msk $0xffff, v18  }
0x1b6: {  	s29 =	sor.u32 $0x300, s8;
	[tilespmem:v14+s28+$0x0] =	vst.idx.msk $0xffff, v17  }
0x1b7: {  	v17 =	vld [tilespmem:s29+$0xA00]  }
0x1b8: {  	v18 =	vld [tilespmem:s29+$0xCA00];
	_ =	sdelay $0x4  }
0x1b9: {  	v17 =	vadd.f32 v18, v17;
	_ =	sdelay $0x1  }
0x1ba: {  	s30 =	sor.u32 $0x310, s8;
	[tilespmem:s29+$0xA00] =	vst v17  }
0x1bb: {  	v18 =	vld [tilespmem:s30+$0xA00]  }
0x1bc: {  	v19 =	vld [tilespmem:s30+$0xCA00];
	_ =	sdelay $0x4  }
0x1bd: {  	v18 =	vadd.f32 v19, v18;
	_ =	sdelay $0x1  }
0x1be: {  	s31 =	sor.u32 $0x320, s8;
	[tilespmem:s30+$0xA00] =	vst v18  }
0x1bf: {  	v19 =	vld [tilespmem:s31+$0xA00]  }
0x1c0: {  	v20 =	vld [tilespmem:s31+$0xCA00];
	_ =	sdelay $0x3  }
0x1c1: {  	v21 =	vmul.f32 v17, v17  }
0x1c2: {  	v22 =	vimm.f32 $0.0e+00;
	v23 =	vadd.f32 v20, v19  }
0x1c3: {  	v19 =	vmul.f32 v18, v18;
	v20 =	vadd.f32 v21, v22  }
0x1c4: {  	s8 =	sor.u32 $0x330, s8;
	[tilespmem:s31+$0xA00] =	vst v23  }
0x1c5: {  	v17 =	vadd.f32 v17, v22;
	v22 =	vadd.f32 v19, v20;
	v19 =	vld [tilespmem:s8+$0xA00]  }
0x1c6: {  	v20 =	vld [tilespmem:s8+$0xCA00];
	_ =	sdelay $0x1  }
0x1c7: {  	v17 =	vadd.f32 v18, v17;
	v21 =	vmul.f32 v23, v23  }
0x1c8: {  	s22 =	simm.s32 $0x1;
	p0 =	por !p0, !p0  }
0x1c9: {  	s21 =	simm.s32 $0x4;
	s22 =	simm.s32 @!p0 $0x0;
	v18 =	vadd.f32 v23, v17;
	v17 =	vadd.f32 v21, v22  }
.LBB2_15:
0x1ca: {  	s21 =	sadd.s32 $0x4, s21;
	s22 =	sshll.u32 s22, $0x6;
	v19 =	vadd.f32 v20, v19;
	s20 =	sadd.s32 $0x200, s20  }
0x1cb: {  	p1 =	slt.u32 s21, $0x3C;
	s22 =	sadd.s32 s22, s20  }
0x1cc: {  	s23 =	sor.u32 $0x300, s22;
	[tilespmem:s8+$0xA00] =	vst v19;
	v18 =	vadd.f32 v19, v18;
	v19 =	vmul.f32 v19, v19  }
0x1cd: {  	v20 =	vld [tilespmem:s23+$0xA00]  }
0x1ce: {  	v21 =	vld [tilespmem:s23+$0xCA00];
	v17 =	vadd.f32 v19, v17;
	_ =	sdelay $0x4  }
0x1cf: {  	v19 =	vadd.f32 v21, v20;
	_ =	sdelay $0x1  }
0x1d0: {  	s8 =	sor.u32 $0x310, s22;
	[tilespmem:s23+$0xA00] =	vst v19;
	v20 =	vmul.f32 v19, v19  }
0x1d1: {  	v21 =	vld [tilespmem:s8+$0xA00]  }
0x1d2: {  	v22 =	vld [tilespmem:s8+$0xCA00];
	_ =	sdelay $0x4  }
0x1d3: {  	v21 =	vadd.f32 v22, v21;
	_ =	sdelay $0x1  }
0x1d4: {  	[tilespmem:s8+$0xA00] =	vst v21;
	v22 =	vmul.f32 v21, v21;
	s8 =	sor.u32 $0x320, s22  }
0x1d5: {  	v23 =	vld [tilespmem:s8+$0xA00]  }
0x1d6: {  	v24 =	vld [tilespmem:s8+$0xCA00];
	_ =	sdelay $0x4  }
0x1d7: {  	v23 =	vadd.f32 v24, v23;
	_ =	sdelay $0x1  }
0x1d8: {  	[tilespmem:s8+$0xA00] =	vst v23;
	v24 =	vmul.f32 v23, v23;
	s8 =	sor.u32 $0x330, s22  }
0x1d9: {  	v18 =	vadd.f32 v19, v18;
	v17 =	vadd.f32 v20, v17;
	v19 =	vld [tilespmem:s8+$0xA00]  }
.Ltmp6:
0x1da: {  	v20 =	vld [tilespmem:s8+$0xCA00];
	(pc) =	sbr.rel @p1 .LBB2_15-.Ltmp6, $3  }
0x1db: {  	v18 =	vadd.f32 v21, v18;
	v17 =	vadd.f32 v22, v17;
	_ =	sdelay $0x1  }
0x1dc: {  	p0 =	por !p0, !p0;
	v18 =	vadd.f32 v23, v18;
	s22 =	simm.s32 $0x1;
	v17 =	vadd.f32 v24, v17  }
0x1dd: {  	s22 =	simm.s32 @!p0 $0x0  }
0x1de: {  	s21 =	sshll.u32 s22, $0x6;
	v19 =	vadd.f32 v20, v19;
	s20 =	sadd.s32 $0x200, s20  }
0x1df: {  	s20 =	sadd.s32 s21, s20  }
0x1e0: {  	s21 =	sor.u32 $0x300, s20;
	[tilespmem:s8+$0xA00] =	vst v19  }
0x1e1: {  	v20 =	vld [tilespmem:s21+$0xA00]  }
0x1e2: {  	v21 =	vld [tilespmem:s21+$0xCA00];
	_ =	sdelay $0x4  }
0x1e3: {  	v20 =	vadd.f32 v21, v20;
	_ =	sdelay $0x1  }
0x1e4: {  	s22 =	sor.u32 $0x310, s20;
	[tilespmem:s21+$0xA00] =	vst v20  }
0x1e5: {  	v21 =	vld [tilespmem:s22+$0xA00]  }
0x1e6: {  	v22 =	vld [tilespmem:s22+$0xCA00];
	_ =	sdelay $0x4  }
0x1e7: {  	v21 =	vadd.f32 v22, v21;
	_ =	sdelay $0x1  }
0x1e8: {  	s23 =	sor.u32 $0x320, s20;
	[tilespmem:s22+$0xA00] =	vst v21  }
0x1e9: {  	v22 =	vld [tilespmem:s23+$0xA00]  }
0x1ea: {  	v23 =	vld [tilespmem:s23+$0xCA00];
	_ =	sdelay $0x4  }
0x1eb: {  	v22 =	vadd.f32 v23, v22;
	_ =	sdelay $0x1  }
0x1ec: {  	s24 =	sor.u32 $0x330, s20;
	[tilespmem:s23+$0xA00] =	vst v22  }
0x1ed: {  	v23 =	vmul.f32 v19, v19;
	v24 =	vld [tilespmem:s24+$0xA00]  }
0x1ee: {  	v18 =	vadd.f32 v19, v18;
	v19 =	vld [tilespmem:s24+$0xCA00]  }
0x1ef: {  	v17 =	vadd.f32 v23, v17;
	v23 =	vmul.f32 v20, v20  }
0x1f0: {  	v18 =	vadd.f32 v20, v18  }
0x1f1: {  	v20 =	vmul.f32 v21, v21;
	v17 =	vadd.f32 v23, v17  }
0x1f2: {  	v18 =	vadd.f32 v21, v18  }
0x1f3: {  	v21 =	vmul.f32 v22, v22;
	v17 =	vadd.f32 v20, v17;
	v19 =	vadd.f32 v19, v24  }
0x1f4: {  	v18 =	vadd.f32 v22, v18  }
0x1f5: {  	v17 =	vadd.f32 v21, v17;
	v20 =	vmul.f32 v19, v19  }
0x1f6: {  	s25 =	simm.s32 $0x0;
	v18 =	vadd.f32 v19, v18  }
0x1f7: {  	s26 =	sor.u32 s25, s25;
	[tilespmem:s24+$0xA00] =	vst v19;
	v17 =	vadd.f32 v20, v17  }
0x1f8: {  	s8 =	sor.u32 s18, s26;
	[tilespmem:v15+s28+$0x0] =	vst.idx.msk $0xffff, v18  }
0x1f9: {  	s29 =	sor.u32 $0x380, s8;
	[tilespmem:v16+s28+$0x0] =	vst.idx.msk $0xffff, v17  }
0x1fa: {  	v17 =	vld [tilespmem:s29+$0xA00]  }
0x1fb: {  	v18 =	vld [tilespmem:s29+$0xCA00];
	_ =	sdelay $0x4  }
0x1fc: {  	v17 =	vadd.f32 v18, v17;
	_ =	sdelay $0x1  }
0x1fd: {  	s30 =	sor.u32 $0x390, s8;
	[tilespmem:s29+$0xA00] =	vst v17  }
0x1fe: {  	v18 =	vld [tilespmem:s30+$0xA00]  }
0x1ff: {  	v19 =	vld [tilespmem:s30+$0xCA00];
	_ =	sdelay $0x4  }
0x200: {  	v18 =	vadd.f32 v19, v18;
	_ =	sdelay $0x1  }
0x201: {  	s31 =	sor.u32 $0x3A0, s8;
	[tilespmem:s30+$0xA00] =	vst v18  }
0x202: {  	v19 =	vld [tilespmem:s31+$0xA00]  }
0x203: {  	v20 =	vld [tilespmem:s31+$0xCA00];
	_ =	sdelay $0x3  }
0x204: {  	v21 =	vmul.f32 v17, v17  }
0x205: {  	v22 =	vimm.f32 $0.0e+00;
	v23 =	vadd.f32 v20, v19  }
0x206: {  	v19 =	vmul.f32 v18, v18;
	v20 =	vadd.f32 v21, v22  }
0x207: {  	s8 =	sor.u32 $0x3B0, s8;
	[tilespmem:s31+$0xA00] =	vst v23  }
0x208: {  	v17 =	vadd.f32 v17, v22;
	v22 =	vadd.f32 v19, v20;
	v19 =	vld [tilespmem:s8+$0xA00]  }
0x209: {  	v20 =	vld [tilespmem:s8+$0xCA00];
	_ =	sdelay $0x1  }
0x20a: {  	v17 =	vadd.f32 v18, v17;
	v21 =	vmul.f32 v23, v23;
	_ =	sdelay $0x1  }
0x20b: {  	s20 =	simm.s32 $0x4;
	s21 =	simm.s32 $0x200;
	s22 =	simm.s32 $0x40;
	v18 =	vadd.f32 v23, v17;
	v17 =	vadd.f32 v21, v22  }
.LBB2_17:
0x20c: {  	s20 =	sadd.s32 $0x4, s20;
	s23 =	sor.u32 s21, s22;
	v19 =	vadd.f32 v20, v19  }
0x20d: {  	p0 =	slt.u32 s20, $0x3C;
	s23 =	sor.u32 s18, s23  }
0x20e: {  	s24 =	sor.u32 $0x380, s23;
	[tilespmem:s8+$0xA00] =	vst v19;
	v18 =	vadd.f32 v19, v18;
	v19 =	vmul.f32 v19, v19  }
0x20f: {  	v20 =	vld [tilespmem:s24+$0xA00]  }
0x210: {  	v21 =	vld [tilespmem:s24+$0xCA00];
	v17 =	vadd.f32 v19, v17;
	_ =	sdelay $0x4  }
0x211: {  	v19 =	vadd.f32 v21, v20;
	_ =	sdelay $0x1  }
0x212: {  	s8 =	sor.u32 $0x390, s23;
	[tilespmem:s24+$0xA00] =	vst v19;
	v20 =	vmul.f32 v19, v19  }
0x213: {  	v21 =	vld [tilespmem:s8+$0xA00]  }
0x214: {  	v22 =	vld [tilespmem:s8+$0xCA00];
	_ =	sdelay $0x4  }
0x215: {  	v21 =	vadd.f32 v22, v21;
	_ =	sdelay $0x1  }
0x216: {  	[tilespmem:s8+$0xA00] =	vst v21;
	v22 =	vmul.f32 v21, v21;
	s8 =	sor.u32 $0x3A0, s23  }
0x217: {  	v23 =	vld [tilespmem:s8+$0xA00]  }
0x218: {  	v24 =	vld [tilespmem:s8+$0xCA00];
	_ =	sdelay $0x4  }
0x219: {  	v23 =	vadd.f32 v24, v23;
	_ =	sdelay $0x1  }
0x21a: {  	[tilespmem:s8+$0xA00] =	vst v23;
	v24 =	vmul.f32 v23, v23;
	s8 =	sor.u32 $0x3B0, s23  }
0x21b: {  	v18 =	vadd.f32 v19, v18;
	v17 =	vadd.f32 v20, v17;
	v19 =	vld [tilespmem:s8+$0xA00]  }
.Ltmp7:
0x21c: {  	v20 =	vld [tilespmem:s8+$0xCA00];
	(pc) =	sbr.rel @p0 .LBB2_17-.Ltmp7, $3  }
0x21d: {  	v18 =	vadd.f32 v21, v18;
	v17 =	vadd.f32 v22, v17;
	_ =	sdelay $0x1  }
0x21e: {  	v18 =	vadd.f32 v23, v18;
	v17 =	vadd.f32 v24, v17  }
0x21f: {  	s21 =	sadd.s32 $0x200, s21;
	s22 =	sadd.s32 $0x40, s22  }
0x220: {  	s20 =	sor.u32 s21, s22;
	v19 =	vadd.f32 v20, v19  }
0x221: {  	s20 =	sor.u32 s18, s20  }
0x222: {  	s22 =	sor.u32 $0x380, s20;
	[tilespmem:s8+$0xA00] =	vst v19  }
0x223: {  	v20 =	vld [tilespmem:s22+$0xA00]  }
0x224: {  	v21 =	vld [tilespmem:s22+$0xCA00];
	_ =	sdelay $0x4  }
0x225: {  	v20 =	vadd.f32 v21, v20;
	_ =	sdelay $0x1  }
0x226: {  	s23 =	sor.u32 $0x390, s20;
	[tilespmem:s22+$0xA00] =	vst v20  }
0x227: {  	v21 =	vld [tilespmem:s23+$0xA00]  }
0x228: {  	v22 =	vld [tilespmem:s23+$0xCA00];
	_ =	sdelay $0x4  }
0x229: {  	v21 =	vadd.f32 v22, v21;
	_ =	sdelay $0x1  }
0x22a: {  	s24 =	sor.u32 $0x3A0, s20;
	[tilespmem:s23+$0xA00] =	vst v21  }
0x22b: {  	v22 =	vld [tilespmem:s24+$0xA00]  }
0x22c: {  	v23 =	vld [tilespmem:s24+$0xCA00];
	_ =	sdelay $0x4  }
0x22d: {  	v22 =	vadd.f32 v23, v22;
	_ =	sdelay $0x1  }
0x22e: {  	s25 =	sor.u32 $0x3B0, s20;
	[tilespmem:s24+$0xA00] =	vst v22  }
0x22f: {  	v23 =	vmul.f32 v19, v19;
	v24 =	vld [tilespmem:s25+$0xA00]  }
0x230: {  	v18 =	vadd.f32 v19, v18;
	v19 =	vld [tilespmem:s25+$0xCA00]  }
0x231: {  	v17 =	vadd.f32 v23, v17;
	v23 =	vmul.f32 v20, v20  }
0x232: {  	v18 =	vadd.f32 v20, v18  }
0x233: {  	v20 =	vmul.f32 v21, v21;
	v17 =	vadd.f32 v23, v17  }
0x234: {  	v18 =	vadd.f32 v21, v18;
	v23 =	vmul.f32 v22, v22  }
0x235: {  	v17 =	vadd.f32 v20, v17;
	v20 =	vor.u32 $0x7, v0;
	v19 =	vadd.f32 v19, v24  }
0x236: {  	v18 =	vadd.f32 v22, v18;
	v21 =	vor.u32 $0x17, v0  }
0x237: {  	v17 =	vadd.f32 v23, v17;
	v22 =	vmul.f32 v19, v19  }
0x238: {  	s26 =	simm.s32 $0x0;
	v18 =	vadd.f32 v19, v18  }
0x239: {  	s29 =	sand.u32 $0x40, s26;
	s20 =	sor.u32 $0x2000, s18;
	[tilespmem:s25+$0xA00] =	vst v19;
	v17 =	vadd.f32 v22, v17  }
0x23a: {  	s30 =	sor.u32 s20, s29;
	s24 =	sand.u32 $0x1C00, s26;
	[tilespmem:v20+s28+$0x0] =	vst.idx.msk $0xffff, v18  }
0x23b: {  	s31 =	sor.u32 s24, s30;
	[tilespmem:v21+s28+$0x0] =	vst.idx.msk $0xffff, v17  }
0x23c: {  	v17 =	vld [tilespmem:s31+$0xA00]  }
0x23d: {  	v18 =	vld [tilespmem:s31+$0xCA00];
	_ =	sdelay $0x4  }
0x23e: {  	s21 =	sor.u32 $0x2010, s18;
	v17 =	vadd.f32 v18, v17  }
0x23f: {  	s23 =	sor.u32 s21, s29  }
0x240: {  	s23 =	sor.u32 s24, s23;
	[tilespmem:s31+$0xA00] =	vst v17  }
0x241: {  	v18 =	vld [tilespmem:s23+$0xA00]  }
0x242: {  	v19 =	vld [tilespmem:s23+$0xCA00];
	_ =	sdelay $0x4  }
0x243: {  	s22 =	sor.u32 $0x2020, s18;
	v18 =	vadd.f32 v19, v18  }
0x244: {  	s25 =	sor.u32 s22, s29  }
0x245: {  	s25 =	sor.u32 s24, s25;
	[tilespmem:s23+$0xA00] =	vst v18  }
0x246: {  	v19 =	vld [tilespmem:s25+$0xA00]  }
0x247: {  	v20 =	vld [tilespmem:s25+$0xCA00];
	_ =	sdelay $0x3  }
0x248: {  	v21 =	vmul.f32 v17, v17  }
0x249: {  	v22 =	vimm.f32 $0.0e+00;
	s23 =	sor.u32 $0x2030, s18;
	v23 =	vadd.f32 v20, v19  }
0x24a: {  	s8 =	sor.u32 s23, s29;
	v19 =	vmul.f32 v18, v18;
	v20 =	vadd.f32 v21, v22  }
0x24b: {  	s8 =	sor.u32 s24, s8;
	[tilespmem:s25+$0xA00] =	vst v23  }
0x24c: {  	v17 =	vadd.f32 v17, v22;
	v22 =	vadd.f32 v19, v20;
	v19 =	vld [tilespmem:s8+$0xA00]  }
0x24d: {  	v20 =	vld [tilespmem:s8+$0xCA00];
	_ =	sdelay $0x1  }
0x24e: {  	v17 =	vadd.f32 v18, v17;
	v21 =	vmul.f32 v23, v23;
	_ =	sdelay $0x1  }
0x24f: {  	s26 =	simm.s32 $0x40;
	s24 =	simm.s32 $0x4;
	v18 =	vadd.f32 v23, v17;
	s25 =	simm.s32 $0x200;
	v17 =	vadd.f32 v21, v22  }
.LBB2_19:
0x250: {  	s24 =	sadd.s32 $0x4, s24;
	s12 =	sand.u32 $0x40, s26;
	s14 =	sand.u32 $0x1C00, s25;
	v19 =	vadd.f32 v20, v19  }
0x251: {  	s29 =	sor.u32 s20, s12;
	s30 =	sor.u32 s21, s12;
	s31 =	sor.u32 s22, s12  }
0x252: {  	p0 =	slt.u32 s24, $0x3C;
	s12 =	sor.u32 s23, s12;
	s29 =	sor.u32 s14, s29;
	[tilespmem:s8+$0xA00] =	vst v19;
	v18 =	vadd.f32 v19, v18;
	v19 =	vmul.f32 v19, v19  }
0x253: {  	v20 =	vld [tilespmem:s29+$0xA00]  }
0x254: {  	v21 =	vld [tilespmem:s29+$0xCA00];
	v17 =	vadd.f32 v19, v17;
	_ =	sdelay $0x4  }
0x255: {  	v19 =	vadd.f32 v21, v20;
	_ =	sdelay $0x1  }
0x256: {  	s8 =	sor.u32 s14, s30;
	[tilespmem:s29+$0xA00] =	vst v19;
	v20 =	vmul.f32 v19, v19  }
0x257: {  	v21 =	vld [tilespmem:s8+$0xA00]  }
0x258: {  	v22 =	vld [tilespmem:s8+$0xCA00];
	_ =	sdelay $0x4  }
0x259: {  	v21 =	vadd.f32 v22, v21;
	_ =	sdelay $0x1  }
0x25a: {  	[tilespmem:s8+$0xA00] =	vst v21;
	v22 =	vmul.f32 v21, v21;
	s8 =	sor.u32 s14, s31  }
0x25b: {  	v23 =	vld [tilespmem:s8+$0xA00]  }
0x25c: {  	v24 =	vld [tilespmem:s8+$0xCA00];
	_ =	sdelay $0x4  }
0x25d: {  	v23 =	vadd.f32 v24, v23;
	_ =	sdelay $0x1  }
0x25e: {  	[tilespmem:s8+$0xA00] =	vst v23;
	v24 =	vmul.f32 v23, v23;
	s8 =	sor.u32 s14, s12  }
0x25f: {  	v18 =	vadd.f32 v19, v18;
	v17 =	vadd.f32 v20, v17;
	v19 =	vld [tilespmem:s8+$0xA00]  }
.Ltmp8:
0x260: {  	v20 =	vld [tilespmem:s8+$0xCA00];
	(pc) =	sbr.rel @p0 .LBB2_19-.Ltmp8, $3  }
0x261: {  	v18 =	vadd.f32 v21, v18;
	v17 =	vadd.f32 v22, v17;
	_ =	sdelay $0x1  }
0x262: {  	v18 =	vadd.f32 v23, v18;
	v17 =	vadd.f32 v24, v17  }
0x263: {  	s25 =	sadd.s32 $0x200, s25;
	s26 =	sadd.s32 $0x40, s26  }
0x264: {  	s12 =	sand.u32 $0x40, s26;
	v19 =	vadd.f32 v20, v19  }
0x265: {  	s14 =	sand.u32 $0x1C00, s25;
	s20 =	sor.u32 s20, s12  }
0x266: {  	s20 =	sor.u32 s14, s20;
	[tilespmem:s8+$0xA00] =	vst v19  }
0x267: {  	v20 =	vld [tilespmem:s20+$0xA00]  }
0x268: {  	v21 =	vld [tilespmem:s20+$0xCA00];
	_ =	sdelay $0x4  }
0x269: {  	v20 =	vadd.f32 v21, v20  }
0x26a: {  	s31 =	sor.u32 s21, s12  }
0x26b: {  	s8 =	sor.u32 s14, s31;
	[tilespmem:s20+$0xA00] =	vst v20  }
0x26c: {  	v21 =	vld [tilespmem:s8+$0xA00]  }
0x26d: {  	v22 =	vld [tilespmem:s8+$0xCA00];
	_ =	sdelay $0x4  }
0x26e: {  	v21 =	vadd.f32 v22, v21  }
0x26f: {  	s21 =	sor.u32 s22, s12  }
0x270: {  	s22 =	sor.u32 s14, s21;
	[tilespmem:s8+$0xA00] =	vst v21  }
0x271: {  	v22 =	vld [tilespmem:s22+$0xA00]  }
0x272: {  	v23 =	vld [tilespmem:s22+$0xCA00];
	_ =	sdelay $0x4  }
0x273: {  	v22 =	vadd.f32 v23, v22  }
0x274: {  	s12 =	sor.u32 s23, s12  }
0x275: {  	s23 =	sor.u32 s14, s12;
	[tilespmem:s22+$0xA00] =	vst v22  }
0x276: {  	v23 =	vmul.f32 v19, v19;
	v24 =	vld [tilespmem:s23+$0xA00]  }
0x277: {  	v18 =	vadd.f32 v19, v18;
	v19 =	vld [tilespmem:s23+$0xCA00]  }
0x278: {  	v17 =	vadd.f32 v23, v17;
	v23 =	vmul.f32 v20, v20  }
0x279: {  	v18 =	vadd.f32 v20, v18  }
0x27a: {  	v20 =	vmul.f32 v21, v21;
	v17 =	vadd.f32 v23, v17  }
0x27b: {  	v18 =	vadd.f32 v21, v18;
	v23 =	vmul.f32 v22, v22  }
0x27c: {  	v17 =	vadd.f32 v20, v17;
	v20 =	vor.u32 $0x8, v0;
	v19 =	vadd.f32 v19, v24  }
0x27d: {  	v18 =	vadd.f32 v22, v18;
	v21 =	vor.u32 $0x18, v0  }
0x27e: {  	v17 =	vadd.f32 v23, v17;
	v22 =	vmul.f32 v19, v19  }
0x27f: {  	s24 =	simm.s32 $0x0;
	v18 =	vadd.f32 v19, v18  }
0x280: {  	s25 =	sand.u32 $0x40, s24;
	s12 =	sand.u32 $0x1C00, s24;
	[tilespmem:s23+$0xA00] =	vst v19;
	v17 =	vadd.f32 v22, v17  }
0x281: {  	s8 =	sor.u32 s12, s25;
	[tilespmem:v20+s28+$0x0] =	vst.idx.msk $0xffff, v18  }
0x282: {  	s8 =	sor.u32 s18, s8;
	[tilespmem:v21+s28+$0x0] =	vst.idx.msk $0xffff, v17  }
0x283: {  	v17 =	vld [tilespmem:s8+$0xEAB0]  }
0x284: {  	v19 =	vld [tilespmem:s8+$0xEA90]  }
0x285: {  	v20 =	vld [tilespmem:s8+$0x2A90]  }
0x286: {  	v18 =	vld [tilespmem:s8+$0xEAA0]  }
0x287: {  	s26 =	simm.s32 $0x200;
	s29 =	simm.s32 $0x40;
	v21 =	vld [tilespmem:s8+$0x2AA0]  }
0x288: {  	s14 =	sand.u32 $0x40, s29;
	s12 =	sand.u32 $0x1C00, s26;
	v22 =	vld [tilespmem:s8+$0xEA80]  }
0x289: {  	s12 =	sor.u32 s12, s14;
	v23 =	vld [tilespmem:s8+$0x2AB0]  }
0x28a: {  	s21 =	sor.u32 s18, s12;
	v24 =	vadd.f32 v19, v20;
	v19 =	vld [tilespmem:s8+$0x2A80]  }
0x28b: {  	v25 =	vld [tilespmem:s21+$0xEAB0]  }
0x28c: {  	v26 =	vld [tilespmem:s21+$0xEA90]  }
0x28d: {  	v20 =	vld [tilespmem:s21+$0xEAA0];
	[tilespmem:s8+$0x2A90] =	vst v24  }
0x28e: {  	v27 =	vadd.f32 v18, v21;
	v21 =	vld [tilespmem:s21+$0x2A90]  }
0x28f: {  	v18 =	vadd.f32 v17, v23;
	v17 =	vadd.f32 v22, v19  }
0x290: {  	[tilespmem:s8+$0x2AA0] =	vst v27  }
0x291: {  	s30 =	simm.s32 $0x400;
	v30 =	vimm.f32 $0.0e+00;
	s31 =	simm.s32 $0x80;
	v23 =	vld [tilespmem:s21+$0x2AA0];
	v32 =	vmul.f32 v17, v17  }
0x292: {  	s14 =	sand.u32 $0x40, s31;
	s12 =	sand.u32 $0x1C00, s30;
	v29 =	vld [tilespmem:s21+$0xEA80];
	[tilespmem:s8+$0x2AB0] =	vst v18;
	v33 =	vadd.f32 v17, v30  }
0x293: {  	s12 =	sor.u32 s12, s14;
	v28 =	vld [tilespmem:s21+$0x2AB0];
	[tilespmem:s8+$0x2A80] =	vst v17;
	v22 =	vadd.f32 v26, v21;
	v26 =	vmul.f32 v24, v24;
	v30 =	vadd.f32 v32, v30  }
0x294: {  	s20 =	sor.u32 s18, s12;
	v31 =	vld [tilespmem:s21+$0x2A80]  }
0x295: {  	v19 =	vld [tilespmem:s20+$0xEAB0];
	v26 =	vadd.f32 v26, v30  }
0x296: {  	v17 =	vld [tilespmem:s20+$0xEAA0];
	v20 =	vadd.f32 v20, v23;
	v62 =	vadd.f32 v24, v33  }
0x297: {  	v63 =	vmul.f32 v27, v27;
	v21 =	vld [tilespmem:s20+$0xEA90];
	[tilespmem:s21+$0x2A90] =	vst v22  }
0x298: {  	v23 =	vadd.f32 v25, v28;
	v28 =	vmul.f32 v18, v18;
	v24 =	vld [tilespmem:s20+$0x2A90];
	[tilespmem:s21+$0x2AA0] =	vst v20;
	v30 =	vadd.f32 v27, v62  }
0x299: {  	s24 =	simm.s32 $0xC0;
	s22 =	simm.s32 $0x8;
	s23 =	simm.s32 $0x600;
	v27 =	vmovc v22;
	v25 =	vld [tilespmem:s20+$0x2AA0];
	v29 =	vadd.f32 v29, v31;
	v31 =	vadd.f32 v63, v26;
	v26 =	vmov v20  }
.LBB2_21:
0x29a: {  	s8 =	sand.u32 $0x40, s24;
	s12 =	sand.u32 $0x1C00, s23;
	s22 =	sadd.s32 $0x4, s22;
	v32 =	vld [tilespmem:s20+$0xEA80];
	[tilespmem:s21+$0x2AB0] =	vst v23;
	v30 =	vadd.f32 v18, v30;
	v33 =	vmov v19;
	v18 =	vmov v23  }
0x29b: {  	s8 =	sor.u32 s12, s8;
	p0 =	slt.u32 s22, $0x3C;
	v34 =	vld [tilespmem:s20+$0x2AB0];
	[tilespmem:s21+$0x2A80] =	vst v29;
	v35 =	vmul.f32 v29, v29;
	v28 =	vadd.f32 v28, v31;
	s21 =	smov.u32 s20  }
0x29c: {  	s20 =	sor.u32 s18, s8;
	v31 =	vld [tilespmem:s21+$0x2A80];
	v29 =	vadd.f32 v29, v30;
	v30 =	vmul.f32 v27, v22  }
.Ltmp9:
0x29d: {  	v19 =	vld [tilespmem:s20+$0xEAB0];
	v27 =	vadd.f32 v21, v24;
	v24 =	vadd.f32 v35, v28;
	(pc) =	sbr.rel @p0 .LBB2_21-.Ltmp9, $4  }
0x29e: {  	v35 =	vmul.f32 v26, v20;
	v29 =	vadd.f32 v22, v29;
	v26 =	vadd.f32 v17, v25;
	v17 =	vld [tilespmem:s20+$0xEAA0]  }
0x29f: {  	v28 =	vmul.f32 v23, v18;
	v21 =	vld [tilespmem:s20+$0xEA90];
	[tilespmem:s21+$0x2A90] =	vst v27;
	v36 =	vadd.f32 v30, v24;
	v22 =	vmov v27  }
0x2a0: {  	v24 =	vld [tilespmem:s20+$0x2A90];
	[tilespmem:s21+$0x2AA0] =	vst v26;
	v23 =	vadd.f32 v33, v34;
	v30 =	vadd.f32 v20, v29;
	v20 =	vmov v26  }
0x2a1: {  	s23 =	sadd.s32 $0x200, s23;
	s24 =	sadd.s32 $0x40, s24;
	v25 =	vld [tilespmem:s20+$0x2AA0];
	v29 =	vadd.f32 v32, v31;
	v31 =	vadd.f32 v35, v36  }
0x2a2: {  	v32 =	vld [tilespmem:s20+$0xEA80];
	[tilespmem:s21+$0x2AB0] =	vst v23;
	v18 =	vadd.f32 v18, v30  }
0x2a3: {  	v30 =	vld [tilespmem:s20+$0x2AB0];
	[tilespmem:s21+$0x2A80] =	vst v29;
	v33 =	vmul.f32 v29, v29;
	v28 =	vadd.f32 v28, v31  }
0x2a4: {  	v31 =	vld [tilespmem:s20+$0x2A80];
	v18 =	vadd.f32 v29, v18  }
0x2a5: {  	v27 =	vmul.f32 v27, v22;
	v28 =	vadd.f32 v33, v28  }
0x2a6: {  	v18 =	vadd.f32 v22, v18  }
0x2a7: {  	v22 =	vmul.f32 v26, v20;
	v26 =	vadd.f32 v27, v28  }
0x2a8: {  	v18 =	vadd.f32 v20, v18  }
0x2a9: {  	v20 =	vmul.f32 v23, v23;
	v27 =	vadd.f32 v32, v31;
	v22 =	vadd.f32 v22, v26  }
0x2aa: {  	v18 =	vadd.f32 v23, v18  }
0x2ab: {  	v21 =	vadd.f32 v21, v24;
	v23 =	vmul.f32 v27, v27;
	v20 =	vadd.f32 v20, v22  }
0x2ac: {  	v18 =	vadd.f32 v27, v18  }
0x2ad: {  	v17 =	vadd.f32 v17, v25;
	v22 =	vmul.f32 v21, v21;
	v20 =	vadd.f32 v23, v20  }
0x2ae: {  	v19 =	vadd.f32 v19, v30;
	v18 =	vadd.f32 v21, v18  }
0x2af: {  	v23 =	vmul.f32 v17, v17;
	v20 =	vadd.f32 v22, v20;
	v22 =	vor.u32 $0x9, v0  }
0x2b0: {  	[tilespmem:s20+$0x2A90] =	vst v21;
	v21 =	vor.u32 $0x19, v0;
	v18 =	vadd.f32 v17, v18  }
0x2b1: {  	[tilespmem:s20+$0x2AA0] =	vst v17;
	v17 =	vmul.f32 v19, v19;
	v20 =	vadd.f32 v23, v20  }
0x2b2: {  	s8 =	simm.s32 $0x0;
	[tilespmem:s20+$0x2AB0] =	vst v19;
	v18 =	vadd.f32 v19, v18  }
0x2b3: {  	s12 =	sand.u32 $0x40, s8;
	s8 =	sand.u32 $0x1C00, s8;
	[tilespmem:s20+$0x2A80] =	vst v27;
	v17 =	vadd.f32 v17, v20  }
0x2b4: {  	s8 =	sor.u32 s8, s12;
	[tilespmem:v22+s28+$0x0] =	vst.idx.msk $0xffff, v18  }
0x2b5: {  	s8 =	sor.u32 s18, s8;
	[tilespmem:v21+s28+$0x0] =	vst.idx.msk $0xffff, v17  }
0x2b6: {  	v17 =	vld [tilespmem:s8+$0xEB30]  }
0x2b7: {  	v19 =	vld [tilespmem:s8+$0xEB10]  }
0x2b8: {  	v20 =	vld [tilespmem:s8+$0x2B10]  }
0x2b9: {  	v18 =	vld [tilespmem:s8+$0xEB20]  }
0x2ba: {  	s29 =	simm.s32 $0x200;
	s14 =	simm.s32 $0x40;
	v21 =	vld [tilespmem:s8+$0x2B20]  }
0x2bb: {  	s14 =	sand.u32 $0x40, s14;
	s12 =	sand.u32 $0x1C00, s29;
	v22 =	vld [tilespmem:s8+$0xEB00]  }
0x2bc: {  	s12 =	sor.u32 s12, s14;
	v23 =	vld [tilespmem:s8+$0x2B30]  }
0x2bd: {  	s21 =	sor.u32 s18, s12;
	v24 =	vadd.f32 v19, v20;
	v19 =	vld [tilespmem:s8+$0x2B00]  }
0x2be: {  	v25 =	vld [tilespmem:s21+$0xEB30]  }
0x2bf: {  	v26 =	vld [tilespmem:s21+$0xEB10]  }
0x2c0: {  	v20 =	vld [tilespmem:s21+$0xEB20];
	[tilespmem:s8+$0x2B10] =	vst v24  }
0x2c1: {  	v27 =	vadd.f32 v18, v21;
	v21 =	vld [tilespmem:s21+$0x2B10]  }
0x2c2: {  	v18 =	vadd.f32 v17, v23;
	v17 =	vadd.f32 v22, v19  }
0x2c3: {  	[tilespmem:s8+$0x2B20] =	vst v27  }
0x2c4: {  	s30 =	simm.s32 $0x400;
	s31 =	simm.s32 $0x80;
	v30 =	vimm.f32 $0.0e+00;
	v23 =	vld [tilespmem:s21+$0x2B20];
	v60 =	vmul.f32 v17, v17  }
0x2c5: {  	s14 =	sand.u32 $0x40, s31;
	s12 =	sand.u32 $0x1C00, s30;
	v29 =	vld [tilespmem:s21+$0xEB00];
	[tilespmem:s8+$0x2B30] =	vst v18;
	v61 =	vadd.f32 v17, v30  }
0x2c6: {  	s12 =	sor.u32 s12, s14;
	v28 =	vld [tilespmem:s21+$0x2B30];
	[tilespmem:s8+$0x2B00] =	vst v17;
	v22 =	vadd.f32 v26, v21;
	v26 =	vmul.f32 v24, v24;
	v30 =	vadd.f32 v60, v30  }
0x2c7: {  	s20 =	sor.u32 s18, s12;
	v31 =	vld [tilespmem:s21+$0x2B00]  }
0x2c8: {  	v19 =	vld [tilespmem:s20+$0xEB30];
	v26 =	vadd.f32 v26, v30  }
0x2c9: {  	v17 =	vld [tilespmem:s20+$0xEB20];
	v20 =	vadd.f32 v20, v23;
	v62 =	vadd.f32 v24, v61  }
0x2ca: {  	v63 =	vmul.f32 v27, v27;
	v21 =	vld [tilespmem:s20+$0xEB10];
	[tilespmem:s21+$0x2B10] =	vst v22  }
0x2cb: {  	v23 =	vadd.f32 v25, v28;
	v28 =	vmul.f32 v18, v18;
	v24 =	vld [tilespmem:s20+$0x2B10];
	[tilespmem:s21+$0x2B20] =	vst v20;
	v30 =	vadd.f32 v27, v62  }
0x2cc: {  	s22 =	simm.s32 $0x8;
	s23 =	simm.s32 $0x600;
	s24 =	simm.s32 $0xC0;
	v27 =	vmovc v22;
	v25 =	vld [tilespmem:s20+$0x2B20];
	v29 =	vadd.f32 v29, v31;
	v31 =	vadd.f32 v63, v26;
	v26 =	vmov v20  }
.LBB2_23:
0x2cd: {  	s8 =	sand.u32 $0x40, s24;
	s12 =	sand.u32 $0x1C00, s23;
	s22 =	sadd.s32 $0x4, s22;
	v32 =	vld [tilespmem:s20+$0xEB00];
	[tilespmem:s21+$0x2B30] =	vst v23;
	v30 =	vadd.f32 v18, v30;
	v33 =	vmov v19;
	v18 =	vmov v23  }
0x2ce: {  	s8 =	sor.u32 s12, s8;
	p0 =	slt.u32 s22, $0x3C;
	v34 =	vld [tilespmem:s20+$0x2B30];
	[tilespmem:s21+$0x2B00] =	vst v29;
	v35 =	vmul.f32 v29, v29;
	v28 =	vadd.f32 v28, v31;
	s21 =	smov.u32 s20  }
0x2cf: {  	s20 =	sor.u32 s18, s8;
	v31 =	vld [tilespmem:s21+$0x2B00];
	v29 =	vadd.f32 v29, v30;
	v30 =	vmul.f32 v27, v22  }
.Ltmp10:
0x2d0: {  	v19 =	vld [tilespmem:s20+$0xEB30];
	v27 =	vadd.f32 v21, v24;
	v24 =	vadd.f32 v35, v28;
	(pc) =	sbr.rel @p0 .LBB2_23-.Ltmp10, $4  }
0x2d1: {  	v35 =	vmul.f32 v26, v20;
	v29 =	vadd.f32 v22, v29;
	v26 =	vadd.f32 v17, v25;
	v17 =	vld [tilespmem:s20+$0xEB20]  }
0x2d2: {  	v28 =	vmul.f32 v23, v18;
	v21 =	vld [tilespmem:s20+$0xEB10];
	[tilespmem:s21+$0x2B10] =	vst v27;
	v36 =	vadd.f32 v30, v24;
	v22 =	vmov v27  }
0x2d3: {  	v24 =	vld [tilespmem:s20+$0x2B10];
	[tilespmem:s21+$0x2B20] =	vst v26;
	v23 =	vadd.f32 v33, v34;
	v30 =	vadd.f32 v20, v29;
	v20 =	vmov v26  }
0x2d4: {  	s23 =	sadd.s32 $0x200, s23;
	s24 =	sadd.s32 $0x40, s24;
	v25 =	vld [tilespmem:s20+$0x2B20];
	v29 =	vadd.f32 v32, v31;
	v31 =	vadd.f32 v35, v36  }
0x2d5: {  	v32 =	vld [tilespmem:s20+$0xEB00];
	[tilespmem:s21+$0x2B30] =	vst v23;
	v18 =	vadd.f32 v18, v30  }
0x2d6: {  	v30 =	vld [tilespmem:s20+$0x2B30];
	[tilespmem:s21+$0x2B00] =	vst v29;
	v33 =	vmul.f32 v29, v29;
	v28 =	vadd.f32 v28, v31  }
0x2d7: {  	v31 =	vld [tilespmem:s20+$0x2B00];
	v18 =	vadd.f32 v29, v18  }
0x2d8: {  	v27 =	vmul.f32 v27, v22;
	v28 =	vadd.f32 v33, v28  }
0x2d9: {  	v18 =	vadd.f32 v22, v18  }
0x2da: {  	v22 =	vmul.f32 v26, v20;
	v26 =	vadd.f32 v27, v28  }
0x2db: {  	v18 =	vadd.f32 v20, v18  }
0x2dc: {  	v20 =	vmul.f32 v23, v23;
	v27 =	vadd.f32 v32, v31;
	v22 =	vadd.f32 v22, v26  }
0x2dd: {  	v18 =	vadd.f32 v23, v18  }
0x2de: {  	v21 =	vadd.f32 v21, v24;
	v23 =	vmul.f32 v27, v27;
	v20 =	vadd.f32 v20, v22  }
0x2df: {  	v18 =	vadd.f32 v27, v18  }
0x2e0: {  	v17 =	vadd.f32 v17, v25;
	v22 =	vmul.f32 v21, v21;
	v20 =	vadd.f32 v23, v20  }
0x2e1: {  	v19 =	vadd.f32 v19, v30;
	v18 =	vadd.f32 v21, v18  }
0x2e2: {  	v23 =	vmul.f32 v17, v17;
	v20 =	vadd.f32 v22, v20;
	v22 =	vor.u32 $0xA, v0  }
0x2e3: {  	[tilespmem:s20+$0x2B10] =	vst v21;
	v21 =	vor.u32 $0x1A, v0;
	v18 =	vadd.f32 v17, v18  }
0x2e4: {  	[tilespmem:s20+$0x2B20] =	vst v17;
	v17 =	vmul.f32 v19, v19;
	v20 =	vadd.f32 v23, v20  }
0x2e5: {  	s8 =	simm.s32 $0x0;
	[tilespmem:s20+$0x2B30] =	vst v19;
	v18 =	vadd.f32 v19, v18  }
0x2e6: {  	s12 =	sand.u32 $0x40, s8;
	s8 =	sand.u32 $0x1C00, s8;
	[tilespmem:s20+$0x2B00] =	vst v27;
	v17 =	vadd.f32 v17, v20  }
0x2e7: {  	s8 =	sor.u32 s8, s12;
	[tilespmem:v22+s28+$0x0] =	vst.idx.msk $0xffff, v18  }
0x2e8: {  	s8 =	sor.u32 s18, s8;
	[tilespmem:v21+s28+$0x0] =	vst.idx.msk $0xffff, v17  }
0x2e9: {  	v17 =	vld [tilespmem:s8+$0xEBB0]  }
0x2ea: {  	v19 =	vld [tilespmem:s8+$0xEB90]  }
0x2eb: {  	v20 =	vld [tilespmem:s8+$0x2B90]  }
0x2ec: {  	v18 =	vld [tilespmem:s8+$0xEBA0]  }
0x2ed: {  	s29 =	simm.s32 $0x200;
	s14 =	simm.s32 $0x40;
	v21 =	vld [tilespmem:s8+$0x2BA0]  }
0x2ee: {  	s14 =	sand.u32 $0x40, s14;
	s12 =	sand.u32 $0x1C00, s29;
	v22 =	vld [tilespmem:s8+$0xEB80]  }
0x2ef: {  	s12 =	sor.u32 s12, s14;
	v23 =	vld [tilespmem:s8+$0x2BB0]  }
0x2f0: {  	s21 =	sor.u32 s18, s12;
	v24 =	vadd.f32 v19, v20;
	v19 =	vld [tilespmem:s8+$0x2B80]  }
0x2f1: {  	v25 =	vld [tilespmem:s21+$0xEBB0]  }
0x2f2: {  	v26 =	vld [tilespmem:s21+$0xEB90]  }
0x2f3: {  	v20 =	vld [tilespmem:s21+$0xEBA0];
	[tilespmem:s8+$0x2B90] =	vst v24  }
0x2f4: {  	v27 =	vadd.f32 v18, v21;
	v21 =	vld [tilespmem:s21+$0x2B90]  }
0x2f5: {  	v18 =	vadd.f32 v17, v23;
	v17 =	vadd.f32 v22, v19  }
0x2f6: {  	[tilespmem:s8+$0x2BA0] =	vst v27  }
0x2f7: {  	s30 =	simm.s32 $0x400;
	s31 =	simm.s32 $0x80;
	v30 =	vimm.f32 $0.0e+00;
	v23 =	vld [tilespmem:s21+$0x2BA0];
	v60 =	vmul.f32 v17, v17  }
0x2f8: {  	s14 =	sand.u32 $0x40, s31;
	s12 =	sand.u32 $0x1C00, s30;
	v29 =	vld [tilespmem:s21+$0xEB80];
	[tilespmem:s8+$0x2BB0] =	vst v18;
	v61 =	vadd.f32 v17, v30  }
0x2f9: {  	s12 =	sor.u32 s12, s14;
	v28 =	vld [tilespmem:s21+$0x2BB0];
	[tilespmem:s8+$0x2B80] =	vst v17;
	v22 =	vadd.f32 v26, v21;
	v26 =	vmul.f32 v24, v24;
	v30 =	vadd.f32 v60, v30  }
0x2fa: {  	s20 =	sor.u32 s18, s12;
	v31 =	vld [tilespmem:s21+$0x2B80]  }
0x2fb: {  	v19 =	vld [tilespmem:s20+$0xEBB0];
	v26 =	vadd.f32 v26, v30  }
0x2fc: {  	v17 =	vld [tilespmem:s20+$0xEBA0];
	v20 =	vadd.f32 v20, v23;
	v62 =	vadd.f32 v24, v61  }
0x2fd: {  	v63 =	vmul.f32 v27, v27;
	v21 =	vld [tilespmem:s20+$0xEB90];
	[tilespmem:s21+$0x2B90] =	vst v22  }
0x2fe: {  	v23 =	vadd.f32 v25, v28;
	v28 =	vmul.f32 v18, v18;
	v24 =	vld [tilespmem:s20+$0x2B90];
	[tilespmem:s21+$0x2BA0] =	vst v20;
	v30 =	vadd.f32 v27, v62  }
0x2ff: {  	s22 =	simm.s32 $0x8;
	s23 =	simm.s32 $0x600;
	s24 =	simm.s32 $0xC0;
	v27 =	vmovc v22;
	v25 =	vld [tilespmem:s20+$0x2BA0];
	v29 =	vadd.f32 v29, v31;
	v31 =	vadd.f32 v63, v26;
	v26 =	vmov v20  }
.LBB2_25:
0x300: {  	s8 =	sand.u32 $0x40, s24;
	s12 =	sand.u32 $0x1C00, s23;
	s22 =	sadd.s32 $0x4, s22;
	v32 =	vld [tilespmem:s20+$0xEB80];
	[tilespmem:s21+$0x2BB0] =	vst v23;
	v30 =	vadd.f32 v18, v30;
	v33 =	vmov v19;
	v18 =	vmov v23  }
0x301: {  	s8 =	sor.u32 s12, s8;
	p0 =	slt.u32 s22, $0x3C;
	v34 =	vld [tilespmem:s20+$0x2BB0];
	[tilespmem:s21+$0x2B80] =	vst v29;
	v35 =	vmul.f32 v29, v29;
	v28 =	vadd.f32 v28, v31;
	s21 =	smov.u32 s20  }
0x302: {  	s20 =	sor.u32 s18, s8;
	v31 =	vld [tilespmem:s21+$0x2B80];
	v29 =	vadd.f32 v29, v30;
	v30 =	vmul.f32 v27, v22  }
.Ltmp11:
0x303: {  	v19 =	vld [tilespmem:s20+$0xEBB0];
	v27 =	vadd.f32 v21, v24;
	v24 =	vadd.f32 v35, v28;
	(pc) =	sbr.rel @p0 .LBB2_25-.Ltmp11, $4  }
0x304: {  	v35 =	vmul.f32 v26, v20;
	v29 =	vadd.f32 v22, v29;
	v26 =	vadd.f32 v17, v25;
	v17 =	vld [tilespmem:s20+$0xEBA0]  }
0x305: {  	v28 =	vmul.f32 v23, v18;
	v21 =	vld [tilespmem:s20+$0xEB90];
	[tilespmem:s21+$0x2B90] =	vst v27;
	v36 =	vadd.f32 v30, v24;
	v22 =	vmov v27  }
0x306: {  	v24 =	vld [tilespmem:s20+$0x2B90];
	[tilespmem:s21+$0x2BA0] =	vst v26;
	v23 =	vadd.f32 v33, v34;
	v30 =	vadd.f32 v20, v29;
	v20 =	vmov v26  }
0x307: {  	s23 =	sadd.s32 $0x200, s23;
	s24 =	sadd.s32 $0x40, s24;
	v25 =	vld [tilespmem:s20+$0x2BA0];
	v29 =	vadd.f32 v32, v31;
	v31 =	vadd.f32 v35, v36  }
0x308: {  	v32 =	vld [tilespmem:s20+$0xEB80];
	[tilespmem:s21+$0x2BB0] =	vst v23;
	v18 =	vadd.f32 v18, v30  }
0x309: {  	v60 =	vld [tilespmem:s20+$0x2BB0];
	[tilespmem:s21+$0x2B80] =	vst v29;
	v33 =	vmul.f32 v29, v29;
	v28 =	vadd.f32 v28, v31  }
0x30a: {  	v61 =	vld [tilespmem:s20+$0x2B80];
	v18 =	vadd.f32 v29, v18  }
0x30b: {  	v27 =	vmul.f32 v27, v22;
	v28 =	vadd.f32 v33, v28  }
0x30c: {  	v18 =	vadd.f32 v22, v18  }
0x30d: {  	v22 =	vmul.f32 v26, v20;
	v62 =	vadd.f32 v27, v28  }
0x30e: {  	v18 =	vadd.f32 v20, v18  }
0x30f: {  	v20 =	vmul.f32 v23, v23;
	v63 =	vadd.f32 v32, v61;
	v22 =	vadd.f32 v22, v62  }
0x310: {  	v18 =	vadd.f32 v23, v18  }
0x311: {  	v21 =	vadd.f32 v21, v24;
	v23 =	vmul.f32 v63, v63;
	v20 =	vadd.f32 v20, v22  }
0x312: {  	v18 =	vadd.f32 v63, v18  }
0x313: {  	v17 =	vadd.f32 v17, v25;
	v22 =	vmul.f32 v21, v21;
	v20 =	vadd.f32 v23, v20  }
0x314: {  	v19 =	vadd.f32 v19, v60;
	v18 =	vadd.f32 v21, v18  }
0x315: {  	v23 =	vmul.f32 v17, v17;
	v20 =	vadd.f32 v22, v20;
	v22 =	vor.u32 $0xB, v0  }
0x316: {  	[tilespmem:s20+$0x2B90] =	vst v21;
	v21 =	vor.u32 $0x1B, v0;
	v18 =	vadd.f32 v17, v18  }
0x317: {  	p0 =	por $0x0, $0x0;
	s8 =	simm.s32 $0x1;
	[tilespmem:s20+$0x2BA0] =	vst v17;
	v17 =	vmul.f32 v19, v19;
	v20 =	vadd.f32 v23, v20  }
0x318: {  	s8 =	simm.s32 @!p0 $0x0;
	[tilespmem:s20+$0x2BB0] =	vst v19;
	v18 =	vadd.f32 v19, v18  }
0x319: {  	s8 =	sshll.u32 s8, $0x6;
	[tilespmem:s20+$0x2B80] =	vst v63;
	v17 =	vadd.f32 v17, v20  }
0x31a: {  	s8 =	sadd.s32 s8, s19;
	[tilespmem:v22+s28+$0x0] =	vst.idx.msk $0xffff, v18  }
0x31b: {  	s12 =	sor.u32 $0x200, s8;
	[tilespmem:v21+s28+$0x0] =	vst.idx.msk $0xffff, v17  }
0x31c: {  	v17 =	vld [tilespmem:s12+$0xA00]  }
0x31d: {  	v18 =	vld [tilespmem:s12+$0xCA00];
	_ =	sdelay $0x4  }
0x31e: {  	v17 =	vadd.f32 v18, v17;
	_ =	sdelay $0x1  }
0x31f: {  	s30 =	sor.u32 $0x210, s8;
	[tilespmem:s12+$0xA00] =	vst v17  }
0x320: {  	v18 =	vld [tilespmem:s30+$0xA00]  }
0x321: {  	v19 =	vld [tilespmem:s30+$0xCA00];
	_ =	sdelay $0x4  }
0x322: {  	v18 =	vadd.f32 v19, v18;
	_ =	sdelay $0x1  }
0x323: {  	s31 =	sor.u32 $0x220, s8;
	[tilespmem:s30+$0xA00] =	vst v18  }
0x324: {  	v19 =	vld [tilespmem:s31+$0xA00]  }
0x325: {  	v20 =	vld [tilespmem:s31+$0xCA00];
	_ =	sdelay $0x3  }
0x326: {  	v21 =	vmul.f32 v17, v17  }
0x327: {  	v22 =	vimm.f32 $0.0e+00;
	v23 =	vadd.f32 v20, v19  }
0x328: {  	v19 =	vmul.f32 v18, v18;
	v20 =	vadd.f32 v21, v22  }
0x329: {  	s8 =	sor.u32 $0x230, s8;
	[tilespmem:s31+$0xA00] =	vst v23  }
0x32a: {  	v17 =	vadd.f32 v17, v22;
	v22 =	vadd.f32 v19, v20;
	v19 =	vld [tilespmem:s8+$0xA00]  }
0x32b: {  	v20 =	vld [tilespmem:s8+$0xCA00];
	_ =	sdelay $0x1  }
0x32c: {  	v17 =	vadd.f32 v18, v17;
	v21 =	vmul.f32 v23, v23  }
0x32d: {  	s22 =	simm.s32 $0x1;
	p0 =	por !p0, !p0  }
0x32e: {  	s21 =	smov.u32 s19;
	s22 =	simm.s32 @!p0 $0x0;
	s20 =	simm.s32 $0x4;
	v18 =	vadd.f32 v23, v17;
	v17 =	vadd.f32 v21, v22  }
.LBB2_27:
0x32f: {  	s20 =	sadd.s32 $0x4, s20;
	s12 =	sshll.u32 s22, $0x6;
	v19 =	vadd.f32 v20, v19;
	s21 =	sadd.s32 $0x200, s21  }
0x330: {  	p1 =	slt.u32 s20, $0x3C;
	s12 =	sadd.s32 s12, s21  }
0x331: {  	s14 =	sor.u32 $0x200, s12;
	[tilespmem:s8+$0xA00] =	vst v19;
	v18 =	vadd.f32 v19, v18;
	v19 =	vmul.f32 v19, v19  }
0x332: {  	v20 =	vld [tilespmem:s14+$0xA00]  }
0x333: {  	v21 =	vld [tilespmem:s14+$0xCA00];
	v17 =	vadd.f32 v19, v17;
	_ =	sdelay $0x4  }
0x334: {  	v19 =	vadd.f32 v21, v20;
	_ =	sdelay $0x1  }
0x335: {  	s8 =	sor.u32 $0x210, s12;
	[tilespmem:s14+$0xA00] =	vst v19;
	v20 =	vmul.f32 v19, v19  }
0x336: {  	v21 =	vld [tilespmem:s8+$0xA00]  }
0x337: {  	v22 =	vld [tilespmem:s8+$0xCA00];
	_ =	sdelay $0x4  }
0x338: {  	v21 =	vadd.f32 v22, v21;
	_ =	sdelay $0x1  }
0x339: {  	[tilespmem:s8+$0xA00] =	vst v21;
	v22 =	vmul.f32 v21, v21;
	s8 =	sor.u32 $0x220, s12  }
0x33a: {  	v23 =	vld [tilespmem:s8+$0xA00]  }
0x33b: {  	v24 =	vld [tilespmem:s8+$0xCA00];
	_ =	sdelay $0x4  }
0x33c: {  	v23 =	vadd.f32 v24, v23;
	_ =	sdelay $0x1  }
0x33d: {  	[tilespmem:s8+$0xA00] =	vst v23;
	v24 =	vmul.f32 v23, v23;
	s8 =	sor.u32 $0x230, s12  }
0x33e: {  	v18 =	vadd.f32 v19, v18;
	v17 =	vadd.f32 v20, v17;
	v19 =	vld [tilespmem:s8+$0xA00]  }
.Ltmp12:
0x33f: {  	v20 =	vld [tilespmem:s8+$0xCA00];
	(pc) =	sbr.rel @p1 .LBB2_27-.Ltmp12, $3  }
0x340: {  	v18 =	vadd.f32 v21, v18;
	v17 =	vadd.f32 v22, v17;
	_ =	sdelay $0x1  }
0x341: {  	p0 =	por !p0, !p0;
	s22 =	simm.s32 $0x1;
	v18 =	vadd.f32 v23, v18;
	v17 =	vadd.f32 v24, v17  }
0x342: {  	s22 =	simm.s32 @!p0 $0x0  }
0x343: {  	s12 =	sshll.u32 s22, $0x6;
	v19 =	vadd.f32 v20, v19;
	s14 =	sadd.s32 $0x200, s21  }
0x344: {  	s12 =	sadd.s32 s12, s14  }
0x345: {  	s14 =	sor.u32 $0x200, s12;
	[tilespmem:s8+$0xA00] =	vst v19  }
0x346: {  	v20 =	vld [tilespmem:s14+$0xA00]  }
0x347: {  	v21 =	vld [tilespmem:s14+$0xCA00];
	_ =	sdelay $0x4  }
0x348: {  	v20 =	vadd.f32 v21, v20;
	_ =	sdelay $0x1  }
0x349: {  	s23 =	sor.u32 $0x210, s12;
	[tilespmem:s14+$0xA00] =	vst v20  }
0x34a: {  	v21 =	vld [tilespmem:s23+$0xA00]  }
0x34b: {  	v22 =	vld [tilespmem:s23+$0xCA00];
	_ =	sdelay $0x4  }
0x34c: {  	v21 =	vadd.f32 v22, v21;
	_ =	sdelay $0x1  }
0x34d: {  	s24 =	sor.u32 $0x220, s12;
	[tilespmem:s23+$0xA00] =	vst v21  }
0x34e: {  	v22 =	vld [tilespmem:s24+$0xA00]  }
0x34f: {  	v23 =	vld [tilespmem:s24+$0xCA00];
	_ =	sdelay $0x4  }
0x350: {  	v22 =	vadd.f32 v23, v22;
	_ =	sdelay $0x1  }
0x351: {  	s25 =	sor.u32 $0x230, s12;
	[tilespmem:s24+$0xA00] =	vst v22  }
0x352: {  	v23 =	vmul.f32 v19, v19;
	v24 =	vld [tilespmem:s25+$0xA00]  }
0x353: {  	v18 =	vadd.f32 v19, v18;
	v19 =	vld [tilespmem:s25+$0xCA00]  }
0x354: {  	v17 =	vadd.f32 v23, v17;
	v23 =	vmul.f32 v20, v20  }
0x355: {  	v18 =	vadd.f32 v20, v18  }
0x356: {  	v20 =	vmul.f32 v21, v21;
	v17 =	vadd.f32 v23, v17  }
0x357: {  	v18 =	vadd.f32 v21, v18;
	v23 =	vmul.f32 v22, v22  }
0x358: {  	v17 =	vadd.f32 v20, v17;
	v20 =	vor.u32 $0xC, v0;
	v19 =	vadd.f32 v19, v24  }
0x359: {  	v18 =	vadd.f32 v22, v18;
	v21 =	vor.u32 $0x1C, v0  }
0x35a: {  	p0 =	por $0x0, $0x0;
	s12 =	simm.s32 $0x1;
	v17 =	vadd.f32 v23, v17;
	v22 =	vmul.f32 v19, v19  }
0x35b: {  	s12 =	simm.s32 @!p0 $0x0;
	v18 =	vadd.f32 v19, v18  }
0x35c: {  	s26 =	sshll.u32 s12, $0x6;
	[tilespmem:s25+$0xA00] =	vst v19;
	v17 =	vadd.f32 v22, v17  }
0x35d: {  	s8 =	sadd.s32 s26, s19;
	[tilespmem:v20+s28+$0x0] =	vst.idx.msk $0xffff, v18  }
0x35e: {  	s29 =	sor.u32 $0x280, s8;
	[tilespmem:v21+s28+$0x0] =	vst.idx.msk $0xffff, v17  }
0x35f: {  	v17 =	vld [tilespmem:s29+$0xA00]  }
0x360: {  	v18 =	vld [tilespmem:s29+$0xCA00];
	_ =	sdelay $0x4  }
0x361: {  	v17 =	vadd.f32 v18, v17;
	_ =	sdelay $0x1  }
0x362: {  	s30 =	sor.u32 $0x290, s8;
	[tilespmem:s29+$0xA00] =	vst v17  }
0x363: {  	v18 =	vld [tilespmem:s30+$0xA00]  }
0x364: {  	v19 =	vld [tilespmem:s30+$0xCA00];
	_ =	sdelay $0x4  }
0x365: {  	v18 =	vadd.f32 v19, v18;
	_ =	sdelay $0x1  }
0x366: {  	s31 =	sor.u32 $0x2A0, s8;
	[tilespmem:s30+$0xA00] =	vst v18  }
0x367: {  	v19 =	vld [tilespmem:s31+$0xA00]  }
0x368: {  	v20 =	vld [tilespmem:s31+$0xCA00];
	_ =	sdelay $0x3  }
0x369: {  	v21 =	vmul.f32 v17, v17  }
0x36a: {  	v22 =	vimm.f32 $0.0e+00;
	v23 =	vadd.f32 v20, v19  }
0x36b: {  	v19 =	vmul.f32 v18, v18;
	v20 =	vadd.f32 v21, v22  }
0x36c: {  	s8 =	sor.u32 $0x2B0, s8;
	[tilespmem:s31+$0xA00] =	vst v23  }
0x36d: {  	v17 =	vadd.f32 v17, v22;
	v22 =	vadd.f32 v19, v20;
	v19 =	vld [tilespmem:s8+$0xA00]  }
0x36e: {  	v20 =	vld [tilespmem:s8+$0xCA00];
	_ =	sdelay $0x1  }
0x36f: {  	v17 =	vadd.f32 v18, v17;
	v21 =	vmul.f32 v23, v23  }
0x370: {  	s22 =	simm.s32 $0x1;
	p0 =	por !p0, !p0  }
0x371: {  	s20 =	simm.s32 $0x4;
	s21 =	smov.u32 s19;
	s22 =	simm.s32 @!p0 $0x0;
	v18 =	vadd.f32 v23, v17;
	v17 =	vadd.f32 v21, v22  }
.LBB2_29:
0x372: {  	s20 =	sadd.s32 $0x4, s20;
	s12 =	sshll.u32 s22, $0x6;
	v19 =	vadd.f32 v20, v19;
	s21 =	sadd.s32 $0x200, s21  }
0x373: {  	p1 =	slt.u32 s20, $0x3C;
	s12 =	sadd.s32 s12, s21  }
0x374: {  	s14 =	sor.u32 $0x280, s12;
	[tilespmem:s8+$0xA00] =	vst v19;
	v18 =	vadd.f32 v19, v18;
	v19 =	vmul.f32 v19, v19  }
0x375: {  	v20 =	vld [tilespmem:s14+$0xA00]  }
0x376: {  	v21 =	vld [tilespmem:s14+$0xCA00];
	v17 =	vadd.f32 v19, v17;
	_ =	sdelay $0x4  }
0x377: {  	v19 =	vadd.f32 v21, v20;
	_ =	sdelay $0x1  }
0x378: {  	s8 =	sor.u32 $0x290, s12;
	[tilespmem:s14+$0xA00] =	vst v19;
	v20 =	vmul.f32 v19, v19  }
0x379: {  	v21 =	vld [tilespmem:s8+$0xA00]  }
0x37a: {  	v22 =	vld [tilespmem:s8+$0xCA00];
	_ =	sdelay $0x4  }
0x37b: {  	v21 =	vadd.f32 v22, v21;
	_ =	sdelay $0x1  }
0x37c: {  	[tilespmem:s8+$0xA00] =	vst v21;
	v22 =	vmul.f32 v21, v21;
	s8 =	sor.u32 $0x2A0, s12  }
0x37d: {  	v23 =	vld [tilespmem:s8+$0xA00]  }
0x37e: {  	v24 =	vld [tilespmem:s8+$0xCA00];
	_ =	sdelay $0x4  }
0x37f: {  	v23 =	vadd.f32 v24, v23;
	_ =	sdelay $0x1  }
0x380: {  	[tilespmem:s8+$0xA00] =	vst v23;
	v24 =	vmul.f32 v23, v23;
	s8 =	sor.u32 $0x2B0, s12  }
0x381: {  	v18 =	vadd.f32 v19, v18;
	v17 =	vadd.f32 v20, v17;
	v19 =	vld [tilespmem:s8+$0xA00]  }
.Ltmp13:
0x382: {  	v20 =	vld [tilespmem:s8+$0xCA00];
	(pc) =	sbr.rel @p1 .LBB2_29-.Ltmp13, $3  }
0x383: {  	v18 =	vadd.f32 v21, v18;
	v17 =	vadd.f32 v22, v17;
	_ =	sdelay $0x1  }
0x384: {  	p0 =	por !p0, !p0;
	s22 =	simm.s32 $0x1;
	v18 =	vadd.f32 v23, v18;
	v17 =	vadd.f32 v24, v17  }
0x385: {  	s22 =	simm.s32 @!p0 $0x0  }
0x386: {  	s12 =	sshll.u32 s22, $0x6;
	v19 =	vadd.f32 v20, v19;
	s14 =	sadd.s32 $0x200, s21  }
0x387: {  	s12 =	sadd.s32 s12, s14  }
0x388: {  	s14 =	sor.u32 $0x280, s12;
	[tilespmem:s8+$0xA00] =	vst v19  }
0x389: {  	v20 =	vld [tilespmem:s14+$0xA00]  }
0x38a: {  	v21 =	vld [tilespmem:s14+$0xCA00];
	_ =	sdelay $0x4  }
0x38b: {  	v20 =	vadd.f32 v21, v20;
	_ =	sdelay $0x1  }
0x38c: {  	s23 =	sor.u32 $0x290, s12;
	[tilespmem:s14+$0xA00] =	vst v20  }
0x38d: {  	v21 =	vld [tilespmem:s23+$0xA00]  }
0x38e: {  	v22 =	vld [tilespmem:s23+$0xCA00];
	_ =	sdelay $0x4  }
0x38f: {  	v21 =	vadd.f32 v22, v21;
	_ =	sdelay $0x1  }
0x390: {  	s24 =	sor.u32 $0x2A0, s12;
	[tilespmem:s23+$0xA00] =	vst v21  }
0x391: {  	v22 =	vld [tilespmem:s24+$0xA00]  }
0x392: {  	v23 =	vld [tilespmem:s24+$0xCA00];
	_ =	sdelay $0x4  }
0x393: {  	v22 =	vadd.f32 v23, v22;
	_ =	sdelay $0x1  }
0x394: {  	s25 =	sor.u32 $0x2B0, s12;
	[tilespmem:s24+$0xA00] =	vst v22  }
0x395: {  	v23 =	vmul.f32 v19, v19;
	v24 =	vld [tilespmem:s25+$0xA00]  }
0x396: {  	v18 =	vadd.f32 v19, v18;
	v19 =	vld [tilespmem:s25+$0xCA00]  }
0x397: {  	v17 =	vadd.f32 v23, v17;
	v23 =	vmul.f32 v20, v20  }
0x398: {  	v18 =	vadd.f32 v20, v18  }
0x399: {  	v20 =	vmul.f32 v21, v21;
	v17 =	vadd.f32 v23, v17  }
0x39a: {  	v18 =	vadd.f32 v21, v18;
	v23 =	vmul.f32 v22, v22  }
0x39b: {  	v17 =	vadd.f32 v20, v17;
	v20 =	vor.u32 $0xD, v0;
	v19 =	vadd.f32 v19, v24  }
0x39c: {  	v18 =	vadd.f32 v22, v18;
	v21 =	vor.u32 $0x1D, v0  }
0x39d: {  	p0 =	por $0x0, $0x0;
	s12 =	simm.s32 $0x1;
	v17 =	vadd.f32 v23, v17;
	v22 =	vmul.f32 v19, v19  }
0x39e: {  	s12 =	simm.s32 @!p0 $0x0;
	v18 =	vadd.f32 v19, v18  }
0x39f: {  	s26 =	sshll.u32 s12, $0x6;
	[tilespmem:s25+$0xA00] =	vst v19;
	v17 =	vadd.f32 v22, v17  }
0x3a0: {  	s8 =	sadd.s32 s26, s19;
	[tilespmem:v20+s28+$0x0] =	vst.idx.msk $0xffff, v18  }
0x3a1: {  	s29 =	sor.u32 $0x300, s8;
	[tilespmem:v21+s28+$0x0] =	vst.idx.msk $0xffff, v17  }
0x3a2: {  	v17 =	vld [tilespmem:s29+$0xA00]  }
0x3a3: {  	v18 =	vld [tilespmem:s29+$0xCA00];
	_ =	sdelay $0x4  }
0x3a4: {  	v17 =	vadd.f32 v18, v17;
	_ =	sdelay $0x1  }
0x3a5: {  	s30 =	sor.u32 $0x310, s8;
	[tilespmem:s29+$0xA00] =	vst v17  }
0x3a6: {  	v18 =	vld [tilespmem:s30+$0xA00]  }
0x3a7: {  	v19 =	vld [tilespmem:s30+$0xCA00];
	_ =	sdelay $0x4  }
0x3a8: {  	v18 =	vadd.f32 v19, v18;
	_ =	sdelay $0x1  }
0x3a9: {  	s31 =	sor.u32 $0x320, s8;
	[tilespmem:s30+$0xA00] =	vst v18  }
0x3aa: {  	v19 =	vld [tilespmem:s31+$0xA00]  }
0x3ab: {  	v20 =	vld [tilespmem:s31+$0xCA00];
	_ =	sdelay $0x3  }
0x3ac: {  	v21 =	vmul.f32 v17, v17  }
0x3ad: {  	v22 =	vimm.f32 $0.0e+00;
	v23 =	vadd.f32 v20, v19  }
0x3ae: {  	v19 =	vmul.f32 v18, v18;
	v20 =	vadd.f32 v21, v22  }
0x3af: {  	s8 =	sor.u32 $0x330, s8;
	[tilespmem:s31+$0xA00] =	vst v23  }
0x3b0: {  	v17 =	vadd.f32 v17, v22;
	v22 =	vadd.f32 v19, v20;
	v19 =	vld [tilespmem:s8+$0xA00]  }
0x3b1: {  	v20 =	vld [tilespmem:s8+$0xCA00];
	_ =	sdelay $0x1  }
0x3b2: {  	v17 =	vadd.f32 v18, v17;
	v21 =	vmul.f32 v23, v23  }
0x3b3: {  	s21 =	simm.s32 $0x1;
	p0 =	por !p0, !p0  }
0x3b4: {  	s20 =	simm.s32 $0x4;
	s21 =	simm.s32 @!p0 $0x0;
	v18 =	vadd.f32 v23, v17;
	v17 =	vadd.f32 v21, v22  }
.LBB2_31:
0x3b5: {  	s20 =	sadd.s32 $0x4, s20;
	s12 =	sshll.u32 s21, $0x6;
	v19 =	vadd.f32 v20, v19;
	s19 =	sadd.s32 $0x200, s19  }
0x3b6: {  	p1 =	slt.u32 s20, $0x3C;
	s12 =	sadd.s32 s12, s19  }
0x3b7: {  	s14 =	sor.u32 $0x300, s12;
	[tilespmem:s8+$0xA00] =	vst v19;
	v18 =	vadd.f32 v19, v18;
	v19 =	vmul.f32 v19, v19  }
0x3b8: {  	v20 =	vld [tilespmem:s14+$0xA00]  }
0x3b9: {  	v21 =	vld [tilespmem:s14+$0xCA00];
	v17 =	vadd.f32 v19, v17;
	_ =	sdelay $0x4  }
0x3ba: {  	v19 =	vadd.f32 v21, v20;
	_ =	sdelay $0x1  }
0x3bb: {  	s8 =	sor.u32 $0x310, s12;
	[tilespmem:s14+$0xA00] =	vst v19;
	v20 =	vmul.f32 v19, v19  }
0x3bc: {  	v21 =	vld [tilespmem:s8+$0xA00]  }
0x3bd: {  	v22 =	vld [tilespmem:s8+$0xCA00];
	_ =	sdelay $0x4  }
0x3be: {  	v21 =	vadd.f32 v22, v21;
	_ =	sdelay $0x1  }
0x3bf: {  	[tilespmem:s8+$0xA00] =	vst v21;
	v22 =	vmul.f32 v21, v21;
	s8 =	sor.u32 $0x320, s12  }
0x3c0: {  	v23 =	vld [tilespmem:s8+$0xA00]  }
0x3c1: {  	v24 =	vld [tilespmem:s8+$0xCA00];
	_ =	sdelay $0x4  }
0x3c2: {  	v23 =	vadd.f32 v24, v23;
	_ =	sdelay $0x1  }
0x3c3: {  	[tilespmem:s8+$0xA00] =	vst v23;
	v24 =	vmul.f32 v23, v23;
	s8 =	sor.u32 $0x330, s12  }
0x3c4: {  	v18 =	vadd.f32 v19, v18;
	v17 =	vadd.f32 v20, v17;
	v19 =	vld [tilespmem:s8+$0xA00]  }
.Ltmp14:
0x3c5: {  	v20 =	vld [tilespmem:s8+$0xCA00];
	(pc) =	sbr.rel @p1 .LBB2_31-.Ltmp14, $3  }
0x3c6: {  	v18 =	vadd.f32 v21, v18;
	v17 =	vadd.f32 v22, v17;
	_ =	sdelay $0x1  }
0x3c7: {  	p0 =	por !p0, !p0;
	s21 =	simm.s32 $0x1;
	v18 =	vadd.f32 v23, v18;
	v17 =	vadd.f32 v24, v17  }
0x3c8: {  	s21 =	simm.s32 @!p0 $0x0  }
0x3c9: {  	s12 =	sshll.u32 s21, $0x6;
	v19 =	vadd.f32 v20, v19;
	s14 =	sadd.s32 $0x200, s19  }
0x3ca: {  	s12 =	sadd.s32 s12, s14  }
0x3cb: {  	s14 =	sor.u32 $0x300, s12;
	[tilespmem:s8+$0xA00] =	vst v19  }
0x3cc: {  	v20 =	vld [tilespmem:s14+$0xA00]  }
0x3cd: {  	v21 =	vld [tilespmem:s14+$0xCA00];
	_ =	sdelay $0x4  }
0x3ce: {  	v20 =	vadd.f32 v21, v20;
	_ =	sdelay $0x1  }
0x3cf: {  	s22 =	sor.u32 $0x310, s12;
	[tilespmem:s14+$0xA00] =	vst v20  }
0x3d0: {  	v21 =	vld [tilespmem:s22+$0xA00]  }
0x3d1: {  	v22 =	vld [tilespmem:s22+$0xCA00];
	_ =	sdelay $0x4  }
0x3d2: {  	v21 =	vadd.f32 v22, v21;
	_ =	sdelay $0x1  }
0x3d3: {  	s23 =	sor.u32 $0x320, s12;
	[tilespmem:s22+$0xA00] =	vst v21  }
0x3d4: {  	v22 =	vld [tilespmem:s23+$0xA00]  }
0x3d5: {  	v23 =	vld [tilespmem:s23+$0xCA00];
	_ =	sdelay $0x4  }
0x3d6: {  	v22 =	vadd.f32 v23, v22;
	_ =	sdelay $0x1  }
0x3d7: {  	s24 =	sor.u32 $0x330, s12;
	[tilespmem:s23+$0xA00] =	vst v22  }
0x3d8: {  	v23 =	vmul.f32 v19, v19;
	v24 =	vld [tilespmem:s24+$0xA00]  }
0x3d9: {  	v18 =	vadd.f32 v19, v18;
	v19 =	vld [tilespmem:s24+$0xCA00]  }
0x3da: {  	v17 =	vadd.f32 v23, v17;
	v23 =	vmul.f32 v20, v20  }
0x3db: {  	v18 =	vadd.f32 v20, v18  }
0x3dc: {  	v20 =	vmul.f32 v21, v21;
	v17 =	vadd.f32 v23, v17  }
0x3dd: {  	v18 =	vadd.f32 v21, v18;
	v23 =	vmul.f32 v22, v22  }
0x3de: {  	v17 =	vadd.f32 v20, v17;
	v20 =	vor.u32 $0xE, v0;
	v19 =	vadd.f32 v19, v24  }
0x3df: {  	v18 =	vadd.f32 v22, v18;
	v21 =	vor.u32 $0x1E, v0  }
0x3e0: {  	v17 =	vadd.f32 v23, v17;
	v22 =	vmul.f32 v19, v19  }
0x3e1: {  	s25 =	simm.s32 $0x0;
	v18 =	vadd.f32 v19, v18  }
0x3e2: {  	s26 =	sor.u32 s25, s25;
	[tilespmem:s24+$0xA00] =	vst v19;
	v17 =	vadd.f32 v22, v17  }
0x3e3: {  	s8 =	sor.u32 s18, s26;
	[tilespmem:v20+s28+$0x0] =	vst.idx.msk $0xffff, v18  }
0x3e4: {  	s29 =	sor.u32 $0x2380, s8;
	[tilespmem:v21+s28+$0x0] =	vst.idx.msk $0xffff, v17  }
0x3e5: {  	v17 =	vld [tilespmem:s29+$0xA00]  }
0x3e6: {  	v18 =	vld [tilespmem:s29+$0xCA00];
	_ =	sdelay $0x4  }
0x3e7: {  	v17 =	vadd.f32 v18, v17;
	_ =	sdelay $0x1  }
0x3e8: {  	s30 =	sor.u32 $0x2390, s8;
	[tilespmem:s29+$0xA00] =	vst v17  }
0x3e9: {  	v18 =	vld [tilespmem:s30+$0xA00]  }
0x3ea: {  	v19 =	vld [tilespmem:s30+$0xCA00];
	_ =	sdelay $0x4  }
0x3eb: {  	v18 =	vadd.f32 v19, v18;
	_ =	sdelay $0x1  }
0x3ec: {  	s31 =	sor.u32 $0x23A0, s8;
	[tilespmem:s30+$0xA00] =	vst v18  }
0x3ed: {  	v19 =	vld [tilespmem:s31+$0xA00]  }
0x3ee: {  	v20 =	vld [tilespmem:s31+$0xCA00];
	_ =	sdelay $0x3  }
0x3ef: {  	v21 =	vmul.f32 v17, v17  }
0x3f0: {  	v22 =	vimm.f32 $0.0e+00;
	v23 =	vadd.f32 v20, v19  }
0x3f1: {  	v19 =	vmul.f32 v18, v18;
	v20 =	vadd.f32 v21, v22  }
0x3f2: {  	s8 =	sor.u32 $0x23B0, s8;
	[tilespmem:s31+$0xA00] =	vst v23  }
0x3f3: {  	v17 =	vadd.f32 v17, v22;
	v22 =	vadd.f32 v19, v20;
	v19 =	vld [tilespmem:s8+$0xA00]  }
0x3f4: {  	v20 =	vld [tilespmem:s8+$0xCA00];
	_ =	sdelay $0x1  }
0x3f5: {  	v17 =	vadd.f32 v18, v17;
	v21 =	vmul.f32 v23, v23;
	_ =	sdelay $0x1  }
0x3f6: {  	s19 =	simm.s32 $0x4;
	s20 =	simm.s32 $0x200;
	s21 =	simm.s32 $0x40;
	v18 =	vadd.f32 v23, v17;
	v17 =	vadd.f32 v21, v22  }
.LBB2_33:
0x3f7: {  	s19 =	sadd.s32 $0x4, s19;
	s12 =	sor.u32 s20, s21;
	v19 =	vadd.f32 v20, v19  }
0x3f8: {  	p0 =	slt.u32 s19, $0x3C;
	s12 =	sor.u32 s18, s12  }
0x3f9: {  	s14 =	sor.u32 $0x2380, s12;
	[tilespmem:s8+$0xA00] =	vst v19;
	v18 =	vadd.f32 v19, v18;
	v19 =	vmul.f32 v19, v19  }
0x3fa: {  	v20 =	vld [tilespmem:s14+$0xA00]  }
0x3fb: {  	v21 =	vld [tilespmem:s14+$0xCA00];
	v17 =	vadd.f32 v19, v17;
	_ =	sdelay $0x4  }
0x3fc: {  	v19 =	vadd.f32 v21, v20;
	_ =	sdelay $0x1  }
0x3fd: {  	s8 =	sor.u32 $0x2390, s12;
	[tilespmem:s14+$0xA00] =	vst v19;
	v20 =	vmul.f32 v19, v19  }
0x3fe: {  	v21 =	vld [tilespmem:s8+$0xA00]  }
0x3ff: {  	v22 =	vld [tilespmem:s8+$0xCA00];
	_ =	sdelay $0x4  }
0x400: {  	v21 =	vadd.f32 v22, v21;
	_ =	sdelay $0x1  }
0x401: {  	[tilespmem:s8+$0xA00] =	vst v21;
	v22 =	vmul.f32 v21, v21;
	s8 =	sor.u32 $0x23A0, s12  }
0x402: {  	v23 =	vld [tilespmem:s8+$0xA00]  }
0x403: {  	v24 =	vld [tilespmem:s8+$0xCA00];
	_ =	sdelay $0x4  }
0x404: {  	v23 =	vadd.f32 v24, v23;
	_ =	sdelay $0x1  }
0x405: {  	[tilespmem:s8+$0xA00] =	vst v23;
	v24 =	vmul.f32 v23, v23;
	s8 =	sor.u32 $0x23B0, s12  }
0x406: {  	v18 =	vadd.f32 v19, v18;
	v17 =	vadd.f32 v20, v17;
	v19 =	vld [tilespmem:s8+$0xA00]  }
.Ltmp15:
0x407: {  	v20 =	vld [tilespmem:s8+$0xCA00];
	(pc) =	sbr.rel @p0 .LBB2_33-.Ltmp15, $3  }
0x408: {  	v18 =	vadd.f32 v21, v18;
	v17 =	vadd.f32 v22, v17;
	_ =	sdelay $0x1  }
0x409: {  	v18 =	vadd.f32 v23, v18;
	v17 =	vadd.f32 v24, v17  }
0x40a: {  	s20 =	sadd.s32 $0x200, s20;
	s21 =	sadd.s32 $0x40, s21  }
0x40b: {  	s12 =	sor.u32 s20, s21;
	v19 =	vadd.f32 v20, v19  }
0x40c: {  	s12 =	sor.u32 s18, s12  }
0x40d: {  	s14 =	sor.u32 $0x2380, s12;
	[tilespmem:s8+$0xA00] =	vst v19  }
0x40e: {  	v20 =	vld [tilespmem:s14+$0xA00]  }
0x40f: {  	v21 =	vld [tilespmem:s14+$0xCA00];
	_ =	sdelay $0x4  }
0x410: {  	v20 =	vadd.f32 v21, v20;
	_ =	sdelay $0x1  }
0x411: {  	s21 =	sor.u32 $0x2390, s12;
	[tilespmem:s14+$0xA00] =	vst v20  }
0x412: {  	v21 =	vld [tilespmem:s21+$0xA00]  }
0x413: {  	v22 =	vld [tilespmem:s21+$0xCA00];
	_ =	sdelay $0x4  }
0x414: {  	v21 =	vadd.f32 v22, v21;
	_ =	sdelay $0x1  }
0x415: {  	s22 =	sor.u32 $0x23A0, s12;
	[tilespmem:s21+$0xA00] =	vst v21  }
0x416: {  	v22 =	vld [tilespmem:s22+$0xA00]  }
0x417: {  	v23 =	vld [tilespmem:s22+$0xCA00];
	_ =	sdelay $0x4  }
0x418: {  	v22 =	vadd.f32 v23, v22;
	_ =	sdelay $0x1  }
0x419: {  	s23 =	sor.u32 $0x23B0, s12;
	[tilespmem:s22+$0xA00] =	vst v22  }
0x41a: {  	v23 =	vmul.f32 v19, v19;
	v24 =	vld [tilespmem:s23+$0xA00]  }
0x41b: {  	v18 =	vadd.f32 v19, v18;
	v19 =	vld [tilespmem:s23+$0xCA00]  }
0x41c: {  	v17 =	vadd.f32 v23, v17;
	v23 =	vmul.f32 v20, v20  }
0x41d: {  	v18 =	vadd.f32 v20, v18  }
0x41e: {  	v20 =	vmul.f32 v21, v21;
	v17 =	vadd.f32 v23, v17  }
0x41f: {  	v18 =	vadd.f32 v21, v18;
	v23 =	vmul.f32 v22, v22  }
0x420: {  	v17 =	vadd.f32 v20, v17;
	v20 =	vor.u32 $0xF, v0;
	v19 =	vadd.f32 v19, v24  }
0x421: {  	v18 =	vadd.f32 v22, v18;
	v21 =	vor.u32 $0x1F, v0  }
0x422: {  	v17 =	vadd.f32 v23, v17;
	v22 =	vmul.f32 v19, v19  }
0x423: {  	v18 =	vadd.f32 v19, v18  }
0x424: {  	[tilespmem:s23+$0xA00] =	vst v19;
	v17 =	vadd.f32 v22, v17  }
0x425: {  	[tilespmem:v20+s28+$0x0] =	vst.idx.msk $0xffff, v18  }
0x426: {  	[tilespmem:v21+s28+$0x0] =	vst.idx.msk $0xffff, v17  }
0x427: {  	v17 =	vld [tilespmem:$0x18A00]  }
0x428: {  	v18 =	vld [tilespmem:$0x18A10]  }
0x429: {  	v19 =	vld [tilespmem:$0x18A80]  }
0x42a: {  	v20 =	vld [tilespmem:$0x18A90]  }
0x42b: {  	v21 =	vld [tilespmem:$0x18B00]  }
0x42c: {  	v22 =	vld [tilespmem:$0x18B10]  }
0x42d: {  	v23 =	vld [tilespmem:$0x18B80]  }
0x42e: {  	v24 =	vld [tilespmem:$0x18C00];
	v17 =	vadd.f32 v19, v17  }
0x42f: {  	v19 =	vld [tilespmem:$0x18B90]  }
0x430: {  	v18 =	vadd.f32 v20, v18;
	v20 =	vld [tilespmem:$0x18C10];
	v17 =	vadd.f32 v21, v17  }
0x431: {  	v21 =	vld [tilespmem:$0x18C80]  }
0x432: {  	v18 =	vadd.f32 v22, v18;
	v22 =	vld [tilespmem:$0x18C90];
	v17 =	vadd.f32 v23, v17  }
0x433: {  	v23 =	vld [tilespmem:$0x18D00]  }
0x434: {  	v18 =	vadd.f32 v19, v18;
	v19 =	vld [tilespmem:$0x18D10];
	v17 =	vadd.f32 v24, v17  }
0x435: {  	v24 =	vld [tilespmem:$0x18D80]  }
0x436: {  	v18 =	vadd.f32 v20, v18;
	v20 =	vld [tilespmem:$0x18D90];
	v17 =	vadd.f32 v21, v17  }
0x437: {  	v21 =	vld [tilespmem:$0x18E00]  }
0x438: {  	v18 =	vadd.f32 v22, v18;
	v22 =	vld [tilespmem:$0x18E10];
	v17 =	vadd.f32 v23, v17  }
0x439: {  	v23 =	vld [tilespmem:$0x18E80]  }
0x43a: {  	v18 =	vadd.f32 v19, v18;
	v19 =	vld [tilespmem:$0x18E90];
	v17 =	vadd.f32 v24, v17  }
0x43b: {  	v24 =	vld [tilespmem:$0x18F00]  }
0x43c: {  	v18 =	vadd.f32 v20, v18;
	v20 =	vld [tilespmem:$0x18F10];
	v17 =	vadd.f32 v21, v17  }
0x43d: {  	v21 =	vld [tilespmem:$0x18F80]  }
0x43e: {  	v18 =	vadd.f32 v22, v18;
	v22 =	vld [tilespmem:$0x18F90];
	v17 =	vadd.f32 v23, v17  }
0x43f: {  	v23 =	vld [tilespmem:$0x19000]  }
0x440: {  	v18 =	vadd.f32 v19, v18;
	v19 =	vld [tilespmem:$0x19010];
	v17 =	vadd.f32 v24, v17  }
0x441: {  	v24 =	vld [tilespmem:$0x19080]  }
0x442: {  	v18 =	vadd.f32 v20, v18;
	v20 =	vld [tilespmem:$0x19090];
	v17 =	vadd.f32 v21, v17  }
0x443: {  	v21 =	vld [tilespmem:$0x19100]  }
0x444: {  	v18 =	vadd.f32 v22, v18;
	v22 =	vld [tilespmem:$0x19110];
	v17 =	vadd.f32 v23, v17  }
0x445: {  	v23 =	vld [tilespmem:$0x19180]  }
0x446: {  	v18 =	vadd.f32 v19, v18;
	v17 =	vadd.f32 v24, v17  }
0x447: {  	v19 =	vld [tilespmem:$0x19190]  }
0x448: {  	v18 =	vadd.f32 v20, v18;
	v17 =	vadd.f32 v21, v17;
	_ =	sdelay $0x1  }
0x449: {  	v18 =	vadd.f32 v22, v18;
	v17 =	vadd.f32 v23, v17;
	_ =	sdelay $0x1  }
0x44a: {  	v18 =	vadd.f32 v19, v18;
	v17 =	vmul.f32 $9.765625000e-04, v17;
	_ =	sdelay $0x1  }
0x44b: {  	v18 =	vmul.f32 $9.765625000e-04, v18;
	v19 =	vmul.f32 v17, v17;
	_ =	sdelay $0x1  }
0x44c: {  	v18 =	vsub.f32 v18, v19;
	_ =	sdelay $0x1  }
0x44d: {  	v18 =	vadd.f32 $9.999999960e-13, v18;
	_ =	sdelay $0x1  }
0x44e: {  	v19 =	vshra.s32 v18, $0x1;
	v18 =	vmul.f32 $5.000000000e-01, v18  }
0x44f: {  	v19 =	vsub.s32 $0x5F3759DF, v19  }
0x450: {  	v20 =	vmul.f32 v19, v18;
	_ =	sdelay $0x1  }
0x451: {  	v20 =	vmul.f32 v19, v20;
	_ =	sdelay $0x1  }
0x452: {  	v20 =	vsub.f32 $1.500000000e+00, v20;
	_ =	sdelay $0x1  }
0x453: {  	v19 =	vmul.f32 v19, v20;
	_ =	sdelay $0x1  }
0x454: {  	v20 =	vmul.f32 v19, v18;
	_ =	sdelay $0x1  }
0x455: {  	v20 =	vmul.f32 v20, v19;
	_ =	sdelay $0x1  }
0x456: {  	v20 =	vsub.f32 $1.500000000e+00, v20;
	_ =	sdelay $0x1  }
0x457: {  	v19 =	vmul.f32 v20, v19;
	_ =	sdelay $0x1  }
0x458: {  	v18 =	vmul.f32 v19, v18;
	_ =	sdelay $0x1  }
0x459: {  	v18 =	vmul.f32 v18, v19;
	_ =	sdelay $0x1  }
0x45a: {  	v18 =	vsub.f32 $1.500000000e+00, v18;
	_ =	sdelay $0x1  }
0x45b: {  	v17 =	vsub.f32 $0.0e+00, v17;
	v19 =	vmul.f32 v18, v19;
	_ =	sdelay $0x1  }
0x45c: {  	v44 =	vmul.f32 v19, v17  }
0x45d: {  	v17 =	vbroadcast v19, $0x0;
	v32 =	vbroadcast v19, $0x1  }
0x45e: {  	v18 =	vbroadcast v19, $0x2;
	v31 =	vbroadcast v19, $0x3  }
0x45f: {  	v27 =	vbroadcast v19, $0x4;
	v23 =	vbroadcast v19, $0x5  }
0x460: {  	s24 =	simm.s32 $0x0;
	v30 =	vbroadcast v19, $0x6;
	v28 =	vbroadcast v19, $0x7  }
0x461: {  	s18 =	sadd.s32 $0xA00, s18;
	s25 =	sand.u32 $0x1C00, s24;
	v21 =	vbroadcast v19, $0x8;
	v29 =	vbroadcast v19, $0x9  }
0x462: {  	s8 =	sand.u32 $0x70, s24;
	s12 =	sadd.s32 s25, s18;
	v22 =	vbroadcast v19, $0xA;
	v38 =	vbroadcast v19, $0xB  }
0x463: {  	s19 =	sadd.s32 s8, s12;
	v42 =	vbroadcast v19, $0xC;
	v35 =	vbroadcast v19, $0xD  }
0x464: {  	v49 =	vld [tilespmem:s19+$0x2300];
	v43 =	vbroadcast v19, $0xE;
	v36 =	vbroadcast v19, $0xF  }
0x465: {  	v50 =	vld [tilespmem:s19+$0x2200];
	v19 =	vbroadcast v44, $0x0;
	v41 =	vbroadcast v44, $0x1  }
0x466: {  	v51 =	vld [tilespmem:s19+$0x80];
	v20 =	vbroadcast v44, $0x2;
	v40 =	vbroadcast v44, $0x3  }
0x467: {  	v52 =	vld [tilespmem:s19+$0x2180];
	v33 =	vbroadcast v44, $0x4;
	v26 =	vbroadcast v44, $0x5  }
0x468: {  	v53 =	vld [tilespmem:s19+$0x2280];
	v39 =	vbroadcast v44, $0x6;
	v37 =	vbroadcast v44, $0x7  }
0x469: {  	v54 =	vld [tilespmem:s19+$0x180];
	v25 =	vbroadcast v44, $0x8;
	v34 =	vbroadcast v44, $0x9  }
0x46a: {  	v55 =	vld [tilespmem:s19+$0x300];
	v24 =	vbroadcast v44, $0xA;
	v46 =	vbroadcast v44, $0xB  }
0x46b: {  	v56 =	vld [tilespmem:s19+$0x2380];
	v47 =	vbroadcast v44, $0xC;
	v45 =	vbroadcast v44, $0xD  }
0x46c: {  	v57 =	vld [tilespmem:s19+$0x200];
	v48 =	vbroadcast v44, $0xE;
	v44 =	vbroadcast v44, $0xF  }
0x46d: {  	v58 =	vld [tilespmem:s19+$0x380];
	v50 =	vmul.f32 v50, v42;
	v49 =	vmul.f32 v49, v43  }
0x46e: {  	s26 =	simm.s32 $0x200;
	v59 =	vld [tilespmem:s19+$0x2080];
	v51 =	vmul.f32 v51, v32;
	v52 =	vmul.f32 v52, v38  }
0x46f: {  	v54 =	vmul.f32 v54, v31;
	v53 =	vmul.f32 v53, v35;
	v60 =	vadd.f32 v50, v47;
	v50 =	vld [tilespmem:s26+$0x0]  }
0x470: {  	s29 =	simm.s32 $0x600;
	v62 =	vld [tilespmem:s19+$0x280];
	v55 =	vmul.f32 v55, v30;
	v56 =	vmul.f32 v56, v36;
	v61 =	vadd.f32 v49, v48  }
0x471: {  	v57 =	vmul.f32 v57, v27;
	v51 =	vadd.f32 v51, v41;
	v52 =	vadd.f32 v52, v46;
	v49 =	vld [tilespmem:s29+$0x0]  }
0x472: {  	v58 =	vmul.f32 v58, v28;
	v54 =	vadd.f32 v54, v40;
	v53 =	vadd.f32 v53, v45  }
0x473: {  	v63 =	vld [tilespmem:s19+$0x2100];
	v59 =	vmul.f32 v59, v29;
	v55 =	vadd.f32 v55, v39;
	v1 =	vadd.f32 v56, v44  }
0x474: {  	v56 =	vmul.f32 v51, v50;
	v51 =	vadd.f32 v58, v37;
	v58 =	vmul.f32 v60, v50  }
0x475: {  	v57 =	vadd.f32 v57, v33;
	v59 =	vadd.f32 v59, v34;
	v60 =	vmul.f32 v62, v23;
	v62 =	vld [tilespmem:s19+$0x2000]  }
0x476: {  	v3 =	vld [tilespmem:s19+$0x100];
	v61 =	vmul.f32 v61, v50;
	v52 =	vmul.f32 v52, v50;
	v58 =	vadd.f32 v58, v49  }
0x477: {  	s21 =	simm.s32 $0x80;
	v54 =	vmul.f32 v54, v50;
	v53 =	vmul.f32 v53, v50;
	v56 =	vadd.f32 v56, v49  }
0x478: {  	s30 =	simm.s32 $0x10;
	s31 =	sand.u32 $0x1C00, s21;
	v2 =	vld [tilespmem:s19+$0x0];
	v63 =	vmul.f32 v63, v22;
	v4 =	vadd.f32 v52, v49;
	v52 =	vadd.f32 v61, v49;
	[tilespmem:s19+$0x2200] =	vst v58  }
0x479: {  	s8 =	sand.u32 $0x70, s30;
	s12 =	sadd.s32 s31, s18;
	v53 =	vadd.f32 v53, v49;
	v61 =	vadd.f32 v54, v49;
	[tilespmem:s19+$0x80] =	vst v56;
	v56 =	vmul.f32 v57, v50  }
0x47a: {  	s20 =	sadd.s32 s8, s12;
	v60 =	vadd.f32 v60, v26;
	v58 =	vmul.f32 v59, v50;
	[tilespmem:s19+$0x2300] =	vst v52;
	v62 =	vmul.f32 v62, v21  }
0x47b: {  	v57 =	vmul.f32 v55, v50;
	v55 =	vadd.f32 v63, v24;
	[tilespmem:s19+$0x2180] =	vst v4;
	v59 =	vmul.f32 v3, v18;
	v52 =	vld [tilespmem:s20+$0x2300]  }
0x47c: {  	v3 =	vmul.f32 v60, v50;
	[tilespmem:s19+$0x2280] =	vst v53;
	v54 =	vld [tilespmem:s20+$0x2200];
	v5 =	vadd.f32 v58, v49;
	v4 =	vadd.f32 v62, v25  }
0x47d: {  	s24 =	simm.s32 $0x210;
	s25 =	simm.s32 $0x610;
	[tilespmem:s19+$0x180] =	vst v61;
	v63 =	vmul.f32 v1, v50;
	v53 =	vld [tilespmem:s20+$0x80];
	v58 =	vmul.f32 v2, v17;
	v62 =	vadd.f32 v56, v49  }
0x47e: {  	s22 =	simm.s32 $0x610;
	s23 =	simm.s32 $0x210;
	s26 =	simm.s32 $0x20;
	v60 =	vadd.f32 v3, v49;
	v56 =	vmul.f32 v55, v50;
	v55 =	vld [tilespmem:s20+$0x2180];
	[tilespmem:s19+$0x2080] =	vst v5;
	v61 =	vmul.f32 v4, v50  }
.LBB2_35:
0x47f: {  	v1 =	vld [tilespmem:s20+$0x2280];
	s21 =	sadd.s32 $0x80, s21;
	s24 =	sadd.s32 $0x10, s24;
	s25 =	sadd.s32 $0x10, s25;
	v2 =	vadd.f32 v59, v20;
	[tilespmem:s19+$0x200] =	vst v62;
	v3 =	vadd.f32 v57, v49;
	v4 =	vmul.f32 v51, v50  }
0x480: {  	p0 =	sne.s32 s26, $0x3F0;
	s8 =	smov.u32 s26;
	s26 =	sadd.s32 $0x10, s26;
	v5 =	vld [tilespmem:s20+$0x180];
	[tilespmem:s19+$0x280] =	vst v60;
	v51 =	vadd.f32 v61, v49;
	v57 =	vadd.f32 v63, v49  }
0x481: {  	v58 =	vadd.f32 v58, v19;
	v2 =	vmul.f32 v2, v50;
	[tilespmem:s19+$0x300] =	vst v3;
	v3 =	vadd.f32 v4, v49  }
0x482: {  	v54 =	vmul.f32 v54, v42;
	v4 =	vld [tilespmem:s20+$0x300];
	[tilespmem:s19+$0x2000] =	vst v51  }
0x483: {  	v50 =	vmul.f32 v58, v50;
	v2 =	vadd.f32 v2, v49;
	[tilespmem:s19+$0x2380] =	vst v57  }
0x484: {  	v51 =	vmul.f32 v52, v43;
	v54 =	vadd.f32 v54, v47;
	v52 =	vld [tilespmem:s20+$0x2380];
	[tilespmem:s19+$0x380] =	vst v3;
	v3 =	vadd.f32 v56, v49  }
0x485: {  	v53 =	vmul.f32 v53, v32;
	v55 =	vmul.f32 v55, v38;
	v49 =	vadd.f32 v50, v49;
	v56 =	vld [tilespmem:s20+$0x2080];
	[tilespmem:s19+$0x100] =	vst v2  }
0x486: {  	v57 =	vadd.f32 v51, v48;
	v2 =	vld [tilespmem:s20+$0x200];
	[tilespmem:s19+$0x2100] =	vst v3  }
0x487: {  	v5 =	vmul.f32 v5, v31;
	v3 =	vadd.f32 v53, v41;
	v53 =	vadd.f32 v55, v46;
	v51 =	vld [tilespmem:s20+$0x380];
	[tilespmem:s19+$0x0] =	vst v49;
	s19 =	smov.u32 s20  }
0x488: {  	v4 =	vmul.f32 v4, v30;
	v49 =	vld [tilespmem:s22+$0x0];
	s22 =	smov.u32 s25  }
0x489: {  	s12 =	sand.u32 $0x1C00, s21;
	v1 =	vmul.f32 v1, v35;
	v5 =	vadd.f32 v5, v40;
	v50 =	vld [tilespmem:s23+$0x0];
	s23 =	smov.u32 s24  }
0x48a: {  	s8 =	sand.u32 $0x70, s8;
	s12 =	sadd.s32 s12, s18;
	v55 =	vld [tilespmem:s19+$0x280]  }
0x48b: {  	v1 =	vadd.f32 v1, v45;
	s20 =	sadd.s32 s8, s12;
	v52 =	vmul.f32 v52, v36  }
0x48c: {  	v4 =	vadd.f32 v4, v39;
	v2 =	vmul.f32 v2, v27;
	v51 =	vmul.f32 v51, v28;
	v58 =	vld [tilespmem:s19+$0x2100]  }
0x48d: {  	v56 =	vmul.f32 v56, v29;
	v63 =	vadd.f32 v52, v44;
	v59 =	vld [tilespmem:s19+$0x100]  }
0x48e: {  	v3 =	vmul.f32 v3, v50;
	v51 =	vadd.f32 v51, v37;
	v52 =	vmul.f32 v54, v50  }
0x48f: {  	v2 =	vadd.f32 v2, v33;
	v57 =	vmul.f32 v57, v50;
	v54 =	vmul.f32 v55, v23;
	v55 =	vld [tilespmem:s19+$0x2000]  }
0x490: {  	v53 =	vmul.f32 v53, v50;
	v3 =	vadd.f32 v3, v49;
	v52 =	vadd.f32 v52, v49  }
0x491: {  	v56 =	vadd.f32 v56, v34;
	v5 =	vmul.f32 v5, v50;
	v1 =	vmul.f32 v1, v50;
	v60 =	vld [tilespmem:s19+$0x0]  }
0x492: {  	v53 =	vadd.f32 v53, v49;
	v58 =	vmul.f32 v58, v22;
	[tilespmem:s19+$0x2200] =	vst v52;
	v52 =	vadd.f32 v57, v49  }
0x493: {  	v2 =	vmul.f32 v2, v50;
	v1 =	vadd.f32 v1, v49;
	[tilespmem:s19+$0x80] =	vst v3;
	v3 =	vmul.f32 v56, v50  }
.Ltmp16:
0x494: {  	v5 =	vadd.f32 v5, v49;
	v56 =	vadd.f32 v54, v26;
	v55 =	vmul.f32 v55, v21;
	[tilespmem:s19+$0x2300] =	vst v52;
	(pc) =	sbr.rel @p0 .LBB2_35-.Ltmp16, $4  }
0x495: {  	v57 =	vmul.f32 v4, v50;
	v4 =	vadd.f32 v58, v24;
	v52 =	vld [tilespmem:s20+$0x2300];
	v3 =	vadd.f32 v3, v49;
	[tilespmem:s19+$0x2180] =	vst v53  }
0x496: {  	v59 =	vmul.f32 v59, v18;
	v61 =	vmul.f32 v56, v50;
	v54 =	vld [tilespmem:s20+$0x2200];
	v6 =	vadd.f32 v55, v25;
	[tilespmem:s19+$0x2280] =	vst v1  }
0x497: {  	v62 =	vadd.f32 v2, v49;
	v56 =	vmul.f32 v4, v50;
	v58 =	vmul.f32 v60, v17;
	v53 =	vld [tilespmem:s20+$0x80];
	[tilespmem:s19+$0x180] =	vst v5  }
0x498: {  	v63 =	vmul.f32 v63, v50;
	v60 =	vadd.f32 v61, v49;
	v55 =	vld [tilespmem:s20+$0x2180];
	v61 =	vmul.f32 v6, v50;
	[tilespmem:s19+$0x2080] =	vst v3  }
0x499: {  	v1 =	vadd.f32 v59, v20;
	[tilespmem:s19+$0x200] =	vst v62;
	v2 =	vadd.f32 v57, v49  }
0x49a: {  	v3 =	vmul.f32 v51, v50;
	v5 =	vld [tilespmem:s20+$0x2280];
	[tilespmem:s19+$0x280] =	vst v60;
	v4 =	vadd.f32 v61, v49  }
0x49b: {  	v58 =	vadd.f32 v58, v19;
	v6 =	vadd.f32 v63, v49;
	v60 =	vld [tilespmem:s20+$0x2080];
	v1 =	vmul.f32 v1, v50;
	[tilespmem:s19+$0x300] =	vst v2  }
0x49c: {  	v2 =	vld [tilespmem:s20+$0x180];
	v3 =	vadd.f32 v3, v49;
	[tilespmem:s19+$0x2000] =	vst v4  }
0x49d: {  	v59 =	vmul.f32 v58, v50;
	v4 =	vld [tilespmem:s20+$0x300];
	[tilespmem:s19+$0x2380] =	vst v6;
	v1 =	vadd.f32 v1, v49  }
0x49e: {  	v6 =	vld [tilespmem:s20+$0x2380];
	[tilespmem:s19+$0x380] =	vst v3;
	v3 =	vadd.f32 v56, v49  }
0x49f: {  	v61 =	vadd.f32 v59, v49;
	v58 =	vld [tilespmem:s20+$0x2000];
	[tilespmem:s19+$0x100] =	vst v1  }
0x4a0: {  	v32 =	vmul.f32 v53, v32;
	v63 =	vld [tilespmem:s20+$0x380];
	[tilespmem:s19+$0x2100] =	vst v3  }
0x4a1: {  	v62 =	vmul.f32 v52, v43;
	v38 =	vmul.f32 v55, v38;
	v1 =	vld [tilespmem:s20+$0x200];
	[tilespmem:s19+$0x0] =	vst v61  }
0x4a2: {  	v50 =	vadd.f32 v32, v41;
	v5 =	vmul.f32 v5, v35;
	v49 =	vld [tilespmem:s23+$0x0]  }
0x4a3: {  	v3 =	vmul.f32 v54, v42;
	v42 =	vadd.f32 v62, v48;
	v52 =	vadd.f32 v38, v46;
	v54 =	vld [tilespmem:s20+$0x280]  }
0x4a4: {  	v56 =	vmul.f32 v60, v29;
	v2 =	vmul.f32 v2, v31;
	v53 =	vld [tilespmem:s22+$0x0];
	v5 =	vadd.f32 v5, v45  }
0x4a5: {  	v3 =	vadd.f32 v3, v47;
	v4 =	vmul.f32 v4, v30;
	v6 =	vmul.f32 v6, v36  }
0x4a6: {  	v2 =	vadd.f32 v2, v40;
	v21 =	vmul.f32 v58, v21;
	v55 =	vmul.f32 v63, v28  }
0x4a7: {  	v4 =	vadd.f32 v4, v39;
	v28 =	vadd.f32 v56, v34;
	v3 =	vmul.f32 v3, v49  }
0x4a8: {  	v1 =	vmul.f32 v1, v27;
	v6 =	vadd.f32 v6, v44;
	v57 =	vmul.f32 v50, v49  }
0x4a9: {  	v23 =	vmul.f32 v54, v23;
	v32 =	vmul.f32 v52, v49;
	v3 =	vadd.f32 v3, v53  }
0x4aa: {  	v61 =	vld [tilespmem:s20+$0x100];
	v21 =	vadd.f32 v21, v25;
	v5 =	vmul.f32 v5, v49;
	v29 =	vadd.f32 v57, v53  }
0x4ab: {  	v62 =	vld [tilespmem:s20+$0x0];
	v27 =	vadd.f32 v55, v37;
	v2 =	vmul.f32 v2, v49;
	v32 =	vadd.f32 v32, v53;
	[tilespmem:s20+$0x2200] =	vst v3  }
0x4ac: {  	v59 =	vld [tilespmem:s20+$0x2100];
	v28 =	vmul.f32 v28, v49;
	v1 =	vadd.f32 v1, v33;
	v5 =	vadd.f32 v5, v53;
	[tilespmem:s20+$0x80] =	vst v29  }
0x4ad: {  	v60 =	vmul.f32 v42, v49;
	v23 =	vadd.f32 v23, v26;
	v2 =	vadd.f32 v2, v53;
	[tilespmem:s20+$0x2180] =	vst v32  }
0x4ae: {  	v4 =	vmul.f32 v4, v49;
	v6 =	vmul.f32 v6, v49;
	v63 =	vadd.f32 v28, v53;
	[tilespmem:s20+$0x2280] =	vst v5  }
0x4af: {  	v1 =	vmul.f32 v1, v49;
	v23 =	vmul.f32 v23, v49;
	v3 =	vadd.f32 v60, v53;
	[tilespmem:s20+$0x180] =	vst v2  }
0x4b0: {  	v6 =	vadd.f32 v6, v53;
	v5 =	vmul.f32 v61, v18;
	v2 =	vmul.f32 v62, v17;
	[tilespmem:s20+$0x2080] =	vst v63  }
0x4b1: {  	v1 =	vadd.f32 v1, v53;
	v17 =	vadd.f32 v23, v53;
	[tilespmem:s20+$0x2300] =	vst v3;
	v3 =	vmul.f32 v59, v22  }
0x4b2: {  	v18 =	vmul.f32 v21, v49;
	[tilespmem:s20+$0x2380] =	vst v6;
	v5 =	vadd.f32 v5, v20;
	v2 =	vadd.f32 v2, v19  }
0x4b3: {  	[tilespmem:s20+$0x200] =	vst v1;
	v1 =	vadd.f32 v4, v53;
	v4 =	vmul.f32 v27, v49;
	v3 =	vadd.f32 v3, v24  }
0x4b4: {  	[tilespmem:s20+$0x280] =	vst v17;
	v17 =	vadd.f32 v18, v53;
	v5 =	vmul.f32 v5, v49  }
0x4b5: {  	v2 =	vmul.f32 v2, v49;
	[tilespmem:s20+$0x300] =	vst v1;
	v1 =	vmul.f32 v3, v49;
	v3 =	vadd.f32 v4, v53  }
0x4b6: {  	[tilespmem:s20+$0x2000] =	vst v17;
	v4 =	vadd.f32 v5, v53  }
0x4b7: {  	p0 =	sne.s32 s16, $0x20;
	v2 =	vadd.f32 v2, v53;
	[tilespmem:s20+$0x380] =	vst v3  }
.Ltmp17:
0x4b8: {  	v1 =	vadd.f32 v1, v53;
	[tilespmem:s20+$0x100] =	vst v4;
	(pc) =	sbr.rel @p0 .LBB2_2-.Ltmp17, $4  }
0x4b9: {  	s5 =	sshll.u32 s5, $0xB;
	[tilespmem:s20+$0x0] =	vst v2  }
0x4ba: {  	s8 =	sadd.s32 $0x4, s17;
	s5 =	sadd.s32 s5, s13;
	[tilespmem:s20+$0x2100] =	vst v1  }
0x4bb: {  	[hbm4b:s5+s6] =	stream.linear.scatter [tilespmem:s18], [sflag:s8], $0x4000, $0x38;
	[tilespmem:$0x19200] =	vst v63  }
0x4bc: {  	s4 =	sadd.s32 $0x4000, s4;
	s3 =	sadd.s32 $0x4000, s3;
	s5 =	smov.u32 s16  }
0x4bd: {  	s3 =	simm.s32 $0x5  }
0x4be: {  	_ =	swait.ge [sflag:s3], $0x4000  }
0x4bf: {  	[sflag:s3] =	ssyncset.done $0x0  }
0x4c0: {  	s30 =	simm.s32 $0x4;
	[sflag:s3] =	ssyncadd.s32 $0xFFFFC000  }
0x4c1: {  	_ =	swait.ge [sflag:s30], $0x4000  }
0x4c2: {  	[sflag:s30] =	ssyncset.done $0x0  }
0x4c3: {  	s4 =	simm.s32 $0x6;
	[sflag:s30] =	ssyncadd.s32 $0xFFFFC000  }
0x4c4: {  	_ =	swait.ge [sflag:s4], $0x4000  }
0x4c5: {  	s2 =	sadd.s32 $0x1, s2;
	s31 =	rddreg [dreg:$0x9]  }
0x4c6: {  	p0 =	sne.s32 s2, s31  }
.Ltmp18:
0x4c7: {  	_ = 	snop;
	(pc) =	sbr.rel @p0 .LBB2_1-.Ltmp18, $3  }
0x4c8: {  	_ =	sdelay $0x1  }
0x4c9: {  	[sflag:s4] =	ssyncset.done $0x0  }
0x4ca: {  	[sflag:s4] =	ssyncadd.s32 $0xFFFFC000  }
0x4cb: {  	_ =	sfence.sel $0x180000  }
0x4cc: {  	[bflag:$0x0] =	sbarrier.arrive $0xFFFF  }
0x4cd: {  	_ =	strace $0x90000047  }
0x4ce: {  	s0 =	stileid.u32;
	[bflag:$0x2] =	sbarrier.arrive $0xFFFF  }
0x4cf: {  	p0 =	sne.s32 s0, $0x0;
	s0 =	rddreg [dreg:$0x6]  }
0x4d0: {  	s0 =	sadd.s32 @!p0 $0x100000, s0  }
0x4d1: {  	[sflag:s0] =	ssyncadd.tile.s32 @!p0 $0x1;
	_ =	shalt  }
.Lfunc_end2:
_tile_overlayer_lowered:
.L_overlay_start_2:
0x4d2: {  	(tag) =	ssettag $0x2  }
0x4d3: {  	s0 =	rddreg [dreg:$0x0];
	s2 =	stileid.u32  }
0x4d4: {  	s1 =	rddreg [dreg:$0x1];
	p0 =	sne.s32 s2, $0x0  }
0x4d5: {  	s3 =	rddreg [dreg:$0x2];
	[bflag:$0x3] =	sbarrier.arrive $0xFFFF;
	s2 =	simm.s32 @!p0 $0x1C07  }
0x4d6: {  	[timem:s3], [sflag:s2] =	dma.local @!p0 [hbm:s0], s1  }
0x4d7: {  	s0 =	simm.s32 @!p0 $0x7  }
0x4d8: {  	_ =	swait.ge @!p0 [sflag:s0], s1  }
0x4d9: {  	s1 =	ssub.s32 @!p0 $0x0, s1;
	[sflag:s0] =	ssyncset.done @!p0 $0x0  }
0x4da: {  	[sflag:s0] =	ssyncadd.s32 @!p0 s1  }
0x4db: {  	[bflag:$0x3] =	sbarrier.arrive $0xFFFF  }
0x4dc: {  	_ =	shalt  }

</sc_bundles>
